<compile_context>
chip_gen: v7x
topology: tpu7x:2x2x1
jax: 0.10.2.dev20260603
libtpu: 0.0.44.dev20260713+nightly
codegen_flags: <defaults>
</compile_context>

<pallas_src>
import functools

import jax
import jax.numpy as jnp
from jax import lax
from jax.experimental import pallas as pl
from jax.experimental.pallas import tpu as pltpu
from jax.experimental.pallas import tpu_sc as plsc

NC = 2
NS = 16
NW = NC * NS
CH = 128
KPT = 80
IB = 40


def _zero_copy_chunks(rows_per_tile):
    chunks = []
    r = 0
    while r < rows_per_tile:
        sz = min(CH, rows_per_tile - r)
        chunks.append((r, sz))
        r += sz
    return chunks


@functools.lru_cache(maxsize=None)
def _sc_propagate(n_pad, d, with_gather):
    rows_per_tile = n_pad // NS
    chunks = _zero_copy_chunks(rows_per_tile)
    mesh = plsc.VectorSubcoreMesh(core_axis_name="c", subcore_axis_name="s")

    def zero_acc(const_hbm, buf_v, acc_sh, r0):
        pltpu.sync_copy(const_hbm.at[pl.ds(0, CH)], buf_v)
        for (off, sz) in chunks:
            pltpu.sync_copy(buf_v.at[pl.ds(0, sz)],
                            acc_sh.at[pl.ds(r0 + off, sz)])

    def write_back(out_hbm, buf_v, acc_sh, cid, r0):
        for (off, sz) in chunks:
            pltpu.sync_copy(acc_sh.at[pl.ds(r0 + off, sz)],
                            buf_v.at[pl.ds(0, sz)])
            pltpu.sync_copy(buf_v.at[pl.ds(0, sz)],
                            out_hbm.at[cid, pl.ds(r0 + off, sz)])

    def gather_body(g_hbm, src_hbm, dst_hbm, const_hbm, out_hbm,
                    src_v, dst_v, rows0, rows1, acc_sh, sem0, sem1):
        cid = lax.axis_index("c")
        sid = lax.axis_index("s")
        r0 = sid * rows_per_tile
        wid = cid * NS + sid
        zero_acc(const_hbm, rows0, acc_sh, r0)
        plsc.subcore_barrier()
        for b in range(KPT // IB):
            pltpu.sync_copy(src_hbm.at[wid, pl.ds(b * IB, IB)], src_v)
            pltpu.sync_copy(dst_hbm.at[wid, pl.ds(b * IB, IB)], dst_v)

            @pl.loop(0, IB, step=2)
            def _edge_pair(j):
                gd0 = pltpu.async_copy(g_hbm.at[src_v.at[j]], rows0, sem0)
                gd1 = pltpu.async_copy(
                    g_hbm.at[src_v.at[j + 1]], rows1, sem1)
                gd0.wait()
                pltpu.sync_copy(rows0, acc_sh.at[dst_v.at[j]], add=True)
                gd1.wait()
                pltpu.sync_copy(rows1, acc_sh.at[dst_v.at[j + 1]], add=True)

        plsc.subcore_barrier()
        write_back(out_hbm, rows0, acc_sh, cid, r0)

    def deg_body(g_hbm, src_hbm, dst_hbm, const_hbm, out_hbm,
                 idx_v, ones_v, acc_sh):
        cid = lax.axis_index("c")
        sid = lax.axis_index("s")
        wid = cid * NS + sid
        r0 = sid * rows_per_tile
        zero_acc(const_hbm, ones_v, acc_sh, r0)
        plsc.subcore_barrier()
        pltpu.sync_copy(dst_hbm.at[wid], idx_v)
        pltpu.sync_copy(const_hbm.at[pl.ds(CH, CH)], ones_v)

        @pl.loop(0, KPT)
        def _edge_chunk(j):
            pltpu.sync_copy(ones_v, acc_sh.at[idx_v.at[j]], add=True)

        plsc.subcore_barrier()
        write_back(out_hbm, ones_v, acc_sh, cid, r0)

    if with_gather:
        scratch = [
            pltpu.VMEM((IB, CH), jnp.int32),
            pltpu.VMEM((IB, CH), jnp.int32),
            pltpu.VMEM((CH, d), jnp.float32),
            pltpu.VMEM((CH, d), jnp.float32),
            pltpu.VMEM_SHARED((n_pad, d), jnp.float32),
            pltpu.SemaphoreType.DMA,
            pltpu.SemaphoreType.DMA,
        ]
        body = gather_body
    else:
        scratch = [
            pltpu.VMEM((KPT, CH), jnp.int32),
            pltpu.VMEM((CH, d), jnp.float32),
            pltpu.VMEM_SHARED((n_pad, d), jnp.float32),
        ]
        body = deg_body

    tiled = (d % 128 == 0) or not with_gather
    return pl.kernel(
        body,
        out_type=jax.ShapeDtypeStruct((NC, n_pad, d), jnp.float32),
        mesh=mesh,
        scratch_types=scratch,
        compiler_params=pltpu.CompilerParams(use_tc_tiling_on_sc=tiled),
        name=f"sc_prop_d{d}_{'gather' if with_gather else 'deg'}",
    )


def _dinv(degp_ref):
    deg = degp_ref[0, :, 0:1] + degp_ref[1, :, 0:1] + 1.0
    return lax.rsqrt(deg)


def _tc_pre_body(degp, x, w1, g0):
    dinv = _dinv(degp)
    g0[...] = jnp.dot(x[...], w1[...],
                      preferred_element_type=jnp.float32) * dinv


def _tc_mid_body(degp, s, g, w2, b1, x1_out, g1_out):
    dinv = _dinv(degp)
    x1 = jnp.maximum(dinv * (s[0] + s[1] + g[...]) + b1[...], 0.0)
    x1_out[...] = x1
    g1_out[...] = jnp.dot(x1, w2[...],
                          preferred_element_type=jnp.float32) * dinv


def _tc_jk_body(degp, s, g1, b2, x1, wl1, wl2, gy_out):
    dinv = _dinv(degp)
    x2 = jnp.maximum(dinv * (s[0] + s[1] + g1[...]) + b2[...], 0.0)
    y = (jnp.dot(x1[...], wl1[...], preferred_element_type=jnp.float32)
         + jnp.dot(x2, wl2[...], preferred_element_type=jnp.float32))
    gy_out[...] = y * dinv


def _tc_out_body(degp, s, gy, blin, out):
    dinv = _dinv(degp)
    out[...] = dinv * (s[0] + s[1] + gy[...]) + blin[...]


def kernel(x, edge_index, W1, b1, W2, b2, Wlin, blin):
    n, f = x.shape
    hid = W1.shape[1]
    ncls = Wlin.shape[1]
    e = edge_index.shape[1]
    n_pad = -(-(n + CH) // (NS * 8)) * (NS * 8)
    assert NW * KPT * CH >= e
    e_alloc = NW * KPT * CH
    rb = 1000
    assert n % rb == 0
    grid = n // rb

    pad = e_alloc - e
    pad_lane = jnp.arange(pad, dtype=jnp.int32) % CH
    src_p = jnp.concatenate([edge_index[0], pad_lane])
    dst_p = jnp.concatenate([edge_index[1], n + pad_lane])
    src2 = src_p.reshape(NW, KPT, CH)
    dst2 = dst_p.reshape(NW, KPT, CH)

    zeros_h = jnp.zeros((2 * CH, hid), jnp.float32)
    zeros_c = jnp.zeros((2 * CH, ncls), jnp.float32)
    ones16 = jnp.concatenate([jnp.zeros((CH, 16), jnp.float32),
                              jnp.ones((CH, 16), jnp.float32)])
    b1r = b1.reshape(1, hid)
    b2r = b2.reshape(1, hid)
    blinr = blin.reshape(1, ncls)
    wl1 = Wlin[:hid]
    wl2 = Wlin[hid:]

    deg_kernel = _sc_propagate(n_pad, 16, False)
    prop_h = _sc_propagate(n_pad, hid, True)
    prop_c = _sc_propagate(n_pad, ncls, True)

    dummy16 = jnp.zeros((n, 16), jnp.float32)
    degp = deg_kernel(dummy16, src2, dst2, ones16)

    degp_spec = pl.BlockSpec((NC, rb, 16), lambda i: (0, i, 0))
    row_spec_h = pl.BlockSpec((rb, hid), lambda i: (i, 0))
    row_spec_c = pl.BlockSpec((rb, ncls), lambda i: (i, 0))
    s_spec_h = pl.BlockSpec((NC, rb, hid), lambda i: (0, i, 0))
    s_spec_c = pl.BlockSpec((NC, rb, ncls), lambda i: (0, i, 0))
    full = lambda shape: pl.BlockSpec(shape, lambda i: tuple(0 for _ in shape))

    g0 = pl.pallas_call(
        _tc_pre_body,
        grid=(grid,),
        in_specs=[degp_spec, pl.BlockSpec((rb, f), lambda i: (i, 0)),
                  full((f, hid))],
        out_specs=row_spec_h,
        out_shape=jax.ShapeDtypeStruct((n, hid), jnp.float32),
    )(degp, x, W1)

    s0 = prop_h(g0, src2, dst2, zeros_h)

    x1, g1 = pl.pallas_call(
        _tc_mid_body,
        grid=(grid,),
        in_specs=[degp_spec, s_spec_h, row_spec_h, full((hid, hid)),
                  full((1, hid))],
        out_specs=[row_spec_h, row_spec_h],
        out_shape=[jax.ShapeDtypeStruct((n, hid), jnp.float32),
                   jax.ShapeDtypeStruct((n, hid), jnp.float32)],
    )(degp, s0, g0, W2, b1r)

    s1 = prop_h(g1, src2, dst2, zeros_h)

    gy = pl.pallas_call(
        _tc_jk_body,
        grid=(grid,),
        in_specs=[degp_spec, s_spec_h, row_spec_h, full((1, hid)),
                  row_spec_h, full((hid, ncls)), full((hid, ncls))],
        out_specs=row_spec_c,
        out_shape=jax.ShapeDtypeStruct((n, ncls), jnp.float32),
    )(degp, s1, g1, b2r, x1, wl1, wl2)

    s2 = prop_c(gy, src2, dst2, zeros_c)

    out = pl.pallas_call(
        _tc_out_body,
        grid=(grid,),
        in_specs=[degp_spec, s_spec_c, row_spec_c, full((1, ncls))],
        out_specs=row_spec_c,
        out_shape=jax.ShapeDtypeStruct((n, ncls), jnp.float32),
    )(degp, s2, gy, blinr)

    return (out, out)

# --- scband reference (transcript-rebuilt; emitter-appended) ---
"""Pipeline reference for scband-gcn-jk-74698071212049 (READ-ONLY COPY).

The authoritative reference and input builder live on the scoring server;
editing this copy changes nothing except your own understanding.
"""

import jax, jax.numpy as jnp
import numpy as np

N_NODES = 10000
N_FEAT = 128
N_EDGES = 320000
HID = 128
N_CLASSES = 64


def _gcn_norm(edge_index, num_nodes):
    # PyG GCNConv default: add self-loops, symmetric normalization
    src = edge_index[0]
    dst = edge_index[1]
    loop = jnp.arange(num_nodes, dtype=edge_index.dtype)
    row = jnp.concatenate([src, loop])
    col = jnp.concatenate([dst, loop])
    ew = jnp.ones(row.shape[0], dtype=jnp.float32)
    deg = jax.ops.segment_sum(ew, col, num_segments=num_nodes)
    dinv = jnp.where(deg > 0, 1.0 / jnp.sqrt(deg), 0.0)
    norm = dinv[row] * ew * dinv[col]
    return row, col, norm


def _propagate(h, row, col, norm, num_nodes):
    msg = h[row] * norm[:, None]          # gather over edges
    return jax.ops.segment_sum(msg, col, num_segments=num_nodes)  # scatter-add


def setup_inputs(seed: int = 0):
    key = jax.random.key(seed)
    ks = jax.random.split(key, 8)
    x = jax.random.normal(ks[0], (N_NODES, N_FEAT), dtype=jnp.float32)
    edge_index = jax.random.randint(ks[1], (2, N_EDGES), 0, N_NODES, dtype=jnp.int32)
    W1 = jax.random.normal(ks[2], (N_FEAT, HID), dtype=jnp.float32) / np.sqrt(N_FEAT)
    b1 = jnp.zeros((HID,), dtype=jnp.float32)
    W2 = jax.random.normal(ks[3], (HID, HID), dtype=jnp.float32) / np.sqrt(HID)
    b2 = jnp.zeros((HID,), dtype=jnp.float32)
    Wlin = jax.random.normal(ks[4], (2 * HID, N_CLASSES), dtype=jnp.float32) / np.sqrt(2 * HID)
    blin = jnp.zeros((N_CLASSES,), dtype=jnp.float32)
    return {"x": x, "edge_index": edge_index, "W1": W1, "b1": b1, "W2": W2, "b2": b2, "Wlin": Wlin, "blin": blin}


def reference(x, edge_index, W1, b1, W2, b2, Wlin, blin):
    num_nodes = x.shape[0]
    row, col, norm = _gcn_norm(edge_index, num_nodes)
    # conv1 + relu (dropout p=0.0 / eval mode -> identity)
    x1 = jax.nn.relu(_propagate(x @ W1, row, col, norm, num_nodes) + b1)
    # conv2 + relu
    x2 = jax.nn.relu(_propagate(x1 @ W2, row, col, norm, num_nodes) + b2)
    # JumpingKnowledge mode='cat'
    xc = jnp.concatenate([x1, x2], axis=1)
    # APPNP K=1, alpha=0 -> one GCN-normalized propagation step
    xp = _propagate(xc, row, col, norm, num_nodes)
    out = xp @ Wlin + blin
    return (out, out)

if __name__ == "__main__":
    import jax
    _d = setup_inputs()
    print(jax.jit(kernel)(*tuple(_d.values())))

</pallas_src>

<mosaic_0001>
#map = affine_map<(d0, d1) -> (0, 0)>
#map1 = affine_map<(d0, d1) -> (0, 0, 0)>
module attributes {stable_mosaic.version = 14 : i64} {
  func.func @sc_prop_d64_gather(%arg0: i32, %arg1: i32, %arg2: memref<10000x64xf32, #tpu.memory_space<hbm>>, %arg3: memref<32x80x128xi32, #tpu.memory_space<hbm>>, %arg4: memref<32x80x128xi32, #tpu.memory_space<hbm>>, %arg5: memref<256x64xf32, #tpu.memory_space<hbm>>, %arg6: memref<2x10240x64xf32, #tpu.memory_space<hbm>>, %arg7: memref<40x128xi32, #tpu.memory_space<vmem>>, %arg8: memref<40x128xi32, #tpu.memory_space<vmem>>, %arg9: memref<128x64xf32, #tpu.memory_space<vmem>>, %arg10: memref<128x64xf32, #tpu.memory_space<vmem>>, %arg11: memref<10240x64xf32, #tpu.memory_space<vmem_shared>>, %arg12: memref<!tpu.dma_semaphore, #tpu.memory_space<semaphore_mem>>, %arg13: memref<!tpu.dma_semaphore, #tpu.memory_space<semaphore_mem>>) attributes {dimension_semantics = [#tpu.dimension_semantics<core_parallel>, #tpu.dimension_semantics<subcore_parallel>], iteration_bounds = array<i64: 2, 16>, scalar_prefetch = 0 : i64, scratch_operands = 7 : i64, tpu.core_type = #tpu.core_type<sc_vector_subcore>, window_params = [{transform_indices = #map}, {transform_indices = #map1}, {transform_indices = #map1}, {transform_indices = #map}, {transform_indices = #map1}]} {
    %mul3A = arith.constant 640 : i32
    %mul3A_0 = arith.muli %arg1, %mul3A : i32
    %mul3A_1 = arith.constant 16 : i32
    %mul3A_2 = arith.muli %arg0, %mul3A_1 : i32
    %add3A = arith.addi %mul3A_2, %arg1 : i32
    "tpu.region"() ({
      %run_scoped3A = tpu.sem_alloc : memref<!tpu.dma_semaphore, #tpu.memory_space<semaphore_mem>>
      %dma_start3A = arith.constant 0 : i32
      %dma_start3A_43 = arith.constant 0 : i32
      %dma_start3A_44 = tpu.memref_slice %arg5[%dma_start3A, %dma_start3A_43] : memref<256x64xf32, #tpu.memory_space<hbm>> -> memref<128x64xf32, #tpu.memory_space<hbm>>
      %dma_start3A_45 = arith.constant 0 : i32
      %dma_start3A_46 = arith.constant 0 : i32
      %dma_start3A_47 = tpu.memref_slice %arg5[%dma_start3A_45, %dma_start3A_46] : memref<256x64xf32, #tpu.memory_space<hbm>> -> memref<128x64xf32, #tpu.memory_space<hbm>>
      tpu.enqueue_dma source(%dma_start3A_47 : memref<128x64xf32, #tpu.memory_space<hbm>>) target(%arg9 : memref<128x64xf32, #tpu.memory_space<vmem>>) target_semaphore(%run_scoped3A : memref<!tpu.dma_semaphore, #tpu.memory_space<semaphore_mem>>)
      %dma_wait3A = arith.constant 0 : i32
      %dma_wait3A_48 = arith.constant 0 : i32
      %dma_wait3A_49 = tpu.memref_slice %arg5[%dma_wait3A, %dma_wait3A_48] : memref<256x64xf32, #tpu.memory_space<hbm>> -> memref<128x64xf32, #tpu.memory_space<hbm>>
      %dma_wait3A_50 = arith.constant 0 : i32
      %dma_wait3A_51 = arith.constant 0 : i32
      %dma_wait3A_52 = tpu.memref_slice %arg5[%dma_wait3A_50, %dma_wait3A_51] : memref<256x64xf32, #tpu.memory_space<hbm>> -> memref<128x64xf32, #tpu.memory_space<hbm>>
      tpu.wait_dma2 semaphore(%run_scoped3A : memref<!tpu.dma_semaphore, #tpu.memory_space<semaphore_mem>>) src(%dma_wait3A_52 : memref<128x64xf32, #tpu.memory_space<hbm>>) dst(%arg9 : memref<128x64xf32, #tpu.memory_space<vmem>>)
      tpu.yield
    }) : () -> ()
    %add3A_3 = arith.constant 0 : i32
    %add3A_4 = arith.addi %mul3A_0, %add3A_3 : i32
    "tpu.region"() ({
      %run_scoped3A = tpu.sem_alloc : memref<!tpu.dma_semaphore, #tpu.memory_space<semaphore_mem>>
      %dma_start3A = arith.constant 0 : i32
      %dma_start3A_43 = arith.constant 0 : i32
      %dma_start3A_44 = tpu.memref_slice %arg9[%dma_start3A, %dma_start3A_43] : memref<128x64xf32, #tpu.memory_space<vmem>> -> memref<128x64xf32, #tpu.memory_space<vmem>>
      %dma_start3A_45 = arith.constant 0 : i32
      %dma_start3A_46 = tpu.memref_slice %arg11[%add3A_4, %dma_start3A_45] : memref<10240x64xf32, #tpu.memory_space<vmem_shared>> -> memref<128x64xf32, #tpu.memory_space<vmem_shared>>
      %dma_start3A_47 = arith.constant 0 : i32
      %dma_start3A_48 = tpu.memref_slice %arg11[%add3A_4, %dma_start3A_47] : memref<10240x64xf32, #tpu.memory_space<vmem_shared>> -> memref<128x64xf32, #tpu.memory_space<vmem_shared>>
      %dma_start3A_49 = arith.constant 0 : i32
      %dma_start3A_50 = arith.constant 0 : i32
      %dma_start3A_51 = tpu.memref_slice %arg9[%dma_start3A_49, %dma_start3A_50] : memref<128x64xf32, #tpu.memory_space<vmem>> -> memref<128x64xf32, #tpu.memory_space<vmem>>
      tpu.enqueue_dma source(%dma_start3A_51 : memref<128x64xf32, #tpu.memory_space<vmem>>) target(%dma_start3A_48 : memref<128x64xf32, #tpu.memory_space<vmem_shared>>) target_semaphore(%run_scoped3A : memref<!tpu.dma_semaphore, #tpu.memory_space<semaphore_mem>>)
      %dma_wait3A = arith.constant 0 : i32
      %dma_wait3A_52 = arith.constant 0 : i32
      %dma_wait3A_53 = tpu.memref_slice %arg9[%dma_wait3A, %dma_wait3A_52] : memref<128x64xf32, #tpu.memory_space<vmem>> -> memref<128x64xf32, #tpu.memory_space<vmem>>
      %dma_wait3A_54 = arith.constant 0 : i32
      %dma_wait3A_55 = tpu.memref_slice %arg11[%add3A_4, %dma_wait3A_54] : memref<10240x64xf32, #tpu.memory_space<vmem_shared>> -> memref<128x64xf32, #tpu.memory_space<vmem_shared>>
      %dma_wait3A_56 = arith.constant 0 : i32
      %dma_wait3A_57 = tpu.memref_slice %arg11[%add3A_4, %dma_wait3A_56] : memref<10240x64xf32, #tpu.memory_space<vmem_shared>> -> memref<128x64xf32, #tpu.memory_space<vmem_shared>>
      %dma_wait3A_58 = arith.constant 0 : i32
      %dma_wait3A_59 = arith.constant 0 : i32
      %dma_wait3A_60 = tpu.memref_slice %arg9[%dma_wait3A_58, %dma_wait3A_59] : memref<128x64xf32, #tpu.memory_space<vmem>> -> memref<128x64xf32, #tpu.memory_space<vmem>>
      tpu.wait_dma2 semaphore(%run_scoped3A : memref<!tpu.dma_semaphore, #tpu.memory_space<semaphore_mem>>) src(%dma_wait3A_60 : memref<128x64xf32, #tpu.memory_space<vmem>>) dst(%dma_wait3A_57 : memref<128x64xf32, #tpu.memory_space<vmem_shared>>)
      tpu.yield
    }) : () -> ()
    %add3A_5 = arith.constant 128 : i32
    %add3A_6 = arith.addi %mul3A_0, %add3A_5 : i32
    "tpu.region"() ({
      %run_scoped3A = tpu.sem_alloc : memref<!tpu.dma_semaphore, #tpu.memory_space<semaphore_mem>>
      %dma_start3A = arith.constant 0 : i32
      %dma_start3A_43 = arith.constant 0 : i32
      %dma_start3A_44 = tpu.memref_slice %arg9[%dma_start3A, %dma_start3A_43] : memref<128x64xf32, #tpu.memory_space<vmem>> -> memref<128x64xf32, #tpu.memory_space<vmem>>
      %dma_start3A_45 = arith.constant 0 : i32
      %dma_start3A_46 = tpu.memref_slice %arg11[%add3A_6, %dma_start3A_45] : memref<10240x64xf32, #tpu.memory_space<vmem_shared>> -> memref<128x64xf32, #tpu.memory_space<vmem_shared>>
      %dma_start3A_47 = arith.constant 0 : i32
      %dma_start3A_48 = tpu.memref_slice %arg11[%add3A_6, %dma_start3A_47] : memref<10240x64xf32, #tpu.memory_space<vmem_shared>> -> memref<128x64xf32, #tpu.memory_space<vmem_shared>>
      %dma_start3A_49 = arith.constant 0 : i32
      %dma_start3A_50 = arith.constant 0 : i32
      %dma_start3A_51 = tpu.memref_slice %arg9[%dma_start3A_49, %dma_start3A_50] : memref<128x64xf32, #tpu.memory_space<vmem>> -> memref<128x64xf32, #tpu.memory_space<vmem>>
      tpu.enqueue_dma source(%dma_start3A_51 : memref<128x64xf32, #tpu.memory_space<vmem>>) target(%dma_start3A_48 : memref<128x64xf32, #tpu.memory_space<vmem_shared>>) target_semaphore(%run_scoped3A : memref<!tpu.dma_semaphore, #tpu.memory_space<semaphore_mem>>)
      %dma_wait3A = arith.constant 0 : i32
      %dma_wait3A_52 = arith.constant 0 : i32
      %dma_wait3A_53 = tpu.memref_slice %arg9[%dma_wait3A, %dma_wait3A_52] : memref<128x64xf32, #tpu.memory_space<vmem>> -> memref<128x64xf32, #tpu.memory_space<vmem>>
      %dma_wait3A_54 = arith.constant 0 : i32
      %dma_wait3A_55 = tpu.memref_slice %arg11[%add3A_6, %dma_wait3A_54] : memref<10240x64xf32, #tpu.memory_space<vmem_shared>> -> memref<128x64xf32, #tpu.memory_space<vmem_shared>>
      %dma_wait3A_56 = arith.constant 0 : i32
      %dma_wait3A_57 = tpu.memref_slice %arg11[%add3A_6, %dma_wait3A_56] : memref<10240x64xf32, #tpu.memory_space<vmem_shared>> -> memref<128x64xf32, #tpu.memory_space<vmem_shared>>
      %dma_wait3A_58 = arith.constant 0 : i32
      %dma_wait3A_59 = arith.constant 0 : i32
      %dma_wait3A_60 = tpu.memref_slice %arg9[%dma_wait3A_58, %dma_wait3A_59] : memref<128x64xf32, #tpu.memory_space<vmem>> -> memref<128x64xf32, #tpu.memory_space<vmem>>
      tpu.wait_dma2 semaphore(%run_scoped3A : memref<!tpu.dma_semaphore, #tpu.memory_space<semaphore_mem>>) src(%dma_wait3A_60 : memref<128x64xf32, #tpu.memory_space<vmem>>) dst(%dma_wait3A_57 : memref<128x64xf32, #tpu.memory_space<vmem_shared>>)
      tpu.yield
    }) : () -> ()
    %add3A_7 = arith.constant 256 : i32
    %add3A_8 = arith.addi %mul3A_0, %add3A_7 : i32
    "tpu.region"() ({
      %run_scoped3A = tpu.sem_alloc : memref<!tpu.dma_semaphore, #tpu.memory_space<semaphore_mem>>
      %dma_start3A = arith.constant 0 : i32
      %dma_start3A_43 = arith.constant 0 : i32
      %dma_start3A_44 = tpu.memref_slice %arg9[%dma_start3A, %dma_start3A_43] : memref<128x64xf32, #tpu.memory_space<vmem>> -> memref<128x64xf32, #tpu.memory_space<vmem>>
      %dma_start3A_45 = arith.constant 0 : i32
      %dma_start3A_46 = tpu.memref_slice %arg11[%add3A_8, %dma_start3A_45] : memref<10240x64xf32, #tpu.memory_space<vmem_shared>> -> memref<128x64xf32, #tpu.memory_space<vmem_shared>>
      %dma_start3A_47 = arith.constant 0 : i32
      %dma_start3A_48 = tpu.memref_slice %arg11[%add3A_8, %dma_start3A_47] : memref<10240x64xf32, #tpu.memory_space<vmem_shared>> -> memref<128x64xf32, #tpu.memory_space<vmem_shared>>
      %dma_start3A_49 = arith.constant 0 : i32
      %dma_start3A_50 = arith.constant 0 : i32
      %dma_start3A_51 = tpu.memref_slice %arg9[%dma_start3A_49, %dma_start3A_50] : memref<128x64xf32, #tpu.memory_space<vmem>> -> memref<128x64xf32, #tpu.memory_space<vmem>>
      tpu.enqueue_dma source(%dma_start3A_51 : memref<128x64xf32, #tpu.memory_space<vmem>>) target(%dma_start3A_48 : memref<128x64xf32, #tpu.memory_space<vmem_shared>>) target_semaphore(%run_scoped3A : memref<!tpu.dma_semaphore, #tpu.memory_space<semaphore_mem>>)
      %dma_wait3A = arith.constant 0 : i32
      %dma_wait3A_52 = arith.constant 0 : i32
      %dma_wait3A_53 = tpu.memref_slice %arg9[%dma_wait3A, %dma_wait3A_52] : memref<128x64xf32, #tpu.memory_space<vmem>> -> memref<128x64xf32, #tpu.memory_space<vmem>>
      %dma_wait3A_54 = arith.constant 0 : i32
      %dma_wait3A_55 = tpu.memref_slice %arg11[%add3A_8, %dma_wait3A_54] : memref<10240x64xf32, #tpu.memory_space<vmem_shared>> -> memref<128x64xf32, #tpu.memory_space<vmem_shared>>
      %dma_wait3A_56 = arith.constant 0 : i32
      %dma_wait3A_57 = tpu.memref_slice %arg11[%add3A_8, %dma_wait3A_56] : memref<10240x64xf32, #tpu.memory_space<vmem_shared>> -> memref<128x64xf32, #tpu.memory_space<vmem_shared>>
      %dma_wait3A_58 = arith.constant 0 : i32
      %dma_wait3A_59 = arith.constant 0 : i32
      %dma_wait3A_60 = tpu.memref_slice %arg9[%dma_wait3A_58, %dma_wait3A_59] : memref<128x64xf32, #tpu.memory_space<vmem>> -> memref<128x64xf32, #tpu.memory_space<vmem>>
      tpu.wait_dma2 semaphore(%run_scoped3A : memref<!tpu.dma_semaphore, #tpu.memory_space<semaphore_mem>>) src(%dma_wait3A_60 : memref<128x64xf32, #tpu.memory_space<vmem>>) dst(%dma_wait3A_57 : memref<128x64xf32, #tpu.memory_space<vmem_shared>>)
      tpu.yield
    }) : () -> ()
    %add3A_9 = arith.constant 384 : i32
    %add3A_10 = arith.addi %mul3A_0, %add3A_9 : i32
    "tpu.region"() ({
      %run_scoped3A = tpu.sem_alloc : memref<!tpu.dma_semaphore, #tpu.memory_space<semaphore_mem>>
      %dma_start3A = arith.constant 0 : i32
      %dma_start3A_43 = arith.constant 0 : i32
      %dma_start3A_44 = tpu.memref_slice %arg9[%dma_start3A, %dma_start3A_43] : memref<128x64xf32, #tpu.memory_space<vmem>> -> memref<128x64xf32, #tpu.memory_space<vmem>>
      %dma_start3A_45 = arith.constant 0 : i32
      %dma_start3A_46 = tpu.memref_slice %arg11[%add3A_10, %dma_start3A_45] : memref<10240x64xf32, #tpu.memory_space<vmem_shared>> -> memref<128x64xf32, #tpu.memory_space<vmem_shared>>
      %dma_start3A_47 = arith.constant 0 : i32
      %dma_start3A_48 = tpu.memref_slice %arg11[%add3A_10, %dma_start3A_47] : memref<10240x64xf32, #tpu.memory_space<vmem_shared>> -> memref<128x64xf32, #tpu.memory_space<vmem_shared>>
      %dma_start3A_49 = arith.constant 0 : i32
      %dma_start3A_50 = arith.constant 0 : i32
      %dma_start3A_51 = tpu.memref_slice %arg9[%dma_start3A_49, %dma_start3A_50] : memref<128x64xf32, #tpu.memory_space<vmem>> -> memref<128x64xf32, #tpu.memory_space<vmem>>
      tpu.enqueue_dma source(%dma_start3A_51 : memref<128x64xf32, #tpu.memory_space<vmem>>) target(%dma_start3A_48 : memref<128x64xf32, #tpu.memory_space<vmem_shared>>) target_semaphore(%run_scoped3A : memref<!tpu.dma_semaphore, #tpu.memory_space<semaphore_mem>>)
      %dma_wait3A = arith.constant 0 : i32
      %dma_wait3A_52 = arith.constant 0 : i32
      %dma_wait3A_53 = tpu.memref_slice %arg9[%dma_wait3A, %dma_wait3A_52] : memref<128x64xf32, #tpu.memory_space<vmem>> -> memref<128x64xf32, #tpu.memory_space<vmem>>
      %dma_wait3A_54 = arith.constant 0 : i32
      %dma_wait3A_55 = tpu.memref_slice %arg11[%add3A_10, %dma_wait3A_54] : memref<10240x64xf32, #tpu.memory_space<vmem_shared>> -> memref<128x64xf32, #tpu.memory_space<vmem_shared>>
      %dma_wait3A_56 = arith.constant 0 : i32
      %dma_wait3A_57 = tpu.memref_slice %arg11[%add3A_10, %dma_wait3A_56] : memref<10240x64xf32, #tpu.memory_space<vmem_shared>> -> memref<128x64xf32, #tpu.memory_space<vmem_shared>>
      %dma_wait3A_58 = arith.constant 0 : i32
      %dma_wait3A_59 = arith.constant 0 : i32
      %dma_wait3A_60 = tpu.memref_slice %arg9[%dma_wait3A_58, %dma_wait3A_59] : memref<128x64xf32, #tpu.memory_space<vmem>> -> memref<128x64xf32, #tpu.memory_space<vmem>>
      tpu.wait_dma2 semaphore(%run_scoped3A : memref<!tpu.dma_semaphore, #tpu.memory_space<semaphore_mem>>) src(%dma_wait3A_60 : memref<128x64xf32, #tpu.memory_space<vmem>>) dst(%dma_wait3A_57 : memref<128x64xf32, #tpu.memory_space<vmem_shared>>)
      tpu.yield
    }) : () -> ()
    %add3A_11 = arith.constant 512 : i32
    %add3A_12 = arith.addi %mul3A_0, %add3A_11 : i32
    "tpu.region"() ({
      %run_scoped3A = tpu.sem_alloc : memref<!tpu.dma_semaphore, #tpu.memory_space<semaphore_mem>>
      %dma_start3A = arith.constant 0 : i32
      %dma_start3A_43 = arith.constant 0 : i32
      %dma_start3A_44 = tpu.memref_slice %arg9[%dma_start3A, %dma_start3A_43] : memref<128x64xf32, #tpu.memory_space<vmem>> -> memref<128x64xf32, #tpu.memory_space<vmem>>
      %dma_start3A_45 = arith.constant 0 : i32
      %dma_start3A_46 = tpu.memref_slice %arg11[%add3A_12, %dma_start3A_45] : memref<10240x64xf32, #tpu.memory_space<vmem_shared>> -> memref<128x64xf32, #tpu.memory_space<vmem_shared>>
      %dma_start3A_47 = arith.constant 0 : i32
      %dma_start3A_48 = tpu.memref_slice %arg11[%add3A_12, %dma_start3A_47] : memref<10240x64xf32, #tpu.memory_space<vmem_shared>> -> memref<128x64xf32, #tpu.memory_space<vmem_shared>>
      %dma_start3A_49 = arith.constant 0 : i32
      %dma_start3A_50 = arith.constant 0 : i32
      %dma_start3A_51 = tpu.memref_slice %arg9[%dma_start3A_49, %dma_start3A_50] : memref<128x64xf32, #tpu.memory_space<vmem>> -> memref<128x64xf32, #tpu.memory_space<vmem>>
      tpu.enqueue_dma source(%dma_start3A_51 : memref<128x64xf32, #tpu.memory_space<vmem>>) target(%dma_start3A_48 : memref<128x64xf32, #tpu.memory_space<vmem_shared>>) target_semaphore(%run_scoped3A : memref<!tpu.dma_semaphore, #tpu.memory_space<semaphore_mem>>)
      %dma_wait3A = arith.constant 0 : i32
      %dma_wait3A_52 = arith.constant 0 : i32
      %dma_wait3A_53 = tpu.memref_slice %arg9[%dma_wait3A, %dma_wait3A_52] : memref<128x64xf32, #tpu.memory_space<vmem>> -> memref<128x64xf32, #tpu.memory_space<vmem>>
      %dma_wait3A_54 = arith.constant 0 : i32
      %dma_wait3A_55 = tpu.memref_slice %arg11[%add3A_12, %dma_wait3A_54] : memref<10240x64xf32, #tpu.memory_space<vmem_shared>> -> memref<128x64xf32, #tpu.memory_space<vmem_shared>>
      %dma_wait3A_56 = arith.constant 0 : i32
      %dma_wait3A_57 = tpu.memref_slice %arg11[%add3A_12, %dma_wait3A_56] : memref<10240x64xf32, #tpu.memory_space<vmem_shared>> -> memref<128x64xf32, #tpu.memory_space<vmem_shared>>
      %dma_wait3A_58 = arith.constant 0 : i32
      %dma_wait3A_59 = arith.constant 0 : i32
      %dma_wait3A_60 = tpu.memref_slice %arg9[%dma_wait3A_58, %dma_wait3A_59] : memref<128x64xf32, #tpu.memory_space<vmem>> -> memref<128x64xf32, #tpu.memory_space<vmem>>
      tpu.wait_dma2 semaphore(%run_scoped3A : memref<!tpu.dma_semaphore, #tpu.memory_space<semaphore_mem>>) src(%dma_wait3A_60 : memref<128x64xf32, #tpu.memory_space<vmem>>) dst(%dma_wait3A_57 : memref<128x64xf32, #tpu.memory_space<vmem_shared>>)
      tpu.yield
    }) : () -> ()
    %barrier3A = arith.constant 0 : index
    tpu.barrier barrier_id(%barrier3A)
    "tpu.region"() ({
      %run_scoped3A = tpu.sem_alloc : memref<!tpu.dma_semaphore, #tpu.memory_space<semaphore_mem>>
      %dma_start3A = arith.constant 0 : i32
      %dma_start3A_43 = arith.constant 0 : i32
      %dma_start3A_44 = tpu.memref_slice %arg3[%add3A, %dma_start3A, %dma_start3A_43] : memref<32x80x128xi32, #tpu.memory_space<hbm>> -> memref<1x40x128xi32, #tpu.memory_space<hbm>>
      %dma_start3A_45 = tpu.memref_squeeze %dma_start3A_44 : memref<1x40x128xi32, #tpu.memory_space<hbm>> -> memref<40x128xi32, #tpu.memory_space<hbm>>
      %dma_start3A_46 = arith.constant 0 : i32
      %dma_start3A_47 = arith.constant 0 : i32
      %dma_start3A_48 = tpu.memref_slice %arg3[%add3A, %dma_start3A_46, %dma_start3A_47] : memref<32x80x128xi32, #tpu.memory_space<hbm>> -> memref<1x40x128xi32, #tpu.memory_space<hbm>>
      %dma_start3A_49 = tpu.memref_squeeze %dma_start3A_48 : memref<1x40x128xi32, #tpu.memory_space<hbm>> -> memref<40x128xi32, #tpu.memory_space<hbm>>
      tpu.enqueue_dma source(%dma_start3A_49 : memref<40x128xi32, #tpu.memory_space<hbm>>) target(%arg7 : memref<40x128xi32, #tpu.memory_space<vmem>>) target_semaphore(%run_scoped3A : memref<!tpu.dma_semaphore, #tpu.memory_space<semaphore_mem>>)
      %dma_wait3A = arith.constant 0 : i32
      %dma_wait3A_50 = arith.constant 0 : i32
      %dma_wait3A_51 = tpu.memref_slice %arg3[%add3A, %dma_wait3A, %dma_wait3A_50] : memref<32x80x128xi32, #tpu.memory_space<hbm>> -> memref<1x40x128xi32, #tpu.memory_space<hbm>>
      %dma_wait3A_52 = tpu.memref_squeeze %dma_wait3A_51 : memref<1x40x128xi32, #tpu.memory_space<hbm>> -> memref<40x128xi32, #tpu.memory_space<hbm>>
      %dma_wait3A_53 = arith.constant 0 : i32
      %dma_wait3A_54 = arith.constant 0 : i32
      %dma_wait3A_55 = tpu.memref_slice %arg3[%add3A, %dma_wait3A_53, %dma_wait3A_54] : memref<32x80x128xi32, #tpu.memory_space<hbm>> -> memref<1x40x128xi32, #tpu.memory_space<hbm>>
      %dma_wait3A_56 = tpu.memref_squeeze %dma_wait3A_55 : memref<1x40x128xi32, #tpu.memory_space<hbm>> -> memref<40x128xi32, #tpu.memory_space<hbm>>
      tpu.wait_dma2 semaphore(%run_scoped3A : memref<!tpu.dma_semaphore, #tpu.memory_space<semaphore_mem>>) src(%dma_wait3A_56 : memref<40x128xi32, #tpu.memory_space<hbm>>) dst(%arg7 : memref<40x128xi32, #tpu.memory_space<vmem>>)
      tpu.yield
    }) : () -> ()
    "tpu.region"() ({
      %run_scoped3A = tpu.sem_alloc : memref<!tpu.dma_semaphore, #tpu.memory_space<semaphore_mem>>
      %dma_start3A = arith.constant 0 : i32
      %dma_start3A_43 = arith.constant 0 : i32
      %dma_start3A_44 = tpu.memref_slice %arg4[%add3A, %dma_start3A, %dma_start3A_43] : memref<32x80x128xi32, #tpu.memory_space<hbm>> -> memref<1x40x128xi32, #tpu.memory_space<hbm>>
      %dma_start3A_45 = tpu.memref_squeeze %dma_start3A_44 : memref<1x40x128xi32, #tpu.memory_space<hbm>> -> memref<40x128xi32, #tpu.memory_space<hbm>>
      %dma_start3A_46 = arith.constant 0 : i32
      %dma_start3A_47 = arith.constant 0 : i32
      %dma_start3A_48 = tpu.memref_slice %arg4[%add3A, %dma_start3A_46, %dma_start3A_47] : memref<32x80x128xi32, #tpu.memory_space<hbm>> -> memref<1x40x128xi32, #tpu.memory_space<hbm>>
      %dma_start3A_49 = tpu.memref_squeeze %dma_start3A_48 : memref<1x40x128xi32, #tpu.memory_space<hbm>> -> memref<40x128xi32, #tpu.memory_space<hbm>>
      tpu.enqueue_dma source(%dma_start3A_49 : memref<40x128xi32, #tpu.memory_space<hbm>>) target(%arg8 : memref<40x128xi32, #tpu.memory_space<vmem>>) target_semaphore(%run_scoped3A : memref<!tpu.dma_semaphore, #tpu.memory_space<semaphore_mem>>)
      %dma_wait3A = arith.constant 0 : i32
      %dma_wait3A_50 = arith.constant 0 : i32
      %dma_wait3A_51 = tpu.memref_slice %arg4[%add3A, %dma_wait3A, %dma_wait3A_50] : memref<32x80x128xi32, #tpu.memory_space<hbm>> -> memref<1x40x128xi32, #tpu.memory_space<hbm>>
      %dma_wait3A_52 = tpu.memref_squeeze %dma_wait3A_51 : memref<1x40x128xi32, #tpu.memory_space<hbm>> -> memref<40x128xi32, #tpu.memory_space<hbm>>
      %dma_wait3A_53 = arith.constant 0 : i32
      %dma_wait3A_54 = arith.constant 0 : i32
      %dma_wait3A_55 = tpu.memref_slice %arg4[%add3A, %dma_wait3A_53, %dma_wait3A_54] : memref<32x80x128xi32, #tpu.memory_space<hbm>> -> memref<1x40x128xi32, #tpu.memory_space<hbm>>
      %dma_wait3A_56 = tpu.memref_squeeze %dma_wait3A_55 : memref<1x40x128xi32, #tpu.memory_space<hbm>> -> memref<40x128xi32, #tpu.memory_space<hbm>>
      tpu.wait_dma2 semaphore(%run_scoped3A : memref<!tpu.dma_semaphore, #tpu.memory_space<semaphore_mem>>) src(%dma_wait3A_56 : memref<40x128xi32, #tpu.memory_space<hbm>>) dst(%arg8 : memref<40x128xi32, #tpu.memory_space<vmem>>)
      tpu.yield
    }) : () -> ()
    %scan3A = arith.constant 0 : i32
    %scan3A_13 = arith.constant 20 : i32
    %scan3A_14 = arith.addi %scan3A, %scan3A_13 : i32
    %scan3A_15 = arith.constant 1 : i32
    scf.for %scan3A_43 = %scan3A to %scan3A_14 step %scan3A_15  : i32 {
      %mul3A_44 = arith.constant 2 : i32
      %mul3A_45 = arith.muli %scan3A_43, %mul3A_44 : i32
      %add3A_46 = arith.constant 0 : i32
      %add3A_47 = arith.addi %add3A_46, %mul3A_45 : i32
      %dma_start3A = arith.constant 0 : i32
      %dma_start3A_48 = tpu.memref_slice %arg7[%add3A_47, %dma_start3A] : memref<40x128xi32, #tpu.memory_space<vmem>> -> memref<1x128xi32, #tpu.memory_space<vmem>>
      %dma_start3A_49 = tpu.memref_squeeze %dma_start3A_48 : memref<1x128xi32, #tpu.memory_space<vmem>> -> memref<128xi32, #tpu.memory_space<vmem>>
      %dma_start3A_50 = arith.constant 0 : i32
      %dma_start3A_51 = arith.constant 0 : i32
      %dma_start3A_52 = tpu.memref_slice %arg2[%dma_start3A_50, %dma_start3A_51] : memref<10000x64xf32, #tpu.memory_space<hbm>> -> memref<10000x64xf32, #tpu.memory_space<hbm>>
      tpu.enqueue_indirect_dma source(%dma_start3A_52 : memref<10000x64xf32, #tpu.memory_space<hbm>>) target(%arg9 : memref<128x64xf32, #tpu.memory_space<vmem>>) offsets(%dma_start3A_49 : memref<128xi32, #tpu.memory_space<vmem>>) semaphore(%arg12 : memref<!tpu.dma_semaphore, #tpu.memory_space<semaphore_mem>>)
      %add3A_53 = arith.constant 1 : i32
      %add3A_54 = arith.addi %add3A_47, %add3A_53 : i32
      %dma_start3A_55 = arith.constant 0 : i32
      %dma_start3A_56 = tpu.memref_slice %arg7[%add3A_54, %dma_start3A_55] : memref<40x128xi32, #tpu.memory_space<vmem>> -> memref<1x128xi32, #tpu.memory_space<vmem>>
      %dma_start3A_57 = tpu.memref_squeeze %dma_start3A_56 : memref<1x128xi32, #tpu.memory_space<vmem>> -> memref<128xi32, #tpu.memory_space<vmem>>
      %dma_start3A_58 = arith.constant 0 : i32
      %dma_start3A_59 = arith.constant 0 : i32
      %dma_start3A_60 = tpu.memref_slice %arg2[%dma_start3A_58, %dma_start3A_59] : memref<10000x64xf32, #tpu.memory_space<hbm>> -> memref<10000x64xf32, #tpu.memory_space<hbm>>
      tpu.enqueue_indirect_dma source(%dma_start3A_60 : memref<10000x64xf32, #tpu.memory_space<hbm>>) target(%arg10 : memref<128x64xf32, #tpu.memory_space<vmem>>) offsets(%dma_start3A_57 : memref<128xi32, #tpu.memory_space<vmem>>) semaphore(%arg13 : memref<!tpu.dma_semaphore, #tpu.memory_space<semaphore_mem>>)
      %dma_wait3A = arith.constant 0 : i32
      %dma_wait3A_61 = tpu.memref_slice %arg7[%add3A_47, %dma_wait3A] : memref<40x128xi32, #tpu.memory_space<vmem>> -> memref<1x128xi32, #tpu.memory_space<vmem>>
      %dma_wait3A_62 = tpu.memref_squeeze %dma_wait3A_61 : memref<1x128xi32, #tpu.memory_space<vmem>> -> memref<128xi32, #tpu.memory_space<vmem>>
      %dma_wait3A_63 = arith.constant 0 : i32
      %dma_wait3A_64 = arith.constant 0 : i32
      %dma_wait3A_65 = tpu.memref_slice %arg2[%dma_wait3A_63, %dma_wait3A_64] : memref<10000x64xf32, #tpu.memory_space<hbm>> -> memref<10000x64xf32, #tpu.memory_space<hbm>>
      tpu.wait_indirect_dma semaphore(%arg12 : memref<!tpu.dma_semaphore, #tpu.memory_space<semaphore_mem>>) src(%dma_wait3A_65 : memref<10000x64xf32, #tpu.memory_space<hbm>>) dst(%arg9 : memref<128x64xf32, #tpu.memory_space<vmem>>)
      "tpu.region"() ({
        %run_scoped3A = tpu.sem_alloc : memref<!tpu.dma_semaphore, #tpu.memory_space<semaphore_mem>>
        %dma_start3A_74 = arith.constant 0 : i32
        %dma_start3A_75 = tpu.memref_slice %arg8[%add3A_47, %dma_start3A_74] : memref<40x128xi32, #tpu.memory_space<vmem>> -> memref<1x128xi32, #tpu.memory_space<vmem>>
        %dma_start3A_76 = tpu.memref_squeeze %dma_start3A_75 : memref<1x128xi32, #tpu.memory_space<vmem>> -> memref<128xi32, #tpu.memory_space<vmem>>
        %dma_start3A_77 = arith.constant 0 : i32
        %dma_start3A_78 = arith.constant 0 : i32
        %dma_start3A_79 = tpu.memref_slice %arg11[%dma_start3A_77, %dma_start3A_78] : memref<10240x64xf32, #tpu.memory_space<vmem_shared>> -> memref<10240x64xf32, #tpu.memory_space<vmem_shared>>
        tpu.enqueue_indirect_dma source(%arg9 : memref<128x64xf32, #tpu.memory_space<vmem>>) target(%dma_start3A_79 : memref<10240x64xf32, #tpu.memory_space<vmem_shared>>) offsets(%dma_start3A_76 : memref<128xi32, #tpu.memory_space<vmem>>) semaphore(%run_scoped3A : memref<!tpu.dma_semaphore, #tpu.memory_space<semaphore_mem>>) {add = true}
        %dma_wait3A_80 = arith.constant 0 : i32
        %dma_wait3A_81 = tpu.memref_slice %arg8[%add3A_47, %dma_wait3A_80] : memref<40x128xi32, #tpu.memory_space<vmem>> -> memref<1x128xi32, #tpu.memory_space<vmem>>
        %dma_wait3A_82 = tpu.memref_squeeze %dma_wait3A_81 : memref<1x128xi32, #tpu.memory_space<vmem>> -> memref<128xi32, #tpu.memory_space<vmem>>
        %dma_wait3A_83 = arith.constant 0 : i32
        %dma_wait3A_84 = arith.constant 0 : i32
        %dma_wait3A_85 = tpu.memref_slice %arg11[%dma_wait3A_83, %dma_wait3A_84] : memref<10240x64xf32, #tpu.memory_space<vmem_shared>> -> memref<10240x64xf32, #tpu.memory_space<vmem_shared>>
        tpu.wait_indirect_dma semaphore(%run_scoped3A : memref<!tpu.dma_semaphore, #tpu.memory_space<semaphore_mem>>) src(%arg9 : memref<128x64xf32, #tpu.memory_space<vmem>>) dst(%dma_wait3A_85 : memref<10240x64xf32, #tpu.memory_space<vmem_shared>>)
        tpu.yield
      }) : () -> ()
      %dma_wait3A_66 = arith.constant 0 : i32
      %dma_wait3A_67 = tpu.memref_slice %arg7[%add3A_54, %dma_wait3A_66] : memref<40x128xi32, #tpu.memory_space<vmem>> -> memref<1x128xi32, #tpu.memory_space<vmem>>
      %dma_wait3A_68 = tpu.memref_squeeze %dma_wait3A_67 : memref<1x128xi32, #tpu.memory_space<vmem>> -> memref<128xi32, #tpu.memory_space<vmem>>
      %dma_wait3A_69 = arith.constant 0 : i32
      %dma_wait3A_70 = arith.constant 0 : i32
      %dma_wait3A_71 = tpu.memref_slice %arg2[%dma_wait3A_69, %dma_wait3A_70] : memref<10000x64xf32, #tpu.memory_space<hbm>> -> memref<10000x64xf32, #tpu.memory_space<hbm>>
      tpu.wait_indirect_dma semaphore(%arg13 : memref<!tpu.dma_semaphore, #tpu.memory_space<semaphore_mem>>) src(%dma_wait3A_71 : memref<10000x64xf32, #tpu.memory_space<hbm>>) dst(%arg10 : memref<128x64xf32, #tpu.memory_space<vmem>>)
      %add3A_72 = arith.constant 1 : i32
      %add3A_73 = arith.addi %add3A_47, %add3A_72 : i32
      "tpu.region"() ({
        %run_scoped3A = tpu.sem_alloc : memref<!tpu.dma_semaphore, #tpu.memory_space<semaphore_mem>>
        %dma_start3A_74 = arith.constant 0 : i32
        %dma_start3A_75 = tpu.memref_slice %arg8[%add3A_73, %dma_start3A_74] : memref<40x128xi32, #tpu.memory_space<vmem>> -> memref<1x128xi32, #tpu.memory_space<vmem>>
        %dma_start3A_76 = tpu.memref_squeeze %dma_start3A_75 : memref<1x128xi32, #tpu.memory_space<vmem>> -> memref<128xi32, #tpu.memory_space<vmem>>
        %dma_start3A_77 = arith.constant 0 : i32
        %dma_start3A_78 = arith.constant 0 : i32
        %dma_start3A_79 = tpu.memref_slice %arg11[%dma_start3A_77, %dma_start3A_78] : memref<10240x64xf32, #tpu.memory_space<vmem_shared>> -> memref<10240x64xf32, #tpu.memory_space<vmem_shared>>
        tpu.enqueue_indirect_dma source(%arg10 : memref<128x64xf32, #tpu.memory_space<vmem>>) target(%dma_start3A_79 : memref<10240x64xf32, #tpu.memory_space<vmem_shared>>) offsets(%dma_start3A_76 : memref<128xi32, #tpu.memory_space<vmem>>) semaphore(%run_scoped3A : memref<!tpu.dma_semaphore, #tpu.memory_space<semaphore_mem>>) {add = true}
        %dma_wait3A_80 = arith.constant 0 : i32
        %dma_wait3A_81 = tpu.memref_slice %arg8[%add3A_73, %dma_wait3A_80] : memref<40x128xi32, #tpu.memory_space<vmem>> -> memref<1x128xi32, #tpu.memory_space<vmem>>
        %dma_wait3A_82 = tpu.memref_squeeze %dma_wait3A_81 : memref<1x128xi32, #tpu.memory_space<vmem>> -> memref<128xi32, #tpu.memory_space<vmem>>
        %dma_wait3A_83 = arith.constant 0 : i32
        %dma_wait3A_84 = arith.constant 0 : i32
        %dma_wait3A_85 = tpu.memref_slice %arg11[%dma_wait3A_83, %dma_wait3A_84] : memref<10240x64xf32, #tpu.memory_space<vmem_shared>> -> memref<10240x64xf32, #tpu.memory_space<vmem_shared>>
        tpu.wait_indirect_dma semaphore(%run_scoped3A : memref<!tpu.dma_semaphore, #tpu.memory_space<semaphore_mem>>) src(%arg10 : memref<128x64xf32, #tpu.memory_space<vmem>>) dst(%dma_wait3A_85 : memref<10240x64xf32, #tpu.memory_space<vmem_shared>>)
        tpu.yield
      }) : () -> ()
    }
    %scan3A_16 = arith.constant 20 : i32
    "tpu.region"() ({
      %run_scoped3A = tpu.sem_alloc : memref<!tpu.dma_semaphore, #tpu.memory_space<semaphore_mem>>
      %dma_start3A = arith.constant 40 : i32
      %dma_start3A_43 = arith.constant 0 : i32
      %dma_start3A_44 = tpu.memref_slice %arg3[%add3A, %dma_start3A, %dma_start3A_43] : memref<32x80x128xi32, #tpu.memory_space<hbm>> -> memref<1x40x128xi32, #tpu.memory_space<hbm>>
      %dma_start3A_45 = tpu.memref_squeeze %dma_start3A_44 : memref<1x40x128xi32, #tpu.memory_space<hbm>> -> memref<40x128xi32, #tpu.memory_space<hbm>>
      %dma_start3A_46 = arith.constant 40 : i32
      %dma_start3A_47 = arith.constant 0 : i32
      %dma_start3A_48 = tpu.memref_slice %arg3[%add3A, %dma_start3A_46, %dma_start3A_47] : memref<32x80x128xi32, #tpu.memory_space<hbm>> -> memref<1x40x128xi32, #tpu.memory_space<hbm>>
      %dma_start3A_49 = tpu.memref_squeeze %dma_start3A_48 : memref<1x40x128xi32, #tpu.memory_space<hbm>> -> memref<40x128xi32, #tpu.memory_space<hbm>>
      tpu.enqueue_dma source(%dma_start3A_49 : memref<40x128xi32, #tpu.memory_space<hbm>>) target(%arg7 : memref<40x128xi32, #tpu.memory_space<vmem>>) target_semaphore(%run_scoped3A : memref<!tpu.dma_semaphore, #tpu.memory_space<semaphore_mem>>)
      %dma_wait3A = arith.constant 40 : i32
      %dma_wait3A_50 = arith.constant 0 : i32
      %dma_wait3A_51 = tpu.memref_slice %arg3[%add3A, %dma_wait3A, %dma_wait3A_50] : memref<32x80x128xi32, #tpu.memory_space<hbm>> -> memref<1x40x128xi32, #tpu.memory_space<hbm>>
      %dma_wait3A_52 = tpu.memref_squeeze %dma_wait3A_51 : memref<1x40x128xi32, #tpu.memory_space<hbm>> -> memref<40x128xi32, #tpu.memory_space<hbm>>
      %dma_wait3A_53 = arith.constant 40 : i32
      %dma_wait3A_54 = arith.constant 0 : i32
      %dma_wait3A_55 = tpu.memref_slice %arg3[%add3A, %dma_wait3A_53, %dma_wait3A_54] : memref<32x80x128xi32, #tpu.memory_space<hbm>> -> memref<1x40x128xi32, #tpu.memory_space<hbm>>
      %dma_wait3A_56 = tpu.memref_squeeze %dma_wait3A_55 : memref<1x40x128xi32, #tpu.memory_space<hbm>> -> memref<40x128xi32, #tpu.memory_space<hbm>>
      tpu.wait_dma2 semaphore(%run_scoped3A : memref<!tpu.dma_semaphore, #tpu.memory_space<semaphore_mem>>) src(%dma_wait3A_56 : memref<40x128xi32, #tpu.memory_space<hbm>>) dst(%arg7 : memref<40x128xi32, #tpu.memory_space<vmem>>)
      tpu.yield
    }) : () -> ()
    "tpu.region"() ({
      %run_scoped3A = tpu.sem_alloc : memref<!tpu.dma_semaphore, #tpu.memory_space<semaphore_mem>>
      %dma_start3A = arith.constant 40 : i32
      %dma_start3A_43 = arith.constant 0 : i32
      %dma_start3A_44 = tpu.memref_slice %arg4[%add3A, %dma_start3A, %dma_start3A_43] : memref<32x80x128xi32, #tpu.memory_space<hbm>> -> memref<1x40x128xi32, #tpu.memory_space<hbm>>
      %dma_start3A_45 = tpu.memref_squeeze %dma_start3A_44 : memref<1x40x128xi32, #tpu.memory_space<hbm>> -> memref<40x128xi32, #tpu.memory_space<hbm>>
      %dma_start3A_46 = arith.constant 40 : i32
      %dma_start3A_47 = arith.constant 0 : i32
      %dma_start3A_48 = tpu.memref_slice %arg4[%add3A, %dma_start3A_46, %dma_start3A_47] : memref<32x80x128xi32, #tpu.memory_space<hbm>> -> memref<1x40x128xi32, #tpu.memory_space<hbm>>
      %dma_start3A_49 = tpu.memref_squeeze %dma_start3A_48 : memref<1x40x128xi32, #tpu.memory_space<hbm>> -> memref<40x128xi32, #tpu.memory_space<hbm>>
      tpu.enqueue_dma source(%dma_start3A_49 : memref<40x128xi32, #tpu.memory_space<hbm>>) target(%arg8 : memref<40x128xi32, #tpu.memory_space<vmem>>) target_semaphore(%run_scoped3A : memref<!tpu.dma_semaphore, #tpu.memory_space<semaphore_mem>>)
      %dma_wait3A = arith.constant 40 : i32
      %dma_wait3A_50 = arith.constant 0 : i32
      %dma_wait3A_51 = tpu.memref_slice %arg4[%add3A, %dma_wait3A, %dma_wait3A_50] : memref<32x80x128xi32, #tpu.memory_space<hbm>> -> memref<1x40x128xi32, #tpu.memory_space<hbm>>
      %dma_wait3A_52 = tpu.memref_squeeze %dma_wait3A_51 : memref<1x40x128xi32, #tpu.memory_space<hbm>> -> memref<40x128xi32, #tpu.memory_space<hbm>>
      %dma_wait3A_53 = arith.constant 40 : i32
      %dma_wait3A_54 = arith.constant 0 : i32
      %dma_wait3A_55 = tpu.memref_slice %arg4[%add3A, %dma_wait3A_53, %dma_wait3A_54] : memref<32x80x128xi32, #tpu.memory_space<hbm>> -> memref<1x40x128xi32, #tpu.memory_space<hbm>>
      %dma_wait3A_56 = tpu.memref_squeeze %dma_wait3A_55 : memref<1x40x128xi32, #tpu.memory_space<hbm>> -> memref<40x128xi32, #tpu.memory_space<hbm>>
      tpu.wait_dma2 semaphore(%run_scoped3A : memref<!tpu.dma_semaphore, #tpu.memory_space<semaphore_mem>>) src(%dma_wait3A_56 : memref<40x128xi32, #tpu.memory_space<hbm>>) dst(%arg8 : memref<40x128xi32, #tpu.memory_space<vmem>>)
      tpu.yield
    }) : () -> ()
    %scan3A_17 = arith.constant 0 : i32
    %scan3A_18 = arith.constant 20 : i32
    %scan3A_19 = arith.addi %scan3A_17, %scan3A_18 : i32
    %scan3A_20 = arith.constant 1 : i32
    scf.for %scan3A_43 = %scan3A_17 to %scan3A_19 step %scan3A_20  : i32 {
      %mul3A_44 = arith.constant 2 : i32
      %mul3A_45 = arith.muli %scan3A_43, %mul3A_44 : i32
      %add3A_46 = arith.constant 0 : i32
      %add3A_47 = arith.addi %add3A_46, %mul3A_45 : i32
      %dma_start3A = arith.constant 0 : i32
      %dma_start3A_48 = tpu.memref_slice %arg7[%add3A_47, %dma_start3A] : memref<40x128xi32, #tpu.memory_space<vmem>> -> memref<1x128xi32, #tpu.memory_space<vmem>>
      %dma_start3A_49 = tpu.memref_squeeze %dma_start3A_48 : memref<1x128xi32, #tpu.memory_space<vmem>> -> memref<128xi32, #tpu.memory_space<vmem>>
      %dma_start3A_50 = arith.constant 0 : i32
      %dma_start3A_51 = arith.constant 0 : i32
      %dma_start3A_52 = tpu.memref_slice %arg2[%dma_start3A_50, %dma_start3A_51] : memref<10000x64xf32, #tpu.memory_space<hbm>> -> memref<10000x64xf32, #tpu.memory_space<hbm>>
      tpu.enqueue_indirect_dma source(%dma_start3A_52 : memref<10000x64xf32, #tpu.memory_space<hbm>>) target(%arg9 : memref<128x64xf32, #tpu.memory_space<vmem>>) offsets(%dma_start3A_49 : memref<128xi32, #tpu.memory_space<vmem>>) semaphore(%arg12 : memref<!tpu.dma_semaphore, #tpu.memory_space<semaphore_mem>>)
      %add3A_53 = arith.constant 1 : i32
      %add3A_54 = arith.addi %add3A_47, %add3A_53 : i32
      %dma_start3A_55 = arith.constant 0 : i32
      %dma_start3A_56 = tpu.memref_slice %arg7[%add3A_54, %dma_start3A_55] : memref<40x128xi32, #tpu.memory_space<vmem>> -> memref<1x128xi32, #tpu.memory_space<vmem>>
      %dma_start3A_57 = tpu.memref_squeeze %dma_start3A_56 : memref<1x128xi32, #tpu.memory_space<vmem>> -> memref<128xi32, #tpu.memory_space<vmem>>
      %dma_start3A_58 = arith.constant 0 : i32
      %dma_start3A_59 = arith.constant 0 : i32
      %dma_start3A_60 = tpu.memref_slice %arg2[%dma_start3A_58, %dma_start3A_59] : memref<10000x64xf32, #tpu.memory_space<hbm>> -> memref<10000x64xf32, #tpu.memory_space<hbm>>
      tpu.enqueue_indirect_dma source(%dma_start3A_60 : memref<10000x64xf32, #tpu.memory_space<hbm>>) target(%arg10 : memref<128x64xf32, #tpu.memory_space<vmem>>) offsets(%dma_start3A_57 : memref<128xi32, #tpu.memory_space<vmem>>) semaphore(%arg13 : memref<!tpu.dma_semaphore, #tpu.memory_space<semaphore_mem>>)
      %dma_wait3A = arith.constant 0 : i32
      %dma_wait3A_61 = tpu.memref_slice %arg7[%add3A_47, %dma_wait3A] : memref<40x128xi32, #tpu.memory_space<vmem>> -> memref<1x128xi32, #tpu.memory_space<vmem>>
      %dma_wait3A_62 = tpu.memref_squeeze %dma_wait3A_61 : memref<1x128xi32, #tpu.memory_space<vmem>> -> memref<128xi32, #tpu.memory_space<vmem>>
      %dma_wait3A_63 = arith.constant 0 : i32
      %dma_wait3A_64 = arith.constant 0 : i32
      %dma_wait3A_65 = tpu.memref_slice %arg2[%dma_wait3A_63, %dma_wait3A_64] : memref<10000x64xf32, #tpu.memory_space<hbm>> -> memref<10000x64xf32, #tpu.memory_space<hbm>>
      tpu.wait_indirect_dma semaphore(%arg12 : memref<!tpu.dma_semaphore, #tpu.memory_space<semaphore_mem>>) src(%dma_wait3A_65 : memref<10000x64xf32, #tpu.memory_space<hbm>>) dst(%arg9 : memref<128x64xf32, #tpu.memory_space<vmem>>)
      "tpu.region"() ({
        %run_scoped3A = tpu.sem_alloc : memref<!tpu.dma_semaphore, #tpu.memory_space<semaphore_mem>>
        %dma_start3A_74 = arith.constant 0 : i32
        %dma_start3A_75 = tpu.memref_slice %arg8[%add3A_47, %dma_start3A_74] : memref<40x128xi32, #tpu.memory_space<vmem>> -> memref<1x128xi32, #tpu.memory_space<vmem>>
        %dma_start3A_76 = tpu.memref_squeeze %dma_start3A_75 : memref<1x128xi32, #tpu.memory_space<vmem>> -> memref<128xi32, #tpu.memory_space<vmem>>
        %dma_start3A_77 = arith.constant 0 : i32
        %dma_start3A_78 = arith.constant 0 : i32
        %dma_start3A_79 = tpu.memref_slice %arg11[%dma_start3A_77, %dma_start3A_78] : memref<10240x64xf32, #tpu.memory_space<vmem_shared>> -> memref<10240x64xf32, #tpu.memory_space<vmem_shared>>
        tpu.enqueue_indirect_dma source(%arg9 : memref<128x64xf32, #tpu.memory_space<vmem>>) target(%dma_start3A_79 : memref<10240x64xf32, #tpu.memory_space<vmem_shared>>) offsets(%dma_start3A_76 : memref<128xi32, #tpu.memory_space<vmem>>) semaphore(%run_scoped3A : memref<!tpu.dma_semaphore, #tpu.memory_space<semaphore_mem>>) {add = true}
        %dma_wait3A_80 = arith.constant 0 : i32
        %dma_wait3A_81 = tpu.memref_slice %arg8[%add3A_47, %dma_wait3A_80] : memref<40x128xi32, #tpu.memory_space<vmem>> -> memref<1x128xi32, #tpu.memory_space<vmem>>
        %dma_wait3A_82 = tpu.memref_squeeze %dma_wait3A_81 : memref<1x128xi32, #tpu.memory_space<vmem>> -> memref<128xi32, #tpu.memory_space<vmem>>
        %dma_wait3A_83 = arith.constant 0 : i32
        %dma_wait3A_84 = arith.constant 0 : i32
        %dma_wait3A_85 = tpu.memref_slice %arg11[%dma_wait3A_83, %dma_wait3A_84] : memref<10240x64xf32, #tpu.memory_space<vmem_shared>> -> memref<10240x64xf32, #tpu.memory_space<vmem_shared>>
        tpu.wait_indirect_dma semaphore(%run_scoped3A : memref<!tpu.dma_semaphore, #tpu.memory_space<semaphore_mem>>) src(%arg9 : memref<128x64xf32, #tpu.memory_space<vmem>>) dst(%dma_wait3A_85 : memref<10240x64xf32, #tpu.memory_space<vmem_shared>>)
        tpu.yield
      }) : () -> ()
      %dma_wait3A_66 = arith.constant 0 : i32
      %dma_wait3A_67 = tpu.memref_slice %arg7[%add3A_54, %dma_wait3A_66] : memref<40x128xi32, #tpu.memory_space<vmem>> -> memref<1x128xi32, #tpu.memory_space<vmem>>
      %dma_wait3A_68 = tpu.memref_squeeze %dma_wait3A_67 : memref<1x128xi32, #tpu.memory_space<vmem>> -> memref<128xi32, #tpu.memory_space<vmem>>
      %dma_wait3A_69 = arith.constant 0 : i32
      %dma_wait3A_70 = arith.constant 0 : i32
      %dma_wait3A_71 = tpu.memref_slice %arg2[%dma_wait3A_69, %dma_wait3A_70] : memref<10000x64xf32, #tpu.memory_space<hbm>> -> memref<10000x64xf32, #tpu.memory_space<hbm>>
      tpu.wait_indirect_dma semaphore(%arg13 : memref<!tpu.dma_semaphore, #tpu.memory_space<semaphore_mem>>) src(%dma_wait3A_71 : memref<10000x64xf32, #tpu.memory_space<hbm>>) dst(%arg10 : memref<128x64xf32, #tpu.memory_space<vmem>>)
      %add3A_72 = arith.constant 1 : i32
      %add3A_73 = arith.addi %add3A_47, %add3A_72 : i32
      "tpu.region"() ({
        %run_scoped3A = tpu.sem_alloc : memref<!tpu.dma_semaphore, #tpu.memory_space<semaphore_mem>>
        %dma_start3A_74 = arith.constant 0 : i32
        %dma_start3A_75 = tpu.memref_slice %arg8[%add3A_73, %dma_start3A_74] : memref<40x128xi32, #tpu.memory_space<vmem>> -> memref<1x128xi32, #tpu.memory_space<vmem>>
        %dma_start3A_76 = tpu.memref_squeeze %dma_start3A_75 : memref<1x128xi32, #tpu.memory_space<vmem>> -> memref<128xi32, #tpu.memory_space<vmem>>
        %dma_start3A_77 = arith.constant 0 : i32
        %dma_start3A_78 = arith.constant 0 : i32
        %dma_start3A_79 = tpu.memref_slice %arg11[%dma_start3A_77, %dma_start3A_78] : memref<10240x64xf32, #tpu.memory_space<vmem_shared>> -> memref<10240x64xf32, #tpu.memory_space<vmem_shared>>
        tpu.enqueue_indirect_dma source(%arg10 : memref<128x64xf32, #tpu.memory_space<vmem>>) target(%dma_start3A_79 : memref<10240x64xf32, #tpu.memory_space<vmem_shared>>) offsets(%dma_start3A_76 : memref<128xi32, #tpu.memory_space<vmem>>) semaphore(%run_scoped3A : memref<!tpu.dma_semaphore, #tpu.memory_space<semaphore_mem>>) {add = true}
        %dma_wait3A_80 = arith.constant 0 : i32
        %dma_wait3A_81 = tpu.memref_slice %arg8[%add3A_73, %dma_wait3A_80] : memref<40x128xi32, #tpu.memory_space<vmem>> -> memref<1x128xi32, #tpu.memory_space<vmem>>
        %dma_wait3A_82 = tpu.memref_squeeze %dma_wait3A_81 : memref<1x128xi32, #tpu.memory_space<vmem>> -> memref<128xi32, #tpu.memory_space<vmem>>
        %dma_wait3A_83 = arith.constant 0 : i32
        %dma_wait3A_84 = arith.constant 0 : i32
        %dma_wait3A_85 = tpu.memref_slice %arg11[%dma_wait3A_83, %dma_wait3A_84] : memref<10240x64xf32, #tpu.memory_space<vmem_shared>> -> memref<10240x64xf32, #tpu.memory_space<vmem_shared>>
        tpu.wait_indirect_dma semaphore(%run_scoped3A : memref<!tpu.dma_semaphore, #tpu.memory_space<semaphore_mem>>) src(%arg10 : memref<128x64xf32, #tpu.memory_space<vmem>>) dst(%dma_wait3A_85 : memref<10240x64xf32, #tpu.memory_space<vmem_shared>>)
        tpu.yield
      }) : () -> ()
    }
    %scan3A_21 = arith.constant 20 : i32
    %barrier3A_22 = arith.constant 0 : index
    tpu.barrier barrier_id(%barrier3A_22)
    %add3A_23 = arith.constant 0 : i32
    %add3A_24 = arith.addi %mul3A_0, %add3A_23 : i32
    "tpu.region"() ({
      %run_scoped3A = tpu.sem_alloc : memref<!tpu.dma_semaphore, #tpu.memory_space<semaphore_mem>>
      %dma_start3A = arith.constant 0 : i32
      %dma_start3A_43 = arith.constant 0 : i32
      %dma_start3A_44 = tpu.memref_slice %arg9[%dma_start3A, %dma_start3A_43] : memref<128x64xf32, #tpu.memory_space<vmem>> -> memref<128x64xf32, #tpu.memory_space<vmem>>
      %dma_start3A_45 = arith.constant 0 : i32
      %dma_start3A_46 = tpu.memref_slice %arg11[%add3A_24, %dma_start3A_45] : memref<10240x64xf32, #tpu.memory_space<vmem_shared>> -> memref<128x64xf32, #tpu.memory_space<vmem_shared>>
      %dma_start3A_47 = arith.constant 0 : i32
      %dma_start3A_48 = arith.constant 0 : i32
      %dma_start3A_49 = tpu.memref_slice %arg9[%dma_start3A_47, %dma_start3A_48] : memref<128x64xf32, #tpu.memory_space<vmem>> -> memref<128x64xf32, #tpu.memory_space<vmem>>
      %dma_start3A_50 = arith.constant 0 : i32
      %dma_start3A_51 = tpu.memref_slice %arg11[%add3A_24, %dma_start3A_50] : memref<10240x64xf32, #tpu.memory_space<vmem_shared>> -> memref<128x64xf32, #tpu.memory_space<vmem_shared>>
      tpu.enqueue_dma source(%dma_start3A_51 : memref<128x64xf32, #tpu.memory_space<vmem_shared>>) target(%dma_start3A_49 : memref<128x64xf32, #tpu.memory_space<vmem>>) target_semaphore(%run_scoped3A : memref<!tpu.dma_semaphore, #tpu.memory_space<semaphore_mem>>)
      %dma_wait3A = arith.constant 0 : i32
      %dma_wait3A_52 = arith.constant 0 : i32
      %dma_wait3A_53 = tpu.memref_slice %arg9[%dma_wait3A, %dma_wait3A_52] : memref<128x64xf32, #tpu.memory_space<vmem>> -> memref<128x64xf32, #tpu.memory_space<vmem>>
      %dma_wait3A_54 = arith.constant 0 : i32
      %dma_wait3A_55 = tpu.memref_slice %arg11[%add3A_24, %dma_wait3A_54] : memref<10240x64xf32, #tpu.memory_space<vmem_shared>> -> memref<128x64xf32, #tpu.memory_space<vmem_shared>>
      %dma_wait3A_56 = arith.constant 0 : i32
      %dma_wait3A_57 = arith.constant 0 : i32
      %dma_wait3A_58 = tpu.memref_slice %arg9[%dma_wait3A_56, %dma_wait3A_57] : memref<128x64xf32, #tpu.memory_space<vmem>> -> memref<128x64xf32, #tpu.memory_space<vmem>>
      %dma_wait3A_59 = arith.constant 0 : i32
      %dma_wait3A_60 = tpu.memref_slice %arg11[%add3A_24, %dma_wait3A_59] : memref<10240x64xf32, #tpu.memory_space<vmem_shared>> -> memref<128x64xf32, #tpu.memory_space<vmem_shared>>
      tpu.wait_dma2 semaphore(%run_scoped3A : memref<!tpu.dma_semaphore, #tpu.memory_space<semaphore_mem>>) src(%dma_wait3A_60 : memref<128x64xf32, #tpu.memory_space<vmem_shared>>) dst(%dma_wait3A_58 : memref<128x64xf32, #tpu.memory_space<vmem>>)
      tpu.yield
    }) : () -> ()
    %add3A_25 = arith.constant 0 : i32
    %add3A_26 = arith.addi %mul3A_0, %add3A_25 : i32
    "tpu.region"() ({
      %run_scoped3A = tpu.sem_alloc : memref<!tpu.dma_semaphore, #tpu.memory_space<semaphore_mem>>
      %dma_start3A = arith.constant 0 : i32
      %dma_start3A_43 = arith.constant 0 : i32
      %dma_start3A_44 = tpu.memref_slice %arg9[%dma_start3A, %dma_start3A_43] : memref<128x64xf32, #tpu.memory_space<vmem>> -> memref<128x64xf32, #tpu.memory_space<vmem>>
      %dma_start3A_45 = arith.constant 0 : i32
      %dma_start3A_46 = tpu.memref_slice %arg6[%arg0, %add3A_26, %dma_start3A_45] : memref<2x10240x64xf32, #tpu.memory_space<hbm>> -> memref<1x128x64xf32, #tpu.memory_space<hbm>>
      %dma_start3A_47 = tpu.memref_squeeze %dma_start3A_46 : memref<1x128x64xf32, #tpu.memory_space<hbm>> -> memref<128x64xf32, #tpu.memory_space<hbm>>
      %dma_start3A_48 = arith.constant 0 : i32
      %dma_start3A_49 = tpu.memref_slice %arg6[%arg0, %add3A_26, %dma_start3A_48] : memref<2x10240x64xf32, #tpu.memory_space<hbm>> -> memref<1x128x64xf32, #tpu.memory_space<hbm>>
      %dma_start3A_50 = tpu.memref_squeeze %dma_start3A_49 : memref<1x128x64xf32, #tpu.memory_space<hbm>> -> memref<128x64xf32, #tpu.memory_space<hbm>>
      %dma_start3A_51 = arith.constant 0 : i32
      %dma_start3A_52 = arith.constant 0 : i32
      %dma_start3A_53 = tpu.memref_slice %arg9[%dma_start3A_51, %dma_start3A_52] : memref<128x64xf32, #tpu.memory_space<vmem>> -> memref<128x64xf32, #tpu.memory_space<vmem>>
      tpu.enqueue_dma source(%dma_start3A_53 : memref<128x64xf32, #tpu.memory_space<vmem>>) target(%dma_start3A_50 : memref<128x64xf32, #tpu.memory_space<hbm>>) target_semaphore(%run_scoped3A : memref<!tpu.dma_semaphore, #tpu.memory_space<semaphore_mem>>)
      %dma_wait3A = arith.constant 0 : i32
      %dma_wait3A_54 = arith.constant 0 : i32
      %dma_wait3A_55 = tpu.memref_slice %arg9[%dma_wait3A, %dma_wait3A_54] : memref<128x64xf32, #tpu.memory_space<vmem>> -> memref<128x64xf32, #tpu.memory_space<vmem>>
      %dma_wait3A_56 = arith.constant 0 : i32
      %dma_wait3A_57 = tpu.memref_slice %arg6[%arg0, %add3A_26, %dma_wait3A_56] : memref<2x10240x64xf32, #tpu.memory_space<hbm>> -> memref<1x128x64xf32, #tpu.memory_space<hbm>>
      %dma_wait3A_58 = tpu.memref_squeeze %dma_wait3A_57 : memref<1x128x64xf32, #tpu.memory_space<hbm>> -> memref<128x64xf32, #tpu.memory_space<hbm>>
      %dma_wait3A_59 = arith.constant 0 : i32
      %dma_wait3A_60 = tpu.memref_slice %arg6[%arg0, %add3A_26, %dma_wait3A_59] : memref<2x10240x64xf32, #tpu.memory_space<hbm>> -> memref<1x128x64xf32, #tpu.memory_space<hbm>>
      %dma_wait3A_61 = tpu.memref_squeeze %dma_wait3A_60 : memref<1x128x64xf32, #tpu.memory_space<hbm>> -> memref<128x64xf32, #tpu.memory_space<hbm>>
      %dma_wait3A_62 = arith.constant 0 : i32
      %dma_wait3A_63 = arith.constant 0 : i32
      %dma_wait3A_64 = tpu.memref_slice %arg9[%dma_wait3A_62, %dma_wait3A_63] : memref<128x64xf32, #tpu.memory_space<vmem>> -> memref<128x64xf32, #tpu.memory_space<vmem>>
      tpu.wait_dma2 semaphore(%run_scoped3A : memref<!tpu.dma_semaphore, #tpu.memory_space<semaphore_mem>>) src(%dma_wait3A_64 : memref<128x64xf32, #tpu.memory_space<vmem>>) dst(%dma_wait3A_61 : memref<128x64xf32, #tpu.memory_space<hbm>>)
      tpu.yield
    }) : () -> ()
    %add3A_27 = arith.constant 128 : i32
    %add3A_28 = arith.addi %mul3A_0, %add3A_27 : i32
    "tpu.region"() ({
      %run_scoped3A = tpu.sem_alloc : memref<!tpu.dma_semaphore, #tpu.memory_space<semaphore_mem>>
      %dma_start3A = arith.constant 0 : i32
      %dma_start3A_43 = arith.constant 0 : i32
      %dma_start3A_44 = tpu.memref_slice %arg9[%dma_start3A, %dma_start3A_43] : memref<128x64xf32, #tpu.memory_space<vmem>> -> memref<128x64xf32, #tpu.memory_space<vmem>>
      %dma_start3A_45 = arith.constant 0 : i32
      %dma_start3A_46 = tpu.memref_slice %arg11[%add3A_28, %dma_start3A_45] : memref<10240x64xf32, #tpu.memory_space<vmem_shared>> -> memref<128x64xf32, #tpu.memory_space<vmem_shared>>
      %dma_start3A_47 = arith.constant 0 : i32
      %dma_start3A_48 = arith.constant 0 : i32
      %dma_start3A_49 = tpu.memref_slice %arg9[%dma_start3A_47, %dma_start3A_48] : memref<128x64xf32, #tpu.memory_space<vmem>> -> memref<128x64xf32, #tpu.memory_space<vmem>>
      %dma_start3A_50 = arith.constant 0 : i32
      %dma_start3A_51 = tpu.memref_slice %arg11[%add3A_28, %dma_start3A_50] : memref<10240x64xf32, #tpu.memory_space<vmem_shared>> -> memref<128x64xf32, #tpu.memory_space<vmem_shared>>
      tpu.enqueue_dma source(%dma_start3A_51 : memref<128x64xf32, #tpu.memory_space<vmem_shared>>) target(%dma_start3A_49 : memref<128x64xf32, #tpu.memory_space<vmem>>) target_semaphore(%run_scoped3A : memref<!tpu.dma_semaphore, #tpu.memory_space<semaphore_mem>>)
      %dma_wait3A = arith.constant 0 : i32
      %dma_wait3A_52 = arith.constant 0 : i32
      %dma_wait3A_53 = tpu.memref_slice %arg9[%dma_wait3A, %dma_wait3A_52] : memref<128x64xf32, #tpu.memory_space<vmem>> -> memref<128x64xf32, #tpu.memory_space<vmem>>
      %dma_wait3A_54 = arith.constant 0 : i32
      %dma_wait3A_55 = tpu.memref_slice %arg11[%add3A_28, %dma_wait3A_54] : memref<10240x64xf32, #tpu.memory_space<vmem_shared>> -> memref<128x64xf32, #tpu.memory_space<vmem_shared>>
      %dma_wait3A_56 = arith.constant 0 : i32
      %dma_wait3A_57 = arith.constant 0 : i32
      %dma_wait3A_58 = tpu.memref_slice %arg9[%dma_wait3A_56, %dma_wait3A_57] : memref<128x64xf32, #tpu.memory_space<vmem>> -> memref<128x64xf32, #tpu.memory_space<vmem>>
      %dma_wait3A_59 = arith.constant 0 : i32
      %dma_wait3A_60 = tpu.memref_slice %arg11[%add3A_28, %dma_wait3A_59] : memref<10240x64xf32, #tpu.memory_space<vmem_shared>> -> memref<128x64xf32, #tpu.memory_space<vmem_shared>>
      tpu.wait_dma2 semaphore(%run_scoped3A : memref<!tpu.dma_semaphore, #tpu.memory_space<semaphore_mem>>) src(%dma_wait3A_60 : memref<128x64xf32, #tpu.memory_space<vmem_shared>>) dst(%dma_wait3A_58 : memref<128x64xf32, #tpu.memory_space<vmem>>)
      tpu.yield
    }) : () -> ()
    %add3A_29 = arith.constant 128 : i32
    %add3A_30 = arith.addi %mul3A_0, %add3A_29 : i32
    "tpu.region"() ({
      %run_scoped3A = tpu.sem_alloc : memref<!tpu.dma_semaphore, #tpu.memory_space<semaphore_mem>>
      %dma_start3A = arith.constant 0 : i32
      %dma_start3A_43 = arith.constant 0 : i32
      %dma_start3A_44 = tpu.memref_slice %arg9[%dma_start3A, %dma_start3A_43] : memref<128x64xf32, #tpu.memory_space<vmem>> -> memref<128x64xf32, #tpu.memory_space<vmem>>
      %dma_start3A_45 = arith.constant 0 : i32
      %dma_start3A_46 = tpu.memref_slice %arg6[%arg0, %add3A_30, %dma_start3A_45] : memref<2x10240x64xf32, #tpu.memory_space<hbm>> -> memref<1x128x64xf32, #tpu.memory_space<hbm>>
      %dma_start3A_47 = tpu.memref_squeeze %dma_start3A_46 : memref<1x128x64xf32, #tpu.memory_space<hbm>> -> memref<128x64xf32, #tpu.memory_space<hbm>>
      %dma_start3A_48 = arith.constant 0 : i32
      %dma_start3A_49 = tpu.memref_slice %arg6[%arg0, %add3A_30, %dma_start3A_48] : memref<2x10240x64xf32, #tpu.memory_space<hbm>> -> memref<1x128x64xf32, #tpu.memory_space<hbm>>
      %dma_start3A_50 = tpu.memref_squeeze %dma_start3A_49 : memref<1x128x64xf32, #tpu.memory_space<hbm>> -> memref<128x64xf32, #tpu.memory_space<hbm>>
      %dma_start3A_51 = arith.constant 0 : i32
      %dma_start3A_52 = arith.constant 0 : i32
      %dma_start3A_53 = tpu.memref_slice %arg9[%dma_start3A_51, %dma_start3A_52] : memref<128x64xf32, #tpu.memory_space<vmem>> -> memref<128x64xf32, #tpu.memory_space<vmem>>
      tpu.enqueue_dma source(%dma_start3A_53 : memref<128x64xf32, #tpu.memory_space<vmem>>) target(%dma_start3A_50 : memref<128x64xf32, #tpu.memory_space<hbm>>) target_semaphore(%run_scoped3A : memref<!tpu.dma_semaphore, #tpu.memory_space<semaphore_mem>>)
      %dma_wait3A = arith.constant 0 : i32
      %dma_wait3A_54 = arith.constant 0 : i32
      %dma_wait3A_55 = tpu.memref_slice %arg9[%dma_wait3A, %dma_wait3A_54] : memref<128x64xf32, #tpu.memory_space<vmem>> -> memref<128x64xf32, #tpu.memory_space<vmem>>
      %dma_wait3A_56 = arith.constant 0 : i32
      %dma_wait3A_57 = tpu.memref_slice %arg6[%arg0, %add3A_30, %dma_wait3A_56] : memref<2x10240x64xf32, #tpu.memory_space<hbm>> -> memref<1x128x64xf32, #tpu.memory_space<hbm>>
      %dma_wait3A_58 = tpu.memref_squeeze %dma_wait3A_57 : memref<1x128x64xf32, #tpu.memory_space<hbm>> -> memref<128x64xf32, #tpu.memory_space<hbm>>
      %dma_wait3A_59 = arith.constant 0 : i32
      %dma_wait3A_60 = tpu.memref_slice %arg6[%arg0, %add3A_30, %dma_wait3A_59] : memref<2x10240x64xf32, #tpu.memory_space<hbm>> -> memref<1x128x64xf32, #tpu.memory_space<hbm>>
      %dma_wait3A_61 = tpu.memref_squeeze %dma_wait3A_60 : memref<1x128x64xf32, #tpu.memory_space<hbm>> -> memref<128x64xf32, #tpu.memory_space<hbm>>
      %dma_wait3A_62 = arith.constant 0 : i32
      %dma_wait3A_63 = arith.constant 0 : i32
      %dma_wait3A_64 = tpu.memref_slice %arg9[%dma_wait3A_62, %dma_wait3A_63] : memref<128x64xf32, #tpu.memory_space<vmem>> -> memref<128x64xf32, #tpu.memory_space<vmem>>
      tpu.wait_dma2 semaphore(%run_scoped3A : memref<!tpu.dma_semaphore, #tpu.memory_space<semaphore_mem>>) src(%dma_wait3A_64 : memref<128x64xf32, #tpu.memory_space<vmem>>) dst(%dma_wait3A_61 : memref<128x64xf32, #tpu.memory_space<hbm>>)
      tpu.yield
    }) : () -> ()
    %add3A_31 = arith.constant 256 : i32
    %add3A_32 = arith.addi %mul3A_0, %add3A_31 : i32
    "tpu.region"() ({
      %run_scoped3A = tpu.sem_alloc : memref<!tpu.dma_semaphore, #tpu.memory_space<semaphore_mem>>
      %dma_start3A = arith.constant 0 : i32
      %dma_start3A_43 = arith.constant 0 : i32
      %dma_start3A_44 = tpu.memref_slice %arg9[%dma_start3A, %dma_start3A_43] : memref<128x64xf32, #tpu.memory_space<vmem>> -> memref<128x64xf32, #tpu.memory_space<vmem>>
      %dma_start3A_45 = arith.constant 0 : i32
      %dma_start3A_46 = tpu.memref_slice %arg11[%add3A_32, %dma_start3A_45] : memref<10240x64xf32, #tpu.memory_space<vmem_shared>> -> memref<128x64xf32, #tpu.memory_space<vmem_shared>>
      %dma_start3A_47 = arith.constant 0 : i32
      %dma_start3A_48 = arith.constant 0 : i32
      %dma_start3A_49 = tpu.memref_slice %arg9[%dma_start3A_47, %dma_start3A_48] : memref<128x64xf32, #tpu.memory_space<vmem>> -> memref<128x64xf32, #tpu.memory_space<vmem>>
      %dma_start3A_50 = arith.constant 0 : i32
      %dma_start3A_51 = tpu.memref_slice %arg11[%add3A_32, %dma_start3A_50] : memref<10240x64xf32, #tpu.memory_space<vmem_shared>> -> memref<128x64xf32, #tpu.memory_space<vmem_shared>>
      tpu.enqueue_dma source(%dma_start3A_51 : memref<128x64xf32, #tpu.memory_space<vmem_shared>>) target(%dma_start3A_49 : memref<128x64xf32, #tpu.memory_space<vmem>>) target_semaphore(%run_scoped3A : memref<!tpu.dma_semaphore, #tpu.memory_space<semaphore_mem>>)
      %dma_wait3A = arith.constant 0 : i32
      %dma_wait3A_52 = arith.constant 0 : i32
      %dma_wait3A_53 = tpu.memref_slice %arg9[%dma_wait3A, %dma_wait3A_52] : memref<128x64xf32, #tpu.memory_space<vmem>> -> memref<128x64xf32, #tpu.memory_space<vmem>>
      %dma_wait3A_54 = arith.constant 0 : i32
      %dma_wait3A_55 = tpu.memref_slice %arg11[%add3A_32, %dma_wait3A_54] : memref<10240x64xf32, #tpu.memory_space<vmem_shared>> -> memref<128x64xf32, #tpu.memory_space<vmem_shared>>
      %dma_wait3A_56 = arith.constant 0 : i32
      %dma_wait3A_57 = arith.constant 0 : i32
      %dma_wait3A_58 = tpu.memref_slice %arg9[%dma_wait3A_56, %dma_wait3A_57] : memref<128x64xf32, #tpu.memory_space<vmem>> -> memref<128x64xf32, #tpu.memory_space<vmem>>
      %dma_wait3A_59 = arith.constant 0 : i32
      %dma_wait3A_60 = tpu.memref_slice %arg11[%add3A_32, %dma_wait3A_59] : memref<10240x64xf32, #tpu.memory_space<vmem_shared>> -> memref<128x64xf32, #tpu.memory_space<vmem_shared>>
      tpu.wait_dma2 semaphore(%run_scoped3A : memref<!tpu.dma_semaphore, #tpu.memory_space<semaphore_mem>>) src(%dma_wait3A_60 : memref<128x64xf32, #tpu.memory_space<vmem_shared>>) dst(%dma_wait3A_58 : memref<128x64xf32, #tpu.memory_space<vmem>>)
      tpu.yield
    }) : () -> ()
    %add3A_33 = arith.constant 256 : i32
    %add3A_34 = arith.addi %mul3A_0, %add3A_33 : i32
    "tpu.region"() ({
      %run_scoped3A = tpu.sem_alloc : memref<!tpu.dma_semaphore, #tpu.memory_space<semaphore_mem>>
      %dma_start3A = arith.constant 0 : i32
      %dma_start3A_43 = arith.constant 0 : i32
      %dma_start3A_44 = tpu.memref_slice %arg9[%dma_start3A, %dma_start3A_43] : memref<128x64xf32, #tpu.memory_space<vmem>> -> memref<128x64xf32, #tpu.memory_space<vmem>>
      %dma_start3A_45 = arith.constant 0 : i32
      %dma_start3A_46 = tpu.memref_slice %arg6[%arg0, %add3A_34, %dma_start3A_45] : memref<2x10240x64xf32, #tpu.memory_space<hbm>> -> memref<1x128x64xf32, #tpu.memory_space<hbm>>
      %dma_start3A_47 = tpu.memref_squeeze %dma_start3A_46 : memref<1x128x64xf32, #tpu.memory_space<hbm>> -> memref<128x64xf32, #tpu.memory_space<hbm>>
      %dma_start3A_48 = arith.constant 0 : i32
      %dma_start3A_49 = tpu.memref_slice %arg6[%arg0, %add3A_34, %dma_start3A_48] : memref<2x10240x64xf32, #tpu.memory_space<hbm>> -> memref<1x128x64xf32, #tpu.memory_space<hbm>>
      %dma_start3A_50 = tpu.memref_squeeze %dma_start3A_49 : memref<1x128x64xf32, #tpu.memory_space<hbm>> -> memref<128x64xf32, #tpu.memory_space<hbm>>
      %dma_start3A_51 = arith.constant 0 : i32
      %dma_start3A_52 = arith.constant 0 : i32
      %dma_start3A_53 = tpu.memref_slice %arg9[%dma_start3A_51, %dma_start3A_52] : memref<128x64xf32, #tpu.memory_space<vmem>> -> memref<128x64xf32, #tpu.memory_space<vmem>>
      tpu.enqueue_dma source(%dma_start3A_53 : memref<128x64xf32, #tpu.memory_space<vmem>>) target(%dma_start3A_50 : memref<128x64xf32, #tpu.memory_space<hbm>>) target_semaphore(%run_scoped3A : memref<!tpu.dma_semaphore, #tpu.memory_space<semaphore_mem>>)
      %dma_wait3A = arith.constant 0 : i32
      %dma_wait3A_54 = arith.constant 0 : i32
      %dma_wait3A_55 = tpu.memref_slice %arg9[%dma_wait3A, %dma_wait3A_54] : memref<128x64xf32, #tpu.memory_space<vmem>> -> memref<128x64xf32, #tpu.memory_space<vmem>>
      %dma_wait3A_56 = arith.constant 0 : i32
      %dma_wait3A_57 = tpu.memref_slice %arg6[%arg0, %add3A_34, %dma_wait3A_56] : memref<2x10240x64xf32, #tpu.memory_space<hbm>> -> memref<1x128x64xf32, #tpu.memory_space<hbm>>
      %dma_wait3A_58 = tpu.memref_squeeze %dma_wait3A_57 : memref<1x128x64xf32, #tpu.memory_space<hbm>> -> memref<128x64xf32, #tpu.memory_space<hbm>>
      %dma_wait3A_59 = arith.constant 0 : i32
      %dma_wait3A_60 = tpu.memref_slice %arg6[%arg0, %add3A_34, %dma_wait3A_59] : memref<2x10240x64xf32, #tpu.memory_space<hbm>> -> memref<1x128x64xf32, #tpu.memory_space<hbm>>
      %dma_wait3A_61 = tpu.memref_squeeze %dma_wait3A_60 : memref<1x128x64xf32, #tpu.memory_space<hbm>> -> memref<128x64xf32, #tpu.memory_space<hbm>>
      %dma_wait3A_62 = arith.constant 0 : i32
      %dma_wait3A_63 = arith.constant 0 : i32
      %dma_wait3A_64 = tpu.memref_slice %arg9[%dma_wait3A_62, %dma_wait3A_63] : memref<128x64xf32, #tpu.memory_space<vmem>> -> memref<128x64xf32, #tpu.memory_space<vmem>>
      tpu.wait_dma2 semaphore(%run_scoped3A : memref<!tpu.dma_semaphore, #tpu.memory_space<semaphore_mem>>) src(%dma_wait3A_64 : memref<128x64xf32, #tpu.memory_space<vmem>>) dst(%dma_wait3A_61 : memref<128x64xf32, #tpu.memory_space<hbm>>)
      tpu.yield
    }) : () -> ()
    %add3A_35 = arith.constant 384 : i32
    %add3A_36 = arith.addi %mul3A_0, %add3A_35 : i32
    "tpu.region"() ({
      %run_scoped3A = tpu.sem_alloc : memref<!tpu.dma_semaphore, #tpu.memory_space<semaphore_mem>>
      %dma_start3A = arith.constant 0 : i32
      %dma_start3A_43 = arith.constant 0 : i32
      %dma_start3A_44 = tpu.memref_slice %arg9[%dma_start3A, %dma_start3A_43] : memref<128x64xf32, #tpu.memory_space<vmem>> -> memref<128x64xf32, #tpu.memory_space<vmem>>
      %dma_start3A_45 = arith.constant 0 : i32
      %dma_start3A_46 = tpu.memref_slice %arg11[%add3A_36, %dma_start3A_45] : memref<10240x64xf32, #tpu.memory_space<vmem_shared>> -> memref<128x64xf32, #tpu.memory_space<vmem_shared>>
      %dma_start3A_47 = arith.constant 0 : i32
      %dma_start3A_48 = arith.constant 0 : i32
      %dma_start3A_49 = tpu.memref_slice %arg9[%dma_start3A_47, %dma_start3A_48] : memref<128x64xf32, #tpu.memory_space<vmem>> -> memref<128x64xf32, #tpu.memory_space<vmem>>
      %dma_start3A_50 = arith.constant 0 : i32
      %dma_start3A_51 = tpu.memref_slice %arg11[%add3A_36, %dma_start3A_50] : memref<10240x64xf32, #tpu.memory_space<vmem_shared>> -> memref<128x64xf32, #tpu.memory_space<vmem_shared>>
      tpu.enqueue_dma source(%dma_start3A_51 : memref<128x64xf32, #tpu.memory_space<vmem_shared>>) target(%dma_start3A_49 : memref<128x64xf32, #tpu.memory_space<vmem>>) target_semaphore(%run_scoped3A : memref<!tpu.dma_semaphore, #tpu.memory_space<semaphore_mem>>)
      %dma_wait3A = arith.constant 0 : i32
      %dma_wait3A_52 = arith.constant 0 : i32
      %dma_wait3A_53 = tpu.memref_slice %arg9[%dma_wait3A, %dma_wait3A_52] : memref<128x64xf32, #tpu.memory_space<vmem>> -> memref<128x64xf32, #tpu.memory_space<vmem>>
      %dma_wait3A_54 = arith.constant 0 : i32
      %dma_wait3A_55 = tpu.memref_slice %arg11[%add3A_36, %dma_wait3A_54] : memref<10240x64xf32, #tpu.memory_space<vmem_shared>> -> memref<128x64xf32, #tpu.memory_space<vmem_shared>>
      %dma_wait3A_56 = arith.constant 0 : i32
      %dma_wait3A_57 = arith.constant 0 : i32
      %dma_wait3A_58 = tpu.memref_slice %arg9[%dma_wait3A_56, %dma_wait3A_57] : memref<128x64xf32, #tpu.memory_space<vmem>> -> memref<128x64xf32, #tpu.memory_space<vmem>>
      %dma_wait3A_59 = arith.constant 0 : i32
      %dma_wait3A_60 = tpu.memref_slice %arg11[%add3A_36, %dma_wait3A_59] : memref<10240x64xf32, #tpu.memory_space<vmem_shared>> -> memref<128x64xf32, #tpu.memory_space<vmem_shared>>
      tpu.wait_dma2 semaphore(%run_scoped3A : memref<!tpu.dma_semaphore, #tpu.memory_space<semaphore_mem>>) src(%dma_wait3A_60 : memref<128x64xf32, #tpu.memory_space<vmem_shared>>) dst(%dma_wait3A_58 : memref<128x64xf32, #tpu.memory_space<vmem>>)
      tpu.yield
    }) : () -> ()
    %add3A_37 = arith.constant 384 : i32
    %add3A_38 = arith.addi %mul3A_0, %add3A_37 : i32
    "tpu.region"() ({
      %run_scoped3A = tpu.sem_alloc : memref<!tpu.dma_semaphore, #tpu.memory_space<semaphore_mem>>
      %dma_start3A = arith.constant 0 : i32
      %dma_start3A_43 = arith.constant 0 : i32
      %dma_start3A_44 = tpu.memref_slice %arg9[%dma_start3A, %dma_start3A_43] : memref<128x64xf32, #tpu.memory_space<vmem>> -> memref<128x64xf32, #tpu.memory_space<vmem>>
      %dma_start3A_45 = arith.constant 0 : i32
      %dma_start3A_46 = tpu.memref_slice %arg6[%arg0, %add3A_38, %dma_start3A_45] : memref<2x10240x64xf32, #tpu.memory_space<hbm>> -> memref<1x128x64xf32, #tpu.memory_space<hbm>>
      %dma_start3A_47 = tpu.memref_squeeze %dma_start3A_46 : memref<1x128x64xf32, #tpu.memory_space<hbm>> -> memref<128x64xf32, #tpu.memory_space<hbm>>
      %dma_start3A_48 = arith.constant 0 : i32
      %dma_start3A_49 = tpu.memref_slice %arg6[%arg0, %add3A_38, %dma_start3A_48] : memref<2x10240x64xf32, #tpu.memory_space<hbm>> -> memref<1x128x64xf32, #tpu.memory_space<hbm>>
      %dma_start3A_50 = tpu.memref_squeeze %dma_start3A_49 : memref<1x128x64xf32, #tpu.memory_space<hbm>> -> memref<128x64xf32, #tpu.memory_space<hbm>>
      %dma_start3A_51 = arith.constant 0 : i32
      %dma_start3A_52 = arith.constant 0 : i32
      %dma_start3A_53 = tpu.memref_slice %arg9[%dma_start3A_51, %dma_start3A_52] : memref<128x64xf32, #tpu.memory_space<vmem>> -> memref<128x64xf32, #tpu.memory_space<vmem>>
      tpu.enqueue_dma source(%dma_start3A_53 : memref<128x64xf32, #tpu.memory_space<vmem>>) target(%dma_start3A_50 : memref<128x64xf32, #tpu.memory_space<hbm>>) target_semaphore(%run_scoped3A : memref<!tpu.dma_semaphore, #tpu.memory_space<semaphore_mem>>)
      %dma_wait3A = arith.constant 0 : i32
      %dma_wait3A_54 = arith.constant 0 : i32
      %dma_wait3A_55 = tpu.memref_slice %arg9[%dma_wait3A, %dma_wait3A_54] : memref<128x64xf32, #tpu.memory_space<vmem>> -> memref<128x64xf32, #tpu.memory_space<vmem>>
      %dma_wait3A_56 = arith.constant 0 : i32
      %dma_wait3A_57 = tpu.memref_slice %arg6[%arg0, %add3A_38, %dma_wait3A_56] : memref<2x10240x64xf32, #tpu.memory_space<hbm>> -> memref<1x128x64xf32, #tpu.memory_space<hbm>>
      %dma_wait3A_58 = tpu.memref_squeeze %dma_wait3A_57 : memref<1x128x64xf32, #tpu.memory_space<hbm>> -> memref<128x64xf32, #tpu.memory_space<hbm>>
      %dma_wait3A_59 = arith.constant 0 : i32
      %dma_wait3A_60 = tpu.memref_slice %arg6[%arg0, %add3A_38, %dma_wait3A_59] : memref<2x10240x64xf32, #tpu.memory_space<hbm>> -> memref<1x128x64xf32, #tpu.memory_space<hbm>>
      %dma_wait3A_61 = tpu.memref_squeeze %dma_wait3A_60 : memref<1x128x64xf32, #tpu.memory_space<hbm>> -> memref<128x64xf32, #tpu.memory_space<hbm>>
      %dma_wait3A_62 = arith.constant 0 : i32
      %dma_wait3A_63 = arith.constant 0 : i32
      %dma_wait3A_64 = tpu.memref_slice %arg9[%dma_wait3A_62, %dma_wait3A_63] : memref<128x64xf32, #tpu.memory_space<vmem>> -> memref<128x64xf32, #tpu.memory_space<vmem>>
      tpu.wait_dma2 semaphore(%run_scoped3A : memref<!tpu.dma_semaphore, #tpu.memory_space<semaphore_mem>>) src(%dma_wait3A_64 : memref<128x64xf32, #tpu.memory_space<vmem>>) dst(%dma_wait3A_61 : memref<128x64xf32, #tpu.memory_space<hbm>>)
      tpu.yield
    }) : () -> ()
    %add3A_39 = arith.constant 512 : i32
    %add3A_40 = arith.addi %mul3A_0, %add3A_39 : i32
    "tpu.region"() ({
      %run_scoped3A = tpu.sem_alloc : memref<!tpu.dma_semaphore, #tpu.memory_space<semaphore_mem>>
      %dma_start3A = arith.constant 0 : i32
      %dma_start3A_43 = arith.constant 0 : i32
      %dma_start3A_44 = tpu.memref_slice %arg9[%dma_start3A, %dma_start3A_43] : memref<128x64xf32, #tpu.memory_space<vmem>> -> memref<128x64xf32, #tpu.memory_space<vmem>>
      %dma_start3A_45 = arith.constant 0 : i32
      %dma_start3A_46 = tpu.memref_slice %arg11[%add3A_40, %dma_start3A_45] : memref<10240x64xf32, #tpu.memory_space<vmem_shared>> -> memref<128x64xf32, #tpu.memory_space<vmem_shared>>
      %dma_start3A_47 = arith.constant 0 : i32
      %dma_start3A_48 = arith.constant 0 : i32
      %dma_start3A_49 = tpu.memref_slice %arg9[%dma_start3A_47, %dma_start3A_48] : memref<128x64xf32, #tpu.memory_space<vmem>> -> memref<128x64xf32, #tpu.memory_space<vmem>>
      %dma_start3A_50 = arith.constant 0 : i32
      %dma_start3A_51 = tpu.memref_slice %arg11[%add3A_40, %dma_start3A_50] : memref<10240x64xf32, #tpu.memory_space<vmem_shared>> -> memref<128x64xf32, #tpu.memory_space<vmem_shared>>
      tpu.enqueue_dma source(%dma_start3A_51 : memref<128x64xf32, #tpu.memory_space<vmem_shared>>) target(%dma_start3A_49 : memref<128x64xf32, #tpu.memory_space<vmem>>) target_semaphore(%run_scoped3A : memref<!tpu.dma_semaphore, #tpu.memory_space<semaphore_mem>>)
      %dma_wait3A = arith.constant 0 : i32
      %dma_wait3A_52 = arith.constant 0 : i32
      %dma_wait3A_53 = tpu.memref_slice %arg9[%dma_wait3A, %dma_wait3A_52] : memref<128x64xf32, #tpu.memory_space<vmem>> -> memref<128x64xf32, #tpu.memory_space<vmem>>
      %dma_wait3A_54 = arith.constant 0 : i32
      %dma_wait3A_55 = tpu.memref_slice %arg11[%add3A_40, %dma_wait3A_54] : memref<10240x64xf32, #tpu.memory_space<vmem_shared>> -> memref<128x64xf32, #tpu.memory_space<vmem_shared>>
      %dma_wait3A_56 = arith.constant 0 : i32
      %dma_wait3A_57 = arith.constant 0 : i32
      %dma_wait3A_58 = tpu.memref_slice %arg9[%dma_wait3A_56, %dma_wait3A_57] : memref<128x64xf32, #tpu.memory_space<vmem>> -> memref<128x64xf32, #tpu.memory_space<vmem>>
      %dma_wait3A_59 = arith.constant 0 : i32
      %dma_wait3A_60 = tpu.memref_slice %arg11[%add3A_40, %dma_wait3A_59] : memref<10240x64xf32, #tpu.memory_space<vmem_shared>> -> memref<128x64xf32, #tpu.memory_space<vmem_shared>>
      tpu.wait_dma2 semaphore(%run_scoped3A : memref<!tpu.dma_semaphore, #tpu.memory_space<semaphore_mem>>) src(%dma_wait3A_60 : memref<128x64xf32, #tpu.memory_space<vmem_shared>>) dst(%dma_wait3A_58 : memref<128x64xf32, #tpu.memory_space<vmem>>)
      tpu.yield
    }) : () -> ()
    %add3A_41 = arith.constant 512 : i32
    %add3A_42 = arith.addi %mul3A_0, %add3A_41 : i32
    "tpu.region"() ({
      %run_scoped3A = tpu.sem_alloc : memref<!tpu.dma_semaphore, #tpu.memory_space<semaphore_mem>>
      %dma_start3A = arith.constant 0 : i32
      %dma_start3A_43 = arith.constant 0 : i32
      %dma_start3A_44 = tpu.memref_slice %arg9[%dma_start3A, %dma_start3A_43] : memref<128x64xf32, #tpu.memory_space<vmem>> -> memref<128x64xf32, #tpu.memory_space<vmem>>
      %dma_start3A_45 = arith.constant 0 : i32
      %dma_start3A_46 = tpu.memref_slice %arg6[%arg0, %add3A_42, %dma_start3A_45] : memref<2x10240x64xf32, #tpu.memory_space<hbm>> -> memref<1x128x64xf32, #tpu.memory_space<hbm>>
      %dma_start3A_47 = tpu.memref_squeeze %dma_start3A_46 : memref<1x128x64xf32, #tpu.memory_space<hbm>> -> memref<128x64xf32, #tpu.memory_space<hbm>>
      %dma_start3A_48 = arith.constant 0 : i32
      %dma_start3A_49 = tpu.memref_slice %arg6[%arg0, %add3A_42, %dma_start3A_48] : memref<2x10240x64xf32, #tpu.memory_space<hbm>> -> memref<1x128x64xf32, #tpu.memory_space<hbm>>
      %dma_start3A_50 = tpu.memref_squeeze %dma_start3A_49 : memref<1x128x64xf32, #tpu.memory_space<hbm>> -> memref<128x64xf32, #tpu.memory_space<hbm>>
      %dma_start3A_51 = arith.constant 0 : i32
      %dma_start3A_52 = arith.constant 0 : i32
      %dma_start3A_53 = tpu.memref_slice %arg9[%dma_start3A_51, %dma_start3A_52] : memref<128x64xf32, #tpu.memory_space<vmem>> -> memref<128x64xf32, #tpu.memory_space<vmem>>
      tpu.enqueue_dma source(%dma_start3A_53 : memref<128x64xf32, #tpu.memory_space<vmem>>) target(%dma_start3A_50 : memref<128x64xf32, #tpu.memory_space<hbm>>) target_semaphore(%run_scoped3A : memref<!tpu.dma_semaphore, #tpu.memory_space<semaphore_mem>>)
      %dma_wait3A = arith.constant 0 : i32
      %dma_wait3A_54 = arith.constant 0 : i32
      %dma_wait3A_55 = tpu.memref_slice %arg9[%dma_wait3A, %dma_wait3A_54] : memref<128x64xf32, #tpu.memory_space<vmem>> -> memref<128x64xf32, #tpu.memory_space<vmem>>
      %dma_wait3A_56 = arith.constant 0 : i32
      %dma_wait3A_57 = tpu.memref_slice %arg6[%arg0, %add3A_42, %dma_wait3A_56] : memref<2x10240x64xf32, #tpu.memory_space<hbm>> -> memref<1x128x64xf32, #tpu.memory_space<hbm>>
      %dma_wait3A_58 = tpu.memref_squeeze %dma_wait3A_57 : memref<1x128x64xf32, #tpu.memory_space<hbm>> -> memref<128x64xf32, #tpu.memory_space<hbm>>
      %dma_wait3A_59 = arith.constant 0 : i32
      %dma_wait3A_60 = tpu.memref_slice %arg6[%arg0, %add3A_42, %dma_wait3A_59] : memref<2x10240x64xf32, #tpu.memory_space<hbm>> -> memref<1x128x64xf32, #tpu.memory_space<hbm>>
      %dma_wait3A_61 = tpu.memref_squeeze %dma_wait3A_60 : memref<1x128x64xf32, #tpu.memory_space<hbm>> -> memref<128x64xf32, #tpu.memory_space<hbm>>
      %dma_wait3A_62 = arith.constant 0 : i32
      %dma_wait3A_63 = arith.constant 0 : i32
      %dma_wait3A_64 = tpu.memref_slice %arg9[%dma_wait3A_62, %dma_wait3A_63] : memref<128x64xf32, #tpu.memory_space<vmem>> -> memref<128x64xf32, #tpu.memory_space<vmem>>
      tpu.wait_dma2 semaphore(%run_scoped3A : memref<!tpu.dma_semaphore, #tpu.memory_space<semaphore_mem>>) src(%dma_wait3A_64 : memref<128x64xf32, #tpu.memory_space<vmem>>) dst(%dma_wait3A_61 : memref<128x64xf32, #tpu.memory_space<hbm>>)
      tpu.yield
    }) : () -> ()
    return
  }
}

#map = affine_map<(d0, d1) -> (0, 0)>
#map1 = affine_map<(d0, d1) -> (0, 0, 0)>
module attributes {stable_mosaic.version = 14 : i64} {
  func.func @sc_prop_d128_gather(%arg0: i32, %arg1: i32, %arg2: memref<10000x128xf32, #tpu.memory_space<hbm>>, %arg3: memref<32x80x128xi32, #tpu.memory_space<hbm>>, %arg4: memref<32x80x128xi32, #tpu.memory_space<hbm>>, %arg5: memref<256x128xf32, #tpu.memory_space<hbm>>, %arg6: memref<2x10240x128xf32, #tpu.memory_space<hbm>>, %arg7: memref<40x128xi32, #tpu.memory_space<vmem>>, %arg8: memref<40x128xi32, #tpu.memory_space<vmem>>, %arg9: memref<128x128xf32, #tpu.memory_space<vmem>>, %arg10: memref<128x128xf32, #tpu.memory_space<vmem>>, %arg11: memref<10240x128xf32, #tpu.memory_space<vmem_shared>>, %arg12: memref<!tpu.dma_semaphore, #tpu.memory_space<semaphore_mem>>, %arg13: memref<!tpu.dma_semaphore, #tpu.memory_space<semaphore_mem>>) attributes {dimension_semantics = [#tpu.dimension_semantics<core_parallel>, #tpu.dimension_semantics<subcore_parallel>], iteration_bounds = array<i64: 2, 16>, scalar_prefetch = 0 : i64, scratch_operands = 7 : i64, tpu.core_type = #tpu.core_type<sc_vector_subcore>, window_params = [{transform_indices = #map}, {transform_indices = #map1}, {transform_indices = #map1}, {transform_indices = #map}, {transform_indices = #map1}]} {
    %mul3A = arith.constant 640 : i32
    %mul3A_0 = arith.muli %arg1, %mul3A : i32
    %mul3A_1 = arith.constant 16 : i32
    %mul3A_2 = arith.muli %arg0, %mul3A_1 : i32
    %add3A = arith.addi %mul3A_2, %arg1 : i32
    "tpu.region"() ({
      %run_scoped3A = tpu.sem_alloc : memref<!tpu.dma_semaphore, #tpu.memory_space<semaphore_mem>>
      %dma_start3A = arith.constant 0 : i32
      %dma_start3A_43 = arith.constant 0 : i32
      %dma_start3A_44 = tpu.memref_slice %arg5[%dma_start3A, %dma_start3A_43] : memref<256x128xf32, #tpu.memory_space<hbm>> -> memref<128x128xf32, #tpu.memory_space<hbm>>
      %dma_start3A_45 = arith.constant 0 : i32
      %dma_start3A_46 = arith.constant 0 : i32
      %dma_start3A_47 = tpu.memref_slice %arg5[%dma_start3A_45, %dma_start3A_46] : memref<256x128xf32, #tpu.memory_space<hbm>> -> memref<128x128xf32, #tpu.memory_space<hbm>>
      tpu.enqueue_dma source(%dma_start3A_47 : memref<128x128xf32, #tpu.memory_space<hbm>>) target(%arg9 : memref<128x128xf32, #tpu.memory_space<vmem>>) target_semaphore(%run_scoped3A : memref<!tpu.dma_semaphore, #tpu.memory_space<semaphore_mem>>)
      %dma_wait3A = arith.constant 0 : i32
      %dma_wait3A_48 = arith.constant 0 : i32
      %dma_wait3A_49 = tpu.memref_slice %arg5[%dma_wait3A, %dma_wait3A_48] : memref<256x128xf32, #tpu.memory_space<hbm>> -> memref<128x128xf32, #tpu.memory_space<hbm>>
      %dma_wait3A_50 = arith.constant 0 : i32
      %dma_wait3A_51 = arith.constant 0 : i32
      %dma_wait3A_52 = tpu.memref_slice %arg5[%dma_wait3A_50, %dma_wait3A_51] : memref<256x128xf32, #tpu.memory_space<hbm>> -> memref<128x128xf32, #tpu.memory_space<hbm>>
      tpu.wait_dma2 semaphore(%run_scoped3A : memref<!tpu.dma_semaphore, #tpu.memory_space<semaphore_mem>>) src(%dma_wait3A_52 : memref<128x128xf32, #tpu.memory_space<hbm>>) dst(%arg9 : memref<128x128xf32, #tpu.memory_space<vmem>>)
      tpu.yield
    }) : () -> ()
    %add3A_3 = arith.constant 0 : i32
    %add3A_4 = arith.addi %mul3A_0, %add3A_3 : i32
    "tpu.region"() ({
      %run_scoped3A = tpu.sem_alloc : memref<!tpu.dma_semaphore, #tpu.memory_space<semaphore_mem>>
      %dma_start3A = arith.constant 0 : i32
      %dma_start3A_43 = arith.constant 0 : i32
      %dma_start3A_44 = tpu.memref_slice %arg9[%dma_start3A, %dma_start3A_43] : memref<128x128xf32, #tpu.memory_space<vmem>> -> memref<128x128xf32, #tpu.memory_space<vmem>>
      %dma_start3A_45 = arith.constant 0 : i32
      %dma_start3A_46 = tpu.memref_slice %arg11[%add3A_4, %dma_start3A_45] : memref<10240x128xf32, #tpu.memory_space<vmem_shared>> -> memref<128x128xf32, #tpu.memory_space<vmem_shared>>
      %dma_start3A_47 = arith.constant 0 : i32
      %dma_start3A_48 = tpu.memref_slice %arg11[%add3A_4, %dma_start3A_47] : memref<10240x128xf32, #tpu.memory_space<vmem_shared>> -> memref<128x128xf32, #tpu.memory_space<vmem_shared>>
      %dma_start3A_49 = arith.constant 0 : i32
      %dma_start3A_50 = arith.constant 0 : i32
      %dma_start3A_51 = tpu.memref_slice %arg9[%dma_start3A_49, %dma_start3A_50] : memref<128x128xf32, #tpu.memory_space<vmem>> -> memref<128x128xf32, #tpu.memory_space<vmem>>
      tpu.enqueue_dma source(%dma_start3A_51 : memref<128x128xf32, #tpu.memory_space<vmem>>) target(%dma_start3A_48 : memref<128x128xf32, #tpu.memory_space<vmem_shared>>) target_semaphore(%run_scoped3A : memref<!tpu.dma_semaphore, #tpu.memory_space<semaphore_mem>>)
      %dma_wait3A = arith.constant 0 : i32
      %dma_wait3A_52 = arith.constant 0 : i32
      %dma_wait3A_53 = tpu.memref_slice %arg9[%dma_wait3A, %dma_wait3A_52] : memref<128x128xf32, #tpu.memory_space<vmem>> -> memref<128x128xf32, #tpu.memory_space<vmem>>
      %dma_wait3A_54 = arith.constant 0 : i32
      %dma_wait3A_55 = tpu.memref_slice %arg11[%add3A_4, %dma_wait3A_54] : memref<10240x128xf32, #tpu.memory_space<vmem_shared>> -> memref<128x128xf32, #tpu.memory_space<vmem_shared>>
      %dma_wait3A_56 = arith.constant 0 : i32
      %dma_wait3A_57 = tpu.memref_slice %arg11[%add3A_4, %dma_wait3A_56] : memref<10240x128xf32, #tpu.memory_space<vmem_shared>> -> memref<128x128xf32, #tpu.memory_space<vmem_shared>>
      %dma_wait3A_58 = arith.constant 0 : i32
      %dma_wait3A_59 = arith.constant 0 : i32
      %dma_wait3A_60 = tpu.memref_slice %arg9[%dma_wait3A_58, %dma_wait3A_59] : memref<128x128xf32, #tpu.memory_space<vmem>> -> memref<128x128xf32, #tpu.memory_space<vmem>>
      tpu.wait_dma2 semaphore(%run_scoped3A : memref<!tpu.dma_semaphore, #tpu.memory_space<semaphore_mem>>) src(%dma_wait3A_60 : memref<128x128xf32, #tpu.memory_space<vmem>>) dst(%dma_wait3A_57 : memref<128x128xf32, #tpu.memory_space<vmem_shared>>)
      tpu.yield
    }) : () -> ()
    %add3A_5 = arith.constant 128 : i32
    %add3A_6 = arith.addi %mul3A_0, %add3A_5 : i32
    "tpu.region"() ({
      %run_scoped3A = tpu.sem_alloc : memref<!tpu.dma_semaphore, #tpu.memory_space<semaphore_mem>>
      %dma_start3A = arith.constant 0 : i32
      %dma_start3A_43 = arith.constant 0 : i32
      %dma_start3A_44 = tpu.memref_slice %arg9[%dma_start3A, %dma_start3A_43] : memref<128x128xf32, #tpu.memory_space<vmem>> -> memref<128x128xf32, #tpu.memory_space<vmem>>
      %dma_start3A_45 = arith.constant 0 : i32
      %dma_start3A_46 = tpu.memref_slice %arg11[%add3A_6, %dma_start3A_45] : memref<10240x128xf32, #tpu.memory_space<vmem_shared>> -> memref<128x128xf32, #tpu.memory_space<vmem_shared>>
      %dma_start3A_47 = arith.constant 0 : i32
      %dma_start3A_48 = tpu.memref_slice %arg11[%add3A_6, %dma_start3A_47] : memref<10240x128xf32, #tpu.memory_space<vmem_shared>> -> memref<128x128xf32, #tpu.memory_space<vmem_shared>>
      %dma_start3A_49 = arith.constant 0 : i32
      %dma_start3A_50 = arith.constant 0 : i32
      %dma_start3A_51 = tpu.memref_slice %arg9[%dma_start3A_49, %dma_start3A_50] : memref<128x128xf32, #tpu.memory_space<vmem>> -> memref<128x128xf32, #tpu.memory_space<vmem>>
      tpu.enqueue_dma source(%dma_start3A_51 : memref<128x128xf32, #tpu.memory_space<vmem>>) target(%dma_start3A_48 : memref<128x128xf32, #tpu.memory_space<vmem_shared>>) target_semaphore(%run_scoped3A : memref<!tpu.dma_semaphore, #tpu.memory_space<semaphore_mem>>)
      %dma_wait3A = arith.constant 0 : i32
      %dma_wait3A_52 = arith.constant 0 : i32
      %dma_wait3A_53 = tpu.memref_slice %arg9[%dma_wait3A, %dma_wait3A_52] : memref<128x128xf32, #tpu.memory_space<vmem>> -> memref<128x128xf32, #tpu.memory_space<vmem>>
      %dma_wait3A_54 = arith.constant 0 : i32
      %dma_wait3A_55 = tpu.memref_slice %arg11[%add3A_6, %dma_wait3A_54] : memref<10240x128xf32, #tpu.memory_space<vmem_shared>> -> memref<128x128xf32, #tpu.memory_space<vmem_shared>>
      %dma_wait3A_56 = arith.constant 0 : i32
      %dma_wait3A_57 = tpu.memref_slice %arg11[%add3A_6, %dma_wait3A_56] : memref<10240x128xf32, #tpu.memory_space<vmem_shared>> -> memref<128x128xf32, #tpu.memory_space<vmem_shared>>
      %dma_wait3A_58 = arith.constant 0 : i32
      %dma_wait3A_59 = arith.constant 0 : i32
      %dma_wait3A_60 = tpu.memref_slice %arg9[%dma_wait3A_58, %dma_wait3A_59] : memref<128x128xf32, #tpu.memory_space<vmem>> -> memref<128x128xf32, #tpu.memory_space<vmem>>
      tpu.wait_dma2 semaphore(%run_scoped3A : memref<!tpu.dma_semaphore, #tpu.memory_space<semaphore_mem>>) src(%dma_wait3A_60 : memref<128x128xf32, #tpu.memory_space<vmem>>) dst(%dma_wait3A_57 : memref<128x128xf32, #tpu.memory_space<vmem_shared>>)
      tpu.yield
    }) : () -> ()
    %add3A_7 = arith.constant 256 : i32
    %add3A_8 = arith.addi %mul3A_0, %add3A_7 : i32
    "tpu.region"() ({
      %run_scoped3A = tpu.sem_alloc : memref<!tpu.dma_semaphore, #tpu.memory_space<semaphore_mem>>
      %dma_start3A = arith.constant 0 : i32
      %dma_start3A_43 = arith.constant 0 : i32
      %dma_start3A_44 = tpu.memref_slice %arg9[%dma_start3A, %dma_start3A_43] : memref<128x128xf32, #tpu.memory_space<vmem>> -> memref<128x128xf32, #tpu.memory_space<vmem>>
      %dma_start3A_45 = arith.constant 0 : i32
      %dma_start3A_46 = tpu.memref_slice %arg11[%add3A_8, %dma_start3A_45] : memref<10240x128xf32, #tpu.memory_space<vmem_shared>> -> memref<128x128xf32, #tpu.memory_space<vmem_shared>>
      %dma_start3A_47 = arith.constant 0 : i32
      %dma_start3A_48 = tpu.memref_slice %arg11[%add3A_8, %dma_start3A_47] : memref<10240x128xf32, #tpu.memory_space<vmem_shared>> -> memref<128x128xf32, #tpu.memory_space<vmem_shared>>
      %dma_start3A_49 = arith.constant 0 : i32
      %dma_start3A_50 = arith.constant 0 : i32
      %dma_start3A_51 = tpu.memref_slice %arg9[%dma_start3A_49, %dma_start3A_50] : memref<128x128xf32, #tpu.memory_space<vmem>> -> memref<128x128xf32, #tpu.memory_space<vmem>>
      tpu.enqueue_dma source(%dma_start3A_51 : memref<128x128xf32, #tpu.memory_space<vmem>>) target(%dma_start3A_48 : memref<128x128xf32, #tpu.memory_space<vmem_shared>>) target_semaphore(%run_scoped3A : memref<!tpu.dma_semaphore, #tpu.memory_space<semaphore_mem>>)
      %dma_wait3A = arith.constant 0 : i32
      %dma_wait3A_52 = arith.constant 0 : i32
      %dma_wait3A_53 = tpu.memref_slice %arg9[%dma_wait3A, %dma_wait3A_52] : memref<128x128xf32, #tpu.memory_space<vmem>> -> memref<128x128xf32, #tpu.memory_space<vmem>>
      %dma_wait3A_54 = arith.constant 0 : i32
      %dma_wait3A_55 = tpu.memref_slice %arg11[%add3A_8, %dma_wait3A_54] : memref<10240x128xf32, #tpu.memory_space<vmem_shared>> -> memref<128x128xf32, #tpu.memory_space<vmem_shared>>
      %dma_wait3A_56 = arith.constant 0 : i32
      %dma_wait3A_57 = tpu.memref_slice %arg11[%add3A_8, %dma_wait3A_56] : memref<10240x128xf32, #tpu.memory_space<vmem_shared>> -> memref<128x128xf32, #tpu.memory_space<vmem_shared>>
      %dma_wait3A_58 = arith.constant 0 : i32
      %dma_wait3A_59 = arith.constant 0 : i32
      %dma_wait3A_60 = tpu.memref_slice %arg9[%dma_wait3A_58, %dma_wait3A_59] : memref<128x128xf32, #tpu.memory_space<vmem>> -> memref<128x128xf32, #tpu.memory_space<vmem>>
      tpu.wait_dma2 semaphore(%run_scoped3A : memref<!tpu.dma_semaphore, #tpu.memory_space<semaphore_mem>>) src(%dma_wait3A_60 : memref<128x128xf32, #tpu.memory_space<vmem>>) dst(%dma_wait3A_57 : memref<128x128xf32, #tpu.memory_space<vmem_shared>>)
      tpu.yield
    }) : () -> ()
    %add3A_9 = arith.constant 384 : i32
    %add3A_10 = arith.addi %mul3A_0, %add3A_9 : i32
    "tpu.region"() ({
      %run_scoped3A = tpu.sem_alloc : memref<!tpu.dma_semaphore, #tpu.memory_space<semaphore_mem>>
      %dma_start3A = arith.constant 0 : i32
      %dma_start3A_43 = arith.constant 0 : i32
      %dma_start3A_44 = tpu.memref_slice %arg9[%dma_start3A, %dma_start3A_43] : memref<128x128xf32, #tpu.memory_space<vmem>> -> memref<128x128xf32, #tpu.memory_space<vmem>>
      %dma_start3A_45 = arith.constant 0 : i32
      %dma_start3A_46 = tpu.memref_slice %arg11[%add3A_10, %dma_start3A_45] : memref<10240x128xf32, #tpu.memory_space<vmem_shared>> -> memref<128x128xf32, #tpu.memory_space<vmem_shared>>
      %dma_start3A_47 = arith.constant 0 : i32
      %dma_start3A_48 = tpu.memref_slice %arg11[%add3A_10, %dma_start3A_47] : memref<10240x128xf32, #tpu.memory_space<vmem_shared>> -> memref<128x128xf32, #tpu.memory_space<vmem_shared>>
      %dma_start3A_49 = arith.constant 0 : i32
      %dma_start3A_50 = arith.constant 0 : i32
      %dma_start3A_51 = tpu.memref_slice %arg9[%dma_start3A_49, %dma_start3A_50] : memref<128x128xf32, #tpu.memory_space<vmem>> -> memref<128x128xf32, #tpu.memory_space<vmem>>
      tpu.enqueue_dma source(%dma_start3A_51 : memref<128x128xf32, #tpu.memory_space<vmem>>) target(%dma_start3A_48 : memref<128x128xf32, #tpu.memory_space<vmem_shared>>) target_semaphore(%run_scoped3A : memref<!tpu.dma_semaphore, #tpu.memory_space<semaphore_mem>>)
      %dma_wait3A = arith.constant 0 : i32
      %dma_wait3A_52 = arith.constant 0 : i32
      %dma_wait3A_53 = tpu.memref_slice %arg9[%dma_wait3A, %dma_wait3A_52] : memref<128x128xf32, #tpu.memory_space<vmem>> -> memref<128x128xf32, #tpu.memory_space<vmem>>
      %dma_wait3A_54 = arith.constant 0 : i32
      %dma_wait3A_55 = tpu.memref_slice %arg11[%add3A_10, %dma_wait3A_54] : memref<10240x128xf32, #tpu.memory_space<vmem_shared>> -> memref<128x128xf32, #tpu.memory_space<vmem_shared>>
      %dma_wait3A_56 = arith.constant 0 : i32
      %dma_wait3A_57 = tpu.memref_slice %arg11[%add3A_10, %dma_wait3A_56] : memref<10240x128xf32, #tpu.memory_space<vmem_shared>> -> memref<128x128xf32, #tpu.memory_space<vmem_shared>>
      %dma_wait3A_58 = arith.constant 0 : i32
      %dma_wait3A_59 = arith.constant 0 : i32
      %dma_wait3A_60 = tpu.memref_slice %arg9[%dma_wait3A_58, %dma_wait3A_59] : memref<128x128xf32, #tpu.memory_space<vmem>> -> memref<128x128xf32, #tpu.memory_space<vmem>>
      tpu.wait_dma2 semaphore(%run_scoped3A : memref<!tpu.dma_semaphore, #tpu.memory_space<semaphore_mem>>) src(%dma_wait3A_60 : memref<128x128xf32, #tpu.memory_space<vmem>>) dst(%dma_wait3A_57 : memref<128x128xf32, #tpu.memory_space<vmem_shared>>)
      tpu.yield
    }) : () -> ()
    %add3A_11 = arith.constant 512 : i32
    %add3A_12 = arith.addi %mul3A_0, %add3A_11 : i32
    "tpu.region"() ({
      %run_scoped3A = tpu.sem_alloc : memref<!tpu.dma_semaphore, #tpu.memory_space<semaphore_mem>>
      %dma_start3A = arith.constant 0 : i32
      %dma_start3A_43 = arith.constant 0 : i32
      %dma_start3A_44 = tpu.memref_slice %arg9[%dma_start3A, %dma_start3A_43] : memref<128x128xf32, #tpu.memory_space<vmem>> -> memref<128x128xf32, #tpu.memory_space<vmem>>
      %dma_start3A_45 = arith.constant 0 : i32
      %dma_start3A_46 = tpu.memref_slice %arg11[%add3A_12, %dma_start3A_45] : memref<10240x128xf32, #tpu.memory_space<vmem_shared>> -> memref<128x128xf32, #tpu.memory_space<vmem_shared>>
      %dma_start3A_47 = arith.constant 0 : i32
      %dma_start3A_48 = tpu.memref_slice %arg11[%add3A_12, %dma_start3A_47] : memref<10240x128xf32, #tpu.memory_space<vmem_shared>> -> memref<128x128xf32, #tpu.memory_space<vmem_shared>>
      %dma_start3A_49 = arith.constant 0 : i32
      %dma_start3A_50 = arith.constant 0 : i32
      %dma_start3A_51 = tpu.memref_slice %arg9[%dma_start3A_49, %dma_start3A_50] : memref<128x128xf32, #tpu.memory_space<vmem>> -> memref<128x128xf32, #tpu.memory_space<vmem>>
      tpu.enqueue_dma source(%dma_start3A_51 : memref<128x128xf32, #tpu.memory_space<vmem>>) target(%dma_start3A_48 : memref<128x128xf32, #tpu.memory_space<vmem_shared>>) target_semaphore(%run_scoped3A : memref<!tpu.dma_semaphore, #tpu.memory_space<semaphore_mem>>)
      %dma_wait3A = arith.constant 0 : i32
      %dma_wait3A_52 = arith.constant 0 : i32
      %dma_wait3A_53 = tpu.memref_slice %arg9[%dma_wait3A, %dma_wait3A_52] : memref<128x128xf32, #tpu.memory_space<vmem>> -> memref<128x128xf32, #tpu.memory_space<vmem>>
      %dma_wait3A_54 = arith.constant 0 : i32
      %dma_wait3A_55 = tpu.memref_slice %arg11[%add3A_12, %dma_wait3A_54] : memref<10240x128xf32, #tpu.memory_space<vmem_shared>> -> memref<128x128xf32, #tpu.memory_space<vmem_shared>>
      %dma_wait3A_56 = arith.constant 0 : i32
      %dma_wait3A_57 = tpu.memref_slice %arg11[%add3A_12, %dma_wait3A_56] : memref<10240x128xf32, #tpu.memory_space<vmem_shared>> -> memref<128x128xf32, #tpu.memory_space<vmem_shared>>
      %dma_wait3A_58 = arith.constant 0 : i32
      %dma_wait3A_59 = arith.constant 0 : i32
      %dma_wait3A_60 = tpu.memref_slice %arg9[%dma_wait3A_58, %dma_wait3A_59] : memref<128x128xf32, #tpu.memory_space<vmem>> -> memref<128x128xf32, #tpu.memory_space<vmem>>
      tpu.wait_dma2 semaphore(%run_scoped3A : memref<!tpu.dma_semaphore, #tpu.memory_space<semaphore_mem>>) src(%dma_wait3A_60 : memref<128x128xf32, #tpu.memory_space<vmem>>) dst(%dma_wait3A_57 : memref<128x128xf32, #tpu.memory_space<vmem_shared>>)
      tpu.yield
    }) : () -> ()
    %barrier3A = arith.constant 0 : index
    tpu.barrier barrier_id(%barrier3A)
    "tpu.region"() ({
      %run_scoped3A = tpu.sem_alloc : memref<!tpu.dma_semaphore, #tpu.memory_space<semaphore_mem>>
      %dma_start3A = arith.constant 0 : i32
      %dma_start3A_43 = arith.constant 0 : i32
      %dma_start3A_44 = tpu.memref_slice %arg3[%add3A, %dma_start3A, %dma_start3A_43] : memref<32x80x128xi32, #tpu.memory_space<hbm>> -> memref<1x40x128xi32, #tpu.memory_space<hbm>>
      %dma_start3A_45 = tpu.memref_squeeze %dma_start3A_44 : memref<1x40x128xi32, #tpu.memory_space<hbm>> -> memref<40x128xi32, #tpu.memory_space<hbm>>
      %dma_start3A_46 = arith.constant 0 : i32
      %dma_start3A_47 = arith.constant 0 : i32
      %dma_start3A_48 = tpu.memref_slice %arg3[%add3A, %dma_start3A_46, %dma_start3A_47] : memref<32x80x128xi32, #tpu.memory_space<hbm>> -> memref<1x40x128xi32, #tpu.memory_space<hbm>>
      %dma_start3A_49 = tpu.memref_squeeze %dma_start3A_48 : memref<1x40x128xi32, #tpu.memory_space<hbm>> -> memref<40x128xi32, #tpu.memory_space<hbm>>
      tpu.enqueue_dma source(%dma_start3A_49 : memref<40x128xi32, #tpu.memory_space<hbm>>) target(%arg7 : memref<40x128xi32, #tpu.memory_space<vmem>>) target_semaphore(%run_scoped3A : memref<!tpu.dma_semaphore, #tpu.memory_space<semaphore_mem>>)
      %dma_wait3A = arith.constant 0 : i32
      %dma_wait3A_50 = arith.constant 0 : i32
      %dma_wait3A_51 = tpu.memref_slice %arg3[%add3A, %dma_wait3A, %dma_wait3A_50] : memref<32x80x128xi32, #tpu.memory_space<hbm>> -> memref<1x40x128xi32, #tpu.memory_space<hbm>>
      %dma_wait3A_52 = tpu.memref_squeeze %dma_wait3A_51 : memref<1x40x128xi32, #tpu.memory_space<hbm>> -> memref<40x128xi32, #tpu.memory_space<hbm>>
      %dma_wait3A_53 = arith.constant 0 : i32
      %dma_wait3A_54 = arith.constant 0 : i32
      %dma_wait3A_55 = tpu.memref_slice %arg3[%add3A, %dma_wait3A_53, %dma_wait3A_54] : memref<32x80x128xi32, #tpu.memory_space<hbm>> -> memref<1x40x128xi32, #tpu.memory_space<hbm>>
      %dma_wait3A_56 = tpu.memref_squeeze %dma_wait3A_55 : memref<1x40x128xi32, #tpu.memory_space<hbm>> -> memref<40x128xi32, #tpu.memory_space<hbm>>
      tpu.wait_dma2 semaphore(%run_scoped3A : memref<!tpu.dma_semaphore, #tpu.memory_space<semaphore_mem>>) src(%dma_wait3A_56 : memref<40x128xi32, #tpu.memory_space<hbm>>) dst(%arg7 : memref<40x128xi32, #tpu.memory_space<vmem>>)
      tpu.yield
    }) : () -> ()
    "tpu.region"() ({
      %run_scoped3A = tpu.sem_alloc : memref<!tpu.dma_semaphore, #tpu.memory_space<semaphore_mem>>
      %dma_start3A = arith.constant 0 : i32
      %dma_start3A_43 = arith.constant 0 : i32
      %dma_start3A_44 = tpu.memref_slice %arg4[%add3A, %dma_start3A, %dma_start3A_43] : memref<32x80x128xi32, #tpu.memory_space<hbm>> -> memref<1x40x128xi32, #tpu.memory_space<hbm>>
      %dma_start3A_45 = tpu.memref_squeeze %dma_start3A_44 : memref<1x40x128xi32, #tpu.memory_space<hbm>> -> memref<40x128xi32, #tpu.memory_space<hbm>>
      %dma_start3A_46 = arith.constant 0 : i32
      %dma_start3A_47 = arith.constant 0 : i32
      %dma_start3A_48 = tpu.memref_slice %arg4[%add3A, %dma_start3A_46, %dma_start3A_47] : memref<32x80x128xi32, #tpu.memory_space<hbm>> -> memref<1x40x128xi32, #tpu.memory_space<hbm>>
      %dma_start3A_49 = tpu.memref_squeeze %dma_start3A_48 : memref<1x40x128xi32, #tpu.memory_space<hbm>> -> memref<40x128xi32, #tpu.memory_space<hbm>>
      tpu.enqueue_dma source(%dma_start3A_49 : memref<40x128xi32, #tpu.memory_space<hbm>>) target(%arg8 : memref<40x128xi32, #tpu.memory_space<vmem>>) target_semaphore(%run_scoped3A : memref<!tpu.dma_semaphore, #tpu.memory_space<semaphore_mem>>)
      %dma_wait3A = arith.constant 0 : i32
      %dma_wait3A_50 = arith.constant 0 : i32
      %dma_wait3A_51 = tpu.memref_slice %arg4[%add3A, %dma_wait3A, %dma_wait3A_50] : memref<32x80x128xi32, #tpu.memory_space<hbm>> -> memref<1x40x128xi32, #tpu.memory_space<hbm>>
      %dma_wait3A_52 = tpu.memref_squeeze %dma_wait3A_51 : memref<1x40x128xi32, #tpu.memory_space<hbm>> -> memref<40x128xi32, #tpu.memory_space<hbm>>
      %dma_wait3A_53 = arith.constant 0 : i32
      %dma_wait3A_54 = arith.constant 0 : i32
      %dma_wait3A_55 = tpu.memref_slice %arg4[%add3A, %dma_wait3A_53, %dma_wait3A_54] : memref<32x80x128xi32, #tpu.memory_space<hbm>> -> memref<1x40x128xi32, #tpu.memory_space<hbm>>
      %dma_wait3A_56 = tpu.memref_squeeze %dma_wait3A_55 : memref<1x40x128xi32, #tpu.memory_space<hbm>> -> memref<40x128xi32, #tpu.memory_space<hbm>>
      tpu.wait_dma2 semaphore(%run_scoped3A : memref<!tpu.dma_semaphore, #tpu.memory_space<semaphore_mem>>) src(%dma_wait3A_56 : memref<40x128xi32, #tpu.memory_space<hbm>>) dst(%arg8 : memref<40x128xi32, #tpu.memory_space<vmem>>)
      tpu.yield
    }) : () -> ()
    %scan3A = arith.constant 0 : i32
    %scan3A_13 = arith.constant 20 : i32
    %scan3A_14 = arith.addi %scan3A, %scan3A_13 : i32
    %scan3A_15 = arith.constant 1 : i32
    scf.for %scan3A_43 = %scan3A to %scan3A_14 step %scan3A_15  : i32 {
      %mul3A_44 = arith.constant 2 : i32
      %mul3A_45 = arith.muli %scan3A_43, %mul3A_44 : i32
      %add3A_46 = arith.constant 0 : i32
      %add3A_47 = arith.addi %add3A_46, %mul3A_45 : i32
      %dma_start3A = arith.constant 0 : i32
      %dma_start3A_48 = tpu.memref_slice %arg7[%add3A_47, %dma_start3A] : memref<40x128xi32, #tpu.memory_space<vmem>> -> memref<1x128xi32, #tpu.memory_space<vmem>>
      %dma_start3A_49 = tpu.memref_squeeze %dma_start3A_48 : memref<1x128xi32, #tpu.memory_space<vmem>> -> memref<128xi32, #tpu.memory_space<vmem>>
      %dma_start3A_50 = arith.constant 0 : i32
      %dma_start3A_51 = arith.constant 0 : i32
      %dma_start3A_52 = tpu.memref_slice %arg2[%dma_start3A_50, %dma_start3A_51] : memref<10000x128xf32, #tpu.memory_space<hbm>> -> memref<10000x128xf32, #tpu.memory_space<hbm>>
      tpu.enqueue_indirect_dma source(%dma_start3A_52 : memref<10000x128xf32, #tpu.memory_space<hbm>>) target(%arg9 : memref<128x128xf32, #tpu.memory_space<vmem>>) offsets(%dma_start3A_49 : memref<128xi32, #tpu.memory_space<vmem>>) semaphore(%arg12 : memref<!tpu.dma_semaphore, #tpu.memory_space<semaphore_mem>>)
      %add3A_53 = arith.constant 1 : i32
      %add3A_54 = arith.addi %add3A_47, %add3A_53 : i32
      %dma_start3A_55 = arith.constant 0 : i32
      %dma_start3A_56 = tpu.memref_slice %arg7[%add3A_54, %dma_start3A_55] : memref<40x128xi32, #tpu.memory_space<vmem>> -> memref<1x128xi32, #tpu.memory_space<vmem>>
      %dma_start3A_57 = tpu.memref_squeeze %dma_start3A_56 : memref<1x128xi32, #tpu.memory_space<vmem>> -> memref<128xi32, #tpu.memory_space<vmem>>
      %dma_start3A_58 = arith.constant 0 : i32
      %dma_start3A_59 = arith.constant 0 : i32
      %dma_start3A_60 = tpu.memref_slice %arg2[%dma_start3A_58, %dma_start3A_59] : memref<10000x128xf32, #tpu.memory_space<hbm>> -> memref<10000x128xf32, #tpu.memory_space<hbm>>
      tpu.enqueue_indirect_dma source(%dma_start3A_60 : memref<10000x128xf32, #tpu.memory_space<hbm>>) target(%arg10 : memref<128x128xf32, #tpu.memory_space<vmem>>) offsets(%dma_start3A_57 : memref<128xi32, #tpu.memory_space<vmem>>) semaphore(%arg13 : memref<!tpu.dma_semaphore, #tpu.memory_space<semaphore_mem>>)
      %dma_wait3A = arith.constant 0 : i32
      %dma_wait3A_61 = tpu.memref_slice %arg7[%add3A_47, %dma_wait3A] : memref<40x128xi32, #tpu.memory_space<vmem>> -> memref<1x128xi32, #tpu.memory_space<vmem>>
      %dma_wait3A_62 = tpu.memref_squeeze %dma_wait3A_61 : memref<1x128xi32, #tpu.memory_space<vmem>> -> memref<128xi32, #tpu.memory_space<vmem>>
      %dma_wait3A_63 = arith.constant 0 : i32
      %dma_wait3A_64 = arith.constant 0 : i32
      %dma_wait3A_65 = tpu.memref_slice %arg2[%dma_wait3A_63, %dma_wait3A_64] : memref<10000x128xf32, #tpu.memory_space<hbm>> -> memref<10000x128xf32, #tpu.memory_space<hbm>>
      tpu.wait_indirect_dma semaphore(%arg12 : memref<!tpu.dma_semaphore, #tpu.memory_space<semaphore_mem>>) src(%dma_wait3A_65 : memref<10000x128xf32, #tpu.memory_space<hbm>>) dst(%arg9 : memref<128x128xf32, #tpu.memory_space<vmem>>)
      "tpu.region"() ({
        %run_scoped3A = tpu.sem_alloc : memref<!tpu.dma_semaphore, #tpu.memory_space<semaphore_mem>>
        %dma_start3A_74 = arith.constant 0 : i32
        %dma_start3A_75 = tpu.memref_slice %arg8[%add3A_47, %dma_start3A_74] : memref<40x128xi32, #tpu.memory_space<vmem>> -> memref<1x128xi32, #tpu.memory_space<vmem>>
        %dma_start3A_76 = tpu.memref_squeeze %dma_start3A_75 : memref<1x128xi32, #tpu.memory_space<vmem>> -> memref<128xi32, #tpu.memory_space<vmem>>
        %dma_start3A_77 = arith.constant 0 : i32
        %dma_start3A_78 = arith.constant 0 : i32
        %dma_start3A_79 = tpu.memref_slice %arg11[%dma_start3A_77, %dma_start3A_78] : memref<10240x128xf32, #tpu.memory_space<vmem_shared>> -> memref<10240x128xf32, #tpu.memory_space<vmem_shared>>
        tpu.enqueue_indirect_dma source(%arg9 : memref<128x128xf32, #tpu.memory_space<vmem>>) target(%dma_start3A_79 : memref<10240x128xf32, #tpu.memory_space<vmem_shared>>) offsets(%dma_start3A_76 : memref<128xi32, #tpu.memory_space<vmem>>) semaphore(%run_scoped3A : memref<!tpu.dma_semaphore, #tpu.memory_space<semaphore_mem>>) {add = true}
        %dma_wait3A_80 = arith.constant 0 : i32
        %dma_wait3A_81 = tpu.memref_slice %arg8[%add3A_47, %dma_wait3A_80] : memref<40x128xi32, #tpu.memory_space<vmem>> -> memref<1x128xi32, #tpu.memory_space<vmem>>
        %dma_wait3A_82 = tpu.memref_squeeze %dma_wait3A_81 : memref<1x128xi32, #tpu.memory_space<vmem>> -> memref<128xi32, #tpu.memory_space<vmem>>
        %dma_wait3A_83 = arith.constant 0 : i32
        %dma_wait3A_84 = arith.constant 0 : i32
        %dma_wait3A_85 = tpu.memref_slice %arg11[%dma_wait3A_83, %dma_wait3A_84] : memref<10240x128xf32, #tpu.memory_space<vmem_shared>> -> memref<10240x128xf32, #tpu.memory_space<vmem_shared>>
        tpu.wait_indirect_dma semaphore(%run_scoped3A : memref<!tpu.dma_semaphore, #tpu.memory_space<semaphore_mem>>) src(%arg9 : memref<128x128xf32, #tpu.memory_space<vmem>>) dst(%dma_wait3A_85 : memref<10240x128xf32, #tpu.memory_space<vmem_shared>>)
        tpu.yield
      }) : () -> ()
      %dma_wait3A_66 = arith.constant 0 : i32
      %dma_wait3A_67 = tpu.memref_slice %arg7[%add3A_54, %dma_wait3A_66] : memref<40x128xi32, #tpu.memory_space<vmem>> -> memref<1x128xi32, #tpu.memory_space<vmem>>
      %dma_wait3A_68 = tpu.memref_squeeze %dma_wait3A_67 : memref<1x128xi32, #tpu.memory_space<vmem>> -> memref<128xi32, #tpu.memory_space<vmem>>
      %dma_wait3A_69 = arith.constant 0 : i32
      %dma_wait3A_70 = arith.constant 0 : i32
      %dma_wait3A_71 = tpu.memref_slice %arg2[%dma_wait3A_69, %dma_wait3A_70] : memref<10000x128xf32, #tpu.memory_space<hbm>> -> memref<10000x128xf32, #tpu.memory_space<hbm>>
      tpu.wait_indirect_dma semaphore(%arg13 : memref<!tpu.dma_semaphore, #tpu.memory_space<semaphore_mem>>) src(%dma_wait3A_71 : memref<10000x128xf32, #tpu.memory_space<hbm>>) dst(%arg10 : memref<128x128xf32, #tpu.memory_space<vmem>>)
      %add3A_72 = arith.constant 1 : i32
      %add3A_73 = arith.addi %add3A_47, %add3A_72 : i32
      "tpu.region"() ({
        %run_scoped3A = tpu.sem_alloc : memref<!tpu.dma_semaphore, #tpu.memory_space<semaphore_mem>>
        %dma_start3A_74 = arith.constant 0 : i32
        %dma_start3A_75 = tpu.memref_slice %arg8[%add3A_73, %dma_start3A_74] : memref<40x128xi32, #tpu.memory_space<vmem>> -> memref<1x128xi32, #tpu.memory_space<vmem>>
        %dma_start3A_76 = tpu.memref_squeeze %dma_start3A_75 : memref<1x128xi32, #tpu.memory_space<vmem>> -> memref<128xi32, #tpu.memory_space<vmem>>
        %dma_start3A_77 = arith.constant 0 : i32
        %dma_start3A_78 = arith.constant 0 : i32
        %dma_start3A_79 = tpu.memref_slice %arg11[%dma_start3A_77, %dma_start3A_78] : memref<10240x128xf32, #tpu.memory_space<vmem_shared>> -> memref<10240x128xf32, #tpu.memory_space<vmem_shared>>
        tpu.enqueue_indirect_dma source(%arg10 : memref<128x128xf32, #tpu.memory_space<vmem>>) target(%dma_start3A_79 : memref<10240x128xf32, #tpu.memory_space<vmem_shared>>) offsets(%dma_start3A_76 : memref<128xi32, #tpu.memory_space<vmem>>) semaphore(%run_scoped3A : memref<!tpu.dma_semaphore, #tpu.memory_space<semaphore_mem>>) {add = true}
        %dma_wait3A_80 = arith.constant 0 : i32
        %dma_wait3A_81 = tpu.memref_slice %arg8[%add3A_73, %dma_wait3A_80] : memref<40x128xi32, #tpu.memory_space<vmem>> -> memref<1x128xi32, #tpu.memory_space<vmem>>
        %dma_wait3A_82 = tpu.memref_squeeze %dma_wait3A_81 : memref<1x128xi32, #tpu.memory_space<vmem>> -> memref<128xi32, #tpu.memory_space<vmem>>
        %dma_wait3A_83 = arith.constant 0 : i32
        %dma_wait3A_84 = arith.constant 0 : i32
        %dma_wait3A_85 = tpu.memref_slice %arg11[%dma_wait3A_83, %dma_wait3A_84] : memref<10240x128xf32, #tpu.memory_space<vmem_shared>> -> memref<10240x128xf32, #tpu.memory_space<vmem_shared>>
        tpu.wait_indirect_dma semaphore(%run_scoped3A : memref<!tpu.dma_semaphore, #tpu.memory_space<semaphore_mem>>) src(%arg10 : memref<128x128xf32, #tpu.memory_space<vmem>>) dst(%dma_wait3A_85 : memref<10240x128xf32, #tpu.memory_space<vmem_shared>>)
        tpu.yield
      }) : () -> ()
    }
    %scan3A_16 = arith.constant 20 : i32
    "tpu.region"() ({
      %run_scoped3A = tpu.sem_alloc : memref<!tpu.dma_semaphore, #tpu.memory_space<semaphore_mem>>
      %dma_start3A = arith.constant 40 : i32
      %dma_start3A_43 = arith.constant 0 : i32
      %dma_start3A_44 = tpu.memref_slice %arg3[%add3A, %dma_start3A, %dma_start3A_43] : memref<32x80x128xi32, #tpu.memory_space<hbm>> -> memref<1x40x128xi32, #tpu.memory_space<hbm>>
      %dma_start3A_45 = tpu.memref_squeeze %dma_start3A_44 : memref<1x40x128xi32, #tpu.memory_space<hbm>> -> memref<40x128xi32, #tpu.memory_space<hbm>>
      %dma_start3A_46 = arith.constant 40 : i32
      %dma_start3A_47 = arith.constant 0 : i32
      %dma_start3A_48 = tpu.memref_slice %arg3[%add3A, %dma_start3A_46, %dma_start3A_47] : memref<32x80x128xi32, #tpu.memory_space<hbm>> -> memref<1x40x128xi32, #tpu.memory_space<hbm>>
      %dma_start3A_49 = tpu.memref_squeeze %dma_start3A_48 : memref<1x40x128xi32, #tpu.memory_space<hbm>> -> memref<40x128xi32, #tpu.memory_space<hbm>>
      tpu.enqueue_dma source(%dma_start3A_49 : memref<40x128xi32, #tpu.memory_space<hbm>>) target(%arg7 : memref<40x128xi32, #tpu.memory_space<vmem>>) target_semaphore(%run_scoped3A : memref<!tpu.dma_semaphore, #tpu.memory_space<semaphore_mem>>)
      %dma_wait3A = arith.constant 40 : i32
      %dma_wait3A_50 = arith.constant 0 : i32
      %dma_wait3A_51 = tpu.memref_slice %arg3[%add3A, %dma_wait3A, %dma_wait3A_50] : memref<32x80x128xi32, #tpu.memory_space<hbm>> -> memref<1x40x128xi32, #tpu.memory_space<hbm>>
      %dma_wait3A_52 = tpu.memref_squeeze %dma_wait3A_51 : memref<1x40x128xi32, #tpu.memory_space<hbm>> -> memref<40x128xi32, #tpu.memory_space<hbm>>
      %dma_wait3A_53 = arith.constant 40 : i32
      %dma_wait3A_54 = arith.constant 0 : i32
      %dma_wait3A_55 = tpu.memref_slice %arg3[%add3A, %dma_wait3A_53, %dma_wait3A_54] : memref<32x80x128xi32, #tpu.memory_space<hbm>> -> memref<1x40x128xi32, #tpu.memory_space<hbm>>
      %dma_wait3A_56 = tpu.memref_squeeze %dma_wait3A_55 : memref<1x40x128xi32, #tpu.memory_space<hbm>> -> memref<40x128xi32, #tpu.memory_space<hbm>>
      tpu.wait_dma2 semaphore(%run_scoped3A : memref<!tpu.dma_semaphore, #tpu.memory_space<semaphore_mem>>) src(%dma_wait3A_56 : memref<40x128xi32, #tpu.memory_space<hbm>>) dst(%arg7 : memref<40x128xi32, #tpu.memory_space<vmem>>)
      tpu.yield
    }) : () -> ()
    "tpu.region"() ({
      %run_scoped3A = tpu.sem_alloc : memref<!tpu.dma_semaphore, #tpu.memory_space<semaphore_mem>>
      %dma_start3A = arith.constant 40 : i32
      %dma_start3A_43 = arith.constant 0 : i32
      %dma_start3A_44 = tpu.memref_slice %arg4[%add3A, %dma_start3A, %dma_start3A_43] : memref<32x80x128xi32, #tpu.memory_space<hbm>> -> memref<1x40x128xi32, #tpu.memory_space<hbm>>
      %dma_start3A_45 = tpu.memref_squeeze %dma_start3A_44 : memref<1x40x128xi32, #tpu.memory_space<hbm>> -> memref<40x128xi32, #tpu.memory_space<hbm>>
      %dma_start3A_46 = arith.constant 40 : i32
      %dma_start3A_47 = arith.constant 0 : i32
      %dma_start3A_48 = tpu.memref_slice %arg4[%add3A, %dma_start3A_46, %dma_start3A_47] : memref<32x80x128xi32, #tpu.memory_space<hbm>> -> memref<1x40x128xi32, #tpu.memory_space<hbm>>
      %dma_start3A_49 = tpu.memref_squeeze %dma_start3A_48 : memref<1x40x128xi32, #tpu.memory_space<hbm>> -> memref<40x128xi32, #tpu.memory_space<hbm>>
      tpu.enqueue_dma source(%dma_start3A_49 : memref<40x128xi32, #tpu.memory_space<hbm>>) target(%arg8 : memref<40x128xi32, #tpu.memory_space<vmem>>) target_semaphore(%run_scoped3A : memref<!tpu.dma_semaphore, #tpu.memory_space<semaphore_mem>>)
      %dma_wait3A = arith.constant 40 : i32
      %dma_wait3A_50 = arith.constant 0 : i32
      %dma_wait3A_51 = tpu.memref_slice %arg4[%add3A, %dma_wait3A, %dma_wait3A_50] : memref<32x80x128xi32, #tpu.memory_space<hbm>> -> memref<1x40x128xi32, #tpu.memory_space<hbm>>
      %dma_wait3A_52 = tpu.memref_squeeze %dma_wait3A_51 : memref<1x40x128xi32, #tpu.memory_space<hbm>> -> memref<40x128xi32, #tpu.memory_space<hbm>>
      %dma_wait3A_53 = arith.constant 40 : i32
      %dma_wait3A_54 = arith.constant 0 : i32
      %dma_wait3A_55 = tpu.memref_slice %arg4[%add3A, %dma_wait3A_53, %dma_wait3A_54] : memref<32x80x128xi32, #tpu.memory_space<hbm>> -> memref<1x40x128xi32, #tpu.memory_space<hbm>>
      %dma_wait3A_56 = tpu.memref_squeeze %dma_wait3A_55 : memref<1x40x128xi32, #tpu.memory_space<hbm>> -> memref<40x128xi32, #tpu.memory_space<hbm>>
      tpu.wait_dma2 semaphore(%run_scoped3A : memref<!tpu.dma_semaphore, #tpu.memory_space<semaphore_mem>>) src(%dma_wait3A_56 : memref<40x128xi32, #tpu.memory_space<hbm>>) dst(%arg8 : memref<40x128xi32, #tpu.memory_space<vmem>>)
      tpu.yield
    }) : () -> ()
    %scan3A_17 = arith.constant 0 : i32
    %scan3A_18 = arith.constant 20 : i32
    %scan3A_19 = arith.addi %scan3A_17, %scan3A_18 : i32
    %scan3A_20 = arith.constant 1 : i32
    scf.for %scan3A_43 = %scan3A_17 to %scan3A_19 step %scan3A_20  : i32 {
      %mul3A_44 = arith.constant 2 : i32
      %mul3A_45 = arith.muli %scan3A_43, %mul3A_44 : i32
      %add3A_46 = arith.constant 0 : i32
      %add3A_47 = arith.addi %add3A_46, %mul3A_45 : i32
      %dma_start3A = arith.constant 0 : i32
      %dma_start3A_48 = tpu.memref_slice %arg7[%add3A_47, %dma_start3A] : memref<40x128xi32, #tpu.memory_space<vmem>> -> memref<1x128xi32, #tpu.memory_space<vmem>>
      %dma_start3A_49 = tpu.memref_squeeze %dma_start3A_48 : memref<1x128xi32, #tpu.memory_space<vmem>> -> memref<128xi32, #tpu.memory_space<vmem>>
      %dma_start3A_50 = arith.constant 0 : i32
      %dma_start3A_51 = arith.constant 0 : i32
      %dma_start3A_52 = tpu.memref_slice %arg2[%dma_start3A_50, %dma_start3A_51] : memref<10000x128xf32, #tpu.memory_space<hbm>> -> memref<10000x128xf32, #tpu.memory_space<hbm>>
      tpu.enqueue_indirect_dma source(%dma_start3A_52 : memref<10000x128xf32, #tpu.memory_space<hbm>>) target(%arg9 : memref<128x128xf32, #tpu.memory_space<vmem>>) offsets(%dma_start3A_49 : memref<128xi32, #tpu.memory_space<vmem>>) semaphore(%arg12 : memref<!tpu.dma_semaphore, #tpu.memory_space<semaphore_mem>>)
      %add3A_53 = arith.constant 1 : i32
      %add3A_54 = arith.addi %add3A_47, %add3A_53 : i32
      %dma_start3A_55 = arith.constant 0 : i32
      %dma_start3A_56 = tpu.memref_slice %arg7[%add3A_54, %dma_start3A_55] : memref<40x128xi32, #tpu.memory_space<vmem>> -> memref<1x128xi32, #tpu.memory_space<vmem>>
      %dma_start3A_57 = tpu.memref_squeeze %dma_start3A_56 : memref<1x128xi32, #tpu.memory_space<vmem>> -> memref<128xi32, #tpu.memory_space<vmem>>
      %dma_start3A_58 = arith.constant 0 : i32
      %dma_start3A_59 = arith.constant 0 : i32
      %dma_start3A_60 = tpu.memref_slice %arg2[%dma_start3A_58, %dma_start3A_59] : memref<10000x128xf32, #tpu.memory_space<hbm>> -> memref<10000x128xf32, #tpu.memory_space<hbm>>
      tpu.enqueue_indirect_dma source(%dma_start3A_60 : memref<10000x128xf32, #tpu.memory_space<hbm>>) target(%arg10 : memref<128x128xf32, #tpu.memory_space<vmem>>) offsets(%dma_start3A_57 : memref<128xi32, #tpu.memory_space<vmem>>) semaphore(%arg13 : memref<!tpu.dma_semaphore, #tpu.memory_space<semaphore_mem>>)
      %dma_wait3A = arith.constant 0 : i32
      %dma_wait3A_61 = tpu.memref_slice %arg7[%add3A_47, %dma_wait3A] : memref<40x128xi32, #tpu.memory_space<vmem>> -> memref<1x128xi32, #tpu.memory_space<vmem>>
      %dma_wait3A_62 = tpu.memref_squeeze %dma_wait3A_61 : memref<1x128xi32, #tpu.memory_space<vmem>> -> memref<128xi32, #tpu.memory_space<vmem>>
      %dma_wait3A_63 = arith.constant 0 : i32
      %dma_wait3A_64 = arith.constant 0 : i32
      %dma_wait3A_65 = tpu.memref_slice %arg2[%dma_wait3A_63, %dma_wait3A_64] : memref<10000x128xf32, #tpu.memory_space<hbm>> -> memref<10000x128xf32, #tpu.memory_space<hbm>>
      tpu.wait_indirect_dma semaphore(%arg12 : memref<!tpu.dma_semaphore, #tpu.memory_space<semaphore_mem>>) src(%dma_wait3A_65 : memref<10000x128xf32, #tpu.memory_space<hbm>>) dst(%arg9 : memref<128x128xf32, #tpu.memory_space<vmem>>)
      "tpu.region"() ({
        %run_scoped3A = tpu.sem_alloc : memref<!tpu.dma_semaphore, #tpu.memory_space<semaphore_mem>>
        %dma_start3A_74 = arith.constant 0 : i32
        %dma_start3A_75 = tpu.memref_slice %arg8[%add3A_47, %dma_start3A_74] : memref<40x128xi32, #tpu.memory_space<vmem>> -> memref<1x128xi32, #tpu.memory_space<vmem>>
        %dma_start3A_76 = tpu.memref_squeeze %dma_start3A_75 : memref<1x128xi32, #tpu.memory_space<vmem>> -> memref<128xi32, #tpu.memory_space<vmem>>
        %dma_start3A_77 = arith.constant 0 : i32
        %dma_start3A_78 = arith.constant 0 : i32
        %dma_start3A_79 = tpu.memref_slice %arg11[%dma_start3A_77, %dma_start3A_78] : memref<10240x128xf32, #tpu.memory_space<vmem_shared>> -> memref<10240x128xf32, #tpu.memory_space<vmem_shared>>
        tpu.enqueue_indirect_dma source(%arg9 : memref<128x128xf32, #tpu.memory_space<vmem>>) target(%dma_start3A_79 : memref<10240x128xf32, #tpu.memory_space<vmem_shared>>) offsets(%dma_start3A_76 : memref<128xi32, #tpu.memory_space<vmem>>) semaphore(%run_scoped3A : memref<!tpu.dma_semaphore, #tpu.memory_space<semaphore_mem>>) {add = true}
        %dma_wait3A_80 = arith.constant 0 : i32
        %dma_wait3A_81 = tpu.memref_slice %arg8[%add3A_47, %dma_wait3A_80] : memref<40x128xi32, #tpu.memory_space<vmem>> -> memref<1x128xi32, #tpu.memory_space<vmem>>
        %dma_wait3A_82 = tpu.memref_squeeze %dma_wait3A_81 : memref<1x128xi32, #tpu.memory_space<vmem>> -> memref<128xi32, #tpu.memory_space<vmem>>
        %dma_wait3A_83 = arith.constant 0 : i32
        %dma_wait3A_84 = arith.constant 0 : i32
        %dma_wait3A_85 = tpu.memref_slice %arg11[%dma_wait3A_83, %dma_wait3A_84] : memref<10240x128xf32, #tpu.memory_space<vmem_shared>> -> memref<10240x128xf32, #tpu.memory_space<vmem_shared>>
        tpu.wait_indirect_dma semaphore(%run_scoped3A : memref<!tpu.dma_semaphore, #tpu.memory_space<semaphore_mem>>) src(%arg9 : memref<128x128xf32, #tpu.memory_space<vmem>>) dst(%dma_wait3A_85 : memref<10240x128xf32, #tpu.memory_space<vmem_shared>>)
        tpu.yield
      }) : () -> ()
      %dma_wait3A_66 = arith.constant 0 : i32
      %dma_wait3A_67 = tpu.memref_slice %arg7[%add3A_54, %dma_wait3A_66] : memref<40x128xi32, #tpu.memory_space<vmem>> -> memref<1x128xi32, #tpu.memory_space<vmem>>
      %dma_wait3A_68 = tpu.memref_squeeze %dma_wait3A_67 : memref<1x128xi32, #tpu.memory_space<vmem>> -> memref<128xi32, #tpu.memory_space<vmem>>
      %dma_wait3A_69 = arith.constant 0 : i32
      %dma_wait3A_70 = arith.constant 0 : i32
      %dma_wait3A_71 = tpu.memref_slice %arg2[%dma_wait3A_69, %dma_wait3A_70] : memref<10000x128xf32, #tpu.memory_space<hbm>> -> memref<10000x128xf32, #tpu.memory_space<hbm>>
      tpu.wait_indirect_dma semaphore(%arg13 : memref<!tpu.dma_semaphore, #tpu.memory_space<semaphore_mem>>) src(%dma_wait3A_71 : memref<10000x128xf32, #tpu.memory_space<hbm>>) dst(%arg10 : memref<128x128xf32, #tpu.memory_space<vmem>>)
      %add3A_72 = arith.constant 1 : i32
      %add3A_73 = arith.addi %add3A_47, %add3A_72 : i32
      "tpu.region"() ({
        %run_scoped3A = tpu.sem_alloc : memref<!tpu.dma_semaphore, #tpu.memory_space<semaphore_mem>>
        %dma_start3A_74 = arith.constant 0 : i32
        %dma_start3A_75 = tpu.memref_slice %arg8[%add3A_73, %dma_start3A_74] : memref<40x128xi32, #tpu.memory_space<vmem>> -> memref<1x128xi32, #tpu.memory_space<vmem>>
        %dma_start3A_76 = tpu.memref_squeeze %dma_start3A_75 : memref<1x128xi32, #tpu.memory_space<vmem>> -> memref<128xi32, #tpu.memory_space<vmem>>
        %dma_start3A_77 = arith.constant 0 : i32
        %dma_start3A_78 = arith.constant 0 : i32
        %dma_start3A_79 = tpu.memref_slice %arg11[%dma_start3A_77, %dma_start3A_78] : memref<10240x128xf32, #tpu.memory_space<vmem_shared>> -> memref<10240x128xf32, #tpu.memory_space<vmem_shared>>
        tpu.enqueue_indirect_dma source(%arg10 : memref<128x128xf32, #tpu.memory_space<vmem>>) target(%dma_start3A_79 : memref<10240x128xf32, #tpu.memory_space<vmem_shared>>) offsets(%dma_start3A_76 : memref<128xi32, #tpu.memory_space<vmem>>) semaphore(%run_scoped3A : memref<!tpu.dma_semaphore, #tpu.memory_space<semaphore_mem>>) {add = true}
        %dma_wait3A_80 = arith.constant 0 : i32
        %dma_wait3A_81 = tpu.memref_slice %arg8[%add3A_73, %dma_wait3A_80] : memref<40x128xi32, #tpu.memory_space<vmem>> -> memref<1x128xi32, #tpu.memory_space<vmem>>
        %dma_wait3A_82 = tpu.memref_squeeze %dma_wait3A_81 : memref<1x128xi32, #tpu.memory_space<vmem>> -> memref<128xi32, #tpu.memory_space<vmem>>
        %dma_wait3A_83 = arith.constant 0 : i32
        %dma_wait3A_84 = arith.constant 0 : i32
        %dma_wait3A_85 = tpu.memref_slice %arg11[%dma_wait3A_83, %dma_wait3A_84] : memref<10240x128xf32, #tpu.memory_space<vmem_shared>> -> memref<10240x128xf32, #tpu.memory_space<vmem_shared>>
        tpu.wait_indirect_dma semaphore(%run_scoped3A : memref<!tpu.dma_semaphore, #tpu.memory_space<semaphore_mem>>) src(%arg10 : memref<128x128xf32, #tpu.memory_space<vmem>>) dst(%dma_wait3A_85 : memref<10240x128xf32, #tpu.memory_space<vmem_shared>>)
        tpu.yield
      }) : () -> ()
    }
    %scan3A_21 = arith.constant 20 : i32
    %barrier3A_22 = arith.constant 0 : index
    tpu.barrier barrier_id(%barrier3A_22)
    %add3A_23 = arith.constant 0 : i32
    %add3A_24 = arith.addi %mul3A_0, %add3A_23 : i32
    "tpu.region"() ({
      %run_scoped3A = tpu.sem_alloc : memref<!tpu.dma_semaphore, #tpu.memory_space<semaphore_mem>>
      %dma_start3A = arith.constant 0 : i32
      %dma_start3A_43 = arith.constant 0 : i32
      %dma_start3A_44 = tpu.memref_slice %arg9[%dma_start3A, %dma_start3A_43] : memref<128x128xf32, #tpu.memory_space<vmem>> -> memref<128x128xf32, #tpu.memory_space<vmem>>
      %dma_start3A_45 = arith.constant 0 : i32
      %dma_start3A_46 = tpu.memref_slice %arg11[%add3A_24, %dma_start3A_45] : memref<10240x128xf32, #tpu.memory_space<vmem_shared>> -> memref<128x128xf32, #tpu.memory_space<vmem_shared>>
      %dma_start3A_47 = arith.constant 0 : i32
      %dma_start3A_48 = arith.constant 0 : i32
      %dma_start3A_49 = tpu.memref_slice %arg9[%dma_start3A_47, %dma_start3A_48] : memref<128x128xf32, #tpu.memory_space<vmem>> -> memref<128x128xf32, #tpu.memory_space<vmem>>
      %dma_start3A_50 = arith.constant 0 : i32
      %dma_start3A_51 = tpu.memref_slice %arg11[%add3A_24, %dma_start3A_50] : memref<10240x128xf32, #tpu.memory_space<vmem_shared>> -> memref<128x128xf32, #tpu.memory_space<vmem_shared>>
      tpu.enqueue_dma source(%dma_start3A_51 : memref<128x128xf32, #tpu.memory_space<vmem_shared>>) target(%dma_start3A_49 : memref<128x128xf32, #tpu.memory_space<vmem>>) target_semaphore(%run_scoped3A : memref<!tpu.dma_semaphore, #tpu.memory_space<semaphore_mem>>)
      %dma_wait3A = arith.constant 0 : i32
      %dma_wait3A_52 = arith.constant 0 : i32
      %dma_wait3A_53 = tpu.memref_slice %arg9[%dma_wait3A, %dma_wait3A_52] : memref<128x128xf32, #tpu.memory_space<vmem>> -> memref<128x128xf32, #tpu.memory_space<vmem>>
      %dma_wait3A_54 = arith.constant 0 : i32
      %dma_wait3A_55 = tpu.memref_slice %arg11[%add3A_24, %dma_wait3A_54] : memref<10240x128xf32, #tpu.memory_space<vmem_shared>> -> memref<128x128xf32, #tpu.memory_space<vmem_shared>>
      %dma_wait3A_56 = arith.constant 0 : i32
      %dma_wait3A_57 = arith.constant 0 : i32
      %dma_wait3A_58 = tpu.memref_slice %arg9[%dma_wait3A_56, %dma_wait3A_57] : memref<128x128xf32, #tpu.memory_space<vmem>> -> memref<128x128xf32, #tpu.memory_space<vmem>>
      %dma_wait3A_59 = arith.constant 0 : i32
      %dma_wait3A_60 = tpu.memref_slice %arg11[%add3A_24, %dma_wait3A_59] : memref<10240x128xf32, #tpu.memory_space<vmem_shared>> -> memref<128x128xf32, #tpu.memory_space<vmem_shared>>
      tpu.wait_dma2 semaphore(%run_scoped3A : memref<!tpu.dma_semaphore, #tpu.memory_space<semaphore_mem>>) src(%dma_wait3A_60 : memref<128x128xf32, #tpu.memory_space<vmem_shared>>) dst(%dma_wait3A_58 : memref<128x128xf32, #tpu.memory_space<vmem>>)
      tpu.yield
    }) : () -> ()
    %add3A_25 = arith.constant 0 : i32
    %add3A_26 = arith.addi %mul3A_0, %add3A_25 : i32
    "tpu.region"() ({
      %run_scoped3A = tpu.sem_alloc : memref<!tpu.dma_semaphore, #tpu.memory_space<semaphore_mem>>
      %dma_start3A = arith.constant 0 : i32
      %dma_start3A_43 = arith.constant 0 : i32
      %dma_start3A_44 = tpu.memref_slice %arg9[%dma_start3A, %dma_start3A_43] : memref<128x128xf32, #tpu.memory_space<vmem>> -> memref<128x128xf32, #tpu.memory_space<vmem>>
      %dma_start3A_45 = arith.constant 0 : i32
      %dma_start3A_46 = tpu.memref_slice %arg6[%arg0, %add3A_26, %dma_start3A_45] : memref<2x10240x128xf32, #tpu.memory_space<hbm>> -> memref<1x128x128xf32, #tpu.memory_space<hbm>>
      %dma_start3A_47 = tpu.memref_squeeze %dma_start3A_46 : memref<1x128x128xf32, #tpu.memory_space<hbm>> -> memref<128x128xf32, #tpu.memory_space<hbm>>
      %dma_start3A_48 = arith.constant 0 : i32
      %dma_start3A_49 = tpu.memref_slice %arg6[%arg0, %add3A_26, %dma_start3A_48] : memref<2x10240x128xf32, #tpu.memory_space<hbm>> -> memref<1x128x128xf32, #tpu.memory_space<hbm>>
      %dma_start3A_50 = tpu.memref_squeeze %dma_start3A_49 : memref<1x128x128xf32, #tpu.memory_space<hbm>> -> memref<128x128xf32, #tpu.memory_space<hbm>>
      %dma_start3A_51 = arith.constant 0 : i32
      %dma_start3A_52 = arith.constant 0 : i32
      %dma_start3A_53 = tpu.memref_slice %arg9[%dma_start3A_51, %dma_start3A_52] : memref<128x128xf32, #tpu.memory_space<vmem>> -> memref<128x128xf32, #tpu.memory_space<vmem>>
      tpu.enqueue_dma source(%dma_start3A_53 : memref<128x128xf32, #tpu.memory_space<vmem>>) target(%dma_start3A_50 : memref<128x128xf32, #tpu.memory_space<hbm>>) target_semaphore(%run_scoped3A : memref<!tpu.dma_semaphore, #tpu.memory_space<semaphore_mem>>)
      %dma_wait3A = arith.constant 0 : i32
      %dma_wait3A_54 = arith.constant 0 : i32
      %dma_wait3A_55 = tpu.memref_slice %arg9[%dma_wait3A, %dma_wait3A_54] : memref<128x128xf32, #tpu.memory_space<vmem>> -> memref<128x128xf32, #tpu.memory_space<vmem>>
      %dma_wait3A_56 = arith.constant 0 : i32
      %dma_wait3A_57 = tpu.memref_slice %arg6[%arg0, %add3A_26, %dma_wait3A_56] : memref<2x10240x128xf32, #tpu.memory_space<hbm>> -> memref<1x128x128xf32, #tpu.memory_space<hbm>>
      %dma_wait3A_58 = tpu.memref_squeeze %dma_wait3A_57 : memref<1x128x128xf32, #tpu.memory_space<hbm>> -> memref<128x128xf32, #tpu.memory_space<hbm>>
      %dma_wait3A_59 = arith.constant 0 : i32
      %dma_wait3A_60 = tpu.memref_slice %arg6[%arg0, %add3A_26, %dma_wait3A_59] : memref<2x10240x128xf32, #tpu.memory_space<hbm>> -> memref<1x128x128xf32, #tpu.memory_space<hbm>>
      %dma_wait3A_61 = tpu.memref_squeeze %dma_wait3A_60 : memref<1x128x128xf32, #tpu.memory_space<hbm>> -> memref<128x128xf32, #tpu.memory_space<hbm>>
      %dma_wait3A_62 = arith.constant 0 : i32
      %dma_wait3A_63 = arith.constant 0 : i32
      %dma_wait3A_64 = tpu.memref_slice %arg9[%dma_wait3A_62, %dma_wait3A_63] : memref<128x128xf32, #tpu.memory_space<vmem>> -> memref<128x128xf32, #tpu.memory_space<vmem>>
      tpu.wait_dma2 semaphore(%run_scoped3A : memref<!tpu.dma_semaphore, #tpu.memory_space<semaphore_mem>>) src(%dma_wait3A_64 : memref<128x128xf32, #tpu.memory_space<vmem>>) dst(%dma_wait3A_61 : memref<128x128xf32, #tpu.memory_space<hbm>>)
      tpu.yield
    }) : () -> ()
    %add3A_27 = arith.constant 128 : i32
    %add3A_28 = arith.addi %mul3A_0, %add3A_27 : i32
    "tpu.region"() ({
      %run_scoped3A = tpu.sem_alloc : memref<!tpu.dma_semaphore, #tpu.memory_space<semaphore_mem>>
      %dma_start3A = arith.constant 0 : i32
      %dma_start3A_43 = arith.constant 0 : i32
      %dma_start3A_44 = tpu.memref_slice %arg9[%dma_start3A, %dma_start3A_43] : memref<128x128xf32, #tpu.memory_space<vmem>> -> memref<128x128xf32, #tpu.memory_space<vmem>>
      %dma_start3A_45 = arith.constant 0 : i32
      %dma_start3A_46 = tpu.memref_slice %arg11[%add3A_28, %dma_start3A_45] : memref<10240x128xf32, #tpu.memory_space<vmem_shared>> -> memref<128x128xf32, #tpu.memory_space<vmem_shared>>
      %dma_start3A_47 = arith.constant 0 : i32
      %dma_start3A_48 = arith.constant 0 : i32
      %dma_start3A_49 = tpu.memref_slice %arg9[%dma_start3A_47, %dma_start3A_48] : memref<128x128xf32, #tpu.memory_space<vmem>> -> memref<128x128xf32, #tpu.memory_space<vmem>>
      %dma_start3A_50 = arith.constant 0 : i32
      %dma_start3A_51 = tpu.memref_slice %arg11[%add3A_28, %dma_start3A_50] : memref<10240x128xf32, #tpu.memory_space<vmem_shared>> -> memref<128x128xf32, #tpu.memory_space<vmem_shared>>
      tpu.enqueue_dma source(%dma_start3A_51 : memref<128x128xf32, #tpu.memory_space<vmem_shared>>) target(%dma_start3A_49 : memref<128x128xf32, #tpu.memory_space<vmem>>) target_semaphore(%run_scoped3A : memref<!tpu.dma_semaphore, #tpu.memory_space<semaphore_mem>>)
      %dma_wait3A = arith.constant 0 : i32
      %dma_wait3A_52 = arith.constant 0 : i32
      %dma_wait3A_53 = tpu.memref_slice %arg9[%dma_wait3A, %dma_wait3A_52] : memref<128x128xf32, #tpu.memory_space<vmem>> -> memref<128x128xf32, #tpu.memory_space<vmem>>
      %dma_wait3A_54 = arith.constant 0 : i32
      %dma_wait3A_55 = tpu.memref_slice %arg11[%add3A_28, %dma_wait3A_54] : memref<10240x128xf32, #tpu.memory_space<vmem_shared>> -> memref<128x128xf32, #tpu.memory_space<vmem_shared>>
      %dma_wait3A_56 = arith.constant 0 : i32
      %dma_wait3A_57 = arith.constant 0 : i32
      %dma_wait3A_58 = tpu.memref_slice %arg9[%dma_wait3A_56, %dma_wait3A_57] : memref<128x128xf32, #tpu.memory_space<vmem>> -> memref<128x128xf32, #tpu.memory_space<vmem>>
      %dma_wait3A_59 = arith.constant 0 : i32
      %dma_wait3A_60 = tpu.memref_slice %arg11[%add3A_28, %dma_wait3A_59] : memref<10240x128xf32, #tpu.memory_space<vmem_shared>> -> memref<128x128xf32, #tpu.memory_space<vmem_shared>>
      tpu.wait_dma2 semaphore(%run_scoped3A : memref<!tpu.dma_semaphore, #tpu.memory_space<semaphore_mem>>) src(%dma_wait3A_60 : memref<128x128xf32, #tpu.memory_space<vmem_shared>>) dst(%dma_wait3A_58 : memref<128x128xf32, #tpu.memory_space<vmem>>)
      tpu.yield
    }) : () -> ()
    %add3A_29 = arith.constant 128 : i32
    %add3A_30 = arith.addi %mul3A_0, %add3A_29 : i32
    "tpu.region"() ({
      %run_scoped3A = tpu.sem_alloc : memref<!tpu.dma_semaphore, #tpu.memory_space<semaphore_mem>>
      %dma_start3A = arith.constant 0 : i32
      %dma_start3A_43 = arith.constant 0 : i32
      %dma_start3A_44 = tpu.memref_slice %arg9[%dma_start3A, %dma_start3A_43] : memref<128x128xf32, #tpu.memory_space<vmem>> -> memref<128x128xf32, #tpu.memory_space<vmem>>
      %dma_start3A_45 = arith.constant 0 : i32
      %dma_start3A_46 = tpu.memref_slice %arg6[%arg0, %add3A_30, %dma_start3A_45] : memref<2x10240x128xf32, #tpu.memory_space<hbm>> -> memref<1x128x128xf32, #tpu.memory_space<hbm>>
      %dma_start3A_47 = tpu.memref_squeeze %dma_start3A_46 : memref<1x128x128xf32, #tpu.memory_space<hbm>> -> memref<128x128xf32, #tpu.memory_space<hbm>>
      %dma_start3A_48 = arith.constant 0 : i32
      %dma_start3A_49 = tpu.memref_slice %arg6[%arg0, %add3A_30, %dma_start3A_48] : memref<2x10240x128xf32, #tpu.memory_space<hbm>> -> memref<1x128x128xf32, #tpu.memory_space<hbm>>
      %dma_start3A_50 = tpu.memref_squeeze %dma_start3A_49 : memref<1x128x128xf32, #tpu.memory_space<hbm>> -> memref<128x128xf32, #tpu.memory_space<hbm>>
      %dma_start3A_51 = arith.constant 0 : i32
      %dma_start3A_52 = arith.constant 0 : i32
      %dma_start3A_53 = tpu.memref_slice %arg9[%dma_start3A_51, %dma_start3A_52] : memref<128x128xf32, #tpu.memory_space<vmem>> -> memref<128x128xf32, #tpu.memory_space<vmem>>
      tpu.enqueue_dma source(%dma_start3A_53 : memref<128x128xf32, #tpu.memory_space<vmem>>) target(%dma_start3A_50 : memref<128x128xf32, #tpu.memory_space<hbm>>) target_semaphore(%run_scoped3A : memref<!tpu.dma_semaphore, #tpu.memory_space<semaphore_mem>>)
      %dma_wait3A = arith.constant 0 : i32
      %dma_wait3A_54 = arith.constant 0 : i32
      %dma_wait3A_55 = tpu.memref_slice %arg9[%dma_wait3A, %dma_wait3A_54] : memref<128x128xf32, #tpu.memory_space<vmem>> -> memref<128x128xf32, #tpu.memory_space<vmem>>
      %dma_wait3A_56 = arith.constant 0 : i32
      %dma_wait3A_57 = tpu.memref_slice %arg6[%arg0, %add3A_30, %dma_wait3A_56] : memref<2x10240x128xf32, #tpu.memory_space<hbm>> -> memref<1x128x128xf32, #tpu.memory_space<hbm>>
      %dma_wait3A_58 = tpu.memref_squeeze %dma_wait3A_57 : memref<1x128x128xf32, #tpu.memory_space<hbm>> -> memref<128x128xf32, #tpu.memory_space<hbm>>
      %dma_wait3A_59 = arith.constant 0 : i32
      %dma_wait3A_60 = tpu.memref_slice %arg6[%arg0, %add3A_30, %dma_wait3A_59] : memref<2x10240x128xf32, #tpu.memory_space<hbm>> -> memref<1x128x128xf32, #tpu.memory_space<hbm>>
      %dma_wait3A_61 = tpu.memref_squeeze %dma_wait3A_60 : memref<1x128x128xf32, #tpu.memory_space<hbm>> -> memref<128x128xf32, #tpu.memory_space<hbm>>
      %dma_wait3A_62 = arith.constant 0 : i32
      %dma_wait3A_63 = arith.constant 0 : i32
      %dma_wait3A_64 = tpu.memref_slice %arg9[%dma_wait3A_62, %dma_wait3A_63] : memref<128x128xf32, #tpu.memory_space<vmem>> -> memref<128x128xf32, #tpu.memory_space<vmem>>
      tpu.wait_dma2 semaphore(%run_scoped3A : memref<!tpu.dma_semaphore, #tpu.memory_space<semaphore_mem>>) src(%dma_wait3A_64 : memref<128x128xf32, #tpu.memory_space<vmem>>) dst(%dma_wait3A_61 : memref<128x128xf32, #tpu.memory_space<hbm>>)
      tpu.yield
    }) : () -> ()
    %add3A_31 = arith.constant 256 : i32
    %add3A_32 = arith.addi %mul3A_0, %add3A_31 : i32
    "tpu.region"() ({
      %run_scoped3A = tpu.sem_alloc : memref<!tpu.dma_semaphore, #tpu.memory_space<semaphore_mem>>
      %dma_start3A = arith.constant 0 : i32
      %dma_start3A_43 = arith.constant 0 : i32
      %dma_start3A_44 = tpu.memref_slice %arg9[%dma_start3A, %dma_start3A_43] : memref<128x128xf32, #tpu.memory_space<vmem>> -> memref<128x128xf32, #tpu.memory_space<vmem>>
      %dma_start3A_45 = arith.constant 0 : i32
      %dma_start3A_46 = tpu.memref_slice %arg11[%add3A_32, %dma_start3A_45] : memref<10240x128xf32, #tpu.memory_space<vmem_shared>> -> memref<128x128xf32, #tpu.memory_space<vmem_shared>>
      %dma_start3A_47 = arith.constant 0 : i32
      %dma_start3A_48 = arith.constant 0 : i32
      %dma_start3A_49 = tpu.memref_slice %arg9[%dma_start3A_47, %dma_start3A_48] : memref<128x128xf32, #tpu.memory_space<vmem>> -> memref<128x128xf32, #tpu.memory_space<vmem>>
      %dma_start3A_50 = arith.constant 0 : i32
      %dma_start3A_51 = tpu.memref_slice %arg11[%add3A_32, %dma_start3A_50] : memref<10240x128xf32, #tpu.memory_space<vmem_shared>> -> memref<128x128xf32, #tpu.memory_space<vmem_shared>>
      tpu.enqueue_dma source(%dma_start3A_51 : memref<128x128xf32, #tpu.memory_space<vmem_shared>>) target(%dma_start3A_49 : memref<128x128xf32, #tpu.memory_space<vmem>>) target_semaphore(%run_scoped3A : memref<!tpu.dma_semaphore, #tpu.memory_space<semaphore_mem>>)
      %dma_wait3A = arith.constant 0 : i32
      %dma_wait3A_52 = arith.constant 0 : i32
      %dma_wait3A_53 = tpu.memref_slice %arg9[%dma_wait3A, %dma_wait3A_52] : memref<128x128xf32, #tpu.memory_space<vmem>> -> memref<128x128xf32, #tpu.memory_space<vmem>>
      %dma_wait3A_54 = arith.constant 0 : i32
      %dma_wait3A_55 = tpu.memref_slice %arg11[%add3A_32, %dma_wait3A_54] : memref<10240x128xf32, #tpu.memory_space<vmem_shared>> -> memref<128x128xf32, #tpu.memory_space<vmem_shared>>
      %dma_wait3A_56 = arith.constant 0 : i32
      %dma_wait3A_57 = arith.constant 0 : i32
      %dma_wait3A_58 = tpu.memref_slice %arg9[%dma_wait3A_56, %dma_wait3A_57] : memref<128x128xf32, #tpu.memory_space<vmem>> -> memref<128x128xf32, #tpu.memory_space<vmem>>
      %dma_wait3A_59 = arith.constant 0 : i32
      %dma_wait3A_60 = tpu.memref_slice %arg11[%add3A_32, %dma_wait3A_59] : memref<10240x128xf32, #tpu.memory_space<vmem_shared>> -> memref<128x128xf32, #tpu.memory_space<vmem_shared>>
      tpu.wait_dma2 semaphore(%run_scoped3A : memref<!tpu.dma_semaphore, #tpu.memory_space<semaphore_mem>>) src(%dma_wait3A_60 : memref<128x128xf32, #tpu.memory_space<vmem_shared>>) dst(%dma_wait3A_58 : memref<128x128xf32, #tpu.memory_space<vmem>>)
      tpu.yield
    }) : () -> ()
    %add3A_33 = arith.constant 256 : i32
    %add3A_34 = arith.addi %mul3A_0, %add3A_33 : i32
    "tpu.region"() ({
      %run_scoped3A = tpu.sem_alloc : memref<!tpu.dma_semaphore, #tpu.memory_space<semaphore_mem>>
      %dma_start3A = arith.constant 0 : i32
      %dma_start3A_43 = arith.constant 0 : i32
      %dma_start3A_44 = tpu.memref_slice %arg9[%dma_start3A, %dma_start3A_43] : memref<128x128xf32, #tpu.memory_space<vmem>> -> memref<128x128xf32, #tpu.memory_space<vmem>>
      %dma_start3A_45 = arith.constant 0 : i32
      %dma_start3A_46 = tpu.memref_slice %arg6[%arg0, %add3A_34, %dma_start3A_45] : memref<2x10240x128xf32, #tpu.memory_space<hbm>> -> memref<1x128x128xf32, #tpu.memory_space<hbm>>
      %dma_start3A_47 = tpu.memref_squeeze %dma_start3A_46 : memref<1x128x128xf32, #tpu.memory_space<hbm>> -> memref<128x128xf32, #tpu.memory_space<hbm>>
      %dma_start3A_48 = arith.constant 0 : i32
      %dma_start3A_49 = tpu.memref_slice %arg6[%arg0, %add3A_34, %dma_start3A_48] : memref<2x10240x128xf32, #tpu.memory_space<hbm>> -> memref<1x128x128xf32, #tpu.memory_space<hbm>>
      %dma_start3A_50 = tpu.memref_squeeze %dma_start3A_49 : memref<1x128x128xf32, #tpu.memory_space<hbm>> -> memref<128x128xf32, #tpu.memory_space<hbm>>
      %dma_start3A_51 = arith.constant 0 : i32
      %dma_start3A_52 = arith.constant 0 : i32
      %dma_start3A_53 = tpu.memref_slice %arg9[%dma_start3A_51, %dma_start3A_52] : memref<128x128xf32, #tpu.memory_space<vmem>> -> memref<128x128xf32, #tpu.memory_space<vmem>>
      tpu.enqueue_dma source(%dma_start3A_53 : memref<128x128xf32, #tpu.memory_space<vmem>>) target(%dma_start3A_50 : memref<128x128xf32, #tpu.memory_space<hbm>>) target_semaphore(%run_scoped3A : memref<!tpu.dma_semaphore, #tpu.memory_space<semaphore_mem>>)
      %dma_wait3A = arith.constant 0 : i32
      %dma_wait3A_54 = arith.constant 0 : i32
      %dma_wait3A_55 = tpu.memref_slice %arg9[%dma_wait3A, %dma_wait3A_54] : memref<128x128xf32, #tpu.memory_space<vmem>> -> memref<128x128xf32, #tpu.memory_space<vmem>>
      %dma_wait3A_56 = arith.constant 0 : i32
      %dma_wait3A_57 = tpu.memref_slice %arg6[%arg0, %add3A_34, %dma_wait3A_56] : memref<2x10240x128xf32, #tpu.memory_space<hbm>> -> memref<1x128x128xf32, #tpu.memory_space<hbm>>
      %dma_wait3A_58 = tpu.memref_squeeze %dma_wait3A_57 : memref<1x128x128xf32, #tpu.memory_space<hbm>> -> memref<128x128xf32, #tpu.memory_space<hbm>>
      %dma_wait3A_59 = arith.constant 0 : i32
      %dma_wait3A_60 = tpu.memref_slice %arg6[%arg0, %add3A_34, %dma_wait3A_59] : memref<2x10240x128xf32, #tpu.memory_space<hbm>> -> memref<1x128x128xf32, #tpu.memory_space<hbm>>
      %dma_wait3A_61 = tpu.memref_squeeze %dma_wait3A_60 : memref<1x128x128xf32, #tpu.memory_space<hbm>> -> memref<128x128xf32, #tpu.memory_space<hbm>>
      %dma_wait3A_62 = arith.constant 0 : i32
      %dma_wait3A_63 = arith.constant 0 : i32
      %dma_wait3A_64 = tpu.memref_slice %arg9[%dma_wait3A_62, %dma_wait3A_63] : memref<128x128xf32, #tpu.memory_space<vmem>> -> memref<128x128xf32, #tpu.memory_space<vmem>>
      tpu.wait_dma2 semaphore(%run_scoped3A : memref<!tpu.dma_semaphore, #tpu.memory_space<semaphore_mem>>) src(%dma_wait3A_64 : memref<128x128xf32, #tpu.memory_space<vmem>>) dst(%dma_wait3A_61 : memref<128x128xf32, #tpu.memory_space<hbm>>)
      tpu.yield
    }) : () -> ()
    %add3A_35 = arith.constant 384 : i32
    %add3A_36 = arith.addi %mul3A_0, %add3A_35 : i32
    "tpu.region"() ({
      %run_scoped3A = tpu.sem_alloc : memref<!tpu.dma_semaphore, #tpu.memory_space<semaphore_mem>>
      %dma_start3A = arith.constant 0 : i32
      %dma_start3A_43 = arith.constant 0 : i32
      %dma_start3A_44 = tpu.memref_slice %arg9[%dma_start3A, %dma_start3A_43] : memref<128x128xf32, #tpu.memory_space<vmem>> -> memref<128x128xf32, #tpu.memory_space<vmem>>
      %dma_start3A_45 = arith.constant 0 : i32
      %dma_start3A_46 = tpu.memref_slice %arg11[%add3A_36, %dma_start3A_45] : memref<10240x128xf32, #tpu.memory_space<vmem_shared>> -> memref<128x128xf32, #tpu.memory_space<vmem_shared>>
      %dma_start3A_47 = arith.constant 0 : i32
      %dma_start3A_48 = arith.constant 0 : i32
      %dma_start3A_49 = tpu.memref_slice %arg9[%dma_start3A_47, %dma_start3A_48] : memref<128x128xf32, #tpu.memory_space<vmem>> -> memref<128x128xf32, #tpu.memory_space<vmem>>
      %dma_start3A_50 = arith.constant 0 : i32
      %dma_start3A_51 = tpu.memref_slice %arg11[%add3A_36, %dma_start3A_50] : memref<10240x128xf32, #tpu.memory_space<vmem_shared>> -> memref<128x128xf32, #tpu.memory_space<vmem_shared>>
      tpu.enqueue_dma source(%dma_start3A_51 : memref<128x128xf32, #tpu.memory_space<vmem_shared>>) target(%dma_start3A_49 : memref<128x128xf32, #tpu.memory_space<vmem>>) target_semaphore(%run_scoped3A : memref<!tpu.dma_semaphore, #tpu.memory_space<semaphore_mem>>)
      %dma_wait3A = arith.constant 0 : i32
      %dma_wait3A_52 = arith.constant 0 : i32
      %dma_wait3A_53 = tpu.memref_slice %arg9[%dma_wait3A, %dma_wait3A_52] : memref<128x128xf32, #tpu.memory_space<vmem>> -> memref<128x128xf32, #tpu.memory_space<vmem>>
      %dma_wait3A_54 = arith.constant 0 : i32
      %dma_wait3A_55 = tpu.memref_slice %arg11[%add3A_36, %dma_wait3A_54] : memref<10240x128xf32, #tpu.memory_space<vmem_shared>> -> memref<128x128xf32, #tpu.memory_space<vmem_shared>>
      %dma_wait3A_56 = arith.constant 0 : i32
      %dma_wait3A_57 = arith.constant 0 : i32
      %dma_wait3A_58 = tpu.memref_slice %arg9[%dma_wait3A_56, %dma_wait3A_57] : memref<128x128xf32, #tpu.memory_space<vmem>> -> memref<128x128xf32, #tpu.memory_space<vmem>>
      %dma_wait3A_59 = arith.constant 0 : i32
      %dma_wait3A_60 = tpu.memref_slice %arg11[%add3A_36, %dma_wait3A_59] : memref<10240x128xf32, #tpu.memory_space<vmem_shared>> -> memref<128x128xf32, #tpu.memory_space<vmem_shared>>
      tpu.wait_dma2 semaphore(%run_scoped3A : memref<!tpu.dma_semaphore, #tpu.memory_space<semaphore_mem>>) src(%dma_wait3A_60 : memref<128x128xf32, #tpu.memory_space<vmem_shared>>) dst(%dma_wait3A_58 : memref<128x128xf32, #tpu.memory_space<vmem>>)
      tpu.yield
    }) : () -> ()
    %add3A_37 = arith.constant 384 : i32
    %add3A_38 = arith.addi %mul3A_0, %add3A_37 : i32
    "tpu.region"() ({
      %run_scoped3A = tpu.sem_alloc : memref<!tpu.dma_semaphore, #tpu.memory_space<semaphore_mem>>
      %dma_start3A = arith.constant 0 : i32
      %dma_start3A_43 = arith.constant 0 : i32
      %dma_start3A_44 = tpu.memref_slice %arg9[%dma_start3A, %dma_start3A_43] : memref<128x128xf32, #tpu.memory_space<vmem>> -> memref<128x128xf32, #tpu.memory_space<vmem>>
      %dma_start3A_45 = arith.constant 0 : i32
      %dma_start3A_46 = tpu.memref_slice %arg6[%arg0, %add3A_38, %dma_start3A_45] : memref<2x10240x128xf32, #tpu.memory_space<hbm>> -> memref<1x128x128xf32, #tpu.memory_space<hbm>>
      %dma_start3A_47 = tpu.memref_squeeze %dma_start3A_46 : memref<1x128x128xf32, #tpu.memory_space<hbm>> -> memref<128x128xf32, #tpu.memory_space<hbm>>
      %dma_start3A_48 = arith.constant 0 : i32
      %dma_start3A_49 = tpu.memref_slice %arg6[%arg0, %add3A_38, %dma_start3A_48] : memref<2x10240x128xf32, #tpu.memory_space<hbm>> -> memref<1x128x128xf32, #tpu.memory_space<hbm>>
      %dma_start3A_50 = tpu.memref_squeeze %dma_start3A_49 : memref<1x128x128xf32, #tpu.memory_space<hbm>> -> memref<128x128xf32, #tpu.memory_space<hbm>>
      %dma_start3A_51 = arith.constant 0 : i32
      %dma_start3A_52 = arith.constant 0 : i32
      %dma_start3A_53 = tpu.memref_slice %arg9[%dma_start3A_51, %dma_start3A_52] : memref<128x128xf32, #tpu.memory_space<vmem>> -> memref<128x128xf32, #tpu.memory_space<vmem>>
      tpu.enqueue_dma source(%dma_start3A_53 : memref<128x128xf32, #tpu.memory_space<vmem>>) target(%dma_start3A_50 : memref<128x128xf32, #tpu.memory_space<hbm>>) target_semaphore(%run_scoped3A : memref<!tpu.dma_semaphore, #tpu.memory_space<semaphore_mem>>)
      %dma_wait3A = arith.constant 0 : i32
      %dma_wait3A_54 = arith.constant 0 : i32
      %dma_wait3A_55 = tpu.memref_slice %arg9[%dma_wait3A, %dma_wait3A_54] : memref<128x128xf32, #tpu.memory_space<vmem>> -> memref<128x128xf32, #tpu.memory_space<vmem>>
      %dma_wait3A_56 = arith.constant 0 : i32
      %dma_wait3A_57 = tpu.memref_slice %arg6[%arg0, %add3A_38, %dma_wait3A_56] : memref<2x10240x128xf32, #tpu.memory_space<hbm>> -> memref<1x128x128xf32, #tpu.memory_space<hbm>>
      %dma_wait3A_58 = tpu.memref_squeeze %dma_wait3A_57 : memref<1x128x128xf32, #tpu.memory_space<hbm>> -> memref<128x128xf32, #tpu.memory_space<hbm>>
      %dma_wait3A_59 = arith.constant 0 : i32
      %dma_wait3A_60 = tpu.memref_slice %arg6[%arg0, %add3A_38, %dma_wait3A_59] : memref<2x10240x128xf32, #tpu.memory_space<hbm>> -> memref<1x128x128xf32, #tpu.memory_space<hbm>>
      %dma_wait3A_61 = tpu.memref_squeeze %dma_wait3A_60 : memref<1x128x128xf32, #tpu.memory_space<hbm>> -> memref<128x128xf32, #tpu.memory_space<hbm>>
      %dma_wait3A_62 = arith.constant 0 : i32
      %dma_wait3A_63 = arith.constant 0 : i32
      %dma_wait3A_64 = tpu.memref_slice %arg9[%dma_wait3A_62, %dma_wait3A_63] : memref<128x128xf32, #tpu.memory_space<vmem>> -> memref<128x128xf32, #tpu.memory_space<vmem>>
      tpu.wait_dma2 semaphore(%run_scoped3A : memref<!tpu.dma_semaphore, #tpu.memory_space<semaphore_mem>>) src(%dma_wait3A_64 : memref<128x128xf32, #tpu.memory_space<vmem>>) dst(%dma_wait3A_61 : memref<128x128xf32, #tpu.memory_space<hbm>>)
      tpu.yield
    }) : () -> ()
    %add3A_39 = arith.constant 512 : i32
    %add3A_40 = arith.addi %mul3A_0, %add3A_39 : i32
    "tpu.region"() ({
      %run_scoped3A = tpu.sem_alloc : memref<!tpu.dma_semaphore, #tpu.memory_space<semaphore_mem>>
      %dma_start3A = arith.constant 0 : i32
      %dma_start3A_43 = arith.constant 0 : i32
      %dma_start3A_44 = tpu.memref_slice %arg9[%dma_start3A, %dma_start3A_43] : memref<128x128xf32, #tpu.memory_space<vmem>> -> memref<128x128xf32, #tpu.memory_space<vmem>>
      %dma_start3A_45 = arith.constant 0 : i32
      %dma_start3A_46 = tpu.memref_slice %arg11[%add3A_40, %dma_start3A_45] : memref<10240x128xf32, #tpu.memory_space<vmem_shared>> -> memref<128x128xf32, #tpu.memory_space<vmem_shared>>
      %dma_start3A_47 = arith.constant 0 : i32
      %dma_start3A_48 = arith.constant 0 : i32
      %dma_start3A_49 = tpu.memref_slice %arg9[%dma_start3A_47, %dma_start3A_48] : memref<128x128xf32, #tpu.memory_space<vmem>> -> memref<128x128xf32, #tpu.memory_space<vmem>>
      %dma_start3A_50 = arith.constant 0 : i32
      %dma_start3A_51 = tpu.memref_slice %arg11[%add3A_40, %dma_start3A_50] : memref<10240x128xf32, #tpu.memory_space<vmem_shared>> -> memref<128x128xf32, #tpu.memory_space<vmem_shared>>
      tpu.enqueue_dma source(%dma_start3A_51 : memref<128x128xf32, #tpu.memory_space<vmem_shared>>) target(%dma_start3A_49 : memref<128x128xf32, #tpu.memory_space<vmem>>) target_semaphore(%run_scoped3A : memref<!tpu.dma_semaphore, #tpu.memory_space<semaphore_mem>>)
      %dma_wait3A = arith.constant 0 : i32
      %dma_wait3A_52 = arith.constant 0 : i32
      %dma_wait3A_53 = tpu.memref_slice %arg9[%dma_wait3A, %dma_wait3A_52] : memref<128x128xf32, #tpu.memory_space<vmem>> -> memref<128x128xf32, #tpu.memory_space<vmem>>
      %dma_wait3A_54 = arith.constant 0 : i32
      %dma_wait3A_55 = tpu.memref_slice %arg11[%add3A_40, %dma_wait3A_54] : memref<10240x128xf32, #tpu.memory_space<vmem_shared>> -> memref<128x128xf32, #tpu.memory_space<vmem_shared>>
      %dma_wait3A_56 = arith.constant 0 : i32
      %dma_wait3A_57 = arith.constant 0 : i32
      %dma_wait3A_58 = tpu.memref_slice %arg9[%dma_wait3A_56, %dma_wait3A_57] : memref<128x128xf32, #tpu.memory_space<vmem>> -> memref<128x128xf32, #tpu.memory_space<vmem>>
      %dma_wait3A_59 = arith.constant 0 : i32
      %dma_wait3A_60 = tpu.memref_slice %arg11[%add3A_40, %dma_wait3A_59] : memref<10240x128xf32, #tpu.memory_space<vmem_shared>> -> memref<128x128xf32, #tpu.memory_space<vmem_shared>>
      tpu.wait_dma2 semaphore(%run_scoped3A : memref<!tpu.dma_semaphore, #tpu.memory_space<semaphore_mem>>) src(%dma_wait3A_60 : memref<128x128xf32, #tpu.memory_space<vmem_shared>>) dst(%dma_wait3A_58 : memref<128x128xf32, #tpu.memory_space<vmem>>)
      tpu.yield
    }) : () -> ()
    %add3A_41 = arith.constant 512 : i32
    %add3A_42 = arith.addi %mul3A_0, %add3A_41 : i32
    "tpu.region"() ({
      %run_scoped3A = tpu.sem_alloc : memref<!tpu.dma_semaphore, #tpu.memory_space<semaphore_mem>>
      %dma_start3A = arith.constant 0 : i32
      %dma_start3A_43 = arith.constant 0 : i32
      %dma_start3A_44 = tpu.memref_slice %arg9[%dma_start3A, %dma_start3A_43] : memref<128x128xf32, #tpu.memory_space<vmem>> -> memref<128x128xf32, #tpu.memory_space<vmem>>
      %dma_start3A_45 = arith.constant 0 : i32
      %dma_start3A_46 = tpu.memref_slice %arg6[%arg0, %add3A_42, %dma_start3A_45] : memref<2x10240x128xf32, #tpu.memory_space<hbm>> -> memref<1x128x128xf32, #tpu.memory_space<hbm>>
      %dma_start3A_47 = tpu.memref_squeeze %dma_start3A_46 : memref<1x128x128xf32, #tpu.memory_space<hbm>> -> memref<128x128xf32, #tpu.memory_space<hbm>>
      %dma_start3A_48 = arith.constant 0 : i32
      %dma_start3A_49 = tpu.memref_slice %arg6[%arg0, %add3A_42, %dma_start3A_48] : memref<2x10240x128xf32, #tpu.memory_space<hbm>> -> memref<1x128x128xf32, #tpu.memory_space<hbm>>
      %dma_start3A_50 = tpu.memref_squeeze %dma_start3A_49 : memref<1x128x128xf32, #tpu.memory_space<hbm>> -> memref<128x128xf32, #tpu.memory_space<hbm>>
      %dma_start3A_51 = arith.constant 0 : i32
      %dma_start3A_52 = arith.constant 0 : i32
      %dma_start3A_53 = tpu.memref_slice %arg9[%dma_start3A_51, %dma_start3A_52] : memref<128x128xf32, #tpu.memory_space<vmem>> -> memref<128x128xf32, #tpu.memory_space<vmem>>
      tpu.enqueue_dma source(%dma_start3A_53 : memref<128x128xf32, #tpu.memory_space<vmem>>) target(%dma_start3A_50 : memref<128x128xf32, #tpu.memory_space<hbm>>) target_semaphore(%run_scoped3A : memref<!tpu.dma_semaphore, #tpu.memory_space<semaphore_mem>>)
      %dma_wait3A = arith.constant 0 : i32
      %dma_wait3A_54 = arith.constant 0 : i32
      %dma_wait3A_55 = tpu.memref_slice %arg9[%dma_wait3A, %dma_wait3A_54] : memref<128x128xf32, #tpu.memory_space<vmem>> -> memref<128x128xf32, #tpu.memory_space<vmem>>
      %dma_wait3A_56 = arith.constant 0 : i32
      %dma_wait3A_57 = tpu.memref_slice %arg6[%arg0, %add3A_42, %dma_wait3A_56] : memref<2x10240x128xf32, #tpu.memory_space<hbm>> -> memref<1x128x128xf32, #tpu.memory_space<hbm>>
      %dma_wait3A_58 = tpu.memref_squeeze %dma_wait3A_57 : memref<1x128x128xf32, #tpu.memory_space<hbm>> -> memref<128x128xf32, #tpu.memory_space<hbm>>
      %dma_wait3A_59 = arith.constant 0 : i32
      %dma_wait3A_60 = tpu.memref_slice %arg6[%arg0, %add3A_42, %dma_wait3A_59] : memref<2x10240x128xf32, #tpu.memory_space<hbm>> -> memref<1x128x128xf32, #tpu.memory_space<hbm>>
      %dma_wait3A_61 = tpu.memref_squeeze %dma_wait3A_60 : memref<1x128x128xf32, #tpu.memory_space<hbm>> -> memref<128x128xf32, #tpu.memory_space<hbm>>
      %dma_wait3A_62 = arith.constant 0 : i32
      %dma_wait3A_63 = arith.constant 0 : i32
      %dma_wait3A_64 = tpu.memref_slice %arg9[%dma_wait3A_62, %dma_wait3A_63] : memref<128x128xf32, #tpu.memory_space<vmem>> -> memref<128x128xf32, #tpu.memory_space<vmem>>
      tpu.wait_dma2 semaphore(%run_scoped3A : memref<!tpu.dma_semaphore, #tpu.memory_space<semaphore_mem>>) src(%dma_wait3A_64 : memref<128x128xf32, #tpu.memory_space<vmem>>) dst(%dma_wait3A_61 : memref<128x128xf32, #tpu.memory_space<hbm>>)
      tpu.yield
    }) : () -> ()
    return
  }
}

#map = affine_map<(d0, d1) -> (0, 0)>
#map1 = affine_map<(d0, d1) -> (0, 0, 0)>
module attributes {stable_mosaic.version = 14 : i64} {
  func.func @sc_prop_d16_deg(%arg0: i32, %arg1: i32, %arg2: memref<10000x16xf32, #tpu.memory_space<hbm>>, %arg3: memref<32x80x128xi32, #tpu.memory_space<hbm>>, %arg4: memref<32x80x128xi32, #tpu.memory_space<hbm>>, %arg5: memref<256x16xf32, #tpu.memory_space<hbm>>, %arg6: memref<2x10240x16xf32, #tpu.memory_space<hbm>>, %arg7: memref<80x128xi32, #tpu.memory_space<vmem>>, %arg8: memref<128x16xf32, #tpu.memory_space<vmem>>, %arg9: memref<10240x16xf32, #tpu.memory_space<vmem_shared>>) attributes {dimension_semantics = [#tpu.dimension_semantics<core_parallel>, #tpu.dimension_semantics<subcore_parallel>], iteration_bounds = array<i64: 2, 16>, scalar_prefetch = 0 : i64, scratch_operands = 3 : i64, tpu.core_type = #tpu.core_type<sc_vector_subcore>, window_params = [{transform_indices = #map}, {transform_indices = #map1}, {transform_indices = #map1}, {transform_indices = #map}, {transform_indices = #map1}]} {
    %mul3A = arith.constant 16 : i32
    %mul3A_0 = arith.muli %arg0, %mul3A : i32
    %add3A = arith.addi %mul3A_0, %arg1 : i32
    %mul3A_1 = arith.constant 640 : i32
    %mul3A_2 = arith.muli %arg1, %mul3A_1 : i32
    "tpu.region"() ({
      %run_scoped3A = tpu.sem_alloc : memref<!tpu.dma_semaphore, #tpu.memory_space<semaphore_mem>>
      %dma_start3A = arith.constant 0 : i32
      %dma_start3A_38 = arith.constant 0 : i32
      %dma_start3A_39 = tpu.memref_slice %arg5[%dma_start3A, %dma_start3A_38] : memref<256x16xf32, #tpu.memory_space<hbm>> -> memref<128x16xf32, #tpu.memory_space<hbm>>
      %dma_start3A_40 = arith.constant 0 : i32
      %dma_start3A_41 = arith.constant 0 : i32
      %dma_start3A_42 = tpu.memref_slice %arg5[%dma_start3A_40, %dma_start3A_41] : memref<256x16xf32, #tpu.memory_space<hbm>> -> memref<128x16xf32, #tpu.memory_space<hbm>>
      tpu.enqueue_dma source(%dma_start3A_42 : memref<128x16xf32, #tpu.memory_space<hbm>>) target(%arg8 : memref<128x16xf32, #tpu.memory_space<vmem>>) target_semaphore(%run_scoped3A : memref<!tpu.dma_semaphore, #tpu.memory_space<semaphore_mem>>)
      %dma_wait3A = arith.constant 0 : i32
      %dma_wait3A_43 = arith.constant 0 : i32
      %dma_wait3A_44 = tpu.memref_slice %arg5[%dma_wait3A, %dma_wait3A_43] : memref<256x16xf32, #tpu.memory_space<hbm>> -> memref<128x16xf32, #tpu.memory_space<hbm>>
      %dma_wait3A_45 = arith.constant 0 : i32
      %dma_wait3A_46 = arith.constant 0 : i32
      %dma_wait3A_47 = tpu.memref_slice %arg5[%dma_wait3A_45, %dma_wait3A_46] : memref<256x16xf32, #tpu.memory_space<hbm>> -> memref<128x16xf32, #tpu.memory_space<hbm>>
      tpu.wait_dma2 semaphore(%run_scoped3A : memref<!tpu.dma_semaphore, #tpu.memory_space<semaphore_mem>>) src(%dma_wait3A_47 : memref<128x16xf32, #tpu.memory_space<hbm>>) dst(%arg8 : memref<128x16xf32, #tpu.memory_space<vmem>>)
      tpu.yield
    }) : () -> ()
    %add3A_3 = arith.constant 0 : i32
    %add3A_4 = arith.addi %mul3A_2, %add3A_3 : i32
    "tpu.region"() ({
      %run_scoped3A = tpu.sem_alloc : memref<!tpu.dma_semaphore, #tpu.memory_space<semaphore_mem>>
      %dma_start3A = arith.constant 0 : i32
      %dma_start3A_38 = arith.constant 0 : i32
      %dma_start3A_39 = tpu.memref_slice %arg8[%dma_start3A, %dma_start3A_38] : memref<128x16xf32, #tpu.memory_space<vmem>> -> memref<128x16xf32, #tpu.memory_space<vmem>>
      %dma_start3A_40 = arith.constant 0 : i32
      %dma_start3A_41 = tpu.memref_slice %arg9[%add3A_4, %dma_start3A_40] : memref<10240x16xf32, #tpu.memory_space<vmem_shared>> -> memref<128x16xf32, #tpu.memory_space<vmem_shared>>
      %dma_start3A_42 = arith.constant 0 : i32
      %dma_start3A_43 = tpu.memref_slice %arg9[%add3A_4, %dma_start3A_42] : memref<10240x16xf32, #tpu.memory_space<vmem_shared>> -> memref<128x16xf32, #tpu.memory_space<vmem_shared>>
      %dma_start3A_44 = arith.constant 0 : i32
      %dma_start3A_45 = arith.constant 0 : i32
      %dma_start3A_46 = tpu.memref_slice %arg8[%dma_start3A_44, %dma_start3A_45] : memref<128x16xf32, #tpu.memory_space<vmem>> -> memref<128x16xf32, #tpu.memory_space<vmem>>
      tpu.enqueue_dma source(%dma_start3A_46 : memref<128x16xf32, #tpu.memory_space<vmem>>) target(%dma_start3A_43 : memref<128x16xf32, #tpu.memory_space<vmem_shared>>) target_semaphore(%run_scoped3A : memref<!tpu.dma_semaphore, #tpu.memory_space<semaphore_mem>>)
      %dma_wait3A = arith.constant 0 : i32
      %dma_wait3A_47 = arith.constant 0 : i32
      %dma_wait3A_48 = tpu.memref_slice %arg8[%dma_wait3A, %dma_wait3A_47] : memref<128x16xf32, #tpu.memory_space<vmem>> -> memref<128x16xf32, #tpu.memory_space<vmem>>
      %dma_wait3A_49 = arith.constant 0 : i32
      %dma_wait3A_50 = tpu.memref_slice %arg9[%add3A_4, %dma_wait3A_49] : memref<10240x16xf32, #tpu.memory_space<vmem_shared>> -> memref<128x16xf32, #tpu.memory_space<vmem_shared>>
      %dma_wait3A_51 = arith.constant 0 : i32
      %dma_wait3A_52 = tpu.memref_slice %arg9[%add3A_4, %dma_wait3A_51] : memref<10240x16xf32, #tpu.memory_space<vmem_shared>> -> memref<128x16xf32, #tpu.memory_space<vmem_shared>>
      %dma_wait3A_53 = arith.constant 0 : i32
      %dma_wait3A_54 = arith.constant 0 : i32
      %dma_wait3A_55 = tpu.memref_slice %arg8[%dma_wait3A_53, %dma_wait3A_54] : memref<128x16xf32, #tpu.memory_space<vmem>> -> memref<128x16xf32, #tpu.memory_space<vmem>>
      tpu.wait_dma2 semaphore(%run_scoped3A : memref<!tpu.dma_semaphore, #tpu.memory_space<semaphore_mem>>) src(%dma_wait3A_55 : memref<128x16xf32, #tpu.memory_space<vmem>>) dst(%dma_wait3A_52 : memref<128x16xf32, #tpu.memory_space<vmem_shared>>)
      tpu.yield
    }) : () -> ()
    %add3A_5 = arith.constant 128 : i32
    %add3A_6 = arith.addi %mul3A_2, %add3A_5 : i32
    "tpu.region"() ({
      %run_scoped3A = tpu.sem_alloc : memref<!tpu.dma_semaphore, #tpu.memory_space<semaphore_mem>>
      %dma_start3A = arith.constant 0 : i32
      %dma_start3A_38 = arith.constant 0 : i32
      %dma_start3A_39 = tpu.memref_slice %arg8[%dma_start3A, %dma_start3A_38] : memref<128x16xf32, #tpu.memory_space<vmem>> -> memref<128x16xf32, #tpu.memory_space<vmem>>
      %dma_start3A_40 = arith.constant 0 : i32
      %dma_start3A_41 = tpu.memref_slice %arg9[%add3A_6, %dma_start3A_40] : memref<10240x16xf32, #tpu.memory_space<vmem_shared>> -> memref<128x16xf32, #tpu.memory_space<vmem_shared>>
      %dma_start3A_42 = arith.constant 0 : i32
      %dma_start3A_43 = tpu.memref_slice %arg9[%add3A_6, %dma_start3A_42] : memref<10240x16xf32, #tpu.memory_space<vmem_shared>> -> memref<128x16xf32, #tpu.memory_space<vmem_shared>>
      %dma_start3A_44 = arith.constant 0 : i32
      %dma_start3A_45 = arith.constant 0 : i32
      %dma_start3A_46 = tpu.memref_slice %arg8[%dma_start3A_44, %dma_start3A_45] : memref<128x16xf32, #tpu.memory_space<vmem>> -> memref<128x16xf32, #tpu.memory_space<vmem>>
      tpu.enqueue_dma source(%dma_start3A_46 : memref<128x16xf32, #tpu.memory_space<vmem>>) target(%dma_start3A_43 : memref<128x16xf32, #tpu.memory_space<vmem_shared>>) target_semaphore(%run_scoped3A : memref<!tpu.dma_semaphore, #tpu.memory_space<semaphore_mem>>)
      %dma_wait3A = arith.constant 0 : i32
      %dma_wait3A_47 = arith.constant 0 : i32
      %dma_wait3A_48 = tpu.memref_slice %arg8[%dma_wait3A, %dma_wait3A_47] : memref<128x16xf32, #tpu.memory_space<vmem>> -> memref<128x16xf32, #tpu.memory_space<vmem>>
      %dma_wait3A_49 = arith.constant 0 : i32
      %dma_wait3A_50 = tpu.memref_slice %arg9[%add3A_6, %dma_wait3A_49] : memref<10240x16xf32, #tpu.memory_space<vmem_shared>> -> memref<128x16xf32, #tpu.memory_space<vmem_shared>>
      %dma_wait3A_51 = arith.constant 0 : i32
      %dma_wait3A_52 = tpu.memref_slice %arg9[%add3A_6, %dma_wait3A_51] : memref<10240x16xf32, #tpu.memory_space<vmem_shared>> -> memref<128x16xf32, #tpu.memory_space<vmem_shared>>
      %dma_wait3A_53 = arith.constant 0 : i32
      %dma_wait3A_54 = arith.constant 0 : i32
      %dma_wait3A_55 = tpu.memref_slice %arg8[%dma_wait3A_53, %dma_wait3A_54] : memref<128x16xf32, #tpu.memory_space<vmem>> -> memref<128x16xf32, #tpu.memory_space<vmem>>
      tpu.wait_dma2 semaphore(%run_scoped3A : memref<!tpu.dma_semaphore, #tpu.memory_space<semaphore_mem>>) src(%dma_wait3A_55 : memref<128x16xf32, #tpu.memory_space<vmem>>) dst(%dma_wait3A_52 : memref<128x16xf32, #tpu.memory_space<vmem_shared>>)
      tpu.yield
    }) : () -> ()
    %add3A_7 = arith.constant 256 : i32
    %add3A_8 = arith.addi %mul3A_2, %add3A_7 : i32
    "tpu.region"() ({
      %run_scoped3A = tpu.sem_alloc : memref<!tpu.dma_semaphore, #tpu.memory_space<semaphore_mem>>
      %dma_start3A = arith.constant 0 : i32
      %dma_start3A_38 = arith.constant 0 : i32
      %dma_start3A_39 = tpu.memref_slice %arg8[%dma_start3A, %dma_start3A_38] : memref<128x16xf32, #tpu.memory_space<vmem>> -> memref<128x16xf32, #tpu.memory_space<vmem>>
      %dma_start3A_40 = arith.constant 0 : i32
      %dma_start3A_41 = tpu.memref_slice %arg9[%add3A_8, %dma_start3A_40] : memref<10240x16xf32, #tpu.memory_space<vmem_shared>> -> memref<128x16xf32, #tpu.memory_space<vmem_shared>>
      %dma_start3A_42 = arith.constant 0 : i32
      %dma_start3A_43 = tpu.memref_slice %arg9[%add3A_8, %dma_start3A_42] : memref<10240x16xf32, #tpu.memory_space<vmem_shared>> -> memref<128x16xf32, #tpu.memory_space<vmem_shared>>
      %dma_start3A_44 = arith.constant 0 : i32
      %dma_start3A_45 = arith.constant 0 : i32
      %dma_start3A_46 = tpu.memref_slice %arg8[%dma_start3A_44, %dma_start3A_45] : memref<128x16xf32, #tpu.memory_space<vmem>> -> memref<128x16xf32, #tpu.memory_space<vmem>>
      tpu.enqueue_dma source(%dma_start3A_46 : memref<128x16xf32, #tpu.memory_space<vmem>>) target(%dma_start3A_43 : memref<128x16xf32, #tpu.memory_space<vmem_shared>>) target_semaphore(%run_scoped3A : memref<!tpu.dma_semaphore, #tpu.memory_space<semaphore_mem>>)
      %dma_wait3A = arith.constant 0 : i32
      %dma_wait3A_47 = arith.constant 0 : i32
      %dma_wait3A_48 = tpu.memref_slice %arg8[%dma_wait3A, %dma_wait3A_47] : memref<128x16xf32, #tpu.memory_space<vmem>> -> memref<128x16xf32, #tpu.memory_space<vmem>>
      %dma_wait3A_49 = arith.constant 0 : i32
      %dma_wait3A_50 = tpu.memref_slice %arg9[%add3A_8, %dma_wait3A_49] : memref<10240x16xf32, #tpu.memory_space<vmem_shared>> -> memref<128x16xf32, #tpu.memory_space<vmem_shared>>
      %dma_wait3A_51 = arith.constant 0 : i32
      %dma_wait3A_52 = tpu.memref_slice %arg9[%add3A_8, %dma_wait3A_51] : memref<10240x16xf32, #tpu.memory_space<vmem_shared>> -> memref<128x16xf32, #tpu.memory_space<vmem_shared>>
      %dma_wait3A_53 = arith.constant 0 : i32
      %dma_wait3A_54 = arith.constant 0 : i32
      %dma_wait3A_55 = tpu.memref_slice %arg8[%dma_wait3A_53, %dma_wait3A_54] : memref<128x16xf32, #tpu.memory_space<vmem>> -> memref<128x16xf32, #tpu.memory_space<vmem>>
      tpu.wait_dma2 semaphore(%run_scoped3A : memref<!tpu.dma_semaphore, #tpu.memory_space<semaphore_mem>>) src(%dma_wait3A_55 : memref<128x16xf32, #tpu.memory_space<vmem>>) dst(%dma_wait3A_52 : memref<128x16xf32, #tpu.memory_space<vmem_shared>>)
      tpu.yield
    }) : () -> ()
    %add3A_9 = arith.constant 384 : i32
    %add3A_10 = arith.addi %mul3A_2, %add3A_9 : i32
    "tpu.region"() ({
      %run_scoped3A = tpu.sem_alloc : memref<!tpu.dma_semaphore, #tpu.memory_space<semaphore_mem>>
      %dma_start3A = arith.constant 0 : i32
      %dma_start3A_38 = arith.constant 0 : i32
      %dma_start3A_39 = tpu.memref_slice %arg8[%dma_start3A, %dma_start3A_38] : memref<128x16xf32, #tpu.memory_space<vmem>> -> memref<128x16xf32, #tpu.memory_space<vmem>>
      %dma_start3A_40 = arith.constant 0 : i32
      %dma_start3A_41 = tpu.memref_slice %arg9[%add3A_10, %dma_start3A_40] : memref<10240x16xf32, #tpu.memory_space<vmem_shared>> -> memref<128x16xf32, #tpu.memory_space<vmem_shared>>
      %dma_start3A_42 = arith.constant 0 : i32
      %dma_start3A_43 = tpu.memref_slice %arg9[%add3A_10, %dma_start3A_42] : memref<10240x16xf32, #tpu.memory_space<vmem_shared>> -> memref<128x16xf32, #tpu.memory_space<vmem_shared>>
      %dma_start3A_44 = arith.constant 0 : i32
      %dma_start3A_45 = arith.constant 0 : i32
      %dma_start3A_46 = tpu.memref_slice %arg8[%dma_start3A_44, %dma_start3A_45] : memref<128x16xf32, #tpu.memory_space<vmem>> -> memref<128x16xf32, #tpu.memory_space<vmem>>
      tpu.enqueue_dma source(%dma_start3A_46 : memref<128x16xf32, #tpu.memory_space<vmem>>) target(%dma_start3A_43 : memref<128x16xf32, #tpu.memory_space<vmem_shared>>) target_semaphore(%run_scoped3A : memref<!tpu.dma_semaphore, #tpu.memory_space<semaphore_mem>>)
      %dma_wait3A = arith.constant 0 : i32
      %dma_wait3A_47 = arith.constant 0 : i32
      %dma_wait3A_48 = tpu.memref_slice %arg8[%dma_wait3A, %dma_wait3A_47] : memref<128x16xf32, #tpu.memory_space<vmem>> -> memref<128x16xf32, #tpu.memory_space<vmem>>
      %dma_wait3A_49 = arith.constant 0 : i32
      %dma_wait3A_50 = tpu.memref_slice %arg9[%add3A_10, %dma_wait3A_49] : memref<10240x16xf32, #tpu.memory_space<vmem_shared>> -> memref<128x16xf32, #tpu.memory_space<vmem_shared>>
      %dma_wait3A_51 = arith.constant 0 : i32
      %dma_wait3A_52 = tpu.memref_slice %arg9[%add3A_10, %dma_wait3A_51] : memref<10240x16xf32, #tpu.memory_space<vmem_shared>> -> memref<128x16xf32, #tpu.memory_space<vmem_shared>>
      %dma_wait3A_53 = arith.constant 0 : i32
      %dma_wait3A_54 = arith.constant 0 : i32
      %dma_wait3A_55 = tpu.memref_slice %arg8[%dma_wait3A_53, %dma_wait3A_54] : memref<128x16xf32, #tpu.memory_space<vmem>> -> memref<128x16xf32, #tpu.memory_space<vmem>>
      tpu.wait_dma2 semaphore(%run_scoped3A : memref<!tpu.dma_semaphore, #tpu.memory_space<semaphore_mem>>) src(%dma_wait3A_55 : memref<128x16xf32, #tpu.memory_space<vmem>>) dst(%dma_wait3A_52 : memref<128x16xf32, #tpu.memory_space<vmem_shared>>)
      tpu.yield
    }) : () -> ()
    %add3A_11 = arith.constant 512 : i32
    %add3A_12 = arith.addi %mul3A_2, %add3A_11 : i32
    "tpu.region"() ({
      %run_scoped3A = tpu.sem_alloc : memref<!tpu.dma_semaphore, #tpu.memory_space<semaphore_mem>>
      %dma_start3A = arith.constant 0 : i32
      %dma_start3A_38 = arith.constant 0 : i32
      %dma_start3A_39 = tpu.memref_slice %arg8[%dma_start3A, %dma_start3A_38] : memref<128x16xf32, #tpu.memory_space<vmem>> -> memref<128x16xf32, #tpu.memory_space<vmem>>
      %dma_start3A_40 = arith.constant 0 : i32
      %dma_start3A_41 = tpu.memref_slice %arg9[%add3A_12, %dma_start3A_40] : memref<10240x16xf32, #tpu.memory_space<vmem_shared>> -> memref<128x16xf32, #tpu.memory_space<vmem_shared>>
      %dma_start3A_42 = arith.constant 0 : i32
      %dma_start3A_43 = tpu.memref_slice %arg9[%add3A_12, %dma_start3A_42] : memref<10240x16xf32, #tpu.memory_space<vmem_shared>> -> memref<128x16xf32, #tpu.memory_space<vmem_shared>>
      %dma_start3A_44 = arith.constant 0 : i32
      %dma_start3A_45 = arith.constant 0 : i32
      %dma_start3A_46 = tpu.memref_slice %arg8[%dma_start3A_44, %dma_start3A_45] : memref<128x16xf32, #tpu.memory_space<vmem>> -> memref<128x16xf32, #tpu.memory_space<vmem>>
      tpu.enqueue_dma source(%dma_start3A_46 : memref<128x16xf32, #tpu.memory_space<vmem>>) target(%dma_start3A_43 : memref<128x16xf32, #tpu.memory_space<vmem_shared>>) target_semaphore(%run_scoped3A : memref<!tpu.dma_semaphore, #tpu.memory_space<semaphore_mem>>)
      %dma_wait3A = arith.constant 0 : i32
      %dma_wait3A_47 = arith.constant 0 : i32
      %dma_wait3A_48 = tpu.memref_slice %arg8[%dma_wait3A, %dma_wait3A_47] : memref<128x16xf32, #tpu.memory_space<vmem>> -> memref<128x16xf32, #tpu.memory_space<vmem>>
      %dma_wait3A_49 = arith.constant 0 : i32
      %dma_wait3A_50 = tpu.memref_slice %arg9[%add3A_12, %dma_wait3A_49] : memref<10240x16xf32, #tpu.memory_space<vmem_shared>> -> memref<128x16xf32, #tpu.memory_space<vmem_shared>>
      %dma_wait3A_51 = arith.constant 0 : i32
      %dma_wait3A_52 = tpu.memref_slice %arg9[%add3A_12, %dma_wait3A_51] : memref<10240x16xf32, #tpu.memory_space<vmem_shared>> -> memref<128x16xf32, #tpu.memory_space<vmem_shared>>
      %dma_wait3A_53 = arith.constant 0 : i32
      %dma_wait3A_54 = arith.constant 0 : i32
      %dma_wait3A_55 = tpu.memref_slice %arg8[%dma_wait3A_53, %dma_wait3A_54] : memref<128x16xf32, #tpu.memory_space<vmem>> -> memref<128x16xf32, #tpu.memory_space<vmem>>
      tpu.wait_dma2 semaphore(%run_scoped3A : memref<!tpu.dma_semaphore, #tpu.memory_space<semaphore_mem>>) src(%dma_wait3A_55 : memref<128x16xf32, #tpu.memory_space<vmem>>) dst(%dma_wait3A_52 : memref<128x16xf32, #tpu.memory_space<vmem_shared>>)
      tpu.yield
    }) : () -> ()
    %barrier3A = arith.constant 0 : index
    tpu.barrier barrier_id(%barrier3A)
    "tpu.region"() ({
      %run_scoped3A = tpu.sem_alloc : memref<!tpu.dma_semaphore, #tpu.memory_space<semaphore_mem>>
      %dma_start3A = arith.constant 0 : i32
      %dma_start3A_38 = arith.constant 0 : i32
      %dma_start3A_39 = tpu.memref_slice %arg4[%add3A, %dma_start3A, %dma_start3A_38] : memref<32x80x128xi32, #tpu.memory_space<hbm>> -> memref<1x80x128xi32, #tpu.memory_space<hbm>>
      %dma_start3A_40 = tpu.memref_squeeze %dma_start3A_39 : memref<1x80x128xi32, #tpu.memory_space<hbm>> -> memref<80x128xi32, #tpu.memory_space<hbm>>
      %dma_start3A_41 = arith.constant 0 : i32
      %dma_start3A_42 = arith.constant 0 : i32
      %dma_start3A_43 = tpu.memref_slice %arg4[%add3A, %dma_start3A_41, %dma_start3A_42] : memref<32x80x128xi32, #tpu.memory_space<hbm>> -> memref<1x80x128xi32, #tpu.memory_space<hbm>>
      %dma_start3A_44 = tpu.memref_squeeze %dma_start3A_43 : memref<1x80x128xi32, #tpu.memory_space<hbm>> -> memref<80x128xi32, #tpu.memory_space<hbm>>
      tpu.enqueue_dma source(%dma_start3A_44 : memref<80x128xi32, #tpu.memory_space<hbm>>) target(%arg7 : memref<80x128xi32, #tpu.memory_space<vmem>>) target_semaphore(%run_scoped3A : memref<!tpu.dma_semaphore, #tpu.memory_space<semaphore_mem>>)
      %dma_wait3A = arith.constant 0 : i32
      %dma_wait3A_45 = arith.constant 0 : i32
      %dma_wait3A_46 = tpu.memref_slice %arg4[%add3A, %dma_wait3A, %dma_wait3A_45] : memref<32x80x128xi32, #tpu.memory_space<hbm>> -> memref<1x80x128xi32, #tpu.memory_space<hbm>>
      %dma_wait3A_47 = tpu.memref_squeeze %dma_wait3A_46 : memref<1x80x128xi32, #tpu.memory_space<hbm>> -> memref<80x128xi32, #tpu.memory_space<hbm>>
      %dma_wait3A_48 = arith.constant 0 : i32
      %dma_wait3A_49 = arith.constant 0 : i32
      %dma_wait3A_50 = tpu.memref_slice %arg4[%add3A, %dma_wait3A_48, %dma_wait3A_49] : memref<32x80x128xi32, #tpu.memory_space<hbm>> -> memref<1x80x128xi32, #tpu.memory_space<hbm>>
      %dma_wait3A_51 = tpu.memref_squeeze %dma_wait3A_50 : memref<1x80x128xi32, #tpu.memory_space<hbm>> -> memref<80x128xi32, #tpu.memory_space<hbm>>
      tpu.wait_dma2 semaphore(%run_scoped3A : memref<!tpu.dma_semaphore, #tpu.memory_space<semaphore_mem>>) src(%dma_wait3A_51 : memref<80x128xi32, #tpu.memory_space<hbm>>) dst(%arg7 : memref<80x128xi32, #tpu.memory_space<vmem>>)
      tpu.yield
    }) : () -> ()
    "tpu.region"() ({
      %run_scoped3A = tpu.sem_alloc : memref<!tpu.dma_semaphore, #tpu.memory_space<semaphore_mem>>
      %dma_start3A = arith.constant 128 : i32
      %dma_start3A_38 = arith.constant 0 : i32
      %dma_start3A_39 = tpu.memref_slice %arg5[%dma_start3A, %dma_start3A_38] : memref<256x16xf32, #tpu.memory_space<hbm>> -> memref<128x16xf32, #tpu.memory_space<hbm>>
      %dma_start3A_40 = arith.constant 128 : i32
      %dma_start3A_41 = arith.constant 0 : i32
      %dma_start3A_42 = tpu.memref_slice %arg5[%dma_start3A_40, %dma_start3A_41] : memref<256x16xf32, #tpu.memory_space<hbm>> -> memref<128x16xf32, #tpu.memory_space<hbm>>
      tpu.enqueue_dma source(%dma_start3A_42 : memref<128x16xf32, #tpu.memory_space<hbm>>) target(%arg8 : memref<128x16xf32, #tpu.memory_space<vmem>>) target_semaphore(%run_scoped3A : memref<!tpu.dma_semaphore, #tpu.memory_space<semaphore_mem>>)
      %dma_wait3A = arith.constant 128 : i32
      %dma_wait3A_43 = arith.constant 0 : i32
      %dma_wait3A_44 = tpu.memref_slice %arg5[%dma_wait3A, %dma_wait3A_43] : memref<256x16xf32, #tpu.memory_space<hbm>> -> memref<128x16xf32, #tpu.memory_space<hbm>>
      %dma_wait3A_45 = arith.constant 128 : i32
      %dma_wait3A_46 = arith.constant 0 : i32
      %dma_wait3A_47 = tpu.memref_slice %arg5[%dma_wait3A_45, %dma_wait3A_46] : memref<256x16xf32, #tpu.memory_space<hbm>> -> memref<128x16xf32, #tpu.memory_space<hbm>>
      tpu.wait_dma2 semaphore(%run_scoped3A : memref<!tpu.dma_semaphore, #tpu.memory_space<semaphore_mem>>) src(%dma_wait3A_47 : memref<128x16xf32, #tpu.memory_space<hbm>>) dst(%arg8 : memref<128x16xf32, #tpu.memory_space<vmem>>)
      tpu.yield
    }) : () -> ()
    %scan3A = arith.constant 0 : i32
    %scan3A_13 = arith.constant 80 : i32
    %scan3A_14 = arith.addi %scan3A, %scan3A_13 : i32
    %scan3A_15 = arith.constant 1 : i32
    scf.for %scan3A_38 = %scan3A to %scan3A_14 step %scan3A_15  : i32 {
      %mul3A_39 = arith.constant 1 : i32
      %mul3A_40 = arith.muli %scan3A_38, %mul3A_39 : i32
      %add3A_41 = arith.constant 0 : i32
      %add3A_42 = arith.addi %add3A_41, %mul3A_40 : i32
      "tpu.region"() ({
        %run_scoped3A = tpu.sem_alloc : memref<!tpu.dma_semaphore, #tpu.memory_space<semaphore_mem>>
        %dma_start3A = arith.constant 0 : i32
        %dma_start3A_43 = tpu.memref_slice %arg7[%add3A_42, %dma_start3A] : memref<80x128xi32, #tpu.memory_space<vmem>> -> memref<1x128xi32, #tpu.memory_space<vmem>>
        %dma_start3A_44 = tpu.memref_squeeze %dma_start3A_43 : memref<1x128xi32, #tpu.memory_space<vmem>> -> memref<128xi32, #tpu.memory_space<vmem>>
        %dma_start3A_45 = arith.constant 0 : i32
        %dma_start3A_46 = arith.constant 0 : i32
        %dma_start3A_47 = tpu.memref_slice %arg9[%dma_start3A_45, %dma_start3A_46] : memref<10240x16xf32, #tpu.memory_space<vmem_shared>> -> memref<10240x16xf32, #tpu.memory_space<vmem_shared>>
        tpu.enqueue_indirect_dma source(%arg8 : memref<128x16xf32, #tpu.memory_space<vmem>>) target(%dma_start3A_47 : memref<10240x16xf32, #tpu.memory_space<vmem_shared>>) offsets(%dma_start3A_44 : memref<128xi32, #tpu.memory_space<vmem>>) semaphore(%run_scoped3A : memref<!tpu.dma_semaphore, #tpu.memory_space<semaphore_mem>>) {add = true}
        %dma_wait3A = arith.constant 0 : i32
        %dma_wait3A_48 = tpu.memref_slice %arg7[%add3A_42, %dma_wait3A] : memref<80x128xi32, #tpu.memory_space<vmem>> -> memref<1x128xi32, #tpu.memory_space<vmem>>
        %dma_wait3A_49 = tpu.memref_squeeze %dma_wait3A_48 : memref<1x128xi32, #tpu.memory_space<vmem>> -> memref<128xi32, #tpu.memory_space<vmem>>
        %dma_wait3A_50 = arith.constant 0 : i32
        %dma_wait3A_51 = arith.constant 0 : i32
        %dma_wait3A_52 = tpu.memref_slice %arg9[%dma_wait3A_50, %dma_wait3A_51] : memref<10240x16xf32, #tpu.memory_space<vmem_shared>> -> memref<10240x16xf32, #tpu.memory_space<vmem_shared>>
        tpu.wait_indirect_dma semaphore(%run_scoped3A : memref<!tpu.dma_semaphore, #tpu.memory_space<semaphore_mem>>) src(%arg8 : memref<128x16xf32, #tpu.memory_space<vmem>>) dst(%dma_wait3A_52 : memref<10240x16xf32, #tpu.memory_space<vmem_shared>>)
        tpu.yield
      }) : () -> ()
    }
    %scan3A_16 = arith.constant 80 : i32
    %barrier3A_17 = arith.constant 0 : index
    tpu.barrier barrier_id(%barrier3A_17)
    %add3A_18 = arith.constant 0 : i32
    %add3A_19 = arith.addi %mul3A_2, %add3A_18 : i32
    "tpu.region"() ({
      %run_scoped3A = tpu.sem_alloc : memref<!tpu.dma_semaphore, #tpu.memory_space<semaphore_mem>>
      %dma_start3A = arith.constant 0 : i32
      %dma_start3A_38 = arith.constant 0 : i32
      %dma_start3A_39 = tpu.memref_slice %arg8[%dma_start3A, %dma_start3A_38] : memref<128x16xf32, #tpu.memory_space<vmem>> -> memref<128x16xf32, #tpu.memory_space<vmem>>
      %dma_start3A_40 = arith.constant 0 : i32
      %dma_start3A_41 = tpu.memref_slice %arg9[%add3A_19, %dma_start3A_40] : memref<10240x16xf32, #tpu.memory_space<vmem_shared>> -> memref<128x16xf32, #tpu.memory_space<vmem_shared>>
      %dma_start3A_42 = arith.constant 0 : i32
      %dma_start3A_43 = arith.constant 0 : i32
      %dma_start3A_44 = tpu.memref_slice %arg8[%dma_start3A_42, %dma_start3A_43] : memref<128x16xf32, #tpu.memory_space<vmem>> -> memref<128x16xf32, #tpu.memory_space<vmem>>
      %dma_start3A_45 = arith.constant 0 : i32
      %dma_start3A_46 = tpu.memref_slice %arg9[%add3A_19, %dma_start3A_45] : memref<10240x16xf32, #tpu.memory_space<vmem_shared>> -> memref<128x16xf32, #tpu.memory_space<vmem_shared>>
      tpu.enqueue_dma source(%dma_start3A_46 : memref<128x16xf32, #tpu.memory_space<vmem_shared>>) target(%dma_start3A_44 : memref<128x16xf32, #tpu.memory_space<vmem>>) target_semaphore(%run_scoped3A : memref<!tpu.dma_semaphore, #tpu.memory_space<semaphore_mem>>)
      %dma_wait3A = arith.constant 0 : i32
      %dma_wait3A_47 = arith.constant 0 : i32
      %dma_wait3A_48 = tpu.memref_slice %arg8[%dma_wait3A, %dma_wait3A_47] : memref<128x16xf32, #tpu.memory_space<vmem>> -> memref<128x16xf32, #tpu.memory_space<vmem>>
      %dma_wait3A_49 = arith.constant 0 : i32
      %dma_wait3A_50 = tpu.memref_slice %arg9[%add3A_19, %dma_wait3A_49] : memref<10240x16xf32, #tpu.memory_space<vmem_shared>> -> memref<128x16xf32, #tpu.memory_space<vmem_shared>>
      %dma_wait3A_51 = arith.constant 0 : i32
      %dma_wait3A_52 = arith.constant 0 : i32
      %dma_wait3A_53 = tpu.memref_slice %arg8[%dma_wait3A_51, %dma_wait3A_52] : memref<128x16xf32, #tpu.memory_space<vmem>> -> memref<128x16xf32, #tpu.memory_space<vmem>>
      %dma_wait3A_54 = arith.constant 0 : i32
      %dma_wait3A_55 = tpu.memref_slice %arg9[%add3A_19, %dma_wait3A_54] : memref<10240x16xf32, #tpu.memory_space<vmem_shared>> -> memref<128x16xf32, #tpu.memory_space<vmem_shared>>
      tpu.wait_dma2 semaphore(%run_scoped3A : memref<!tpu.dma_semaphore, #tpu.memory_space<semaphore_mem>>) src(%dma_wait3A_55 : memref<128x16xf32, #tpu.memory_space<vmem_shared>>) dst(%dma_wait3A_53 : memref<128x16xf32, #tpu.memory_space<vmem>>)
      tpu.yield
    }) : () -> ()
    %add3A_20 = arith.constant 0 : i32
    %add3A_21 = arith.addi %mul3A_2, %add3A_20 : i32
    "tpu.region"() ({
      %run_scoped3A = tpu.sem_alloc : memref<!tpu.dma_semaphore, #tpu.memory_space<semaphore_mem>>
      %dma_start3A = arith.constant 0 : i32
      %dma_start3A_38 = arith.constant 0 : i32
      %dma_start3A_39 = tpu.memref_slice %arg8[%dma_start3A, %dma_start3A_38] : memref<128x16xf32, #tpu.memory_space<vmem>> -> memref<128x16xf32, #tpu.memory_space<vmem>>
      %dma_start3A_40 = arith.constant 0 : i32
      %dma_start3A_41 = tpu.memref_slice %arg6[%arg0, %add3A_21, %dma_start3A_40] : memref<2x10240x16xf32, #tpu.memory_space<hbm>> -> memref<1x128x16xf32, #tpu.memory_space<hbm>>
      %dma_start3A_42 = tpu.memref_squeeze %dma_start3A_41 : memref<1x128x16xf32, #tpu.memory_space<hbm>> -> memref<128x16xf32, #tpu.memory_space<hbm>>
      %dma_start3A_43 = arith.constant 0 : i32
      %dma_start3A_44 = tpu.memref_slice %arg6[%arg0, %add3A_21, %dma_start3A_43] : memref<2x10240x16xf32, #tpu.memory_space<hbm>> -> memref<1x128x16xf32, #tpu.memory_space<hbm>>
      %dma_start3A_45 = tpu.memref_squeeze %dma_start3A_44 : memref<1x128x16xf32, #tpu.memory_space<hbm>> -> memref<128x16xf32, #tpu.memory_space<hbm>>
      %dma_start3A_46 = arith.constant 0 : i32
      %dma_start3A_47 = arith.constant 0 : i32
      %dma_start3A_48 = tpu.memref_slice %arg8[%dma_start3A_46, %dma_start3A_47] : memref<128x16xf32, #tpu.memory_space<vmem>> -> memref<128x16xf32, #tpu.memory_space<vmem>>
      tpu.enqueue_dma source(%dma_start3A_48 : memref<128x16xf32, #tpu.memory_space<vmem>>) target(%dma_start3A_45 : memref<128x16xf32, #tpu.memory_space<hbm>>) target_semaphore(%run_scoped3A : memref<!tpu.dma_semaphore, #tpu.memory_space<semaphore_mem>>)
      %dma_wait3A = arith.constant 0 : i32
      %dma_wait3A_49 = arith.constant 0 : i32
      %dma_wait3A_50 = tpu.memref_slice %arg8[%dma_wait3A, %dma_wait3A_49] : memref<128x16xf32, #tpu.memory_space<vmem>> -> memref<128x16xf32, #tpu.memory_space<vmem>>
      %dma_wait3A_51 = arith.constant 0 : i32
      %dma_wait3A_52 = tpu.memref_slice %arg6[%arg0, %add3A_21, %dma_wait3A_51] : memref<2x10240x16xf32, #tpu.memory_space<hbm>> -> memref<1x128x16xf32, #tpu.memory_space<hbm>>
      %dma_wait3A_53 = tpu.memref_squeeze %dma_wait3A_52 : memref<1x128x16xf32, #tpu.memory_space<hbm>> -> memref<128x16xf32, #tpu.memory_space<hbm>>
      %dma_wait3A_54 = arith.constant 0 : i32
      %dma_wait3A_55 = tpu.memref_slice %arg6[%arg0, %add3A_21, %dma_wait3A_54] : memref<2x10240x16xf32, #tpu.memory_space<hbm>> -> memref<1x128x16xf32, #tpu.memory_space<hbm>>
      %dma_wait3A_56 = tpu.memref_squeeze %dma_wait3A_55 : memref<1x128x16xf32, #tpu.memory_space<hbm>> -> memref<128x16xf32, #tpu.memory_space<hbm>>
      %dma_wait3A_57 = arith.constant 0 : i32
      %dma_wait3A_58 = arith.constant 0 : i32
      %dma_wait3A_59 = tpu.memref_slice %arg8[%dma_wait3A_57, %dma_wait3A_58] : memref<128x16xf32, #tpu.memory_space<vmem>> -> memref<128x16xf32, #tpu.memory_space<vmem>>
      tpu.wait_dma2 semaphore(%run_scoped3A : memref<!tpu.dma_semaphore, #tpu.memory_space<semaphore_mem>>) src(%dma_wait3A_59 : memref<128x16xf32, #tpu.memory_space<vmem>>) dst(%dma_wait3A_56 : memref<128x16xf32, #tpu.memory_space<hbm>>)
      tpu.yield
    }) : () -> ()
    %add3A_22 = arith.constant 128 : i32
    %add3A_23 = arith.addi %mul3A_2, %add3A_22 : i32
    "tpu.region"() ({
      %run_scoped3A = tpu.sem_alloc : memref<!tpu.dma_semaphore, #tpu.memory_space<semaphore_mem>>
      %dma_start3A = arith.constant 0 : i32
      %dma_start3A_38 = arith.constant 0 : i32
      %dma_start3A_39 = tpu.memref_slice %arg8[%dma_start3A, %dma_start3A_38] : memref<128x16xf32, #tpu.memory_space<vmem>> -> memref<128x16xf32, #tpu.memory_space<vmem>>
      %dma_start3A_40 = arith.constant 0 : i32
      %dma_start3A_41 = tpu.memref_slice %arg9[%add3A_23, %dma_start3A_40] : memref<10240x16xf32, #tpu.memory_space<vmem_shared>> -> memref<128x16xf32, #tpu.memory_space<vmem_shared>>
      %dma_start3A_42 = arith.constant 0 : i32
      %dma_start3A_43 = arith.constant 0 : i32
      %dma_start3A_44 = tpu.memref_slice %arg8[%dma_start3A_42, %dma_start3A_43] : memref<128x16xf32, #tpu.memory_space<vmem>> -> memref<128x16xf32, #tpu.memory_space<vmem>>
      %dma_start3A_45 = arith.constant 0 : i32
      %dma_start3A_46 = tpu.memref_slice %arg9[%add3A_23, %dma_start3A_45] : memref<10240x16xf32, #tpu.memory_space<vmem_shared>> -> memref<128x16xf32, #tpu.memory_space<vmem_shared>>
      tpu.enqueue_dma source(%dma_start3A_46 : memref<128x16xf32, #tpu.memory_space<vmem_shared>>) target(%dma_start3A_44 : memref<128x16xf32, #tpu.memory_space<vmem>>) target_semaphore(%run_scoped3A : memref<!tpu.dma_semaphore, #tpu.memory_space<semaphore_mem>>)
      %dma_wait3A = arith.constant 0 : i32
      %dma_wait3A_47 = arith.constant 0 : i32
      %dma_wait3A_48 = tpu.memref_slice %arg8[%dma_wait3A, %dma_wait3A_47] : memref<128x16xf32, #tpu.memory_space<vmem>> -> memref<128x16xf32, #tpu.memory_space<vmem>>
      %dma_wait3A_49 = arith.constant 0 : i32
      %dma_wait3A_50 = tpu.memref_slice %arg9[%add3A_23, %dma_wait3A_49] : memref<10240x16xf32, #tpu.memory_space<vmem_shared>> -> memref<128x16xf32, #tpu.memory_space<vmem_shared>>
      %dma_wait3A_51 = arith.constant 0 : i32
      %dma_wait3A_52 = arith.constant 0 : i32
      %dma_wait3A_53 = tpu.memref_slice %arg8[%dma_wait3A_51, %dma_wait3A_52] : memref<128x16xf32, #tpu.memory_space<vmem>> -> memref<128x16xf32, #tpu.memory_space<vmem>>
      %dma_wait3A_54 = arith.constant 0 : i32
      %dma_wait3A_55 = tpu.memref_slice %arg9[%add3A_23, %dma_wait3A_54] : memref<10240x16xf32, #tpu.memory_space<vmem_shared>> -> memref<128x16xf32, #tpu.memory_space<vmem_shared>>
      tpu.wait_dma2 semaphore(%run_scoped3A : memref<!tpu.dma_semaphore, #tpu.memory_space<semaphore_mem>>) src(%dma_wait3A_55 : memref<128x16xf32, #tpu.memory_space<vmem_shared>>) dst(%dma_wait3A_53 : memref<128x16xf32, #tpu.memory_space<vmem>>)
      tpu.yield
    }) : () -> ()
    %add3A_24 = arith.constant 128 : i32
    %add3A_25 = arith.addi %mul3A_2, %add3A_24 : i32
    "tpu.region"() ({
      %run_scoped3A = tpu.sem_alloc : memref<!tpu.dma_semaphore, #tpu.memory_space<semaphore_mem>>
      %dma_start3A = arith.constant 0 : i32
      %dma_start3A_38 = arith.constant 0 : i32
      %dma_start3A_39 = tpu.memref_slice %arg8[%dma_start3A, %dma_start3A_38] : memref<128x16xf32, #tpu.memory_space<vmem>> -> memref<128x16xf32, #tpu.memory_space<vmem>>
      %dma_start3A_40 = arith.constant 0 : i32
      %dma_start3A_41 = tpu.memref_slice %arg6[%arg0, %add3A_25, %dma_start3A_40] : memref<2x10240x16xf32, #tpu.memory_space<hbm>> -> memref<1x128x16xf32, #tpu.memory_space<hbm>>
      %dma_start3A_42 = tpu.memref_squeeze %dma_start3A_41 : memref<1x128x16xf32, #tpu.memory_space<hbm>> -> memref<128x16xf32, #tpu.memory_space<hbm>>
      %dma_start3A_43 = arith.constant 0 : i32
      %dma_start3A_44 = tpu.memref_slice %arg6[%arg0, %add3A_25, %dma_start3A_43] : memref<2x10240x16xf32, #tpu.memory_space<hbm>> -> memref<1x128x16xf32, #tpu.memory_space<hbm>>
      %dma_start3A_45 = tpu.memref_squeeze %dma_start3A_44 : memref<1x128x16xf32, #tpu.memory_space<hbm>> -> memref<128x16xf32, #tpu.memory_space<hbm>>
      %dma_start3A_46 = arith.constant 0 : i32
      %dma_start3A_47 = arith.constant 0 : i32
      %dma_start3A_48 = tpu.memref_slice %arg8[%dma_start3A_46, %dma_start3A_47] : memref<128x16xf32, #tpu.memory_space<vmem>> -> memref<128x16xf32, #tpu.memory_space<vmem>>
      tpu.enqueue_dma source(%dma_start3A_48 : memref<128x16xf32, #tpu.memory_space<vmem>>) target(%dma_start3A_45 : memref<128x16xf32, #tpu.memory_space<hbm>>) target_semaphore(%run_scoped3A : memref<!tpu.dma_semaphore, #tpu.memory_space<semaphore_mem>>)
      %dma_wait3A = arith.constant 0 : i32
      %dma_wait3A_49 = arith.constant 0 : i32
      %dma_wait3A_50 = tpu.memref_slice %arg8[%dma_wait3A, %dma_wait3A_49] : memref<128x16xf32, #tpu.memory_space<vmem>> -> memref<128x16xf32, #tpu.memory_space<vmem>>
      %dma_wait3A_51 = arith.constant 0 : i32
      %dma_wait3A_52 = tpu.memref_slice %arg6[%arg0, %add3A_25, %dma_wait3A_51] : memref<2x10240x16xf32, #tpu.memory_space<hbm>> -> memref<1x128x16xf32, #tpu.memory_space<hbm>>
      %dma_wait3A_53 = tpu.memref_squeeze %dma_wait3A_52 : memref<1x128x16xf32, #tpu.memory_space<hbm>> -> memref<128x16xf32, #tpu.memory_space<hbm>>
      %dma_wait3A_54 = arith.constant 0 : i32
      %dma_wait3A_55 = tpu.memref_slice %arg6[%arg0, %add3A_25, %dma_wait3A_54] : memref<2x10240x16xf32, #tpu.memory_space<hbm>> -> memref<1x128x16xf32, #tpu.memory_space<hbm>>
      %dma_wait3A_56 = tpu.memref_squeeze %dma_wait3A_55 : memref<1x128x16xf32, #tpu.memory_space<hbm>> -> memref<128x16xf32, #tpu.memory_space<hbm>>
      %dma_wait3A_57 = arith.constant 0 : i32
      %dma_wait3A_58 = arith.constant 0 : i32
      %dma_wait3A_59 = tpu.memref_slice %arg8[%dma_wait3A_57, %dma_wait3A_58] : memref<128x16xf32, #tpu.memory_space<vmem>> -> memref<128x16xf32, #tpu.memory_space<vmem>>
      tpu.wait_dma2 semaphore(%run_scoped3A : memref<!tpu.dma_semaphore, #tpu.memory_space<semaphore_mem>>) src(%dma_wait3A_59 : memref<128x16xf32, #tpu.memory_space<vmem>>) dst(%dma_wait3A_56 : memref<128x16xf32, #tpu.memory_space<hbm>>)
      tpu.yield
    }) : () -> ()
    %add3A_26 = arith.constant 256 : i32
    %add3A_27 = arith.addi %mul3A_2, %add3A_26 : i32
    "tpu.region"() ({
      %run_scoped3A = tpu.sem_alloc : memref<!tpu.dma_semaphore, #tpu.memory_space<semaphore_mem>>
      %dma_start3A = arith.constant 0 : i32
      %dma_start3A_38 = arith.constant 0 : i32
      %dma_start3A_39 = tpu.memref_slice %arg8[%dma_start3A, %dma_start3A_38] : memref<128x16xf32, #tpu.memory_space<vmem>> -> memref<128x16xf32, #tpu.memory_space<vmem>>
      %dma_start3A_40 = arith.constant 0 : i32
      %dma_start3A_41 = tpu.memref_slice %arg9[%add3A_27, %dma_start3A_40] : memref<10240x16xf32, #tpu.memory_space<vmem_shared>> -> memref<128x16xf32, #tpu.memory_space<vmem_shared>>
      %dma_start3A_42 = arith.constant 0 : i32
      %dma_start3A_43 = arith.constant 0 : i32
      %dma_start3A_44 = tpu.memref_slice %arg8[%dma_start3A_42, %dma_start3A_43] : memref<128x16xf32, #tpu.memory_space<vmem>> -> memref<128x16xf32, #tpu.memory_space<vmem>>
      %dma_start3A_45 = arith.constant 0 : i32
      %dma_start3A_46 = tpu.memref_slice %arg9[%add3A_27, %dma_start3A_45] : memref<10240x16xf32, #tpu.memory_space<vmem_shared>> -> memref<128x16xf32, #tpu.memory_space<vmem_shared>>
      tpu.enqueue_dma source(%dma_start3A_46 : memref<128x16xf32, #tpu.memory_space<vmem_shared>>) target(%dma_start3A_44 : memref<128x16xf32, #tpu.memory_space<vmem>>) target_semaphore(%run_scoped3A : memref<!tpu.dma_semaphore, #tpu.memory_space<semaphore_mem>>)
      %dma_wait3A = arith.constant 0 : i32
      %dma_wait3A_47 = arith.constant 0 : i32
      %dma_wait3A_48 = tpu.memref_slice %arg8[%dma_wait3A, %dma_wait3A_47] : memref<128x16xf32, #tpu.memory_space<vmem>> -> memref<128x16xf32, #tpu.memory_space<vmem>>
      %dma_wait3A_49 = arith.constant 0 : i32
      %dma_wait3A_50 = tpu.memref_slice %arg9[%add3A_27, %dma_wait3A_49] : memref<10240x16xf32, #tpu.memory_space<vmem_shared>> -> memref<128x16xf32, #tpu.memory_space<vmem_shared>>
      %dma_wait3A_51 = arith.constant 0 : i32
      %dma_wait3A_52 = arith.constant 0 : i32
      %dma_wait3A_53 = tpu.memref_slice %arg8[%dma_wait3A_51, %dma_wait3A_52] : memref<128x16xf32, #tpu.memory_space<vmem>> -> memref<128x16xf32, #tpu.memory_space<vmem>>
      %dma_wait3A_54 = arith.constant 0 : i32
      %dma_wait3A_55 = tpu.memref_slice %arg9[%add3A_27, %dma_wait3A_54] : memref<10240x16xf32, #tpu.memory_space<vmem_shared>> -> memref<128x16xf32, #tpu.memory_space<vmem_shared>>
      tpu.wait_dma2 semaphore(%run_scoped3A : memref<!tpu.dma_semaphore, #tpu.memory_space<semaphore_mem>>) src(%dma_wait3A_55 : memref<128x16xf32, #tpu.memory_space<vmem_shared>>) dst(%dma_wait3A_53 : memref<128x16xf32, #tpu.memory_space<vmem>>)
      tpu.yield
    }) : () -> ()
    %add3A_28 = arith.constant 256 : i32
    %add3A_29 = arith.addi %mul3A_2, %add3A_28 : i32
    "tpu.region"() ({
      %run_scoped3A = tpu.sem_alloc : memref<!tpu.dma_semaphore, #tpu.memory_space<semaphore_mem>>
      %dma_start3A = arith.constant 0 : i32
      %dma_start3A_38 = arith.constant 0 : i32
      %dma_start3A_39 = tpu.memref_slice %arg8[%dma_start3A, %dma_start3A_38] : memref<128x16xf32, #tpu.memory_space<vmem>> -> memref<128x16xf32, #tpu.memory_space<vmem>>
      %dma_start3A_40 = arith.constant 0 : i32
      %dma_start3A_41 = tpu.memref_slice %arg6[%arg0, %add3A_29, %dma_start3A_40] : memref<2x10240x16xf32, #tpu.memory_space<hbm>> -> memref<1x128x16xf32, #tpu.memory_space<hbm>>
      %dma_start3A_42 = tpu.memref_squeeze %dma_start3A_41 : memref<1x128x16xf32, #tpu.memory_space<hbm>> -> memref<128x16xf32, #tpu.memory_space<hbm>>
      %dma_start3A_43 = arith.constant 0 : i32
      %dma_start3A_44 = tpu.memref_slice %arg6[%arg0, %add3A_29, %dma_start3A_43] : memref<2x10240x16xf32, #tpu.memory_space<hbm>> -> memref<1x128x16xf32, #tpu.memory_space<hbm>>
      %dma_start3A_45 = tpu.memref_squeeze %dma_start3A_44 : memref<1x128x16xf32, #tpu.memory_space<hbm>> -> memref<128x16xf32, #tpu.memory_space<hbm>>
      %dma_start3A_46 = arith.constant 0 : i32
      %dma_start3A_47 = arith.constant 0 : i32
      %dma_start3A_48 = tpu.memref_slice %arg8[%dma_start3A_46, %dma_start3A_47] : memref<128x16xf32, #tpu.memory_space<vmem>> -> memref<128x16xf32, #tpu.memory_space<vmem>>
      tpu.enqueue_dma source(%dma_start3A_48 : memref<128x16xf32, #tpu.memory_space<vmem>>) target(%dma_start3A_45 : memref<128x16xf32, #tpu.memory_space<hbm>>) target_semaphore(%run_scoped3A : memref<!tpu.dma_semaphore, #tpu.memory_space<semaphore_mem>>)
      %dma_wait3A = arith.constant 0 : i32
      %dma_wait3A_49 = arith.constant 0 : i32
      %dma_wait3A_50 = tpu.memref_slice %arg8[%dma_wait3A, %dma_wait3A_49] : memref<128x16xf32, #tpu.memory_space<vmem>> -> memref<128x16xf32, #tpu.memory_space<vmem>>
      %dma_wait3A_51 = arith.constant 0 : i32
      %dma_wait3A_52 = tpu.memref_slice %arg6[%arg0, %add3A_29, %dma_wait3A_51] : memref<2x10240x16xf32, #tpu.memory_space<hbm>> -> memref<1x128x16xf32, #tpu.memory_space<hbm>>
      %dma_wait3A_53 = tpu.memref_squeeze %dma_wait3A_52 : memref<1x128x16xf32, #tpu.memory_space<hbm>> -> memref<128x16xf32, #tpu.memory_space<hbm>>
      %dma_wait3A_54 = arith.constant 0 : i32
      %dma_wait3A_55 = tpu.memref_slice %arg6[%arg0, %add3A_29, %dma_wait3A_54] : memref<2x10240x16xf32, #tpu.memory_space<hbm>> -> memref<1x128x16xf32, #tpu.memory_space<hbm>>
      %dma_wait3A_56 = tpu.memref_squeeze %dma_wait3A_55 : memref<1x128x16xf32, #tpu.memory_space<hbm>> -> memref<128x16xf32, #tpu.memory_space<hbm>>
      %dma_wait3A_57 = arith.constant 0 : i32
      %dma_wait3A_58 = arith.constant 0 : i32
      %dma_wait3A_59 = tpu.memref_slice %arg8[%dma_wait3A_57, %dma_wait3A_58] : memref<128x16xf32, #tpu.memory_space<vmem>> -> memref<128x16xf32, #tpu.memory_space<vmem>>
      tpu.wait_dma2 semaphore(%run_scoped3A : memref<!tpu.dma_semaphore, #tpu.memory_space<semaphore_mem>>) src(%dma_wait3A_59 : memref<128x16xf32, #tpu.memory_space<vmem>>) dst(%dma_wait3A_56 : memref<128x16xf32, #tpu.memory_space<hbm>>)
      tpu.yield
    }) : () -> ()
    %add3A_30 = arith.constant 384 : i32
    %add3A_31 = arith.addi %mul3A_2, %add3A_30 : i32
    "tpu.region"() ({
      %run_scoped3A = tpu.sem_alloc : memref<!tpu.dma_semaphore, #tpu.memory_space<semaphore_mem>>
      %dma_start3A = arith.constant 0 : i32
      %dma_start3A_38 = arith.constant 0 : i32
      %dma_start3A_39 = tpu.memref_slice %arg8[%dma_start3A, %dma_start3A_38] : memref<128x16xf32, #tpu.memory_space<vmem>> -> memref<128x16xf32, #tpu.memory_space<vmem>>
      %dma_start3A_40 = arith.constant 0 : i32
      %dma_start3A_41 = tpu.memref_slice %arg9[%add3A_31, %dma_start3A_40] : memref<10240x16xf32, #tpu.memory_space<vmem_shared>> -> memref<128x16xf32, #tpu.memory_space<vmem_shared>>
      %dma_start3A_42 = arith.constant 0 : i32
      %dma_start3A_43 = arith.constant 0 : i32
      %dma_start3A_44 = tpu.memref_slice %arg8[%dma_start3A_42, %dma_start3A_43] : memref<128x16xf32, #tpu.memory_space<vmem>> -> memref<128x16xf32, #tpu.memory_space<vmem>>
      %dma_start3A_45 = arith.constant 0 : i32
      %dma_start3A_46 = tpu.memref_slice %arg9[%add3A_31, %dma_start3A_45] : memref<10240x16xf32, #tpu.memory_space<vmem_shared>> -> memref<128x16xf32, #tpu.memory_space<vmem_shared>>
      tpu.enqueue_dma source(%dma_start3A_46 : memref<128x16xf32, #tpu.memory_space<vmem_shared>>) target(%dma_start3A_44 : memref<128x16xf32, #tpu.memory_space<vmem>>) target_semaphore(%run_scoped3A : memref<!tpu.dma_semaphore, #tpu.memory_space<semaphore_mem>>)
      %dma_wait3A = arith.constant 0 : i32
      %dma_wait3A_47 = arith.constant 0 : i32
      %dma_wait3A_48 = tpu.memref_slice %arg8[%dma_wait3A, %dma_wait3A_47] : memref<128x16xf32, #tpu.memory_space<vmem>> -> memref<128x16xf32, #tpu.memory_space<vmem>>
      %dma_wait3A_49 = arith.constant 0 : i32
      %dma_wait3A_50 = tpu.memref_slice %arg9[%add3A_31, %dma_wait3A_49] : memref<10240x16xf32, #tpu.memory_space<vmem_shared>> -> memref<128x16xf32, #tpu.memory_space<vmem_shared>>
      %dma_wait3A_51 = arith.constant 0 : i32
      %dma_wait3A_52 = arith.constant 0 : i32
      %dma_wait3A_53 = tpu.memref_slice %arg8[%dma_wait3A_51, %dma_wait3A_52] : memref<128x16xf32, #tpu.memory_space<vmem>> -> memref<128x16xf32, #tpu.memory_space<vmem>>
      %dma_wait3A_54 = arith.constant 0 : i32
      %dma_wait3A_55 = tpu.memref_slice %arg9[%add3A_31, %dma_wait3A_54] : memref<10240x16xf32, #tpu.memory_space<vmem_shared>> -> memref<128x16xf32, #tpu.memory_space<vmem_shared>>
      tpu.wait_dma2 semaphore(%run_scoped3A : memref<!tpu.dma_semaphore, #tpu.memory_space<semaphore_mem>>) src(%dma_wait3A_55 : memref<128x16xf32, #tpu.memory_space<vmem_shared>>) dst(%dma_wait3A_53 : memref<128x16xf32, #tpu.memory_space<vmem>>)
      tpu.yield
    }) : () -> ()
    %add3A_32 = arith.constant 384 : i32
    %add3A_33 = arith.addi %mul3A_2, %add3A_32 : i32
    "tpu.region"() ({
      %run_scoped3A = tpu.sem_alloc : memref<!tpu.dma_semaphore, #tpu.memory_space<semaphore_mem>>
      %dma_start3A = arith.constant 0 : i32
      %dma_start3A_38 = arith.constant 0 : i32
      %dma_start3A_39 = tpu.memref_slice %arg8[%dma_start3A, %dma_start3A_38] : memref<128x16xf32, #tpu.memory_space<vmem>> -> memref<128x16xf32, #tpu.memory_space<vmem>>
      %dma_start3A_40 = arith.constant 0 : i32
      %dma_start3A_41 = tpu.memref_slice %arg6[%arg0, %add3A_33, %dma_start3A_40] : memref<2x10240x16xf32, #tpu.memory_space<hbm>> -> memref<1x128x16xf32, #tpu.memory_space<hbm>>
      %dma_start3A_42 = tpu.memref_squeeze %dma_start3A_41 : memref<1x128x16xf32, #tpu.memory_space<hbm>> -> memref<128x16xf32, #tpu.memory_space<hbm>>
      %dma_start3A_43 = arith.constant 0 : i32
      %dma_start3A_44 = tpu.memref_slice %arg6[%arg0, %add3A_33, %dma_start3A_43] : memref<2x10240x16xf32, #tpu.memory_space<hbm>> -> memref<1x128x16xf32, #tpu.memory_space<hbm>>
      %dma_start3A_45 = tpu.memref_squeeze %dma_start3A_44 : memref<1x128x16xf32, #tpu.memory_space<hbm>> -> memref<128x16xf32, #tpu.memory_space<hbm>>
      %dma_start3A_46 = arith.constant 0 : i32
      %dma_start3A_47 = arith.constant 0 : i32
      %dma_start3A_48 = tpu.memref_slice %arg8[%dma_start3A_46, %dma_start3A_47] : memref<128x16xf32, #tpu.memory_space<vmem>> -> memref<128x16xf32, #tpu.memory_space<vmem>>
      tpu.enqueue_dma source(%dma_start3A_48 : memref<128x16xf32, #tpu.memory_space<vmem>>) target(%dma_start3A_45 : memref<128x16xf32, #tpu.memory_space<hbm>>) target_semaphore(%run_scoped3A : memref<!tpu.dma_semaphore, #tpu.memory_space<semaphore_mem>>)
      %dma_wait3A = arith.constant 0 : i32
      %dma_wait3A_49 = arith.constant 0 : i32
      %dma_wait3A_50 = tpu.memref_slice %arg8[%dma_wait3A, %dma_wait3A_49] : memref<128x16xf32, #tpu.memory_space<vmem>> -> memref<128x16xf32, #tpu.memory_space<vmem>>
      %dma_wait3A_51 = arith.constant 0 : i32
      %dma_wait3A_52 = tpu.memref_slice %arg6[%arg0, %add3A_33, %dma_wait3A_51] : memref<2x10240x16xf32, #tpu.memory_space<hbm>> -> memref<1x128x16xf32, #tpu.memory_space<hbm>>
      %dma_wait3A_53 = tpu.memref_squeeze %dma_wait3A_52 : memref<1x128x16xf32, #tpu.memory_space<hbm>> -> memref<128x16xf32, #tpu.memory_space<hbm>>
      %dma_wait3A_54 = arith.constant 0 : i32
      %dma_wait3A_55 = tpu.memref_slice %arg6[%arg0, %add3A_33, %dma_wait3A_54] : memref<2x10240x16xf32, #tpu.memory_space<hbm>> -> memref<1x128x16xf32, #tpu.memory_space<hbm>>
      %dma_wait3A_56 = tpu.memref_squeeze %dma_wait3A_55 : memref<1x128x16xf32, #tpu.memory_space<hbm>> -> memref<128x16xf32, #tpu.memory_space<hbm>>
      %dma_wait3A_57 = arith.constant 0 : i32
      %dma_wait3A_58 = arith.constant 0 : i32
      %dma_wait3A_59 = tpu.memref_slice %arg8[%dma_wait3A_57, %dma_wait3A_58] : memref<128x16xf32, #tpu.memory_space<vmem>> -> memref<128x16xf32, #tpu.memory_space<vmem>>
      tpu.wait_dma2 semaphore(%run_scoped3A : memref<!tpu.dma_semaphore, #tpu.memory_space<semaphore_mem>>) src(%dma_wait3A_59 : memref<128x16xf32, #tpu.memory_space<vmem>>) dst(%dma_wait3A_56 : memref<128x16xf32, #tpu.memory_space<hbm>>)
      tpu.yield
    }) : () -> ()
    %add3A_34 = arith.constant 512 : i32
    %add3A_35 = arith.addi %mul3A_2, %add3A_34 : i32
    "tpu.region"() ({
      %run_scoped3A = tpu.sem_alloc : memref<!tpu.dma_semaphore, #tpu.memory_space<semaphore_mem>>
      %dma_start3A = arith.constant 0 : i32
      %dma_start3A_38 = arith.constant 0 : i32
      %dma_start3A_39 = tpu.memref_slice %arg8[%dma_start3A, %dma_start3A_38] : memref<128x16xf32, #tpu.memory_space<vmem>> -> memref<128x16xf32, #tpu.memory_space<vmem>>
      %dma_start3A_40 = arith.constant 0 : i32
      %dma_start3A_41 = tpu.memref_slice %arg9[%add3A_35, %dma_start3A_40] : memref<10240x16xf32, #tpu.memory_space<vmem_shared>> -> memref<128x16xf32, #tpu.memory_space<vmem_shared>>
      %dma_start3A_42 = arith.constant 0 : i32
      %dma_start3A_43 = arith.constant 0 : i32
      %dma_start3A_44 = tpu.memref_slice %arg8[%dma_start3A_42, %dma_start3A_43] : memref<128x16xf32, #tpu.memory_space<vmem>> -> memref<128x16xf32, #tpu.memory_space<vmem>>
      %dma_start3A_45 = arith.constant 0 : i32
      %dma_start3A_46 = tpu.memref_slice %arg9[%add3A_35, %dma_start3A_45] : memref<10240x16xf32, #tpu.memory_space<vmem_shared>> -> memref<128x16xf32, #tpu.memory_space<vmem_shared>>
      tpu.enqueue_dma source(%dma_start3A_46 : memref<128x16xf32, #tpu.memory_space<vmem_shared>>) target(%dma_start3A_44 : memref<128x16xf32, #tpu.memory_space<vmem>>) target_semaphore(%run_scoped3A : memref<!tpu.dma_semaphore, #tpu.memory_space<semaphore_mem>>)
      %dma_wait3A = arith.constant 0 : i32
      %dma_wait3A_47 = arith.constant 0 : i32
      %dma_wait3A_48 = tpu.memref_slice %arg8[%dma_wait3A, %dma_wait3A_47] : memref<128x16xf32, #tpu.memory_space<vmem>> -> memref<128x16xf32, #tpu.memory_space<vmem>>
      %dma_wait3A_49 = arith.constant 0 : i32
      %dma_wait3A_50 = tpu.memref_slice %arg9[%add3A_35, %dma_wait3A_49] : memref<10240x16xf32, #tpu.memory_space<vmem_shared>> -> memref<128x16xf32, #tpu.memory_space<vmem_shared>>
      %dma_wait3A_51 = arith.constant 0 : i32
      %dma_wait3A_52 = arith.constant 0 : i32
      %dma_wait3A_53 = tpu.memref_slice %arg8[%dma_wait3A_51, %dma_wait3A_52] : memref<128x16xf32, #tpu.memory_space<vmem>> -> memref<128x16xf32, #tpu.memory_space<vmem>>
      %dma_wait3A_54 = arith.constant 0 : i32
      %dma_wait3A_55 = tpu.memref_slice %arg9[%add3A_35, %dma_wait3A_54] : memref<10240x16xf32, #tpu.memory_space<vmem_shared>> -> memref<128x16xf32, #tpu.memory_space<vmem_shared>>
      tpu.wait_dma2 semaphore(%run_scoped3A : memref<!tpu.dma_semaphore, #tpu.memory_space<semaphore_mem>>) src(%dma_wait3A_55 : memref<128x16xf32, #tpu.memory_space<vmem_shared>>) dst(%dma_wait3A_53 : memref<128x16xf32, #tpu.memory_space<vmem>>)
      tpu.yield
    }) : () -> ()
    %add3A_36 = arith.constant 512 : i32
    %add3A_37 = arith.addi %mul3A_2, %add3A_36 : i32
    "tpu.region"() ({
      %run_scoped3A = tpu.sem_alloc : memref<!tpu.dma_semaphore, #tpu.memory_space<semaphore_mem>>
      %dma_start3A = arith.constant 0 : i32
      %dma_start3A_38 = arith.constant 0 : i32
      %dma_start3A_39 = tpu.memref_slice %arg8[%dma_start3A, %dma_start3A_38] : memref<128x16xf32, #tpu.memory_space<vmem>> -> memref<128x16xf32, #tpu.memory_space<vmem>>
      %dma_start3A_40 = arith.constant 0 : i32
      %dma_start3A_41 = tpu.memref_slice %arg6[%arg0, %add3A_37, %dma_start3A_40] : memref<2x10240x16xf32, #tpu.memory_space<hbm>> -> memref<1x128x16xf32, #tpu.memory_space<hbm>>
      %dma_start3A_42 = tpu.memref_squeeze %dma_start3A_41 : memref<1x128x16xf32, #tpu.memory_space<hbm>> -> memref<128x16xf32, #tpu.memory_space<hbm>>
      %dma_start3A_43 = arith.constant 0 : i32
      %dma_start3A_44 = tpu.memref_slice %arg6[%arg0, %add3A_37, %dma_start3A_43] : memref<2x10240x16xf32, #tpu.memory_space<hbm>> -> memref<1x128x16xf32, #tpu.memory_space<hbm>>
      %dma_start3A_45 = tpu.memref_squeeze %dma_start3A_44 : memref<1x128x16xf32, #tpu.memory_space<hbm>> -> memref<128x16xf32, #tpu.memory_space<hbm>>
      %dma_start3A_46 = arith.constant 0 : i32
      %dma_start3A_47 = arith.constant 0 : i32
      %dma_start3A_48 = tpu.memref_slice %arg8[%dma_start3A_46, %dma_start3A_47] : memref<128x16xf32, #tpu.memory_space<vmem>> -> memref<128x16xf32, #tpu.memory_space<vmem>>
      tpu.enqueue_dma source(%dma_start3A_48 : memref<128x16xf32, #tpu.memory_space<vmem>>) target(%dma_start3A_45 : memref<128x16xf32, #tpu.memory_space<hbm>>) target_semaphore(%run_scoped3A : memref<!tpu.dma_semaphore, #tpu.memory_space<semaphore_mem>>)
      %dma_wait3A = arith.constant 0 : i32
      %dma_wait3A_49 = arith.constant 0 : i32
      %dma_wait3A_50 = tpu.memref_slice %arg8[%dma_wait3A, %dma_wait3A_49] : memref<128x16xf32, #tpu.memory_space<vmem>> -> memref<128x16xf32, #tpu.memory_space<vmem>>
      %dma_wait3A_51 = arith.constant 0 : i32
      %dma_wait3A_52 = tpu.memref_slice %arg6[%arg0, %add3A_37, %dma_wait3A_51] : memref<2x10240x16xf32, #tpu.memory_space<hbm>> -> memref<1x128x16xf32, #tpu.memory_space<hbm>>
      %dma_wait3A_53 = tpu.memref_squeeze %dma_wait3A_52 : memref<1x128x16xf32, #tpu.memory_space<hbm>> -> memref<128x16xf32, #tpu.memory_space<hbm>>
      %dma_wait3A_54 = arith.constant 0 : i32
      %dma_wait3A_55 = tpu.memref_slice %arg6[%arg0, %add3A_37, %dma_wait3A_54] : memref<2x10240x16xf32, #tpu.memory_space<hbm>> -> memref<1x128x16xf32, #tpu.memory_space<hbm>>
      %dma_wait3A_56 = tpu.memref_squeeze %dma_wait3A_55 : memref<1x128x16xf32, #tpu.memory_space<hbm>> -> memref<128x16xf32, #tpu.memory_space<hbm>>
      %dma_wait3A_57 = arith.constant 0 : i32
      %dma_wait3A_58 = arith.constant 0 : i32
      %dma_wait3A_59 = tpu.memref_slice %arg8[%dma_wait3A_57, %dma_wait3A_58] : memref<128x16xf32, #tpu.memory_space<vmem>> -> memref<128x16xf32, #tpu.memory_space<vmem>>
      tpu.wait_dma2 semaphore(%run_scoped3A : memref<!tpu.dma_semaphore, #tpu.memory_space<semaphore_mem>>) src(%dma_wait3A_59 : memref<128x16xf32, #tpu.memory_space<vmem>>) dst(%dma_wait3A_56 : memref<128x16xf32, #tpu.memory_space<hbm>>)
      tpu.yield
    }) : () -> ()
    return
  }
}

#map = affine_map<(d0, d1) -> (0, 0)>
#map1 = affine_map<(d0, d1) -> (0, 0, 0)>
module attributes {stable_mosaic.version = 14 : i64} {
  func.func @sc_prop_d128_gather(%arg0: i32, %arg1: i32, %arg2: memref<10000x128xf32, #tpu.memory_space<hbm>>, %arg3: memref<32x80x128xi32, #tpu.memory_space<hbm>>, %arg4: memref<32x80x128xi32, #tpu.memory_space<hbm>>, %arg5: memref<256x128xf32, #tpu.memory_space<hbm>>, %arg6: memref<2x10240x128xf32, #tpu.memory_space<hbm>>, %arg7: memref<40x128xi32, #tpu.memory_space<vmem>>, %arg8: memref<40x128xi32, #tpu.memory_space<vmem>>, %arg9: memref<128x128xf32, #tpu.memory_space<vmem>>, %arg10: memref<128x128xf32, #tpu.memory_space<vmem>>, %arg11: memref<10240x128xf32, #tpu.memory_space<vmem_shared>>, %arg12: memref<!tpu.dma_semaphore, #tpu.memory_space<semaphore_mem>>, %arg13: memref<!tpu.dma_semaphore, #tpu.memory_space<semaphore_mem>>) attributes {dimension_semantics = [#tpu.dimension_semantics<core_parallel>, #tpu.dimension_semantics<subcore_parallel>], iteration_bounds = array<i64: 2, 16>, scalar_prefetch = 0 : i64, scratch_operands = 7 : i64, tpu.core_type = #tpu.core_type<sc_vector_subcore>, window_params = [{transform_indices = #map}, {transform_indices = #map1}, {transform_indices = #map1}, {transform_indices = #map}, {transform_indices = #map1}]} {
    %mul3A = arith.constant 640 : i32
    %mul3A_0 = arith.muli %arg1, %mul3A : i32
    %mul3A_1 = arith.constant 16 : i32
    %mul3A_2 = arith.muli %arg0, %mul3A_1 : i32
    %add3A = arith.addi %mul3A_2, %arg1 : i32
    "tpu.region"() ({
      %run_scoped3A = tpu.sem_alloc : memref<!tpu.dma_semaphore, #tpu.memory_space<semaphore_mem>>
      %dma_start3A = arith.constant 0 : i32
      %dma_start3A_43 = arith.constant 0 : i32
      %dma_start3A_44 = tpu.memref_slice %arg5[%dma_start3A, %dma_start3A_43] : memref<256x128xf32, #tpu.memory_space<hbm>> -> memref<128x128xf32, #tpu.memory_space<hbm>>
      %dma_start3A_45 = arith.constant 0 : i32
      %dma_start3A_46 = arith.constant 0 : i32
      %dma_start3A_47 = tpu.memref_slice %arg5[%dma_start3A_45, %dma_start3A_46] : memref<256x128xf32, #tpu.memory_space<hbm>> -> memref<128x128xf32, #tpu.memory_space<hbm>>
      tpu.enqueue_dma source(%dma_start3A_47 : memref<128x128xf32, #tpu.memory_space<hbm>>) target(%arg9 : memref<128x128xf32, #tpu.memory_space<vmem>>) target_semaphore(%run_scoped3A : memref<!tpu.dma_semaphore, #tpu.memory_space<semaphore_mem>>)
      %dma_wait3A = arith.constant 0 : i32
      %dma_wait3A_48 = arith.constant 0 : i32
      %dma_wait3A_49 = tpu.memref_slice %arg5[%dma_wait3A, %dma_wait3A_48] : memref<256x128xf32, #tpu.memory_space<hbm>> -> memref<128x128xf32, #tpu.memory_space<hbm>>
      %dma_wait3A_50 = arith.constant 0 : i32
      %dma_wait3A_51 = arith.constant 0 : i32
      %dma_wait3A_52 = tpu.memref_slice %arg5[%dma_wait3A_50, %dma_wait3A_51] : memref<256x128xf32, #tpu.memory_space<hbm>> -> memref<128x128xf32, #tpu.memory_space<hbm>>
      tpu.wait_dma2 semaphore(%run_scoped3A : memref<!tpu.dma_semaphore, #tpu.memory_space<semaphore_mem>>) src(%dma_wait3A_52 : memref<128x128xf32, #tpu.memory_space<hbm>>) dst(%arg9 : memref<128x128xf32, #tpu.memory_space<vmem>>)
      tpu.yield
    }) : () -> ()
    %add3A_3 = arith.constant 0 : i32
    %add3A_4 = arith.addi %mul3A_0, %add3A_3 : i32
    "tpu.region"() ({
      %run_scoped3A = tpu.sem_alloc : memref<!tpu.dma_semaphore, #tpu.memory_space<semaphore_mem>>
      %dma_start3A = arith.constant 0 : i32
      %dma_start3A_43 = arith.constant 0 : i32
      %dma_start3A_44 = tpu.memref_slice %arg9[%dma_start3A, %dma_start3A_43] : memref<128x128xf32, #tpu.memory_space<vmem>> -> memref<128x128xf32, #tpu.memory_space<vmem>>
      %dma_start3A_45 = arith.constant 0 : i32
      %dma_start3A_46 = tpu.memref_slice %arg11[%add3A_4, %dma_start3A_45] : memref<10240x128xf32, #tpu.memory_space<vmem_shared>> -> memref<128x128xf32, #tpu.memory_space<vmem_shared>>
      %dma_start3A_47 = arith.constant 0 : i32
      %dma_start3A_48 = tpu.memref_slice %arg11[%add3A_4, %dma_start3A_47] : memref<10240x128xf32, #tpu.memory_space<vmem_shared>> -> memref<128x128xf32, #tpu.memory_space<vmem_shared>>
      %dma_start3A_49 = arith.constant 0 : i32
      %dma_start3A_50 = arith.constant 0 : i32
      %dma_start3A_51 = tpu.memref_slice %arg9[%dma_start3A_49, %dma_start3A_50] : memref<128x128xf32, #tpu.memory_space<vmem>> -> memref<128x128xf32, #tpu.memory_space<vmem>>
      tpu.enqueue_dma source(%dma_start3A_51 : memref<128x128xf32, #tpu.memory_space<vmem>>) target(%dma_start3A_48 : memref<128x128xf32, #tpu.memory_space<vmem_shared>>) target_semaphore(%run_scoped3A : memref<!tpu.dma_semaphore, #tpu.memory_space<semaphore_mem>>)
      %dma_wait3A = arith.constant 0 : i32
      %dma_wait3A_52 = arith.constant 0 : i32
      %dma_wait3A_53 = tpu.memref_slice %arg9[%dma_wait3A, %dma_wait3A_52] : memref<128x128xf32, #tpu.memory_space<vmem>> -> memref<128x128xf32, #tpu.memory_space<vmem>>
      %dma_wait3A_54 = arith.constant 0 : i32
      %dma_wait3A_55 = tpu.memref_slice %arg11[%add3A_4, %dma_wait3A_54] : memref<10240x128xf32, #tpu.memory_space<vmem_shared>> -> memref<128x128xf32, #tpu.memory_space<vmem_shared>>
      %dma_wait3A_56 = arith.constant 0 : i32
      %dma_wait3A_57 = tpu.memref_slice %arg11[%add3A_4, %dma_wait3A_56] : memref<10240x128xf32, #tpu.memory_space<vmem_shared>> -> memref<128x128xf32, #tpu.memory_space<vmem_shared>>
      %dma_wait3A_58 = arith.constant 0 : i32
      %dma_wait3A_59 = arith.constant 0 : i32
      %dma_wait3A_60 = tpu.memref_slice %arg9[%dma_wait3A_58, %dma_wait3A_59] : memref<128x128xf32, #tpu.memory_space<vmem>> -> memref<128x128xf32, #tpu.memory_space<vmem>>
      tpu.wait_dma2 semaphore(%run_scoped3A : memref<!tpu.dma_semaphore, #tpu.memory_space<semaphore_mem>>) src(%dma_wait3A_60 : memref<128x128xf32, #tpu.memory_space<vmem>>) dst(%dma_wait3A_57 : memref<128x128xf32, #tpu.memory_space<vmem_shared>>)
      tpu.yield
    }) : () -> ()
    %add3A_5 = arith.constant 128 : i32
    %add3A_6 = arith.addi %mul3A_0, %add3A_5 : i32
    "tpu.region"() ({
      %run_scoped3A = tpu.sem_alloc : memref<!tpu.dma_semaphore, #tpu.memory_space<semaphore_mem>>
      %dma_start3A = arith.constant 0 : i32
      %dma_start3A_43 = arith.constant 0 : i32
      %dma_start3A_44 = tpu.memref_slice %arg9[%dma_start3A, %dma_start3A_43] : memref<128x128xf32, #tpu.memory_space<vmem>> -> memref<128x128xf32, #tpu.memory_space<vmem>>
      %dma_start3A_45 = arith.constant 0 : i32
      %dma_start3A_46 = tpu.memref_slice %arg11[%add3A_6, %dma_start3A_45] : memref<10240x128xf32, #tpu.memory_space<vmem_shared>> -> memref<128x128xf32, #tpu.memory_space<vmem_shared>>
      %dma_start3A_47 = arith.constant 0 : i32
      %dma_start3A_48 = tpu.memref_slice %arg11[%add3A_6, %dma_start3A_47] : memref<10240x128xf32, #tpu.memory_space<vmem_shared>> -> memref<128x128xf32, #tpu.memory_space<vmem_shared>>
      %dma_start3A_49 = arith.constant 0 : i32
      %dma_start3A_50 = arith.constant 0 : i32
      %dma_start3A_51 = tpu.memref_slice %arg9[%dma_start3A_49, %dma_start3A_50] : memref<128x128xf32, #tpu.memory_space<vmem>> -> memref<128x128xf32, #tpu.memory_space<vmem>>
      tpu.enqueue_dma source(%dma_start3A_51 : memref<128x128xf32, #tpu.memory_space<vmem>>) target(%dma_start3A_48 : memref<128x128xf32, #tpu.memory_space<vmem_shared>>) target_semaphore(%run_scoped3A : memref<!tpu.dma_semaphore, #tpu.memory_space<semaphore_mem>>)
      %dma_wait3A = arith.constant 0 : i32
      %dma_wait3A_52 = arith.constant 0 : i32
      %dma_wait3A_53 = tpu.memref_slice %arg9[%dma_wait3A, %dma_wait3A_52] : memref<128x128xf32, #tpu.memory_space<vmem>> -> memref<128x128xf32, #tpu.memory_space<vmem>>
      %dma_wait3A_54 = arith.constant 0 : i32
      %dma_wait3A_55 = tpu.memref_slice %arg11[%add3A_6, %dma_wait3A_54] : memref<10240x128xf32, #tpu.memory_space<vmem_shared>> -> memref<128x128xf32, #tpu.memory_space<vmem_shared>>
      %dma_wait3A_56 = arith.constant 0 : i32
      %dma_wait3A_57 = tpu.memref_slice %arg11[%add3A_6, %dma_wait3A_56] : memref<10240x128xf32, #tpu.memory_space<vmem_shared>> -> memref<128x128xf32, #tpu.memory_space<vmem_shared>>
      %dma_wait3A_58 = arith.constant 0 : i32
      %dma_wait3A_59 = arith.constant 0 : i32
      %dma_wait3A_60 = tpu.memref_slice %arg9[%dma_wait3A_58, %dma_wait3A_59] : memref<128x128xf32, #tpu.memory_space<vmem>> -> memref<128x128xf32, #tpu.memory_space<vmem>>
      tpu.wait_dma2 semaphore(%run_scoped3A : memref<!tpu.dma_semaphore, #tpu.memory_space<semaphore_mem>>) src(%dma_wait3A_60 : memref<128x128xf32, #tpu.memory_space<vmem>>) dst(%dma_wait3A_57 : memref<128x128xf32, #tpu.memory_space<vmem_shared>>)
      tpu.yield
    }) : () -> ()
    %add3A_7 = arith.constant 256 : i32
    %add3A_8 = arith.addi %mul3A_0, %add3A_7 : i32
    "tpu.region"() ({
      %run_scoped3A = tpu.sem_alloc : memref<!tpu.dma_semaphore, #tpu.memory_space<semaphore_mem>>
      %dma_start3A = arith.constant 0 : i32
      %dma_start3A_43 = arith.constant 0 : i32
      %dma_start3A_44 = tpu.memref_slice %arg9[%dma_start3A, %dma_start3A_43] : memref<128x128xf32, #tpu.memory_space<vmem>> -> memref<128x128xf32, #tpu.memory_space<vmem>>
      %dma_start3A_45 = arith.constant 0 : i32
      %dma_start3A_46 = tpu.memref_slice %arg11[%add3A_8, %dma_start3A_45] : memref<10240x128xf32, #tpu.memory_space<vmem_shared>> -> memref<128x128xf32, #tpu.memory_space<vmem_shared>>
      %dma_start3A_47 = arith.constant 0 : i32
      %dma_start3A_48 = tpu.memref_slice %arg11[%add3A_8, %dma_start3A_47] : memref<10240x128xf32, #tpu.memory_space<vmem_shared>> -> memref<128x128xf32, #tpu.memory_space<vmem_shared>>
      %dma_start3A_49 = arith.constant 0 : i32
      %dma_start3A_50 = arith.constant 0 : i32
      %dma_start3A_51 = tpu.memref_slice %arg9[%dma_start3A_49, %dma_start3A_50] : memref<128x128xf32, #tpu.memory_space<vmem>> -> memref<128x128xf32, #tpu.memory_space<vmem>>
      tpu.enqueue_dma source(%dma_start3A_51 : memref<128x128xf32, #tpu.memory_space<vmem>>) target(%dma_start3A_48 : memref<128x128xf32, #tpu.memory_space<vmem_shared>>) target_semaphore(%run_scoped3A : memref<!tpu.dma_semaphore, #tpu.memory_space<semaphore_mem>>)
      %dma_wait3A = arith.constant 0 : i32
      %dma_wait3A_52 = arith.constant 0 : i32
      %dma_wait3A_53 = tpu.memref_slice %arg9[%dma_wait3A, %dma_wait3A_52] : memref<128x128xf32, #tpu.memory_space<vmem>> -> memref<128x128xf32, #tpu.memory_space<vmem>>
      %dma_wait3A_54 = arith.constant 0 : i32
      %dma_wait3A_55 = tpu.memref_slice %arg11[%add3A_8, %dma_wait3A_54] : memref<10240x128xf32, #tpu.memory_space<vmem_shared>> -> memref<128x128xf32, #tpu.memory_space<vmem_shared>>
      %dma_wait3A_56 = arith.constant 0 : i32
      %dma_wait3A_57 = tpu.memref_slice %arg11[%add3A_8, %dma_wait3A_56] : memref<10240x128xf32, #tpu.memory_space<vmem_shared>> -> memref<128x128xf32, #tpu.memory_space<vmem_shared>>
      %dma_wait3A_58 = arith.constant 0 : i32
      %dma_wait3A_59 = arith.constant 0 : i32
      %dma_wait3A_60 = tpu.memref_slice %arg9[%dma_wait3A_58, %dma_wait3A_59] : memref<128x128xf32, #tpu.memory_space<vmem>> -> memref<128x128xf32, #tpu.memory_space<vmem>>
      tpu.wait_dma2 semaphore(%run_scoped3A : memref<!tpu.dma_semaphore, #tpu.memory_space<semaphore_mem>>) src(%dma_wait3A_60 : memref<128x128xf32, #tpu.memory_space<vmem>>) dst(%dma_wait3A_57 : memref<128x128xf32, #tpu.memory_space<vmem_shared>>)
      tpu.yield
    }) : () -> ()
    %add3A_9 = arith.constant 384 : i32
    %add3A_10 = arith.addi %mul3A_0, %add3A_9 : i32
    "tpu.region"() ({
      %run_scoped3A = tpu.sem_alloc : memref<!tpu.dma_semaphore, #tpu.memory_space<semaphore_mem>>
      %dma_start3A = arith.constant 0 : i32
      %dma_start3A_43 = arith.constant 0 : i32
      %dma_start3A_44 = tpu.memref_slice %arg9[%dma_start3A, %dma_start3A_43] : memref<128x128xf32, #tpu.memory_space<vmem>> -> memref<128x128xf32, #tpu.memory_space<vmem>>
      %dma_start3A_45 = arith.constant 0 : i32
      %dma_start3A_46 = tpu.memref_slice %arg11[%add3A_10, %dma_start3A_45] : memref<10240x128xf32, #tpu.memory_space<vmem_shared>> -> memref<128x128xf32, #tpu.memory_space<vmem_shared>>
      %dma_start3A_47 = arith.constant 0 : i32
      %dma_start3A_48 = tpu.memref_slice %arg11[%add3A_10, %dma_start3A_47] : memref<10240x128xf32, #tpu.memory_space<vmem_shared>> -> memref<128x128xf32, #tpu.memory_space<vmem_shared>>
      %dma_start3A_49 = arith.constant 0 : i32
      %dma_start3A_50 = arith.constant 0 : i32
      %dma_start3A_51 = tpu.memref_slice %arg9[%dma_start3A_49, %dma_start3A_50] : memref<128x128xf32, #tpu.memory_space<vmem>> -> memref<128x128xf32, #tpu.memory_space<vmem>>
      tpu.enqueue_dma source(%dma_start3A_51 : memref<128x128xf32, #tpu.memory_space<vmem>>) target(%dma_start3A_48 : memref<128x128xf32, #tpu.memory_space<vmem_shared>>) target_semaphore(%run_scoped3A : memref<!tpu.dma_semaphore, #tpu.memory_space<semaphore_mem>>)
      %dma_wait3A = arith.constant 0 : i32
      %dma_wait3A_52 = arith.constant 0 : i32
      %dma_wait3A_53 = tpu.memref_slice %arg9[%dma_wait3A, %dma_wait3A_52] : memref<128x128xf32, #tpu.memory_space<vmem>> -> memref<128x128xf32, #tpu.memory_space<vmem>>
      %dma_wait3A_54 = arith.constant 0 : i32
      %dma_wait3A_55 = tpu.memref_slice %arg11[%add3A_10, %dma_wait3A_54] : memref<10240x128xf32, #tpu.memory_space<vmem_shared>> -> memref<128x128xf32, #tpu.memory_space<vmem_shared>>
      %dma_wait3A_56 = arith.constant 0 : i32
      %dma_wait3A_57 = tpu.memref_slice %arg11[%add3A_10, %dma_wait3A_56] : memref<10240x128xf32, #tpu.memory_space<vmem_shared>> -> memref<128x128xf32, #tpu.memory_space<vmem_shared>>
      %dma_wait3A_58 = arith.constant 0 : i32
      %dma_wait3A_59 = arith.constant 0 : i32
      %dma_wait3A_60 = tpu.memref_slice %arg9[%dma_wait3A_58, %dma_wait3A_59] : memref<128x128xf32, #tpu.memory_space<vmem>> -> memref<128x128xf32, #tpu.memory_space<vmem>>
      tpu.wait_dma2 semaphore(%run_scoped3A : memref<!tpu.dma_semaphore, #tpu.memory_space<semaphore_mem>>) src(%dma_wait3A_60 : memref<128x128xf32, #tpu.memory_space<vmem>>) dst(%dma_wait3A_57 : memref<128x128xf32, #tpu.memory_space<vmem_shared>>)
      tpu.yield
    }) : () -> ()
    %add3A_11 = arith.constant 512 : i32
    %add3A_12 = arith.addi %mul3A_0, %add3A_11 : i32
    "tpu.region"() ({
      %run_scoped3A = tpu.sem_alloc : memref<!tpu.dma_semaphore, #tpu.memory_space<semaphore_mem>>
      %dma_start3A = arith.constant 0 : i32
      %dma_start3A_43 = arith.constant 0 : i32
      %dma_start3A_44 = tpu.memref_slice %arg9[%dma_start3A, %dma_start3A_43] : memref<128x128xf32, #tpu.memory_space<vmem>> -> memref<128x128xf32, #tpu.memory_space<vmem>>
      %dma_start3A_45 = arith.constant 0 : i32
      %dma_start3A_46 = tpu.memref_slice %arg11[%add3A_12, %dma_start3A_45] : memref<10240x128xf32, #tpu.memory_space<vmem_shared>> -> memref<128x128xf32, #tpu.memory_space<vmem_shared>>
      %dma_start3A_47 = arith.constant 0 : i32
      %dma_start3A_48 = tpu.memref_slice %arg11[%add3A_12, %dma_start3A_47] : memref<10240x128xf32, #tpu.memory_space<vmem_shared>> -> memref<128x128xf32, #tpu.memory_space<vmem_shared>>
      %dma_start3A_49 = arith.constant 0 : i32
      %dma_start3A_50 = arith.constant 0 : i32
      %dma_start3A_51 = tpu.memref_slice %arg9[%dma_start3A_49, %dma_start3A_50] : memref<128x128xf32, #tpu.memory_space<vmem>> -> memref<128x128xf32, #tpu.memory_space<vmem>>
      tpu.enqueue_dma source(%dma_start3A_51 : memref<128x128xf32, #tpu.memory_space<vmem>>) target(%dma_start3A_48 : memref<128x128xf32, #tpu.memory_space<vmem_shared>>) target_semaphore(%run_scoped3A : memref<!tpu.dma_semaphore, #tpu.memory_space<semaphore_mem>>)
      %dma_wait3A = arith.constant 0 : i32
      %dma_wait3A_52 = arith.constant 0 : i32
      %dma_wait3A_53 = tpu.memref_slice %arg9[%dma_wait3A, %dma_wait3A_52] : memref<128x128xf32, #tpu.memory_space<vmem>> -> memref<128x128xf32, #tpu.memory_space<vmem>>
      %dma_wait3A_54 = arith.constant 0 : i32
      %dma_wait3A_55 = tpu.memref_slice %arg11[%add3A_12, %dma_wait3A_54] : memref<10240x128xf32, #tpu.memory_space<vmem_shared>> -> memref<128x128xf32, #tpu.memory_space<vmem_shared>>
      %dma_wait3A_56 = arith.constant 0 : i32
      %dma_wait3A_57 = tpu.memref_slice %arg11[%add3A_12, %dma_wait3A_56] : memref<10240x128xf32, #tpu.memory_space<vmem_shared>> -> memref<128x128xf32, #tpu.memory_space<vmem_shared>>
      %dma_wait3A_58 = arith.constant 0 : i32
      %dma_wait3A_59 = arith.constant 0 : i32
      %dma_wait3A_60 = tpu.memref_slice %arg9[%dma_wait3A_58, %dma_wait3A_59] : memref<128x128xf32, #tpu.memory_space<vmem>> -> memref<128x128xf32, #tpu.memory_space<vmem>>
      tpu.wait_dma2 semaphore(%run_scoped3A : memref<!tpu.dma_semaphore, #tpu.memory_space<semaphore_mem>>) src(%dma_wait3A_60 : memref<128x128xf32, #tpu.memory_space<vmem>>) dst(%dma_wait3A_57 : memref<128x128xf32, #tpu.memory_space<vmem_shared>>)
      tpu.yield
    }) : () -> ()
    %barrier3A = arith.constant 0 : index
    tpu.barrier barrier_id(%barrier3A)
    "tpu.region"() ({
      %run_scoped3A = tpu.sem_alloc : memref<!tpu.dma_semaphore, #tpu.memory_space<semaphore_mem>>
      %dma_start3A = arith.constant 0 : i32
      %dma_start3A_43 = arith.constant 0 : i32
      %dma_start3A_44 = tpu.memref_slice %arg3[%add3A, %dma_start3A, %dma_start3A_43] : memref<32x80x128xi32, #tpu.memory_space<hbm>> -> memref<1x40x128xi32, #tpu.memory_space<hbm>>
      %dma_start3A_45 = tpu.memref_squeeze %dma_start3A_44 : memref<1x40x128xi32, #tpu.memory_space<hbm>> -> memref<40x128xi32, #tpu.memory_space<hbm>>
      %dma_start3A_46 = arith.constant 0 : i32
      %dma_start3A_47 = arith.constant 0 : i32
      %dma_start3A_48 = tpu.memref_slice %arg3[%add3A, %dma_start3A_46, %dma_start3A_47] : memref<32x80x128xi32, #tpu.memory_space<hbm>> -> memref<1x40x128xi32, #tpu.memory_space<hbm>>
      %dma_start3A_49 = tpu.memref_squeeze %dma_start3A_48 : memref<1x40x128xi32, #tpu.memory_space<hbm>> -> memref<40x128xi32, #tpu.memory_space<hbm>>
      tpu.enqueue_dma source(%dma_start3A_49 : memref<40x128xi32, #tpu.memory_space<hbm>>) target(%arg7 : memref<40x128xi32, #tpu.memory_space<vmem>>) target_semaphore(%run_scoped3A : memref<!tpu.dma_semaphore, #tpu.memory_space<semaphore_mem>>)
      %dma_wait3A = arith.constant 0 : i32
      %dma_wait3A_50 = arith.constant 0 : i32
      %dma_wait3A_51 = tpu.memref_slice %arg3[%add3A, %dma_wait3A, %dma_wait3A_50] : memref<32x80x128xi32, #tpu.memory_space<hbm>> -> memref<1x40x128xi32, #tpu.memory_space<hbm>>
      %dma_wait3A_52 = tpu.memref_squeeze %dma_wait3A_51 : memref<1x40x128xi32, #tpu.memory_space<hbm>> -> memref<40x128xi32, #tpu.memory_space<hbm>>
      %dma_wait3A_53 = arith.constant 0 : i32
      %dma_wait3A_54 = arith.constant 0 : i32
      %dma_wait3A_55 = tpu.memref_slice %arg3[%add3A, %dma_wait3A_53, %dma_wait3A_54] : memref<32x80x128xi32, #tpu.memory_space<hbm>> -> memref<1x40x128xi32, #tpu.memory_space<hbm>>
      %dma_wait3A_56 = tpu.memref_squeeze %dma_wait3A_55 : memref<1x40x128xi32, #tpu.memory_space<hbm>> -> memref<40x128xi32, #tpu.memory_space<hbm>>
      tpu.wait_dma2 semaphore(%run_scoped3A : memref<!tpu.dma_semaphore, #tpu.memory_space<semaphore_mem>>) src(%dma_wait3A_56 : memref<40x128xi32, #tpu.memory_space<hbm>>) dst(%arg7 : memref<40x128xi32, #tpu.memory_space<vmem>>)
      tpu.yield
    }) : () -> ()
    "tpu.region"() ({
      %run_scoped3A = tpu.sem_alloc : memref<!tpu.dma_semaphore, #tpu.memory_space<semaphore_mem>>
      %dma_start3A = arith.constant 0 : i32
      %dma_start3A_43 = arith.constant 0 : i32
      %dma_start3A_44 = tpu.memref_slice %arg4[%add3A, %dma_start3A, %dma_start3A_43] : memref<32x80x128xi32, #tpu.memory_space<hbm>> -> memref<1x40x128xi32, #tpu.memory_space<hbm>>
      %dma_start3A_45 = tpu.memref_squeeze %dma_start3A_44 : memref<1x40x128xi32, #tpu.memory_space<hbm>> -> memref<40x128xi32, #tpu.memory_space<hbm>>
      %dma_start3A_46 = arith.constant 0 : i32
      %dma_start3A_47 = arith.constant 0 : i32
      %dma_start3A_48 = tpu.memref_slice %arg4[%add3A, %dma_start3A_46, %dma_start3A_47] : memref<32x80x128xi32, #tpu.memory_space<hbm>> -> memref<1x40x128xi32, #tpu.memory_space<hbm>>
      %dma_start3A_49 = tpu.memref_squeeze %dma_start3A_48 : memref<1x40x128xi32, #tpu.memory_space<hbm>> -> memref<40x128xi32, #tpu.memory_space<hbm>>
      tpu.enqueue_dma source(%dma_start3A_49 : memref<40x128xi32, #tpu.memory_space<hbm>>) target(%arg8 : memref<40x128xi32, #tpu.memory_space<vmem>>) target_semaphore(%run_scoped3A : memref<!tpu.dma_semaphore, #tpu.memory_space<semaphore_mem>>)
      %dma_wait3A = arith.constant 0 : i32
      %dma_wait3A_50 = arith.constant 0 : i32
      %dma_wait3A_51 = tpu.memref_slice %arg4[%add3A, %dma_wait3A, %dma_wait3A_50] : memref<32x80x128xi32, #tpu.memory_space<hbm>> -> memref<1x40x128xi32, #tpu.memory_space<hbm>>
      %dma_wait3A_52 = tpu.memref_squeeze %dma_wait3A_51 : memref<1x40x128xi32, #tpu.memory_space<hbm>> -> memref<40x128xi32, #tpu.memory_space<hbm>>
      %dma_wait3A_53 = arith.constant 0 : i32
      %dma_wait3A_54 = arith.constant 0 : i32
      %dma_wait3A_55 = tpu.memref_slice %arg4[%add3A, %dma_wait3A_53, %dma_wait3A_54] : memref<32x80x128xi32, #tpu.memory_space<hbm>> -> memref<1x40x128xi32, #tpu.memory_space<hbm>>
      %dma_wait3A_56 = tpu.memref_squeeze %dma_wait3A_55 : memref<1x40x128xi32, #tpu.memory_space<hbm>> -> memref<40x128xi32, #tpu.memory_space<hbm>>
      tpu.wait_dma2 semaphore(%run_scoped3A : memref<!tpu.dma_semaphore, #tpu.memory_space<semaphore_mem>>) src(%dma_wait3A_56 : memref<40x128xi32, #tpu.memory_space<hbm>>) dst(%arg8 : memref<40x128xi32, #tpu.memory_space<vmem>>)
      tpu.yield
    }) : () -> ()
    %scan3A = arith.constant 0 : i32
    %scan3A_13 = arith.constant 20 : i32
    %scan3A_14 = arith.addi %scan3A, %scan3A_13 : i32
    %scan3A_15 = arith.constant 1 : i32
    scf.for %scan3A_43 = %scan3A to %scan3A_14 step %scan3A_15  : i32 {
      %mul3A_44 = arith.constant 2 : i32
      %mul3A_45 = arith.muli %scan3A_43, %mul3A_44 : i32
      %add3A_46 = arith.constant 0 : i32
      %add3A_47 = arith.addi %add3A_46, %mul3A_45 : i32
      %dma_start3A = arith.constant 0 : i32
      %dma_start3A_48 = tpu.memref_slice %arg7[%add3A_47, %dma_start3A] : memref<40x128xi32, #tpu.memory_space<vmem>> -> memref<1x128xi32, #tpu.memory_space<vmem>>
      %dma_start3A_49 = tpu.memref_squeeze %dma_start3A_48 : memref<1x128xi32, #tpu.memory_space<vmem>> -> memref<128xi32, #tpu.memory_space<vmem>>
      %dma_start3A_50 = arith.constant 0 : i32
      %dma_start3A_51 = arith.constant 0 : i32
      %dma_start3A_52 = tpu.memref_slice %arg2[%dma_start3A_50, %dma_start3A_51] : memref<10000x128xf32, #tpu.memory_space<hbm>> -> memref<10000x128xf32, #tpu.memory_space<hbm>>
      tpu.enqueue_indirect_dma source(%dma_start3A_52 : memref<10000x128xf32, #tpu.memory_space<hbm>>) target(%arg9 : memref<128x128xf32, #tpu.memory_space<vmem>>) offsets(%dma_start3A_49 : memref<128xi32, #tpu.memory_space<vmem>>) semaphore(%arg12 : memref<!tpu.dma_semaphore, #tpu.memory_space<semaphore_mem>>)
      %add3A_53 = arith.constant 1 : i32
      %add3A_54 = arith.addi %add3A_47, %add3A_53 : i32
      %dma_start3A_55 = arith.constant 0 : i32
      %dma_start3A_56 = tpu.memref_slice %arg7[%add3A_54, %dma_start3A_55] : memref<40x128xi32, #tpu.memory_space<vmem>> -> memref<1x128xi32, #tpu.memory_space<vmem>>
      %dma_start3A_57 = tpu.memref_squeeze %dma_start3A_56 : memref<1x128xi32, #tpu.memory_space<vmem>> -> memref<128xi32, #tpu.memory_space<vmem>>
      %dma_start3A_58 = arith.constant 0 : i32
      %dma_start3A_59 = arith.constant 0 : i32
      %dma_start3A_60 = tpu.memref_slice %arg2[%dma_start3A_58, %dma_start3A_59] : memref<10000x128xf32, #tpu.memory_space<hbm>> -> memref<10000x128xf32, #tpu.memory_space<hbm>>
      tpu.enqueue_indirect_dma source(%dma_start3A_60 : memref<10000x128xf32, #tpu.memory_space<hbm>>) target(%arg10 : memref<128x128xf32, #tpu.memory_space<vmem>>) offsets(%dma_start3A_57 : memref<128xi32, #tpu.memory_space<vmem>>) semaphore(%arg13 : memref<!tpu.dma_semaphore, #tpu.memory_space<semaphore_mem>>)
      %dma_wait3A = arith.constant 0 : i32
      %dma_wait3A_61 = tpu.memref_slice %arg7[%add3A_47, %dma_wait3A] : memref<40x128xi32, #tpu.memory_space<vmem>> -> memref<1x128xi32, #tpu.memory_space<vmem>>
      %dma_wait3A_62 = tpu.memref_squeeze %dma_wait3A_61 : memref<1x128xi32, #tpu.memory_space<vmem>> -> memref<128xi32, #tpu.memory_space<vmem>>
      %dma_wait3A_63 = arith.constant 0 : i32
      %dma_wait3A_64 = arith.constant 0 : i32
      %dma_wait3A_65 = tpu.memref_slice %arg2[%dma_wait3A_63, %dma_wait3A_64] : memref<10000x128xf32, #tpu.memory_space<hbm>> -> memref<10000x128xf32, #tpu.memory_space<hbm>>
      tpu.wait_indirect_dma semaphore(%arg12 : memref<!tpu.dma_semaphore, #tpu.memory_space<semaphore_mem>>) src(%dma_wait3A_65 : memref<10000x128xf32, #tpu.memory_space<hbm>>) dst(%arg9 : memref<128x128xf32, #tpu.memory_space<vmem>>)
      "tpu.region"() ({
        %run_scoped3A = tpu.sem_alloc : memref<!tpu.dma_semaphore, #tpu.memory_space<semaphore_mem>>
        %dma_start3A_74 = arith.constant 0 : i32
        %dma_start3A_75 = tpu.memref_slice %arg8[%add3A_47, %dma_start3A_74] : memref<40x128xi32, #tpu.memory_space<vmem>> -> memref<1x128xi32, #tpu.memory_space<vmem>>
        %dma_start3A_76 = tpu.memref_squeeze %dma_start3A_75 : memref<1x128xi32, #tpu.memory_space<vmem>> -> memref<128xi32, #tpu.memory_space<vmem>>
        %dma_start3A_77 = arith.constant 0 : i32
        %dma_start3A_78 = arith.constant 0 : i32
        %dma_start3A_79 = tpu.memref_slice %arg11[%dma_start3A_77, %dma_start3A_78] : memref<10240x128xf32, #tpu.memory_space<vmem_shared>> -> memref<10240x128xf32, #tpu.memory_space<vmem_shared>>
        tpu.enqueue_indirect_dma source(%arg9 : memref<128x128xf32, #tpu.memory_space<vmem>>) target(%dma_start3A_79 : memref<10240x128xf32, #tpu.memory_space<vmem_shared>>) offsets(%dma_start3A_76 : memref<128xi32, #tpu.memory_space<vmem>>) semaphore(%run_scoped3A : memref<!tpu.dma_semaphore, #tpu.memory_space<semaphore_mem>>) {add = true}
        %dma_wait3A_80 = arith.constant 0 : i32
        %dma_wait3A_81 = tpu.memref_slice %arg8[%add3A_47, %dma_wait3A_80] : memref<40x128xi32, #tpu.memory_space<vmem>> -> memref<1x128xi32, #tpu.memory_space<vmem>>
        %dma_wait3A_82 = tpu.memref_squeeze %dma_wait3A_81 : memref<1x128xi32, #tpu.memory_space<vmem>> -> memref<128xi32, #tpu.memory_space<vmem>>
        %dma_wait3A_83 = arith.constant 0 : i32
        %dma_wait3A_84 = arith.constant 0 : i32
        %dma_wait3A_85 = tpu.memref_slice %arg11[%dma_wait3A_83, %dma_wait3A_84] : memref<10240x128xf32, #tpu.memory_space<vmem_shared>> -> memref<10240x128xf32, #tpu.memory_space<vmem_shared>>
        tpu.wait_indirect_dma semaphore(%run_scoped3A : memref<!tpu.dma_semaphore, #tpu.memory_space<semaphore_mem>>) src(%arg9 : memref<128x128xf32, #tpu.memory_space<vmem>>) dst(%dma_wait3A_85 : memref<10240x128xf32, #tpu.memory_space<vmem_shared>>)
        tpu.yield
      }) : () -> ()
      %dma_wait3A_66 = arith.constant 0 : i32
      %dma_wait3A_67 = tpu.memref_slice %arg7[%add3A_54, %dma_wait3A_66] : memref<40x128xi32, #tpu.memory_space<vmem>> -> memref<1x128xi32, #tpu.memory_space<vmem>>
      %dma_wait3A_68 = tpu.memref_squeeze %dma_wait3A_67 : memref<1x128xi32, #tpu.memory_space<vmem>> -> memref<128xi32, #tpu.memory_space<vmem>>
      %dma_wait3A_69 = arith.constant 0 : i32
      %dma_wait3A_70 = arith.constant 0 : i32
      %dma_wait3A_71 = tpu.memref_slice %arg2[%dma_wait3A_69, %dma_wait3A_70] : memref<10000x128xf32, #tpu.memory_space<hbm>> -> memref<10000x128xf32, #tpu.memory_space<hbm>>
      tpu.wait_indirect_dma semaphore(%arg13 : memref<!tpu.dma_semaphore, #tpu.memory_space<semaphore_mem>>) src(%dma_wait3A_71 : memref<10000x128xf32, #tpu.memory_space<hbm>>) dst(%arg10 : memref<128x128xf32, #tpu.memory_space<vmem>>)
      %add3A_72 = arith.constant 1 : i32
      %add3A_73 = arith.addi %add3A_47, %add3A_72 : i32
      "tpu.region"() ({
        %run_scoped3A = tpu.sem_alloc : memref<!tpu.dma_semaphore, #tpu.memory_space<semaphore_mem>>
        %dma_start3A_74 = arith.constant 0 : i32
        %dma_start3A_75 = tpu.memref_slice %arg8[%add3A_73, %dma_start3A_74] : memref<40x128xi32, #tpu.memory_space<vmem>> -> memref<1x128xi32, #tpu.memory_space<vmem>>
        %dma_start3A_76 = tpu.memref_squeeze %dma_start3A_75 : memref<1x128xi32, #tpu.memory_space<vmem>> -> memref<128xi32, #tpu.memory_space<vmem>>
        %dma_start3A_77 = arith.constant 0 : i32
        %dma_start3A_78 = arith.constant 0 : i32
        %dma_start3A_79 = tpu.memref_slice %arg11[%dma_start3A_77, %dma_start3A_78] : memref<10240x128xf32, #tpu.memory_space<vmem_shared>> -> memref<10240x128xf32, #tpu.memory_space<vmem_shared>>
        tpu.enqueue_indirect_dma source(%arg10 : memref<128x128xf32, #tpu.memory_space<vmem>>) target(%dma_start3A_79 : memref<10240x128xf32, #tpu.memory_space<vmem_shared>>) offsets(%dma_start3A_76 : memref<128xi32, #tpu.memory_space<vmem>>) semaphore(%run_scoped3A : memref<!tpu.dma_semaphore, #tpu.memory_space<semaphore_mem>>) {add = true}
        %dma_wait3A_80 = arith.constant 0 : i32
        %dma_wait3A_81 = tpu.memref_slice %arg8[%add3A_73, %dma_wait3A_80] : memref<40x128xi32, #tpu.memory_space<vmem>> -> memref<1x128xi32, #tpu.memory_space<vmem>>
        %dma_wait3A_82 = tpu.memref_squeeze %dma_wait3A_81 : memref<1x128xi32, #tpu.memory_space<vmem>> -> memref<128xi32, #tpu.memory_space<vmem>>
        %dma_wait3A_83 = arith.constant 0 : i32
        %dma_wait3A_84 = arith.constant 0 : i32
        %dma_wait3A_85 = tpu.memref_slice %arg11[%dma_wait3A_83, %dma_wait3A_84] : memref<10240x128xf32, #tpu.memory_space<vmem_shared>> -> memref<10240x128xf32, #tpu.memory_space<vmem_shared>>
        tpu.wait_indirect_dma semaphore(%run_scoped3A : memref<!tpu.dma_semaphore, #tpu.memory_space<semaphore_mem>>) src(%arg10 : memref<128x128xf32, #tpu.memory_space<vmem>>) dst(%dma_wait3A_85 : memref<10240x128xf32, #tpu.memory_space<vmem_shared>>)
        tpu.yield
      }) : () -> ()
    }
    %scan3A_16 = arith.constant 20 : i32
    "tpu.region"() ({
      %run_scoped3A = tpu.sem_alloc : memref<!tpu.dma_semaphore, #tpu.memory_space<semaphore_mem>>
      %dma_start3A = arith.constant 40 : i32
      %dma_start3A_43 = arith.constant 0 : i32
      %dma_start3A_44 = tpu.memref_slice %arg3[%add3A, %dma_start3A, %dma_start3A_43] : memref<32x80x128xi32, #tpu.memory_space<hbm>> -> memref<1x40x128xi32, #tpu.memory_space<hbm>>
      %dma_start3A_45 = tpu.memref_squeeze %dma_start3A_44 : memref<1x40x128xi32, #tpu.memory_space<hbm>> -> memref<40x128xi32, #tpu.memory_space<hbm>>
      %dma_start3A_46 = arith.constant 40 : i32
      %dma_start3A_47 = arith.constant 0 : i32
      %dma_start3A_48 = tpu.memref_slice %arg3[%add3A, %dma_start3A_46, %dma_start3A_47] : memref<32x80x128xi32, #tpu.memory_space<hbm>> -> memref<1x40x128xi32, #tpu.memory_space<hbm>>
      %dma_start3A_49 = tpu.memref_squeeze %dma_start3A_48 : memref<1x40x128xi32, #tpu.memory_space<hbm>> -> memref<40x128xi32, #tpu.memory_space<hbm>>
      tpu.enqueue_dma source(%dma_start3A_49 : memref<40x128xi32, #tpu.memory_space<hbm>>) target(%arg7 : memref<40x128xi32, #tpu.memory_space<vmem>>) target_semaphore(%run_scoped3A : memref<!tpu.dma_semaphore, #tpu.memory_space<semaphore_mem>>)
      %dma_wait3A = arith.constant 40 : i32
      %dma_wait3A_50 = arith.constant 0 : i32
      %dma_wait3A_51 = tpu.memref_slice %arg3[%add3A, %dma_wait3A, %dma_wait3A_50] : memref<32x80x128xi32, #tpu.memory_space<hbm>> -> memref<1x40x128xi32, #tpu.memory_space<hbm>>
      %dma_wait3A_52 = tpu.memref_squeeze %dma_wait3A_51 : memref<1x40x128xi32, #tpu.memory_space<hbm>> -> memref<40x128xi32, #tpu.memory_space<hbm>>
      %dma_wait3A_53 = arith.constant 40 : i32
      %dma_wait3A_54 = arith.constant 0 : i32
      %dma_wait3A_55 = tpu.memref_slice %arg3[%add3A, %dma_wait3A_53, %dma_wait3A_54] : memref<32x80x128xi32, #tpu.memory_space<hbm>> -> memref<1x40x128xi32, #tpu.memory_space<hbm>>
      %dma_wait3A_56 = tpu.memref_squeeze %dma_wait3A_55 : memref<1x40x128xi32, #tpu.memory_space<hbm>> -> memref<40x128xi32, #tpu.memory_space<hbm>>
      tpu.wait_dma2 semaphore(%run_scoped3A : memref<!tpu.dma_semaphore, #tpu.memory_space<semaphore_mem>>) src(%dma_wait3A_56 : memref<40x128xi32, #tpu.memory_space<hbm>>) dst(%arg7 : memref<40x128xi32, #tpu.memory_space<vmem>>)
      tpu.yield
    }) : () -> ()
    "tpu.region"() ({
      %run_scoped3A = tpu.sem_alloc : memref<!tpu.dma_semaphore, #tpu.memory_space<semaphore_mem>>
      %dma_start3A = arith.constant 40 : i32
      %dma_start3A_43 = arith.constant 0 : i32
      %dma_start3A_44 = tpu.memref_slice %arg4[%add3A, %dma_start3A, %dma_start3A_43] : memref<32x80x128xi32, #tpu.memory_space<hbm>> -> memref<1x40x128xi32, #tpu.memory_space<hbm>>
      %dma_start3A_45 = tpu.memref_squeeze %dma_start3A_44 : memref<1x40x128xi32, #tpu.memory_space<hbm>> -> memref<40x128xi32, #tpu.memory_space<hbm>>
      %dma_start3A_46 = arith.constant 40 : i32
      %dma_start3A_47 = arith.constant 0 : i32
      %dma_start3A_48 = tpu.memref_slice %arg4[%add3A, %dma_start3A_46, %dma_start3A_47] : memref<32x80x128xi32, #tpu.memory_space<hbm>> -> memref<1x40x128xi32, #tpu.memory_space<hbm>>
      %dma_start3A_49 = tpu.memref_squeeze %dma_start3A_48 : memref<1x40x128xi32, #tpu.memory_space<hbm>> -> memref<40x128xi32, #tpu.memory_space<hbm>>
      tpu.enqueue_dma source(%dma_start3A_49 : memref<40x128xi32, #tpu.memory_space<hbm>>) target(%arg8 : memref<40x128xi32, #tpu.memory_space<vmem>>) target_semaphore(%run_scoped3A : memref<!tpu.dma_semaphore, #tpu.memory_space<semaphore_mem>>)
      %dma_wait3A = arith.constant 40 : i32
      %dma_wait3A_50 = arith.constant 0 : i32
      %dma_wait3A_51 = tpu.memref_slice %arg4[%add3A, %dma_wait3A, %dma_wait3A_50] : memref<32x80x128xi32, #tpu.memory_space<hbm>> -> memref<1x40x128xi32, #tpu.memory_space<hbm>>
      %dma_wait3A_52 = tpu.memref_squeeze %dma_wait3A_51 : memref<1x40x128xi32, #tpu.memory_space<hbm>> -> memref<40x128xi32, #tpu.memory_space<hbm>>
      %dma_wait3A_53 = arith.constant 40 : i32
      %dma_wait3A_54 = arith.constant 0 : i32
      %dma_wait3A_55 = tpu.memref_slice %arg4[%add3A, %dma_wait3A_53, %dma_wait3A_54] : memref<32x80x128xi32, #tpu.memory_space<hbm>> -> memref<1x40x128xi32, #tpu.memory_space<hbm>>
      %dma_wait3A_56 = tpu.memref_squeeze %dma_wait3A_55 : memref<1x40x128xi32, #tpu.memory_space<hbm>> -> memref<40x128xi32, #tpu.memory_space<hbm>>
      tpu.wait_dma2 semaphore(%run_scoped3A : memref<!tpu.dma_semaphore, #tpu.memory_space<semaphore_mem>>) src(%dma_wait3A_56 : memref<40x128xi32, #tpu.memory_space<hbm>>) dst(%arg8 : memref<40x128xi32, #tpu.memory_space<vmem>>)
      tpu.yield
    }) : () -> ()
    %scan3A_17 = arith.constant 0 : i32
    %scan3A_18 = arith.constant 20 : i32
    %scan3A_19 = arith.addi %scan3A_17, %scan3A_18 : i32
    %scan3A_20 = arith.constant 1 : i32
    scf.for %scan3A_43 = %scan3A_17 to %scan3A_19 step %scan3A_20  : i32 {
      %mul3A_44 = arith.constant 2 : i32
      %mul3A_45 = arith.muli %scan3A_43, %mul3A_44 : i32
      %add3A_46 = arith.constant 0 : i32
      %add3A_47 = arith.addi %add3A_46, %mul3A_45 : i32
      %dma_start3A = arith.constant 0 : i32
      %dma_start3A_48 = tpu.memref_slice %arg7[%add3A_47, %dma_start3A] : memref<40x128xi32, #tpu.memory_space<vmem>> -> memref<1x128xi32, #tpu.memory_space<vmem>>
      %dma_start3A_49 = tpu.memref_squeeze %dma_start3A_48 : memref<1x128xi32, #tpu.memory_space<vmem>> -> memref<128xi32, #tpu.memory_space<vmem>>
      %dma_start3A_50 = arith.constant 0 : i32
      %dma_start3A_51 = arith.constant 0 : i32
      %dma_start3A_52 = tpu.memref_slice %arg2[%dma_start3A_50, %dma_start3A_51] : memref<10000x128xf32, #tpu.memory_space<hbm>> -> memref<10000x128xf32, #tpu.memory_space<hbm>>
      tpu.enqueue_indirect_dma source(%dma_start3A_52 : memref<10000x128xf32, #tpu.memory_space<hbm>>) target(%arg9 : memref<128x128xf32, #tpu.memory_space<vmem>>) offsets(%dma_start3A_49 : memref<128xi32, #tpu.memory_space<vmem>>) semaphore(%arg12 : memref<!tpu.dma_semaphore, #tpu.memory_space<semaphore_mem>>)
      %add3A_53 = arith.constant 1 : i32
      %add3A_54 = arith.addi %add3A_47, %add3A_53 : i32
      %dma_start3A_55 = arith.constant 0 : i32
      %dma_start3A_56 = tpu.memref_slice %arg7[%add3A_54, %dma_start3A_55] : memref<40x128xi32, #tpu.memory_space<vmem>> -> memref<1x128xi32, #tpu.memory_space<vmem>>
      %dma_start3A_57 = tpu.memref_squeeze %dma_start3A_56 : memref<1x128xi32, #tpu.memory_space<vmem>> -> memref<128xi32, #tpu.memory_space<vmem>>
      %dma_start3A_58 = arith.constant 0 : i32
      %dma_start3A_59 = arith.constant 0 : i32
      %dma_start3A_60 = tpu.memref_slice %arg2[%dma_start3A_58, %dma_start3A_59] : memref<10000x128xf32, #tpu.memory_space<hbm>> -> memref<10000x128xf32, #tpu.memory_space<hbm>>
      tpu.enqueue_indirect_dma source(%dma_start3A_60 : memref<10000x128xf32, #tpu.memory_space<hbm>>) target(%arg10 : memref<128x128xf32, #tpu.memory_space<vmem>>) offsets(%dma_start3A_57 : memref<128xi32, #tpu.memory_space<vmem>>) semaphore(%arg13 : memref<!tpu.dma_semaphore, #tpu.memory_space<semaphore_mem>>)
      %dma_wait3A = arith.constant 0 : i32
      %dma_wait3A_61 = tpu.memref_slice %arg7[%add3A_47, %dma_wait3A] : memref<40x128xi32, #tpu.memory_space<vmem>> -> memref<1x128xi32, #tpu.memory_space<vmem>>
      %dma_wait3A_62 = tpu.memref_squeeze %dma_wait3A_61 : memref<1x128xi32, #tpu.memory_space<vmem>> -> memref<128xi32, #tpu.memory_space<vmem>>
      %dma_wait3A_63 = arith.constant 0 : i32
      %dma_wait3A_64 = arith.constant 0 : i32
      %dma_wait3A_65 = tpu.memref_slice %arg2[%dma_wait3A_63, %dma_wait3A_64] : memref<10000x128xf32, #tpu.memory_space<hbm>> -> memref<10000x128xf32, #tpu.memory_space<hbm>>
      tpu.wait_indirect_dma semaphore(%arg12 : memref<!tpu.dma_semaphore, #tpu.memory_space<semaphore_mem>>) src(%dma_wait3A_65 : memref<10000x128xf32, #tpu.memory_space<hbm>>) dst(%arg9 : memref<128x128xf32, #tpu.memory_space<vmem>>)
      "tpu.region"() ({
        %run_scoped3A = tpu.sem_alloc : memref<!tpu.dma_semaphore, #tpu.memory_space<semaphore_mem>>
        %dma_start3A_74 = arith.constant 0 : i32
        %dma_start3A_75 = tpu.memref_slice %arg8[%add3A_47, %dma_start3A_74] : memref<40x128xi32, #tpu.memory_space<vmem>> -> memref<1x128xi32, #tpu.memory_space<vmem>>
        %dma_start3A_76 = tpu.memref_squeeze %dma_start3A_75 : memref<1x128xi32, #tpu.memory_space<vmem>> -> memref<128xi32, #tpu.memory_space<vmem>>
        %dma_start3A_77 = arith.constant 0 : i32
        %dma_start3A_78 = arith.constant 0 : i32
        %dma_start3A_79 = tpu.memref_slice %arg11[%dma_start3A_77, %dma_start3A_78] : memref<10240x128xf32, #tpu.memory_space<vmem_shared>> -> memref<10240x128xf32, #tpu.memory_space<vmem_shared>>
        tpu.enqueue_indirect_dma source(%arg9 : memref<128x128xf32, #tpu.memory_space<vmem>>) target(%dma_start3A_79 : memref<10240x128xf32, #tpu.memory_space<vmem_shared>>) offsets(%dma_start3A_76 : memref<128xi32, #tpu.memory_space<vmem>>) semaphore(%run_scoped3A : memref<!tpu.dma_semaphore, #tpu.memory_space<semaphore_mem>>) {add = true}
        %dma_wait3A_80 = arith.constant 0 : i32
        %dma_wait3A_81 = tpu.memref_slice %arg8[%add3A_47, %dma_wait3A_80] : memref<40x128xi32, #tpu.memory_space<vmem>> -> memref<1x128xi32, #tpu.memory_space<vmem>>
        %dma_wait3A_82 = tpu.memref_squeeze %dma_wait3A_81 : memref<1x128xi32, #tpu.memory_space<vmem>> -> memref<128xi32, #tpu.memory_space<vmem>>
        %dma_wait3A_83 = arith.constant 0 : i32
        %dma_wait3A_84 = arith.constant 0 : i32
        %dma_wait3A_85 = tpu.memref_slice %arg11[%dma_wait3A_83, %dma_wait3A_84] : memref<10240x128xf32, #tpu.memory_space<vmem_shared>> -> memref<10240x128xf32, #tpu.memory_space<vmem_shared>>
        tpu.wait_indirect_dma semaphore(%run_scoped3A : memref<!tpu.dma_semaphore, #tpu.memory_space<semaphore_mem>>) src(%arg9 : memref<128x128xf32, #tpu.memory_space<vmem>>) dst(%dma_wait3A_85 : memref<10240x128xf32, #tpu.memory_space<vmem_shared>>)
        tpu.yield
      }) : () -> ()
      %dma_wait3A_66 = arith.constant 0 : i32
      %dma_wait3A_67 = tpu.memref_slice %arg7[%add3A_54, %dma_wait3A_66] : memref<40x128xi32, #tpu.memory_space<vmem>> -> memref<1x128xi32, #tpu.memory_space<vmem>>
      %dma_wait3A_68 = tpu.memref_squeeze %dma_wait3A_67 : memref<1x128xi32, #tpu.memory_space<vmem>> -> memref<128xi32, #tpu.memory_space<vmem>>
      %dma_wait3A_69 = arith.constant 0 : i32
      %dma_wait3A_70 = arith.constant 0 : i32
      %dma_wait3A_71 = tpu.memref_slice %arg2[%dma_wait3A_69, %dma_wait3A_70] : memref<10000x128xf32, #tpu.memory_space<hbm>> -> memref<10000x128xf32, #tpu.memory_space<hbm>>
      tpu.wait_indirect_dma semaphore(%arg13 : memref<!tpu.dma_semaphore, #tpu.memory_space<semaphore_mem>>) src(%dma_wait3A_71 : memref<10000x128xf32, #tpu.memory_space<hbm>>) dst(%arg10 : memref<128x128xf32, #tpu.memory_space<vmem>>)
      %add3A_72 = arith.constant 1 : i32
      %add3A_73 = arith.addi %add3A_47, %add3A_72 : i32
      "tpu.region"() ({
        %run_scoped3A = tpu.sem_alloc : memref<!tpu.dma_semaphore, #tpu.memory_space<semaphore_mem>>
        %dma_start3A_74 = arith.constant 0 : i32
        %dma_start3A_75 = tpu.memref_slice %arg8[%add3A_73, %dma_start3A_74] : memref<40x128xi32, #tpu.memory_space<vmem>> -> memref<1x128xi32, #tpu.memory_space<vmem>>
        %dma_start3A_76 = tpu.memref_squeeze %dma_start3A_75 : memref<1x128xi32, #tpu.memory_space<vmem>> -> memref<128xi32, #tpu.memory_space<vmem>>
        %dma_start3A_77 = arith.constant 0 : i32
        %dma_start3A_78 = arith.constant 0 : i32
        %dma_start3A_79 = tpu.memref_slice %arg11[%dma_start3A_77, %dma_start3A_78] : memref<10240x128xf32, #tpu.memory_space<vmem_shared>> -> memref<10240x128xf32, #tpu.memory_space<vmem_shared>>
        tpu.enqueue_indirect_dma source(%arg10 : memref<128x128xf32, #tpu.memory_space<vmem>>) target(%dma_start3A_79 : memref<10240x128xf32, #tpu.memory_space<vmem_shared>>) offsets(%dma_start3A_76 : memref<128xi32, #tpu.memory_space<vmem>>) semaphore(%run_scoped3A : memref<!tpu.dma_semaphore, #tpu.memory_space<semaphore_mem>>) {add = true}
        %dma_wait3A_80 = arith.constant 0 : i32
        %dma_wait3A_81 = tpu.memref_slice %arg8[%add3A_73, %dma_wait3A_80] : memref<40x128xi32, #tpu.memory_space<vmem>> -> memref<1x128xi32, #tpu.memory_space<vmem>>
        %dma_wait3A_82 = tpu.memref_squeeze %dma_wait3A_81 : memref<1x128xi32, #tpu.memory_space<vmem>> -> memref<128xi32, #tpu.memory_space<vmem>>
        %dma_wait3A_83 = arith.constant 0 : i32
        %dma_wait3A_84 = arith.constant 0 : i32
        %dma_wait3A_85 = tpu.memref_slice %arg11[%dma_wait3A_83, %dma_wait3A_84] : memref<10240x128xf32, #tpu.memory_space<vmem_shared>> -> memref<10240x128xf32, #tpu.memory_space<vmem_shared>>
        tpu.wait_indirect_dma semaphore(%run_scoped3A : memref<!tpu.dma_semaphore, #tpu.memory_space<semaphore_mem>>) src(%arg10 : memref<128x128xf32, #tpu.memory_space<vmem>>) dst(%dma_wait3A_85 : memref<10240x128xf32, #tpu.memory_space<vmem_shared>>)
        tpu.yield
      }) : () -> ()
    }
    %scan3A_21 = arith.constant 20 : i32
    %barrier3A_22 = arith.constant 0 : index
    tpu.barrier barrier_id(%barrier3A_22)
    %add3A_23 = arith.constant 0 : i32
    %add3A_24 = arith.addi %mul3A_0, %add3A_23 : i32
    "tpu.region"() ({
      %run_scoped3A = tpu.sem_alloc : memref<!tpu.dma_semaphore, #tpu.memory_space<semaphore_mem>>
      %dma_start3A = arith.constant 0 : i32
      %dma_start3A_43 = arith.constant 0 : i32
      %dma_start3A_44 = tpu.memref_slice %arg9[%dma_start3A, %dma_start3A_43] : memref<128x128xf32, #tpu.memory_space<vmem>> -> memref<128x128xf32, #tpu.memory_space<vmem>>
      %dma_start3A_45 = arith.constant 0 : i32
      %dma_start3A_46 = tpu.memref_slice %arg11[%add3A_24, %dma_start3A_45] : memref<10240x128xf32, #tpu.memory_space<vmem_shared>> -> memref<128x128xf32, #tpu.memory_space<vmem_shared>>
      %dma_start3A_47 = arith.constant 0 : i32
      %dma_start3A_48 = arith.constant 0 : i32
      %dma_start3A_49 = tpu.memref_slice %arg9[%dma_start3A_47, %dma_start3A_48] : memref<128x128xf32, #tpu.memory_space<vmem>> -> memref<128x128xf32, #tpu.memory_space<vmem>>
      %dma_start3A_50 = arith.constant 0 : i32
      %dma_start3A_51 = tpu.memref_slice %arg11[%add3A_24, %dma_start3A_50] : memref<10240x128xf32, #tpu.memory_space<vmem_shared>> -> memref<128x128xf32, #tpu.memory_space<vmem_shared>>
      tpu.enqueue_dma source(%dma_start3A_51 : memref<128x128xf32, #tpu.memory_space<vmem_shared>>) target(%dma_start3A_49 : memref<128x128xf32, #tpu.memory_space<vmem>>) target_semaphore(%run_scoped3A : memref<!tpu.dma_semaphore, #tpu.memory_space<semaphore_mem>>)
      %dma_wait3A = arith.constant 0 : i32
      %dma_wait3A_52 = arith.constant 0 : i32
      %dma_wait3A_53 = tpu.memref_slice %arg9[%dma_wait3A, %dma_wait3A_52] : memref<128x128xf32, #tpu.memory_space<vmem>> -> memref<128x128xf32, #tpu.memory_space<vmem>>
      %dma_wait3A_54 = arith.constant 0 : i32
      %dma_wait3A_55 = tpu.memref_slice %arg11[%add3A_24, %dma_wait3A_54] : memref<10240x128xf32, #tpu.memory_space<vmem_shared>> -> memref<128x128xf32, #tpu.memory_space<vmem_shared>>
      %dma_wait3A_56 = arith.constant 0 : i32
      %dma_wait3A_57 = arith.constant 0 : i32
      %dma_wait3A_58 = tpu.memref_slice %arg9[%dma_wait3A_56, %dma_wait3A_57] : memref<128x128xf32, #tpu.memory_space<vmem>> -> memref<128x128xf32, #tpu.memory_space<vmem>>
      %dma_wait3A_59 = arith.constant 0 : i32
      %dma_wait3A_60 = tpu.memref_slice %arg11[%add3A_24, %dma_wait3A_59] : memref<10240x128xf32, #tpu.memory_space<vmem_shared>> -> memref<128x128xf32, #tpu.memory_space<vmem_shared>>
      tpu.wait_dma2 semaphore(%run_scoped3A : memref<!tpu.dma_semaphore, #tpu.memory_space<semaphore_mem>>) src(%dma_wait3A_60 : memref<128x128xf32, #tpu.memory_space<vmem_shared>>) dst(%dma_wait3A_58 : memref<128x128xf32, #tpu.memory_space<vmem>>)
      tpu.yield
    }) : () -> ()
    %add3A_25 = arith.constant 0 : i32
    %add3A_26 = arith.addi %mul3A_0, %add3A_25 : i32
    "tpu.region"() ({
      %run_scoped3A = tpu.sem_alloc : memref<!tpu.dma_semaphore, #tpu.memory_space<semaphore_mem>>
      %dma_start3A = arith.constant 0 : i32
      %dma_start3A_43 = arith.constant 0 : i32
      %dma_start3A_44 = tpu.memref_slice %arg9[%dma_start3A, %dma_start3A_43] : memref<128x128xf32, #tpu.memory_space<vmem>> -> memref<128x128xf32, #tpu.memory_space<vmem>>
      %dma_start3A_45 = arith.constant 0 : i32
      %dma_start3A_46 = tpu.memref_slice %arg6[%arg0, %add3A_26, %dma_start3A_45] : memref<2x10240x128xf32, #tpu.memory_space<hbm>> -> memref<1x128x128xf32, #tpu.memory_space<hbm>>
      %dma_start3A_47 = tpu.memref_squeeze %dma_start3A_46 : memref<1x128x128xf32, #tpu.memory_space<hbm>> -> memref<128x128xf32, #tpu.memory_space<hbm>>
      %dma_start3A_48 = arith.constant 0 : i32
      %dma_start3A_49 = tpu.memref_slice %arg6[%arg0, %add3A_26, %dma_start3A_48] : memref<2x10240x128xf32, #tpu.memory_space<hbm>> -> memref<1x128x128xf32, #tpu.memory_space<hbm>>
      %dma_start3A_50 = tpu.memref_squeeze %dma_start3A_49 : memref<1x128x128xf32, #tpu.memory_space<hbm>> -> memref<128x128xf32, #tpu.memory_space<hbm>>
      %dma_start3A_51 = arith.constant 0 : i32
      %dma_start3A_52 = arith.constant 0 : i32
      %dma_start3A_53 = tpu.memref_slice %arg9[%dma_start3A_51, %dma_start3A_52] : memref<128x128xf32, #tpu.memory_space<vmem>> -> memref<128x128xf32, #tpu.memory_space<vmem>>
      tpu.enqueue_dma source(%dma_start3A_53 : memref<128x128xf32, #tpu.memory_space<vmem>>) target(%dma_start3A_50 : memref<128x128xf32, #tpu.memory_space<hbm>>) target_semaphore(%run_scoped3A : memref<!tpu.dma_semaphore, #tpu.memory_space<semaphore_mem>>)
      %dma_wait3A = arith.constant 0 : i32
      %dma_wait3A_54 = arith.constant 0 : i32
      %dma_wait3A_55 = tpu.memref_slice %arg9[%dma_wait3A, %dma_wait3A_54] : memref<128x128xf32, #tpu.memory_space<vmem>> -> memref<128x128xf32, #tpu.memory_space<vmem>>
      %dma_wait3A_56 = arith.constant 0 : i32
      %dma_wait3A_57 = tpu.memref_slice %arg6[%arg0, %add3A_26, %dma_wait3A_56] : memref<2x10240x128xf32, #tpu.memory_space<hbm>> -> memref<1x128x128xf32, #tpu.memory_space<hbm>>
      %dma_wait3A_58 = tpu.memref_squeeze %dma_wait3A_57 : memref<1x128x128xf32, #tpu.memory_space<hbm>> -> memref<128x128xf32, #tpu.memory_space<hbm>>
      %dma_wait3A_59 = arith.constant 0 : i32
      %dma_wait3A_60 = tpu.memref_slice %arg6[%arg0, %add3A_26, %dma_wait3A_59] : memref<2x10240x128xf32, #tpu.memory_space<hbm>> -> memref<1x128x128xf32, #tpu.memory_space<hbm>>
      %dma_wait3A_61 = tpu.memref_squeeze %dma_wait3A_60 : memref<1x128x128xf32, #tpu.memory_space<hbm>> -> memref<128x128xf32, #tpu.memory_space<hbm>>
      %dma_wait3A_62 = arith.constant 0 : i32
      %dma_wait3A_63 = arith.constant 0 : i32
      %dma_wait3A_64 = tpu.memref_slice %arg9[%dma_wait3A_62, %dma_wait3A_63] : memref<128x128xf32, #tpu.memory_space<vmem>> -> memref<128x128xf32, #tpu.memory_space<vmem>>
      tpu.wait_dma2 semaphore(%run_scoped3A : memref<!tpu.dma_semaphore, #tpu.memory_space<semaphore_mem>>) src(%dma_wait3A_64 : memref<128x128xf32, #tpu.memory_space<vmem>>) dst(%dma_wait3A_61 : memref<128x128xf32, #tpu.memory_space<hbm>>)
      tpu.yield
    }) : () -> ()
    %add3A_27 = arith.constant 128 : i32
    %add3A_28 = arith.addi %mul3A_0, %add3A_27 : i32
    "tpu.region"() ({
      %run_scoped3A = tpu.sem_alloc : memref<!tpu.dma_semaphore, #tpu.memory_space<semaphore_mem>>
      %dma_start3A = arith.constant 0 : i32
      %dma_start3A_43 = arith.constant 0 : i32
      %dma_start3A_44 = tpu.memref_slice %arg9[%dma_start3A, %dma_start3A_43] : memref<128x128xf32, #tpu.memory_space<vmem>> -> memref<128x128xf32, #tpu.memory_space<vmem>>
      %dma_start3A_45 = arith.constant 0 : i32
      %dma_start3A_46 = tpu.memref_slice %arg11[%add3A_28, %dma_start3A_45] : memref<10240x128xf32, #tpu.memory_space<vmem_shared>> -> memref<128x128xf32, #tpu.memory_space<vmem_shared>>
      %dma_start3A_47 = arith.constant 0 : i32
      %dma_start3A_48 = arith.constant 0 : i32
      %dma_start3A_49 = tpu.memref_slice %arg9[%dma_start3A_47, %dma_start3A_48] : memref<128x128xf32, #tpu.memory_space<vmem>> -> memref<128x128xf32, #tpu.memory_space<vmem>>
      %dma_start3A_50 = arith.constant 0 : i32
      %dma_start3A_51 = tpu.memref_slice %arg11[%add3A_28, %dma_start3A_50] : memref<10240x128xf32, #tpu.memory_space<vmem_shared>> -> memref<128x128xf32, #tpu.memory_space<vmem_shared>>
      tpu.enqueue_dma source(%dma_start3A_51 : memref<128x128xf32, #tpu.memory_space<vmem_shared>>) target(%dma_start3A_49 : memref<128x128xf32, #tpu.memory_space<vmem>>) target_semaphore(%run_scoped3A : memref<!tpu.dma_semaphore, #tpu.memory_space<semaphore_mem>>)
      %dma_wait3A = arith.constant 0 : i32
      %dma_wait3A_52 = arith.constant 0 : i32
      %dma_wait3A_53 = tpu.memref_slice %arg9[%dma_wait3A, %dma_wait3A_52] : memref<128x128xf32, #tpu.memory_space<vmem>> -> memref<128x128xf32, #tpu.memory_space<vmem>>
      %dma_wait3A_54 = arith.constant 0 : i32
      %dma_wait3A_55 = tpu.memref_slice %arg11[%add3A_28, %dma_wait3A_54] : memref<10240x128xf32, #tpu.memory_space<vmem_shared>> -> memref<128x128xf32, #tpu.memory_space<vmem_shared>>
      %dma_wait3A_56 = arith.constant 0 : i32
      %dma_wait3A_57 = arith.constant 0 : i32
      %dma_wait3A_58 = tpu.memref_slice %arg9[%dma_wait3A_56, %dma_wait3A_57] : memref<128x128xf32, #tpu.memory_space<vmem>> -> memref<128x128xf32, #tpu.memory_space<vmem>>
      %dma_wait3A_59 = arith.constant 0 : i32
      %dma_wait3A_60 = tpu.memref_slice %arg11[%add3A_28, %dma_wait3A_59] : memref<10240x128xf32, #tpu.memory_space<vmem_shared>> -> memref<128x128xf32, #tpu.memory_space<vmem_shared>>
      tpu.wait_dma2 semaphore(%run_scoped3A : memref<!tpu.dma_semaphore, #tpu.memory_space<semaphore_mem>>) src(%dma_wait3A_60 : memref<128x128xf32, #tpu.memory_space<vmem_shared>>) dst(%dma_wait3A_58 : memref<128x128xf32, #tpu.memory_space<vmem>>)
      tpu.yield
    }) : () -> ()
    %add3A_29 = arith.constant 128 : i32
    %add3A_30 = arith.addi %mul3A_0, %add3A_29 : i32
    "tpu.region"() ({
      %run_scoped3A = tpu.sem_alloc : memref<!tpu.dma_semaphore, #tpu.memory_space<semaphore_mem>>
      %dma_start3A = arith.constant 0 : i32
      %dma_start3A_43 = arith.constant 0 : i32
      %dma_start3A_44 = tpu.memref_slice %arg9[%dma_start3A, %dma_start3A_43] : memref<128x128xf32, #tpu.memory_space<vmem>> -> memref<128x128xf32, #tpu.memory_space<vmem>>
      %dma_start3A_45 = arith.constant 0 : i32
      %dma_start3A_46 = tpu.memref_slice %arg6[%arg0, %add3A_30, %dma_start3A_45] : memref<2x10240x128xf32, #tpu.memory_space<hbm>> -> memref<1x128x128xf32, #tpu.memory_space<hbm>>
      %dma_start3A_47 = tpu.memref_squeeze %dma_start3A_46 : memref<1x128x128xf32, #tpu.memory_space<hbm>> -> memref<128x128xf32, #tpu.memory_space<hbm>>
      %dma_start3A_48 = arith.constant 0 : i32
      %dma_start3A_49 = tpu.memref_slice %arg6[%arg0, %add3A_30, %dma_start3A_48] : memref<2x10240x128xf32, #tpu.memory_space<hbm>> -> memref<1x128x128xf32, #tpu.memory_space<hbm>>
      %dma_start3A_50 = tpu.memref_squeeze %dma_start3A_49 : memref<1x128x128xf32, #tpu.memory_space<hbm>> -> memref<128x128xf32, #tpu.memory_space<hbm>>
      %dma_start3A_51 = arith.constant 0 : i32
      %dma_start3A_52 = arith.constant 0 : i32
      %dma_start3A_53 = tpu.memref_slice %arg9[%dma_start3A_51, %dma_start3A_52] : memref<128x128xf32, #tpu.memory_space<vmem>> -> memref<128x128xf32, #tpu.memory_space<vmem>>
      tpu.enqueue_dma source(%dma_start3A_53 : memref<128x128xf32, #tpu.memory_space<vmem>>) target(%dma_start3A_50 : memref<128x128xf32, #tpu.memory_space<hbm>>) target_semaphore(%run_scoped3A : memref<!tpu.dma_semaphore, #tpu.memory_space<semaphore_mem>>)
      %dma_wait3A = arith.constant 0 : i32
      %dma_wait3A_54 = arith.constant 0 : i32
      %dma_wait3A_55 = tpu.memref_slice %arg9[%dma_wait3A, %dma_wait3A_54] : memref<128x128xf32, #tpu.memory_space<vmem>> -> memref<128x128xf32, #tpu.memory_space<vmem>>
      %dma_wait3A_56 = arith.constant 0 : i32
      %dma_wait3A_57 = tpu.memref_slice %arg6[%arg0, %add3A_30, %dma_wait3A_56] : memref<2x10240x128xf32, #tpu.memory_space<hbm>> -> memref<1x128x128xf32, #tpu.memory_space<hbm>>
      %dma_wait3A_58 = tpu.memref_squeeze %dma_wait3A_57 : memref<1x128x128xf32, #tpu.memory_space<hbm>> -> memref<128x128xf32, #tpu.memory_space<hbm>>
      %dma_wait3A_59 = arith.constant 0 : i32
      %dma_wait3A_60 = tpu.memref_slice %arg6[%arg0, %add3A_30, %dma_wait3A_59] : memref<2x10240x128xf32, #tpu.memory_space<hbm>> -> memref<1x128x128xf32, #tpu.memory_space<hbm>>
      %dma_wait3A_61 = tpu.memref_squeeze %dma_wait3A_60 : memref<1x128x128xf32, #tpu.memory_space<hbm>> -> memref<128x128xf32, #tpu.memory_space<hbm>>
      %dma_wait3A_62 = arith.constant 0 : i32
      %dma_wait3A_63 = arith.constant 0 : i32
      %dma_wait3A_64 = tpu.memref_slice %arg9[%dma_wait3A_62, %dma_wait3A_63] : memref<128x128xf32, #tpu.memory_space<vmem>> -> memref<128x128xf32, #tpu.memory_space<vmem>>
      tpu.wait_dma2 semaphore(%run_scoped3A : memref<!tpu.dma_semaphore, #tpu.memory_space<semaphore_mem>>) src(%dma_wait3A_64 : memref<128x128xf32, #tpu.memory_space<vmem>>) dst(%dma_wait3A_61 : memref<128x128xf32, #tpu.memory_space<hbm>>)
      tpu.yield
    }) : () -> ()
    %add3A_31 = arith.constant 256 : i32
    %add3A_32 = arith.addi %mul3A_0, %add3A_31 : i32
    "tpu.region"() ({
      %run_scoped3A = tpu.sem_alloc : memref<!tpu.dma_semaphore, #tpu.memory_space<semaphore_mem>>
      %dma_start3A = arith.constant 0 : i32
      %dma_start3A_43 = arith.constant 0 : i32
      %dma_start3A_44 = tpu.memref_slice %arg9[%dma_start3A, %dma_start3A_43] : memref<128x128xf32, #tpu.memory_space<vmem>> -> memref<128x128xf32, #tpu.memory_space<vmem>>
      %dma_start3A_45 = arith.constant 0 : i32
      %dma_start3A_46 = tpu.memref_slice %arg11[%add3A_32, %dma_start3A_45] : memref<10240x128xf32, #tpu.memory_space<vmem_shared>> -> memref<128x128xf32, #tpu.memory_space<vmem_shared>>
      %dma_start3A_47 = arith.constant 0 : i32
      %dma_start3A_48 = arith.constant 0 : i32
      %dma_start3A_49 = tpu.memref_slice %arg9[%dma_start3A_47, %dma_start3A_48] : memref<128x128xf32, #tpu.memory_space<vmem>> -> memref<128x128xf32, #tpu.memory_space<vmem>>
      %dma_start3A_50 = arith.constant 0 : i32
      %dma_start3A_51 = tpu.memref_slice %arg11[%add3A_32, %dma_start3A_50] : memref<10240x128xf32, #tpu.memory_space<vmem_shared>> -> memref<128x128xf32, #tpu.memory_space<vmem_shared>>
      tpu.enqueue_dma source(%dma_start3A_51 : memref<128x128xf32, #tpu.memory_space<vmem_shared>>) target(%dma_start3A_49 : memref<128x128xf32, #tpu.memory_space<vmem>>) target_semaphore(%run_scoped3A : memref<!tpu.dma_semaphore, #tpu.memory_space<semaphore_mem>>)
      %dma_wait3A = arith.constant 0 : i32
      %dma_wait3A_52 = arith.constant 0 : i32
      %dma_wait3A_53 = tpu.memref_slice %arg9[%dma_wait3A, %dma_wait3A_52] : memref<128x128xf32, #tpu.memory_space<vmem>> -> memref<128x128xf32, #tpu.memory_space<vmem>>
      %dma_wait3A_54 = arith.constant 0 : i32
      %dma_wait3A_55 = tpu.memref_slice %arg11[%add3A_32, %dma_wait3A_54] : memref<10240x128xf32, #tpu.memory_space<vmem_shared>> -> memref<128x128xf32, #tpu.memory_space<vmem_shared>>
      %dma_wait3A_56 = arith.constant 0 : i32
      %dma_wait3A_57 = arith.constant 0 : i32
      %dma_wait3A_58 = tpu.memref_slice %arg9[%dma_wait3A_56, %dma_wait3A_57] : memref<128x128xf32, #tpu.memory_space<vmem>> -> memref<128x128xf32, #tpu.memory_space<vmem>>
      %dma_wait3A_59 = arith.constant 0 : i32
      %dma_wait3A_60 = tpu.memref_slice %arg11[%add3A_32, %dma_wait3A_59] : memref<10240x128xf32, #tpu.memory_space<vmem_shared>> -> memref<128x128xf32, #tpu.memory_space<vmem_shared>>
      tpu.wait_dma2 semaphore(%run_scoped3A : memref<!tpu.dma_semaphore, #tpu.memory_space<semaphore_mem>>) src(%dma_wait3A_60 : memref<128x128xf32, #tpu.memory_space<vmem_shared>>) dst(%dma_wait3A_58 : memref<128x128xf32, #tpu.memory_space<vmem>>)
      tpu.yield
    }) : () -> ()
    %add3A_33 = arith.constant 256 : i32
    %add3A_34 = arith.addi %mul3A_0, %add3A_33 : i32
    "tpu.region"() ({
      %run_scoped3A = tpu.sem_alloc : memref<!tpu.dma_semaphore, #tpu.memory_space<semaphore_mem>>
      %dma_start3A = arith.constant 0 : i32
      %dma_start3A_43 = arith.constant 0 : i32
      %dma_start3A_44 = tpu.memref_slice %arg9[%dma_start3A, %dma_start3A_43] : memref<128x128xf32, #tpu.memory_space<vmem>> -> memref<128x128xf32, #tpu.memory_space<vmem>>
      %dma_start3A_45 = arith.constant 0 : i32
      %dma_start3A_46 = tpu.memref_slice %arg6[%arg0, %add3A_34, %dma_start3A_45] : memref<2x10240x128xf32, #tpu.memory_space<hbm>> -> memref<1x128x128xf32, #tpu.memory_space<hbm>>
      %dma_start3A_47 = tpu.memref_squeeze %dma_start3A_46 : memref<1x128x128xf32, #tpu.memory_space<hbm>> -> memref<128x128xf32, #tpu.memory_space<hbm>>
      %dma_start3A_48 = arith.constant 0 : i32
      %dma_start3A_49 = tpu.memref_slice %arg6[%arg0, %add3A_34, %dma_start3A_48] : memref<2x10240x128xf32, #tpu.memory_space<hbm>> -> memref<1x128x128xf32, #tpu.memory_space<hbm>>
      %dma_start3A_50 = tpu.memref_squeeze %dma_start3A_49 : memref<1x128x128xf32, #tpu.memory_space<hbm>> -> memref<128x128xf32, #tpu.memory_space<hbm>>
      %dma_start3A_51 = arith.constant 0 : i32
      %dma_start3A_52 = arith.constant 0 : i32
      %dma_start3A_53 = tpu.memref_slice %arg9[%dma_start3A_51, %dma_start3A_52] : memref<128x128xf32, #tpu.memory_space<vmem>> -> memref<128x128xf32, #tpu.memory_space<vmem>>
      tpu.enqueue_dma source(%dma_start3A_53 : memref<128x128xf32, #tpu.memory_space<vmem>>) target(%dma_start3A_50 : memref<128x128xf32, #tpu.memory_space<hbm>>) target_semaphore(%run_scoped3A : memref<!tpu.dma_semaphore, #tpu.memory_space<semaphore_mem>>)
      %dma_wait3A = arith.constant 0 : i32
      %dma_wait3A_54 = arith.constant 0 : i32
      %dma_wait3A_55 = tpu.memref_slice %arg9[%dma_wait3A, %dma_wait3A_54] : memref<128x128xf32, #tpu.memory_space<vmem>> -> memref<128x128xf32, #tpu.memory_space<vmem>>
      %dma_wait3A_56 = arith.constant 0 : i32
      %dma_wait3A_57 = tpu.memref_slice %arg6[%arg0, %add3A_34, %dma_wait3A_56] : memref<2x10240x128xf32, #tpu.memory_space<hbm>> -> memref<1x128x128xf32, #tpu.memory_space<hbm>>
      %dma_wait3A_58 = tpu.memref_squeeze %dma_wait3A_57 : memref<1x128x128xf32, #tpu.memory_space<hbm>> -> memref<128x128xf32, #tpu.memory_space<hbm>>
      %dma_wait3A_59 = arith.constant 0 : i32
      %dma_wait3A_60 = tpu.memref_slice %arg6[%arg0, %add3A_34, %dma_wait3A_59] : memref<2x10240x128xf32, #tpu.memory_space<hbm>> -> memref<1x128x128xf32, #tpu.memory_space<hbm>>
      %dma_wait3A_61 = tpu.memref_squeeze %dma_wait3A_60 : memref<1x128x128xf32, #tpu.memory_space<hbm>> -> memref<128x128xf32, #tpu.memory_space<hbm>>
      %dma_wait3A_62 = arith.constant 0 : i32
      %dma_wait3A_63 = arith.constant 0 : i32
      %dma_wait3A_64 = tpu.memref_slice %arg9[%dma_wait3A_62, %dma_wait3A_63] : memref<128x128xf32, #tpu.memory_space<vmem>> -> memref<128x128xf32, #tpu.memory_space<vmem>>
      tpu.wait_dma2 semaphore(%run_scoped3A : memref<!tpu.dma_semaphore, #tpu.memory_space<semaphore_mem>>) src(%dma_wait3A_64 : memref<128x128xf32, #tpu.memory_space<vmem>>) dst(%dma_wait3A_61 : memref<128x128xf32, #tpu.memory_space<hbm>>)
      tpu.yield
    }) : () -> ()
    %add3A_35 = arith.constant 384 : i32
    %add3A_36 = arith.addi %mul3A_0, %add3A_35 : i32
    "tpu.region"() ({
      %run_scoped3A = tpu.sem_alloc : memref<!tpu.dma_semaphore, #tpu.memory_space<semaphore_mem>>
      %dma_start3A = arith.constant 0 : i32
      %dma_start3A_43 = arith.constant 0 : i32
      %dma_start3A_44 = tpu.memref_slice %arg9[%dma_start3A, %dma_start3A_43] : memref<128x128xf32, #tpu.memory_space<vmem>> -> memref<128x128xf32, #tpu.memory_space<vmem>>
      %dma_start3A_45 = arith.constant 0 : i32
      %dma_start3A_46 = tpu.memref_slice %arg11[%add3A_36, %dma_start3A_45] : memref<10240x128xf32, #tpu.memory_space<vmem_shared>> -> memref<128x128xf32, #tpu.memory_space<vmem_shared>>
      %dma_start3A_47 = arith.constant 0 : i32
      %dma_start3A_48 = arith.constant 0 : i32
      %dma_start3A_49 = tpu.memref_slice %arg9[%dma_start3A_47, %dma_start3A_48] : memref<128x128xf32, #tpu.memory_space<vmem>> -> memref<128x128xf32, #tpu.memory_space<vmem>>
      %dma_start3A_50 = arith.constant 0 : i32
      %dma_start3A_51 = tpu.memref_slice %arg11[%add3A_36, %dma_start3A_50] : memref<10240x128xf32, #tpu.memory_space<vmem_shared>> -> memref<128x128xf32, #tpu.memory_space<vmem_shared>>
      tpu.enqueue_dma source(%dma_start3A_51 : memref<128x128xf32, #tpu.memory_space<vmem_shared>>) target(%dma_start3A_49 : memref<128x128xf32, #tpu.memory_space<vmem>>) target_semaphore(%run_scoped3A : memref<!tpu.dma_semaphore, #tpu.memory_space<semaphore_mem>>)
      %dma_wait3A = arith.constant 0 : i32
      %dma_wait3A_52 = arith.constant 0 : i32
      %dma_wait3A_53 = tpu.memref_slice %arg9[%dma_wait3A, %dma_wait3A_52] : memref<128x128xf32, #tpu.memory_space<vmem>> -> memref<128x128xf32, #tpu.memory_space<vmem>>
      %dma_wait3A_54 = arith.constant 0 : i32
      %dma_wait3A_55 = tpu.memref_slice %arg11[%add3A_36, %dma_wait3A_54] : memref<10240x128xf32, #tpu.memory_space<vmem_shared>> -> memref<128x128xf32, #tpu.memory_space<vmem_shared>>
      %dma_wait3A_56 = arith.constant 0 : i32
      %dma_wait3A_57 = arith.constant 0 : i32
      %dma_wait3A_58 = tpu.memref_slice %arg9[%dma_wait3A_56, %dma_wait3A_57] : memref<128x128xf32, #tpu.memory_space<vmem>> -> memref<128x128xf32, #tpu.memory_space<vmem>>
      %dma_wait3A_59 = arith.constant 0 : i32
      %dma_wait3A_60 = tpu.memref_slice %arg11[%add3A_36, %dma_wait3A_59] : memref<10240x128xf32, #tpu.memory_space<vmem_shared>> -> memref<128x128xf32, #tpu.memory_space<vmem_shared>>
      tpu.wait_dma2 semaphore(%run_scoped3A : memref<!tpu.dma_semaphore, #tpu.memory_space<semaphore_mem>>) src(%dma_wait3A_60 : memref<128x128xf32, #tpu.memory_space<vmem_shared>>) dst(%dma_wait3A_58 : memref<128x128xf32, #tpu.memory_space<vmem>>)
      tpu.yield
    }) : () -> ()
    %add3A_37 = arith.constant 384 : i32
    %add3A_38 = arith.addi %mul3A_0, %add3A_37 : i32
    "tpu.region"() ({
      %run_scoped3A = tpu.sem_alloc : memref<!tpu.dma_semaphore, #tpu.memory_space<semaphore_mem>>
      %dma_start3A = arith.constant 0 : i32
      %dma_start3A_43 = arith.constant 0 : i32
      %dma_start3A_44 = tpu.memref_slice %arg9[%dma_start3A, %dma_start3A_43] : memref<128x128xf32, #tpu.memory_space<vmem>> -> memref<128x128xf32, #tpu.memory_space<vmem>>
      %dma_start3A_45 = arith.constant 0 : i32
      %dma_start3A_46 = tpu.memref_slice %arg6[%arg0, %add3A_38, %dma_start3A_45] : memref<2x10240x128xf32, #tpu.memory_space<hbm>> -> memref<1x128x128xf32, #tpu.memory_space<hbm>>
      %dma_start3A_47 = tpu.memref_squeeze %dma_start3A_46 : memref<1x128x128xf32, #tpu.memory_space<hbm>> -> memref<128x128xf32, #tpu.memory_space<hbm>>
      %dma_start3A_48 = arith.constant 0 : i32
      %dma_start3A_49 = tpu.memref_slice %arg6[%arg0, %add3A_38, %dma_start3A_48] : memref<2x10240x128xf32, #tpu.memory_space<hbm>> -> memref<1x128x128xf32, #tpu.memory_space<hbm>>
      %dma_start3A_50 = tpu.memref_squeeze %dma_start3A_49 : memref<1x128x128xf32, #tpu.memory_space<hbm>> -> memref<128x128xf32, #tpu.memory_space<hbm>>
      %dma_start3A_51 = arith.constant 0 : i32
      %dma_start3A_52 = arith.constant 0 : i32
      %dma_start3A_53 = tpu.memref_slice %arg9[%dma_start3A_51, %dma_start3A_52] : memref<128x128xf32, #tpu.memory_space<vmem>> -> memref<128x128xf32, #tpu.memory_space<vmem>>
      tpu.enqueue_dma source(%dma_start3A_53 : memref<128x128xf32, #tpu.memory_space<vmem>>) target(%dma_start3A_50 : memref<128x128xf32, #tpu.memory_space<hbm>>) target_semaphore(%run_scoped3A : memref<!tpu.dma_semaphore, #tpu.memory_space<semaphore_mem>>)
      %dma_wait3A = arith.constant 0 : i32
      %dma_wait3A_54 = arith.constant 0 : i32
      %dma_wait3A_55 = tpu.memref_slice %arg9[%dma_wait3A, %dma_wait3A_54] : memref<128x128xf32, #tpu.memory_space<vmem>> -> memref<128x128xf32, #tpu.memory_space<vmem>>
      %dma_wait3A_56 = arith.constant 0 : i32
      %dma_wait3A_57 = tpu.memref_slice %arg6[%arg0, %add3A_38, %dma_wait3A_56] : memref<2x10240x128xf32, #tpu.memory_space<hbm>> -> memref<1x128x128xf32, #tpu.memory_space<hbm>>
      %dma_wait3A_58 = tpu.memref_squeeze %dma_wait3A_57 : memref<1x128x128xf32, #tpu.memory_space<hbm>> -> memref<128x128xf32, #tpu.memory_space<hbm>>
      %dma_wait3A_59 = arith.constant 0 : i32
      %dma_wait3A_60 = tpu.memref_slice %arg6[%arg0, %add3A_38, %dma_wait3A_59] : memref<2x10240x128xf32, #tpu.memory_space<hbm>> -> memref<1x128x128xf32, #tpu.memory_space<hbm>>
      %dma_wait3A_61 = tpu.memref_squeeze %dma_wait3A_60 : memref<1x128x128xf32, #tpu.memory_space<hbm>> -> memref<128x128xf32, #tpu.memory_space<hbm>>
      %dma_wait3A_62 = arith.constant 0 : i32
      %dma_wait3A_63 = arith.constant 0 : i32
      %dma_wait3A_64 = tpu.memref_slice %arg9[%dma_wait3A_62, %dma_wait3A_63] : memref<128x128xf32, #tpu.memory_space<vmem>> -> memref<128x128xf32, #tpu.memory_space<vmem>>
      tpu.wait_dma2 semaphore(%run_scoped3A : memref<!tpu.dma_semaphore, #tpu.memory_space<semaphore_mem>>) src(%dma_wait3A_64 : memref<128x128xf32, #tpu.memory_space<vmem>>) dst(%dma_wait3A_61 : memref<128x128xf32, #tpu.memory_space<hbm>>)
      tpu.yield
    }) : () -> ()
    %add3A_39 = arith.constant 512 : i32
    %add3A_40 = arith.addi %mul3A_0, %add3A_39 : i32
    "tpu.region"() ({
      %run_scoped3A = tpu.sem_alloc : memref<!tpu.dma_semaphore, #tpu.memory_space<semaphore_mem>>
      %dma_start3A = arith.constant 0 : i32
      %dma_start3A_43 = arith.constant 0 : i32
      %dma_start3A_44 = tpu.memref_slice %arg9[%dma_start3A, %dma_start3A_43] : memref<128x128xf32, #tpu.memory_space<vmem>> -> memref<128x128xf32, #tpu.memory_space<vmem>>
      %dma_start3A_45 = arith.constant 0 : i32
      %dma_start3A_46 = tpu.memref_slice %arg11[%add3A_40, %dma_start3A_45] : memref<10240x128xf32, #tpu.memory_space<vmem_shared>> -> memref<128x128xf32, #tpu.memory_space<vmem_shared>>
      %dma_start3A_47 = arith.constant 0 : i32
      %dma_start3A_48 = arith.constant 0 : i32
      %dma_start3A_49 = tpu.memref_slice %arg9[%dma_start3A_47, %dma_start3A_48] : memref<128x128xf32, #tpu.memory_space<vmem>> -> memref<128x128xf32, #tpu.memory_space<vmem>>
      %dma_start3A_50 = arith.constant 0 : i32
      %dma_start3A_51 = tpu.memref_slice %arg11[%add3A_40, %dma_start3A_50] : memref<10240x128xf32, #tpu.memory_space<vmem_shared>> -> memref<128x128xf32, #tpu.memory_space<vmem_shared>>
      tpu.enqueue_dma source(%dma_start3A_51 : memref<128x128xf32, #tpu.memory_space<vmem_shared>>) target(%dma_start3A_49 : memref<128x128xf32, #tpu.memory_space<vmem>>) target_semaphore(%run_scoped3A : memref<!tpu.dma_semaphore, #tpu.memory_space<semaphore_mem>>)
      %dma_wait3A = arith.constant 0 : i32
      %dma_wait3A_52 = arith.constant 0 : i32
      %dma_wait3A_53 = tpu.memref_slice %arg9[%dma_wait3A, %dma_wait3A_52] : memref<128x128xf32, #tpu.memory_space<vmem>> -> memref<128x128xf32, #tpu.memory_space<vmem>>
      %dma_wait3A_54 = arith.constant 0 : i32
      %dma_wait3A_55 = tpu.memref_slice %arg11[%add3A_40, %dma_wait3A_54] : memref<10240x128xf32, #tpu.memory_space<vmem_shared>> -> memref<128x128xf32, #tpu.memory_space<vmem_shared>>
      %dma_wait3A_56 = arith.constant 0 : i32
      %dma_wait3A_57 = arith.constant 0 : i32
      %dma_wait3A_58 = tpu.memref_slice %arg9[%dma_wait3A_56, %dma_wait3A_57] : memref<128x128xf32, #tpu.memory_space<vmem>> -> memref<128x128xf32, #tpu.memory_space<vmem>>
      %dma_wait3A_59 = arith.constant 0 : i32
      %dma_wait3A_60 = tpu.memref_slice %arg11[%add3A_40, %dma_wait3A_59] : memref<10240x128xf32, #tpu.memory_space<vmem_shared>> -> memref<128x128xf32, #tpu.memory_space<vmem_shared>>
      tpu.wait_dma2 semaphore(%run_scoped3A : memref<!tpu.dma_semaphore, #tpu.memory_space<semaphore_mem>>) src(%dma_wait3A_60 : memref<128x128xf32, #tpu.memory_space<vmem_shared>>) dst(%dma_wait3A_58 : memref<128x128xf32, #tpu.memory_space<vmem>>)
      tpu.yield
    }) : () -> ()
    %add3A_41 = arith.constant 512 : i32
    %add3A_42 = arith.addi %mul3A_0, %add3A_41 : i32
    "tpu.region"() ({
      %run_scoped3A = tpu.sem_alloc : memref<!tpu.dma_semaphore, #tpu.memory_space<semaphore_mem>>
      %dma_start3A = arith.constant 0 : i32
      %dma_start3A_43 = arith.constant 0 : i32
      %dma_start3A_44 = tpu.memref_slice %arg9[%dma_start3A, %dma_start3A_43] : memref<128x128xf32, #tpu.memory_space<vmem>> -> memref<128x128xf32, #tpu.memory_space<vmem>>
      %dma_start3A_45 = arith.constant 0 : i32
      %dma_start3A_46 = tpu.memref_slice %arg6[%arg0, %add3A_42, %dma_start3A_45] : memref<2x10240x128xf32, #tpu.memory_space<hbm>> -> memref<1x128x128xf32, #tpu.memory_space<hbm>>
      %dma_start3A_47 = tpu.memref_squeeze %dma_start3A_46 : memref<1x128x128xf32, #tpu.memory_space<hbm>> -> memref<128x128xf32, #tpu.memory_space<hbm>>
      %dma_start3A_48 = arith.constant 0 : i32
      %dma_start3A_49 = tpu.memref_slice %arg6[%arg0, %add3A_42, %dma_start3A_48] : memref<2x10240x128xf32, #tpu.memory_space<hbm>> -> memref<1x128x128xf32, #tpu.memory_space<hbm>>
      %dma_start3A_50 = tpu.memref_squeeze %dma_start3A_49 : memref<1x128x128xf32, #tpu.memory_space<hbm>> -> memref<128x128xf32, #tpu.memory_space<hbm>>
      %dma_start3A_51 = arith.constant 0 : i32
      %dma_start3A_52 = arith.constant 0 : i32
      %dma_start3A_53 = tpu.memref_slice %arg9[%dma_start3A_51, %dma_start3A_52] : memref<128x128xf32, #tpu.memory_space<vmem>> -> memref<128x128xf32, #tpu.memory_space<vmem>>
      tpu.enqueue_dma source(%dma_start3A_53 : memref<128x128xf32, #tpu.memory_space<vmem>>) target(%dma_start3A_50 : memref<128x128xf32, #tpu.memory_space<hbm>>) target_semaphore(%run_scoped3A : memref<!tpu.dma_semaphore, #tpu.memory_space<semaphore_mem>>)
      %dma_wait3A = arith.constant 0 : i32
      %dma_wait3A_54 = arith.constant 0 : i32
      %dma_wait3A_55 = tpu.memref_slice %arg9[%dma_wait3A, %dma_wait3A_54] : memref<128x128xf32, #tpu.memory_space<vmem>> -> memref<128x128xf32, #tpu.memory_space<vmem>>
      %dma_wait3A_56 = arith.constant 0 : i32
      %dma_wait3A_57 = tpu.memref_slice %arg6[%arg0, %add3A_42, %dma_wait3A_56] : memref<2x10240x128xf32, #tpu.memory_space<hbm>> -> memref<1x128x128xf32, #tpu.memory_space<hbm>>
      %dma_wait3A_58 = tpu.memref_squeeze %dma_wait3A_57 : memref<1x128x128xf32, #tpu.memory_space<hbm>> -> memref<128x128xf32, #tpu.memory_space<hbm>>
      %dma_wait3A_59 = arith.constant 0 : i32
      %dma_wait3A_60 = tpu.memref_slice %arg6[%arg0, %add3A_42, %dma_wait3A_59] : memref<2x10240x128xf32, #tpu.memory_space<hbm>> -> memref<1x128x128xf32, #tpu.memory_space<hbm>>
      %dma_wait3A_61 = tpu.memref_squeeze %dma_wait3A_60 : memref<1x128x128xf32, #tpu.memory_space<hbm>> -> memref<128x128xf32, #tpu.memory_space<hbm>>
      %dma_wait3A_62 = arith.constant 0 : i32
      %dma_wait3A_63 = arith.constant 0 : i32
      %dma_wait3A_64 = tpu.memref_slice %arg9[%dma_wait3A_62, %dma_wait3A_63] : memref<128x128xf32, #tpu.memory_space<vmem>> -> memref<128x128xf32, #tpu.memory_space<vmem>>
      tpu.wait_dma2 semaphore(%run_scoped3A : memref<!tpu.dma_semaphore, #tpu.memory_space<semaphore_mem>>) src(%dma_wait3A_64 : memref<128x128xf32, #tpu.memory_space<vmem>>) dst(%dma_wait3A_61 : memref<128x128xf32, #tpu.memory_space<hbm>>)
      tpu.yield
    }) : () -> ()
    return
  }
}

module attributes {stable_mosaic.version = 14 : i64} {
  func.func @_tc_pre_body(%arg0: i32, %arg1: memref<2x1000x16xf32, #tpu.memory_space<vmem>>, %arg2: memref<1000x128xf32, #tpu.memory_space<vmem>>, %arg3: memref<128x128xf32, #tpu.memory_space<vmem>>, %arg4: memref<1000x128xf32, #tpu.memory_space<vmem>>) attributes {dimension_semantics = [#tpu.dimension_semantics<arbitrary>], iteration_bounds = array<i64: 10>, scalar_prefetch = 0 : i64, scratch_operands = 0 : i64, tpu.core_type = #tpu.core_type<tc>, window_params = [{transform_indices = @transform_0, window_bounds = array<i64: 2, 1000, 16>}, {transform_indices = @transform_1, window_bounds = array<i64: 1000, 128>}, {pipeline_mode = #tpu.pipeline_mode<synchronous>, transform_indices = @transform_2, window_bounds = array<i64: 128, 128>}, {transform_indices = @transform_3, window_bounds = array<i64: 1000, 128>}]} {
    %get3A = arith.constant 0 : index
    %get3A_0 = arith.constant 0 : index
    %get3A_1 = arith.constant 0 : index
    %get3A_2 = vector.load %arg1[%get3A, %get3A_0, %get3A_1] : memref<2x1000x16xf32, #tpu.memory_space<vmem>>, vector<1x1000x1xf32>
    %get3A_3 = vector.shape_cast %get3A_2 : vector<1x1000x1xf32> to vector<1000x1xf32>
    %get3A_4 = arith.constant 1 : index
    %get3A_5 = arith.constant 0 : index
    %get3A_6 = arith.constant 0 : index
    %get3A_7 = vector.load %arg1[%get3A_4, %get3A_5, %get3A_6] : memref<2x1000x16xf32, #tpu.memory_space<vmem>>, vector<1x1000x1xf32>
    %get3A_8 = vector.shape_cast %get3A_7 : vector<1x1000x1xf32> to vector<1000x1xf32>
    %add3A = arith.addf %get3A_3, %get3A_8 : vector<1000x1xf32>
    %add3A_9 = arith.constant 1.000000e+00 : f32
    %add3A_10 = vector.broadcast %add3A_9 : f32 to vector<1000x1xf32>
    %add3A_11 = arith.addf %add3A, %add3A_10 : vector<1000x1xf32>
    %rsqrt3A = math.rsqrt %add3A_11 : vector<1000x1xf32>
    %get3A_12 = arith.constant 0 : index
    %get3A_13 = arith.constant 0 : index
    %get3A_14 = vector.load %arg2[%get3A_12, %get3A_13] : memref<1000x128xf32, #tpu.memory_space<vmem>>, vector<1000x128xf32>
    %get3A_15 = arith.constant 0 : index
    %get3A_16 = arith.constant 0 : index
    %get3A_17 = vector.load %arg3[%get3A_15, %get3A_16] : memref<128x128xf32, #tpu.memory_space<vmem>>, vector<128x128xf32>
    %dot_general3A = arith.constant dense<0.000000e+00> : vector<1000x128xf32>
    %dot_general3A_18 = tpu.matmul %get3A_14, %get3A_17, %dot_general3A {dimension_numbers = #tpu.dot_dimension_numbers<[1], [0], [0], [1], [0, 0, 1, 1], [], []>, transpose_lhs_hint = false} : vector<1000x128xf32>, vector<128x128xf32>, vector<1000x128xf32> -> vector<1000x128xf32>
    %mul3A = vector.broadcast %rsqrt3A : vector<1000x1xf32> to vector<1000x128xf32>
    %mul3A_19 = arith.mulf %dot_general3A_18, %mul3A : vector<1000x128xf32>
    %swap3A = arith.constant 0 : index
    %swap3A_20 = arith.constant 0 : index
    %swap3A_21 = vector.load %arg4[%swap3A, %swap3A_20] : memref<1000x128xf32, #tpu.memory_space<vmem>>, vector<1000x128xf32>
    tpu.vector_store %arg4[%swap3A, %swap3A_20], %mul3A_19 {strides = array<i32>} : memref<1000x128xf32, #tpu.memory_space<vmem>>, vector<1000x128xf32>,
    return
  }
  func.func @transform_0(%arg0: i32) -> (i32, i32, i32) {
    %c0_i32 = arith.constant 0 : i32
    %c0_i32_0 = arith.constant 0 : i32
    %c0_i32_1 = arith.constant 0 : i32
    return %c0_i32, %arg0, %c0_i32_0 : i32, i32, i32
  }
  func.func @transform_1(%arg0: i32) -> (i32, i32) {
    %c0_i32 = arith.constant 0 : i32
    %c0_i32_0 = arith.constant 0 : i32
    return %arg0, %c0_i32 : i32, i32
  }
  func.func @transform_2(%arg0: i32) -> (i32, i32) {
    %c0_i32 = arith.constant 0 : i32
    %c0_i32_0 = arith.constant 0 : i32
    %c0_i32_1 = arith.constant 0 : i32
    return %c0_i32, %c0_i32_0 : i32, i32
  }
  func.func @transform_3(%arg0: i32) -> (i32, i32) {
    %c0_i32 = arith.constant 0 : i32
    %c0_i32_0 = arith.constant 0 : i32
    return %arg0, %c0_i32 : i32, i32
  }
}

module attributes {stable_mosaic.version = 14 : i64} {
  func.func @_tc_jk_body(%arg0: i32, %arg1: memref<2x1000x16xf32, #tpu.memory_space<vmem>>, %arg2: memref<2x1000x128xf32, #tpu.memory_space<vmem>>, %arg3: memref<1000x128xf32, #tpu.memory_space<vmem>>, %arg4: memref<1x128xf32, #tpu.memory_space<vmem>>, %arg5: memref<1000x128xf32, #tpu.memory_space<vmem>>, %arg6: memref<128x64xf32, #tpu.memory_space<vmem>>, %arg7: memref<128x64xf32, #tpu.memory_space<vmem>>, %arg8: memref<1000x64xf32, #tpu.memory_space<vmem>>) attributes {dimension_semantics = [#tpu.dimension_semantics<arbitrary>], iteration_bounds = array<i64: 10>, scalar_prefetch = 0 : i64, scratch_operands = 0 : i64, tpu.core_type = #tpu.core_type<tc>, window_params = [{transform_indices = @transform_0, window_bounds = array<i64: 2, 1000, 16>}, {transform_indices = @transform_1, window_bounds = array<i64: 2, 1000, 128>}, {transform_indices = @transform_2, window_bounds = array<i64: 1000, 128>}, {pipeline_mode = #tpu.pipeline_mode<synchronous>, transform_indices = @transform_3, window_bounds = array<i64: 1, 128>}, {transform_indices = @transform_4, window_bounds = array<i64: 1000, 128>}, {pipeline_mode = #tpu.pipeline_mode<synchronous>, transform_indices = @transform_5, window_bounds = array<i64: 128, 64>}, {pipeline_mode = #tpu.pipeline_mode<synchronous>, transform_indices = @transform_6, window_bounds = array<i64: 128, 64>}, {transform_indices = @transform_7, window_bounds = array<i64: 1000, 64>}]} {
    %get3A = arith.constant 0 : index
    %get3A_0 = arith.constant 0 : index
    %get3A_1 = arith.constant 0 : index
    %get3A_2 = vector.load %arg1[%get3A, %get3A_0, %get3A_1] : memref<2x1000x16xf32, #tpu.memory_space<vmem>>, vector<1x1000x1xf32>
    %get3A_3 = vector.shape_cast %get3A_2 : vector<1x1000x1xf32> to vector<1000x1xf32>
    %get3A_4 = arith.constant 1 : index
    %get3A_5 = arith.constant 0 : index
    %get3A_6 = arith.constant 0 : index
    %get3A_7 = vector.load %arg1[%get3A_4, %get3A_5, %get3A_6] : memref<2x1000x16xf32, #tpu.memory_space<vmem>>, vector<1x1000x1xf32>
    %get3A_8 = vector.shape_cast %get3A_7 : vector<1x1000x1xf32> to vector<1000x1xf32>
    %add3A = arith.addf %get3A_3, %get3A_8 : vector<1000x1xf32>
    %add3A_9 = arith.constant 1.000000e+00 : f32
    %add3A_10 = vector.broadcast %add3A_9 : f32 to vector<1000x1xf32>
    %add3A_11 = arith.addf %add3A, %add3A_10 : vector<1000x1xf32>
    %rsqrt3A = math.rsqrt %add3A_11 : vector<1000x1xf32>
    %get3A_12 = arith.constant 0 : index
    %get3A_13 = arith.constant 0 : index
    %get3A_14 = arith.constant 0 : index
    %get3A_15 = vector.load %arg2[%get3A_12, %get3A_13, %get3A_14] : memref<2x1000x128xf32, #tpu.memory_space<vmem>>, vector<1x1000x128xf32>
    %get3A_16 = vector.shape_cast %get3A_15 : vector<1x1000x128xf32> to vector<1000x128xf32>
    %get3A_17 = arith.constant 1 : index
    %get3A_18 = arith.constant 0 : index
    %get3A_19 = arith.constant 0 : index
    %get3A_20 = vector.load %arg2[%get3A_17, %get3A_18, %get3A_19] : memref<2x1000x128xf32, #tpu.memory_space<vmem>>, vector<1x1000x128xf32>
    %get3A_21 = vector.shape_cast %get3A_20 : vector<1x1000x128xf32> to vector<1000x128xf32>
    %add3A_22 = arith.addf %get3A_16, %get3A_21 : vector<1000x128xf32>
    %get3A_23 = arith.constant 0 : index
    %get3A_24 = arith.constant 0 : index
    %get3A_25 = vector.load %arg3[%get3A_23, %get3A_24] : memref<1000x128xf32, #tpu.memory_space<vmem>>, vector<1000x128xf32>
    %add3A_26 = arith.addf %add3A_22, %get3A_25 : vector<1000x128xf32>
    %mul3A = vector.broadcast %rsqrt3A : vector<1000x1xf32> to vector<1000x128xf32>
    %mul3A_27 = arith.mulf %mul3A, %add3A_26 : vector<1000x128xf32>
    %get3A_28 = arith.constant 0 : index
    %get3A_29 = arith.constant 0 : index
    %get3A_30 = vector.load %arg4[%get3A_28, %get3A_29] : memref<1x128xf32, #tpu.memory_space<vmem>>, vector<1x128xf32>
    %add3A_31 = vector.broadcast %get3A_30 : vector<1x128xf32> to vector<1000x128xf32>
    %add3A_32 = arith.addf %mul3A_27, %add3A_31 : vector<1000x128xf32>
    %max3A = arith.constant 0.000000e+00 : f32
    %max3A_33 = vector.broadcast %max3A : f32 to vector<1000x128xf32>
    %max3A_34 = arith.maximumf %add3A_32, %max3A_33 : vector<1000x128xf32>
    %get3A_35 = arith.constant 0 : index
    %get3A_36 = arith.constant 0 : index
    %get3A_37 = vector.load %arg5[%get3A_35, %get3A_36] : memref<1000x128xf32, #tpu.memory_space<vmem>>, vector<1000x128xf32>
    %get3A_38 = arith.constant 0 : index
    %get3A_39 = arith.constant 0 : index
    %get3A_40 = vector.load %arg6[%get3A_38, %get3A_39] : memref<128x64xf32, #tpu.memory_space<vmem>>, vector<128x64xf32>
    %dot_general3A = arith.constant dense<0.000000e+00> : vector<1000x64xf32>
    %dot_general3A_41 = tpu.matmul %get3A_37, %get3A_40, %dot_general3A {dimension_numbers = #tpu.dot_dimension_numbers<[1], [0], [0], [1], [0, 0, 1, 1], [], []>, transpose_lhs_hint = false} : vector<1000x128xf32>, vector<128x64xf32>, vector<1000x64xf32> -> vector<1000x64xf32>
    %get3A_42 = arith.constant 0 : index
    %get3A_43 = arith.constant 0 : index
    %get3A_44 = vector.load %arg7[%get3A_42, %get3A_43] : memref<128x64xf32, #tpu.memory_space<vmem>>, vector<128x64xf32>
    %dot_general3A_45 = arith.constant dense<0.000000e+00> : vector<1000x64xf32>
    %dot_general3A_46 = tpu.matmul %max3A_34, %get3A_44, %dot_general3A_45 {dimension_numbers = #tpu.dot_dimension_numbers<[1], [0], [0], [1], [0, 0, 1, 1], [], []>, transpose_lhs_hint = false} : vector<1000x128xf32>, vector<128x64xf32>, vector<1000x64xf32> -> vector<1000x64xf32>
    %add3A_47 = arith.addf %dot_general3A_41, %dot_general3A_46 : vector<1000x64xf32>
    %mul3A_48 = vector.broadcast %rsqrt3A : vector<1000x1xf32> to vector<1000x64xf32>
    %mul3A_49 = arith.mulf %add3A_47, %mul3A_48 : vector<1000x64xf32>
    %swap3A = arith.constant 0 : index
    %swap3A_50 = arith.constant 0 : index
    %swap3A_51 = vector.load %arg8[%swap3A, %swap3A_50] : memref<1000x64xf32, #tpu.memory_space<vmem>>, vector<1000x64xf32>
    tpu.vector_store %arg8[%swap3A, %swap3A_50], %mul3A_49 {strides = array<i32>} : memref<1000x64xf32, #tpu.memory_space<vmem>>, vector<1000x64xf32>,
    return
  }
  func.func @transform_0(%arg0: i32) -> (i32, i32, i32) {
    %c0_i32 = arith.constant 0 : i32
    %c0_i32_0 = arith.constant 0 : i32
    %c0_i32_1 = arith.constant 0 : i32
    return %c0_i32, %arg0, %c0_i32_0 : i32, i32, i32
  }
  func.func @transform_1(%arg0: i32) -> (i32, i32, i32) {
    %c0_i32 = arith.constant 0 : i32
    %c0_i32_0 = arith.constant 0 : i32
    %c0_i32_1 = arith.constant 0 : i32
    return %c0_i32, %arg0, %c0_i32_0 : i32, i32, i32
  }
  func.func @transform_2(%arg0: i32) -> (i32, i32) {
    %c0_i32 = arith.constant 0 : i32
    %c0_i32_0 = arith.constant 0 : i32
    return %arg0, %c0_i32 : i32, i32
  }
  func.func @transform_3(%arg0: i32) -> (i32, i32) {
    %c0_i32 = arith.constant 0 : i32
    %c0_i32_0 = arith.constant 0 : i32
    %c0_i32_1 = arith.constant 0 : i32
    return %c0_i32, %c0_i32_0 : i32, i32
  }
  func.func @transform_4(%arg0: i32) -> (i32, i32) {
    %c0_i32 = arith.constant 0 : i32
    %c0_i32_0 = arith.constant 0 : i32
    return %arg0, %c0_i32 : i32, i32
  }
  func.func @transform_5(%arg0: i32) -> (i32, i32) {
    %c0_i32 = arith.constant 0 : i32
    %c0_i32_0 = arith.constant 0 : i32
    %c0_i32_1 = arith.constant 0 : i32
    return %c0_i32, %c0_i32_0 : i32, i32
  }
  func.func @transform_6(%arg0: i32) -> (i32, i32) {
    %c0_i32 = arith.constant 0 : i32
    %c0_i32_0 = arith.constant 0 : i32
    %c0_i32_1 = arith.constant 0 : i32
    return %c0_i32, %c0_i32_0 : i32, i32
  }
  func.func @transform_7(%arg0: i32) -> (i32, i32) {
    %c0_i32 = arith.constant 0 : i32
    %c0_i32_0 = arith.constant 0 : i32
    return %arg0, %c0_i32 : i32, i32
  }
}

module attributes {stable_mosaic.version = 14 : i64} {
  func.func @_tc_mid_body(%arg0: i32, %arg1: memref<2x1000x16xf32, #tpu.memory_space<vmem>>, %arg2: memref<2x1000x128xf32, #tpu.memory_space<vmem>>, %arg3: memref<1000x128xf32, #tpu.memory_space<vmem>>, %arg4: memref<128x128xf32, #tpu.memory_space<vmem>>, %arg5: memref<1x128xf32, #tpu.memory_space<vmem>>, %arg6: memref<1000x128xf32, #tpu.memory_space<vmem>>, %arg7: memref<1000x128xf32, #tpu.memory_space<vmem>>) attributes {dimension_semantics = [#tpu.dimension_semantics<arbitrary>], iteration_bounds = array<i64: 10>, scalar_prefetch = 0 : i64, scratch_operands = 0 : i64, tpu.core_type = #tpu.core_type<tc>, window_params = [{transform_indices = @transform_0, window_bounds = array<i64: 2, 1000, 16>}, {transform_indices = @transform_1, window_bounds = array<i64: 2, 1000, 128>}, {transform_indices = @transform_2, window_bounds = array<i64: 1000, 128>}, {pipeline_mode = #tpu.pipeline_mode<synchronous>, transform_indices = @transform_3, window_bounds = array<i64: 128, 128>}, {pipeline_mode = #tpu.pipeline_mode<synchronous>, transform_indices = @transform_4, window_bounds = array<i64: 1, 128>}, {transform_indices = @transform_5, window_bounds = array<i64: 1000, 128>}, {transform_indices = @transform_6, window_bounds = array<i64: 1000, 128>}]} {
    %get3A = arith.constant 0 : index
    %get3A_0 = arith.constant 0 : index
    %get3A_1 = arith.constant 0 : index
    %get3A_2 = vector.load %arg1[%get3A, %get3A_0, %get3A_1] : memref<2x1000x16xf32, #tpu.memory_space<vmem>>, vector<1x1000x1xf32>
    %get3A_3 = vector.shape_cast %get3A_2 : vector<1x1000x1xf32> to vector<1000x1xf32>
    %get3A_4 = arith.constant 1 : index
    %get3A_5 = arith.constant 0 : index
    %get3A_6 = arith.constant 0 : index
    %get3A_7 = vector.load %arg1[%get3A_4, %get3A_5, %get3A_6] : memref<2x1000x16xf32, #tpu.memory_space<vmem>>, vector<1x1000x1xf32>
    %get3A_8 = vector.shape_cast %get3A_7 : vector<1x1000x1xf32> to vector<1000x1xf32>
    %add3A = arith.addf %get3A_3, %get3A_8 : vector<1000x1xf32>
    %add3A_9 = arith.constant 1.000000e+00 : f32
    %add3A_10 = vector.broadcast %add3A_9 : f32 to vector<1000x1xf32>
    %add3A_11 = arith.addf %add3A, %add3A_10 : vector<1000x1xf32>
    %rsqrt3A = math.rsqrt %add3A_11 : vector<1000x1xf32>
    %get3A_12 = arith.constant 0 : index
    %get3A_13 = arith.constant 0 : index
    %get3A_14 = arith.constant 0 : index
    %get3A_15 = vector.load %arg2[%get3A_12, %get3A_13, %get3A_14] : memref<2x1000x128xf32, #tpu.memory_space<vmem>>, vector<1x1000x128xf32>
    %get3A_16 = vector.shape_cast %get3A_15 : vector<1x1000x128xf32> to vector<1000x128xf32>
    %get3A_17 = arith.constant 1 : index
    %get3A_18 = arith.constant 0 : index
    %get3A_19 = arith.constant 0 : index
    %get3A_20 = vector.load %arg2[%get3A_17, %get3A_18, %get3A_19] : memref<2x1000x128xf32, #tpu.memory_space<vmem>>, vector<1x1000x128xf32>
    %get3A_21 = vector.shape_cast %get3A_20 : vector<1x1000x128xf32> to vector<1000x128xf32>
    %add3A_22 = arith.addf %get3A_16, %get3A_21 : vector<1000x128xf32>
    %get3A_23 = arith.constant 0 : index
    %get3A_24 = arith.constant 0 : index
    %get3A_25 = vector.load %arg3[%get3A_23, %get3A_24] : memref<1000x128xf32, #tpu.memory_space<vmem>>, vector<1000x128xf32>
    %add3A_26 = arith.addf %add3A_22, %get3A_25 : vector<1000x128xf32>
    %mul3A = vector.broadcast %rsqrt3A : vector<1000x1xf32> to vector<1000x128xf32>
    %mul3A_27 = arith.mulf %mul3A, %add3A_26 : vector<1000x128xf32>
    %get3A_28 = arith.constant 0 : index
    %get3A_29 = arith.constant 0 : index
    %get3A_30 = vector.load %arg5[%get3A_28, %get3A_29] : memref<1x128xf32, #tpu.memory_space<vmem>>, vector<1x128xf32>
    %add3A_31 = vector.broadcast %get3A_30 : vector<1x128xf32> to vector<1000x128xf32>
    %add3A_32 = arith.addf %mul3A_27, %add3A_31 : vector<1000x128xf32>
    %max3A = arith.constant 0.000000e+00 : f32
    %max3A_33 = vector.broadcast %max3A : f32 to vector<1000x128xf32>
    %max3A_34 = arith.maximumf %add3A_32, %max3A_33 : vector<1000x128xf32>
    %swap3A = arith.constant 0 : index
    %swap3A_35 = arith.constant 0 : index
    %swap3A_36 = vector.load %arg6[%swap3A, %swap3A_35] : memref<1000x128xf32, #tpu.memory_space<vmem>>, vector<1000x128xf32>
    tpu.vector_store %arg6[%swap3A, %swap3A_35], %max3A_34 {strides = array<i32>} : memref<1000x128xf32, #tpu.memory_space<vmem>>, vector<1000x128xf32>,
    %get3A_37 = arith.constant 0 : index
    %get3A_38 = arith.constant 0 : index
    %get3A_39 = vector.load %arg4[%get3A_37, %get3A_38] : memref<128x128xf32, #tpu.memory_space<vmem>>, vector<128x128xf32>
    %dot_general3A = arith.constant dense<0.000000e+00> : vector<1000x128xf32>
    %dot_general3A_40 = tpu.matmul %max3A_34, %get3A_39, %dot_general3A {dimension_numbers = #tpu.dot_dimension_numbers<[1], [0], [0], [1], [0, 0, 1, 1], [], []>, transpose_lhs_hint = false} : vector<1000x128xf32>, vector<128x128xf32>, vector<1000x128xf32> -> vector<1000x128xf32>
    %mul3A_41 = vector.broadcast %rsqrt3A : vector<1000x1xf32> to vector<1000x128xf32>
    %mul3A_42 = arith.mulf %dot_general3A_40, %mul3A_41 : vector<1000x128xf32>
    %swap3A_43 = arith.constant 0 : index
    %swap3A_44 = arith.constant 0 : index
    %swap3A_45 = vector.load %arg7[%swap3A_43, %swap3A_44] : memref<1000x128xf32, #tpu.memory_space<vmem>>, vector<1000x128xf32>
    tpu.vector_store %arg7[%swap3A_43, %swap3A_44], %mul3A_42 {strides = array<i32>} : memref<1000x128xf32, #tpu.memory_space<vmem>>, vector<1000x128xf32>,
    return
  }
  func.func @transform_0(%arg0: i32) -> (i32, i32, i32) {
    %c0_i32 = arith.constant 0 : i32
    %c0_i32_0 = arith.constant 0 : i32
    %c0_i32_1 = arith.constant 0 : i32
    return %c0_i32, %arg0, %c0_i32_0 : i32, i32, i32
  }
  func.func @transform_1(%arg0: i32) -> (i32, i32, i32) {
    %c0_i32 = arith.constant 0 : i32
    %c0_i32_0 = arith.constant 0 : i32
    %c0_i32_1 = arith.constant 0 : i32
    return %c0_i32, %arg0, %c0_i32_0 : i32, i32, i32
  }
  func.func @transform_2(%arg0: i32) -> (i32, i32) {
    %c0_i32 = arith.constant 0 : i32
    %c0_i32_0 = arith.constant 0 : i32
    return %arg0, %c0_i32 : i32, i32
  }
  func.func @transform_3(%arg0: i32) -> (i32, i32) {
    %c0_i32 = arith.constant 0 : i32
    %c0_i32_0 = arith.constant 0 : i32
    %c0_i32_1 = arith.constant 0 : i32
    return %c0_i32, %c0_i32_0 : i32, i32
  }
  func.func @transform_4(%arg0: i32) -> (i32, i32) {
    %c0_i32 = arith.constant 0 : i32
    %c0_i32_0 = arith.constant 0 : i32
    %c0_i32_1 = arith.constant 0 : i32
    return %c0_i32, %c0_i32_0 : i32, i32
  }
  func.func @transform_5(%arg0: i32) -> (i32, i32) {
    %c0_i32 = arith.constant 0 : i32
    %c0_i32_0 = arith.constant 0 : i32
    return %arg0, %c0_i32 : i32, i32
  }
  func.func @transform_6(%arg0: i32) -> (i32, i32) {
    %c0_i32 = arith.constant 0 : i32
    %c0_i32_0 = arith.constant 0 : i32
    return %arg0, %c0_i32 : i32, i32
  }
}

module attributes {stable_mosaic.version = 14 : i64} {
  func.func @_tc_out_body(%arg0: i32, %arg1: memref<2x1000x16xf32, #tpu.memory_space<vmem>>, %arg2: memref<2x1000x64xf32, #tpu.memory_space<vmem>>, %arg3: memref<1000x64xf32, #tpu.memory_space<vmem>>, %arg4: memref<1x64xf32, #tpu.memory_space<vmem>>, %arg5: memref<1000x64xf32, #tpu.memory_space<vmem>>) attributes {dimension_semantics = [#tpu.dimension_semantics<arbitrary>], iteration_bounds = array<i64: 10>, scalar_prefetch = 0 : i64, scratch_operands = 0 : i64, tpu.core_type = #tpu.core_type<tc>, window_params = [{transform_indices = @transform_0, window_bounds = array<i64: 2, 1000, 16>}, {transform_indices = @transform_1, window_bounds = array<i64: 2, 1000, 64>}, {transform_indices = @transform_2, window_bounds = array<i64: 1000, 64>}, {pipeline_mode = #tpu.pipeline_mode<synchronous>, transform_indices = @transform_3, window_bounds = array<i64: 1, 64>}, {transform_indices = @transform_4, window_bounds = array<i64: 1000, 64>}]} {
    %get3A = arith.constant 0 : index
    %get3A_0 = arith.constant 0 : index
    %get3A_1 = arith.constant 0 : index
    %get3A_2 = vector.load %arg1[%get3A, %get3A_0, %get3A_1] : memref<2x1000x16xf32, #tpu.memory_space<vmem>>, vector<1x1000x1xf32>
    %get3A_3 = vector.shape_cast %get3A_2 : vector<1x1000x1xf32> to vector<1000x1xf32>
    %get3A_4 = arith.constant 1 : index
    %get3A_5 = arith.constant 0 : index
    %get3A_6 = arith.constant 0 : index
    %get3A_7 = vector.load %arg1[%get3A_4, %get3A_5, %get3A_6] : memref<2x1000x16xf32, #tpu.memory_space<vmem>>, vector<1x1000x1xf32>
    %get3A_8 = vector.shape_cast %get3A_7 : vector<1x1000x1xf32> to vector<1000x1xf32>
    %add3A = arith.addf %get3A_3, %get3A_8 : vector<1000x1xf32>
    %add3A_9 = arith.constant 1.000000e+00 : f32
    %add3A_10 = vector.broadcast %add3A_9 : f32 to vector<1000x1xf32>
    %add3A_11 = arith.addf %add3A, %add3A_10 : vector<1000x1xf32>
    %rsqrt3A = math.rsqrt %add3A_11 : vector<1000x1xf32>
    %get3A_12 = arith.constant 0 : index
    %get3A_13 = arith.constant 0 : index
    %get3A_14 = arith.constant 0 : index
    %get3A_15 = vector.load %arg2[%get3A_12, %get3A_13, %get3A_14] : memref<2x1000x64xf32, #tpu.memory_space<vmem>>, vector<1x1000x64xf32>
    %get3A_16 = vector.shape_cast %get3A_15 : vector<1x1000x64xf32> to vector<1000x64xf32>
    %get3A_17 = arith.constant 1 : index
    %get3A_18 = arith.constant 0 : index
    %get3A_19 = arith.constant 0 : index
    %get3A_20 = vector.load %arg2[%get3A_17, %get3A_18, %get3A_19] : memref<2x1000x64xf32, #tpu.memory_space<vmem>>, vector<1x1000x64xf32>
    %get3A_21 = vector.shape_cast %get3A_20 : vector<1x1000x64xf32> to vector<1000x64xf32>
    %add3A_22 = arith.addf %get3A_16, %get3A_21 : vector<1000x64xf32>
    %get3A_23 = arith.constant 0 : index
    %get3A_24 = arith.constant 0 : index
    %get3A_25 = vector.load %arg3[%get3A_23, %get3A_24] : memref<1000x64xf32, #tpu.memory_space<vmem>>, vector<1000x64xf32>
    %add3A_26 = arith.addf %add3A_22, %get3A_25 : vector<1000x64xf32>
    %mul3A = vector.broadcast %rsqrt3A : vector<1000x1xf32> to vector<1000x64xf32>
    %mul3A_27 = arith.mulf %mul3A, %add3A_26 : vector<1000x64xf32>
    %get3A_28 = arith.constant 0 : index
    %get3A_29 = arith.constant 0 : index
    %get3A_30 = vector.load %arg4[%get3A_28, %get3A_29] : memref<1x64xf32, #tpu.memory_space<vmem>>, vector<1x64xf32>
    %add3A_31 = vector.broadcast %get3A_30 : vector<1x64xf32> to vector<1000x64xf32>
    %add3A_32 = arith.addf %mul3A_27, %add3A_31 : vector<1000x64xf32>
    %swap3A = arith.constant 0 : index
    %swap3A_33 = arith.constant 0 : index
    %swap3A_34 = vector.load %arg5[%swap3A, %swap3A_33] : memref<1000x64xf32, #tpu.memory_space<vmem>>, vector<1000x64xf32>
    tpu.vector_store %arg5[%swap3A, %swap3A_33], %add3A_32 {strides = array<i32>} : memref<1000x64xf32, #tpu.memory_space<vmem>>, vector<1000x64xf32>,
    return
  }
  func.func @transform_0(%arg0: i32) -> (i32, i32, i32) {
    %c0_i32 = arith.constant 0 : i32
    %c0_i32_0 = arith.constant 0 : i32
    %c0_i32_1 = arith.constant 0 : i32
    return %c0_i32, %arg0, %c0_i32_0 : i32, i32, i32
  }
  func.func @transform_1(%arg0: i32) -> (i32, i32, i32) {
    %c0_i32 = arith.constant 0 : i32
    %c0_i32_0 = arith.constant 0 : i32
    %c0_i32_1 = arith.constant 0 : i32
    return %c0_i32, %arg0, %c0_i32_0 : i32, i32, i32
  }
  func.func @transform_2(%arg0: i32) -> (i32, i32) {
    %c0_i32 = arith.constant 0 : i32
    %c0_i32_0 = arith.constant 0 : i32
    return %arg0, %c0_i32 : i32, i32
  }
  func.func @transform_3(%arg0: i32) -> (i32, i32) {
    %c0_i32 = arith.constant 0 : i32
    %c0_i32_0 = arith.constant 0 : i32
    %c0_i32_1 = arith.constant 0 : i32
    return %c0_i32, %c0_i32_0 : i32, i32
  }
  func.func @transform_4(%arg0: i32) -> (i32, i32) {
    %c0_i32 = arith.constant 0 : i32
    %c0_i32_0 = arith.constant 0 : i32
    return %arg0, %c0_i32 : i32, i32
  }
}

</mosaic_0001>

<sc_bundles>
// kernel: sc_prop_d128_gather.4.cloned.1.call-start
scs
__scs_entry_jumppad:
0x0: {  	(pc) =	sbr.rel $0x88, $3  }
0x1: {  	(tag) =	ssettag $0x0;
	lr =	simm.s32 $0x1  }
0x2: {  	[smem:$0x3F99] =	sst lr;
	_ =	strace $0xD0000000  }
0x3: {  	_ = 	snop  }
0x4: {  	_ = 	snop  }
0x5: {  	_ = 	snop  }
0x6: {  	_ = 	snop  }
0x7: {  	_ = 	snop  }
__scs_overlays_trampoline_lowered:
0x8: {  	[smem:$0x3FA8] =	sst s0  }
0x9: {  	[smem:$0x3FA9] =	sst s1  }
0xa: {  	[smem:$0x3FAA] =	sst s2  }
0xb: {  	[smem:$0x3FAB] =	sst s3  }
0xc: {  	[smem:$0x3FAC] =	sst s4  }
0xd: {  	[smem:$0x3FAD] =	sst s5  }
0xe: {  	[smem:$0x3FAE] =	sst s6  }
0xf: {  	[smem:$0x3FAF] =	sst s7  }
0x10: {  	[smem:$0x3FB0] =	sst s8  }
0x11: {  	[smem:$0x3FB1] =	sst s9;
	s0 =	simm.s32 @!p0 $0x0  }
0x12: {  	s1 =	sld [smem:$0x3F97];
	s0 =	simm.s32 @p0 $0x1  }
0x13: {  	[smem:$0x3FB2] =	sst s0;
	s0 =	simm.s32 @!p1 $0x0  }
0x14: {  	s2 =	sld [smem:$0x3F96];
	s0 =	simm.s32 @p1 $0x1  }
0x15: {  	[smem:$0x3FB3] =	sst s0;
	s0 =	simm.s32 @!p2 $0x0  }
0x16: {  	s3 =	sld [smem:$0x3FDB];
	s0 =	simm.s32 @p2 $0x1  }
0x17: {  	s4 =	simm.s32 $0x1BF5;
	[smem:$0x3FB5] =	sst s0  }
0x18: {  	s0 =	sld [smem:$0x3F98];
	_ =	swait.ge [sflag:s4], $0x0  }
0x19: {  	s7 =	sld [smem:$0x3F99]  }
0x1a: {  	s8 =	sadd.s32 $0xFFFFE003, lr  }
0x1b: {  	s9 =	sadd.s32 $0xFFFFFEF7, lr;
	s5 =	simm.s32 $0xFFFFFFFF;
	p2 =	slt.u32 s8, $0xFFFFF086  }
0x1c: {  	p1 =	slt.u32 s9, $0xF7A;
	s5 =	simm.s32 @!p2 $0x0  }
0x1d: {  	s5 =	simm.s32 @p1 $0x1;
	p0 =	seq.s32 s7, s2  }
0x1e: {  	s7 =	smul.u32 @!p0 $0xF7A, s2;
	p2 =	seq.s32 @!p0 s5, $0x0  }
0x1f: {  	s9 =	smul.u32 $0xF7A, s1;
	s8 =	simm.s32 @!p0 $0x1BF5;
	p2 =	por !p2, p0  }
0x20: {  	[sflag:s8] =	ssyncset.s32 @!p0 $0xFFFFF086;
	s6 =	sadd.s32 @!p0 s3, s7;
	s7 =	simm.s32 @!p0 $0x108  }
0x21: {  	s3 =	sadd.s32 s3, s9;
	s6 =	sadd.s32 @!p0 $0x88, s6;
	s7 =	simm.s32 @p2 $0x1082  }
0x22: {  	[simem:s7], [sflag:s8] =	dma.local @!p0 [hbm:s6], $0xF7A  }
0x23: {  	s9 =	sor.u32 $0xD0000000, s2;
	s6 =	simm.s32 $0x108;
	_ =	swait.ge @!p0 [sflag:s8], $0x0  }
0x24: {  	s3 =	sadd.s32 $0x88, s3;
	s6 =	simm.s32 @!p1 $0x1082;
	[sflag:s4] =	ssyncset.s32 $0xFFFFF086  }
0x25: {  	[simem:s6], [sflag:s4] =	dma.local [hbm:s3], $0xF7A  }
0x26: {  	[smem:$0x3F99] =	sst s1;
	(tag) =	ssettag s2;
	_ =	strace s9  }
0x27: {  	s1 =	sld [smem:$0x3FA9]  }
0x28: {  	s2 =	sld [smem:$0x3FAA]  }
0x29: {  	s4 =	sld [smem:$0x3FAC]  }
0x2a: {  	p0 =	seq.s32 s5, $0x0;
	s5 =	sld [smem:$0x3FAD]  }
0x2b: {  	s6 =	sld [smem:$0x3FAE]  }
0x2c: {  	s7 =	sld [smem:$0x3FAF]  }
0x2d: {  	s3 =	simm.s32 $0x108;
	s8 =	sld [smem:$0x3FB0]  }
0x2e: {  	s3 =	simm.s32 @!p0 $0x1082;
	s9 =	sld [smem:$0x3FB1]  }
0x2f: {  	lr =	sadd.s32 s0, s3;
	s0 =	sld [smem:$0x3FA8]  }
0x30: {  	s3 =	sld [smem:$0x3FAB]  }
0x31: {  	[smem:$0x3FB4] =	sst s10  }
0x32: {  	s10 =	sld [smem:$0x3FB2];
	_ =	sdelay $0x3  }
0x33: {  	p0 =	seq.s32 s10, $0x1;
	s10 =	sld [smem:$0x3FB4];
	_ =	sdelay $0x3  }
0x34: {  	[smem:$0x3FB4] =	sst s10  }
0x35: {  	s10 =	sld [smem:$0x3FB3];
	_ =	sdelay $0x3  }
0x36: {  	p1 =	seq.s32 s10, $0x1;
	s10 =	sld [smem:$0x3FB4];
	_ =	sdelay $0x3  }
0x37: {  	[smem:$0x3FB4] =	sst s10  }
0x38: {  	s10 =	sld [smem:$0x3FB5]  }
0x39: {  	_ = 	snop;
	(pc) =	sbr.ind lr, $3  }
0x3a: {  	_ = 	snop  }
0x3b: {  	_ = 	snop  }
0x3c: {  	p2 =	seq.s32 s10, $0x1;
	s10 =	sld [smem:$0x3FB4]  }
0x3d: {  	_ =	shalt  }
0x3e: {  	_ =	shalt  }
0x3f: {  	_ =	shalt  }
0x40: {  	_ =	shalt  }
0x41: {  	_ =	shalt  }
0x42: {  	_ =	shalt  }
0x43: {  	_ =	shalt  }
0x44: {  	_ =	shalt  }
0x45: {  	_ =	shalt  }
0x46: {  	_ =	shalt  }
0x47: {  	_ =	shalt  }
0x48: {  	_ =	shalt  }
0x49: {  	_ =	shalt  }
0x4a: {  	_ =	shalt  }
0x4b: {  	_ =	shalt  }
0x4c: {  	_ =	shalt  }
0x4d: {  	_ =	shalt  }
0x4e: {  	_ =	shalt  }
0x4f: {  	_ =	shalt  }
0x50: {  	_ =	shalt  }
0x51: {  	_ =	shalt  }
0x52: {  	_ =	shalt  }
0x53: {  	_ =	shalt  }
0x54: {  	_ =	shalt  }
0x55: {  	_ =	shalt  }
0x56: {  	_ =	shalt  }
0x57: {  	_ =	shalt  }
0x58: {  	_ =	shalt  }
0x59: {  	_ =	shalt  }
0x5a: {  	_ =	shalt  }
0x5b: {  	_ =	shalt  }
0x5c: {  	_ =	shalt  }
0x5d: {  	_ =	shalt  }
0x5e: {  	_ =	shalt  }
0x5f: {  	_ =	shalt  }
0x60: {  	_ =	shalt  }
0x61: {  	_ =	shalt  }
0x62: {  	_ =	shalt  }
0x63: {  	_ =	shalt  }
0x64: {  	_ =	shalt  }
0x65: {  	_ =	shalt  }
0x66: {  	_ =	shalt  }
0x67: {  	_ =	shalt  }
0x68: {  	_ =	shalt  }
0x69: {  	_ =	shalt  }
0x6a: {  	_ =	shalt  }
0x6b: {  	_ =	shalt  }
0x6c: {  	_ =	shalt  }
0x6d: {  	_ =	shalt  }
0x6e: {  	_ =	shalt  }
0x6f: {  	_ =	shalt  }
0x70: {  	_ =	shalt  }
0x71: {  	_ =	shalt  }
0x72: {  	_ =	shalt  }
0x73: {  	_ =	shalt  }
0x74: {  	_ =	shalt  }
0x75: {  	_ =	shalt  }
0x76: {  	_ =	shalt  }
0x77: {  	_ =	shalt  }
0x78: {  	_ =	shalt  }
0x79: {  	_ =	shalt  }
0x7a: {  	_ =	shalt  }
0x7b: {  	_ =	shalt  }
0x7c: {  	_ =	shalt  }
0x7d: {  	_ =	shalt  }
0x7e: {  	_ =	shalt  }
0x7f: {  	_ =	shalt  }
0x80: {  	_ =	shalt  }
0x81: {  	_ =	shalt  }
0x82: {  	_ =	shalt  }
0x83: {  	_ =	shalt  }
0x84: {  	_ =	shalt  }
0x85: {  	_ =	shalt  }
0x86: {  	_ =	shalt  }
0x87: {  	_ =	shalt  }
.Lfunc_end0:
.L_simem_size_0:
called_computation.1_lowered:
.L_overlay_start_0:
0x88: {  	s2 =	sld [smem:$0x3FD9]  }
0x89: {  	s3 =	sld [smem:$0x3FFE];
	_ =	sdelay $0x1  }
0x8a: {  	s1 =	srdreg.scid  }
0x8b: {  	s0 =	sand.u32 $0x1, s1  }
0x8c: {  	s14 =	sshll.u32 s0, $0xA;
	s2 =	sadd.s32 s3, s2  }
0x8d: {  	s2 =	sadd.s32 s2, s14  }
0x8e: {  	[smem:$0x3FC0] =	sst s2  }
0x8f: {  	_ = 	snop  }
0x90: {  	s2 =	sld [smem:$0x3FD0];
	_ =	sdelay $0x2  }
0x91: {  	s15 =	simm.s32 $0xA;
	s4 =	simm.s32 $0x10  }
0x92: {  	[smem:s4], [sflag:s15] =	dma.local [hbm:s2], $0x1  }
0x93: {  	_ =	swait.eq [sflag:s15], $0x1  }
0x94: {  	[sflag:s15] =	ssyncset.done $0x0  }
0x95: {  	s16 =	sld [smem:$0x10];
	[sflag:s15] =	ssyncadd.s32 $0xFFFFFFFF  }
0x96: {  	s17 =	sld [smem:$0x11];
	(tm) =	ssettm $0x1  }
0x97: {  	s18 =	sld [smem:$0x3FFB];
	_ =	sdelay $0x3  }
0x98: {  	_ =	strace s18  }
0x99: {  	s4 =	sld [smem:$0x3FFC];
	_ =	sdelay $0x3  }
0x9a: {  	_ =	strace s4  }
0x9b: {  	s4 =	sld [smem:$0x3FFD];
	_ =	sdelay $0x3  }
0x9c: {  	_ =	strace s4  }
0x9d: {  	_ =	strace $0x8FFFFFFF  }
0x9e: {  	s19 =	sld [smem:$0x3FDB];
	_ =	sdelay $0x1  }
0x9f: {  	s5 =	simm.s32 $_scs_section_size  }
0xa0: {  	s6 =	simm.s32 $_size__tile_overlayer_lowered;
	s7 =	simm.s32 $_tile_overlayer_lowered  }
0xa1: {  	s22 =	simm.s32 $0x1BFF;
	s21 =	sshll.u32 s7, $0x1;
	s4 =	sadd.s32 s5, s19  }
0xa2: {  	s8 =	simm.s32 $0x0;
	s20 =	sshll.u32 s6, $0x1;
	s6 =	sadd.s32 s21, s4  }
0xa3: {  	[timem:s8], [sflag:s22] =	dma.local [hbm:s6], s20  }
0xa4: {  	_ =	swait.ge [sflag:s22], s20  }
0xa5: {  	s5 =	ssub.s32 $0x0, s20;
	[sflag:s22] =	ssyncset.done $0x0  }
0xa6: {  	[sflag:s22] =	ssyncadd.s32 s5;
	_ =	sdelay $0x1  }
0xa7: {  	s23 =	simm.s32 $0x1B8B  }
0xa8: {  	_ =	swait.ge [sflag:s23], $0x1  }
0xa9: {  	[sflag:s23] =	ssyncset.done $0x0  }
0xaa: {  	s25 =	simm.s32 $0x1B8E;
	s24 =	sld [smem:$0x3FFE];
	[sflag:s23] =	ssyncadd.s32 $0xFFFFFFFF  }
0xab: {  	s26 =	simm.s32 $execute0_lowered;
	[smem:$0x3FD2] =	sst s25  }
0xac: {  	s6 =	sshll.u32 s26, $0x1;
	_ =	strace $0x80000049;
	[dreg:$0x1] =	wrdreg $0xFFFFFFFF  }
0xad: {  	s28 =	simm.s32 $_size_execute0_lowered;
	s4 =	sadd.s32 s4, s6;
	[dreg:$0x0] =	wrdreg $0x0  }
0xae: {  	s6 =	sshll.u32 s28, $0x1;
	[dreg:$0x2] =	wrdreg s4  }
0xaf: {  	[dreg:$0x3] =	wrdreg s6  }
0xb0: {  	[dreg:$0x4] =	wrdreg $0xC0  }
0xb1: {  	_ =	task [dreg:s8], $0x5FFFF  }
0xb2: {  	[dreg:$0x1] =	wrdreg $0xFFFFFFFF  }
0xb3: {  	[dreg:$0x0] =	wrdreg $0x60  }
0xb4: {  	[dreg:$0x2] =	wrdreg s24  }
0xb5: {  	[dreg:$0x3] =	wrdreg s16  }
0xb6: {  	[dreg:$0x4] =	wrdreg s17  }
0xb7: {  	[dreg:$0x5] =	wrdreg $0xA8000  }
0xb8: {  	[dreg:$0x6] =	wrdreg $0x9  }
0xb9: {  	_ =	task.clear_ibuf [dreg:s8], $0x7FFFF;
	_ =	strace $0x90000049  }
0xba: {  	s29 =	simm.s32 $0x9;
	_ =	strace $0x8000004B  }
0xbb: {  	_ =	swait.ge [sflag:s29], $0x1  }
0xbc: {  	[sflag:s29] =	ssyncadd.s32 $0xFFFFFFFF  }
0xbd: {  	_ =	strace $0x9000004B  }
0xbe: {  	_ =	sfence  }
0xbf: {  	s30 =	sld [smem:$0x0];
	_ =	sdelay $0x2  }
0xc0: {  	s31 =	sshll.u32 s1, $0xD;
	s1 =	sshrl.u32 s1, $0x2  }
0xc1: {  	s3 =	sand.u32 $0x4000, s31;
	s1 =	sadd.s32 s1, s30  }
0xc2: {  	s0 =	sor.u32 s3, s0;
	s1 =	sshll.u32 s1, $0x11  }
0xc3: {  	s0 =	sor.u32 s1, s0  }
0xc4: {  	s0 =	sadd.s32 $0x8F2B, s0  }
0xc5: {  	[sflag:s0] =	ssyncadd.remote.s32 $0x1  }
0xc6: {  	_ =	sfence.sel $0xFFFF  }
0xc7: {  	[dreg:$0x0] =	wrdreg $0xFFFFFFFF;
	(pc) =	sbr.abs _section_cstart, $3  }
0xc8: {  	[dreg:$0x1] =	wrdreg $0xFFFFFFFF  }
0xc9: {  	_ =	task.clear_ibuf [dreg:s8], $0x2FFFF;
	_ =	strace $0x9FFFFFFF  }
0xca: {  	(tm) =	ssettm $0x7FFFFFFF  }
0xcb: {  	_ =	shalt  }
tec
execute0_lowered:
.L_overlay_start_1:
0x0: {  	(tag) =	ssettag $0x1  }
0x1: {  	s6 =	rddreg [dreg:$0x0]  }
0x2: {  	s13 =	rddreg [dreg:$0x1]  }
0x3: {  	s1 =	rddreg [dreg:$0x2]  }
0x4: {  	s2 =	rddreg [dreg:$0x3];
	s3 =	simm.s32 $0x0  }
0x5: {  	s7 =	srdreg.scid;
	s0 =	stileid.u32;
	s24 =	simm.s32 $0x80  }
0x6: {  	s28 =	simm.s32 $0x2;
	s29 =	simm.s32 $0x0;
	[smem:$0x7FF] =	sst s3  }
0x7: {  	s5 =	sadd.s32 $0xE800, s6;
	s10 =	sand.u32 $0x1, s7;
	s8 =	smul.u32 $0x50000, s0  }
0x8: {  	s14 =	sadd.s32 $0x4800, s6;
	s19 =	sadd.s32 $0x85A00, s6;
	s15 =	smul.u32 $0x14000, s0  }
0x9: {  	_ =	strace $0x8000004A;
	s7 =	ssub.s32 $0x2, s10;
	s26 =	sshll.u32 s10, $0x4  }
0xa: {  	s23 =	smul.u32 $0x140000, s10;
	s25 =	sshrl.u32 s7, $0x1;
	s30 =	sshrl.u32 s8, $0x2  }
0xb: {  	s31 =	sor.u32 s0, s26;
	s16 =	sadd.s32 $0x4000, s15;
	s17 =	sadd.s32 $0x8000, s15  }
0xc: {  	s18 =	sadd.s32 $0xC000, s15;
	s21 =	sadd.s32 $0x10000, s15;
	s26 =	simm.s32 $0x1  }
0xd: {  	s20 =	ssub.s32 s7, s25;
	s6 =	sadd.s32 s30, s2;
	s11 =	smul.u32 $0x2800, s31  }
0xe: {  	s7 =	sadd.s32 s16, s2;
	s8 =	sadd.s32 s17, s2;
	s9 =	sadd.s32 s18, s2  }
0xf: {  	s10 =	sadd.s32 s21, s2;
	s15 =	sadd.s32 s15, s23;
	s16 =	sadd.s32 s23, s16  }
0x10: {  	s17 =	sadd.s32 s23, s17;
	s18 =	sadd.s32 s23, s18;
	s21 =	sadd.s32 s23, s21  }
0x11: {  	s23 =	simm.s32 $0x1400;
	s25 =	simm.s32 $0x6800;
	s15 =	sshrl.u32 s15, $0x3  }
0x12: {  	s16 =	sshrl.u32 s16, $0x3;
	s17 =	sshrl.u32 s17, $0x3;
	s18 =	sshrl.u32 s18, $0x3  }
0x13: {  	s21 =	sshrl.u32 s21, $0x3;
	s20 =	smax.u32 s20, $0x1;
	s22 =	sshrl.u32 s11, $0x3  }
0x14: {  	s15 =	sadd.s32 s19, s15;
	s16 =	sadd.s32 s19, s16;
	s17 =	sadd.s32 s19, s17  }
0x15: {  	s18 =	sadd.s32 s19, s18;
	s19 =	sadd.s32 s19, s21;
	s21 =	simm.s32 $0x2800  }
0x16: {  	s11 =	sadd.s32 s13, s22;
	s12 =	sadd.s32 s14, s22;
	s22 =	sadd.s32 $0x280, s22  }
0x17: {  	s13 =	sadd.s32 s13, s22;
	s14 =	sadd.s32 s14, s22;
	s22 =	simm.s32 $0x3  }
.LBB2_1:
0x18: {  	[tilespmem:s21], [sflag:$0x3] =	stream.linear.gather [hbm4b:s1+s3], $0x4000, $0x38;
	[tilespmem:$0x1E800] =	vst v63  }
0x19: {  	_ =	swait.ge [sflag:s22], $0x4000  }
0x1a: {  	[sflag:s22] =	ssyncset.done $0x0  }
0x1b: {  	[sflag:s22] =	ssyncadd.s32 $0xFFFFC000  }
0x1c: {  	[spmem:s6] =	stream.linear.scatter [tilespmem:s21], [sflag:$0x3], $0x4000, $0x38;
	[tilespmem:$0x1E800] =	vst v63  }
0x1d: {  	_ =	swait.ge [sflag:s22], $0x4000  }
0x1e: {  	[sflag:s22] =	ssyncset.done $0x0  }
0x1f: {  	[sflag:s22] =	ssyncadd.s32 $0xFFFFC000  }
0x20: {  	[spmem:s7] =	stream.linear.scatter [tilespmem:s21], [sflag:$0x3], $0x4000, $0x38;
	[tilespmem:$0x1E800] =	vst v63  }
0x21: {  	_ =	swait.ge [sflag:s22], $0x4000  }
0x22: {  	[sflag:s22] =	ssyncset.done $0x0  }
0x23: {  	[sflag:s22] =	ssyncadd.s32 $0xFFFFC000  }
0x24: {  	[spmem:s8] =	stream.linear.scatter [tilespmem:s21], [sflag:$0x3], $0x4000, $0x38;
	[tilespmem:$0x1E800] =	vst v63  }
0x25: {  	_ =	swait.ge [sflag:s22], $0x4000  }
0x26: {  	[sflag:s22] =	ssyncset.done $0x0  }
0x27: {  	[sflag:s22] =	ssyncadd.s32 $0xFFFFC000  }
0x28: {  	[spmem:s9] =	stream.linear.scatter [tilespmem:s21], [sflag:$0x3], $0x4000, $0x38;
	[tilespmem:$0x1E800] =	vst v63  }
0x29: {  	_ =	swait.ge [sflag:s22], $0x4000  }
0x2a: {  	[sflag:s22] =	ssyncset.done $0x0  }
0x2b: {  	[sflag:s22] =	ssyncadd.s32 $0xFFFFC000  }
0x2c: {  	[spmem:s10] =	stream.linear.scatter [tilespmem:s21], [sflag:$0x3], $0x4000, $0x38;
	[tilespmem:$0x1E800] =	vst v63  }
0x2d: {  	_ =	swait.ge [sflag:s22], $0x4000  }
0x2e: {  	[sflag:s22] =	ssyncset.done $0x0  }
0x2f: {  	[sflag:s22] =	ssyncadd.s32 $0xFFFFC000  }
0x30: {  	[bflag:$0x0] =	sbarrier.arrive $0xFFFF  }
0x31: {  	[tilespmem:s3], [sflag:$0x3] =	stream.linear.gather [hbm4b:s11+s3], $0x1400, $0x38;
	[tilespmem:$0x1E800] =	vst v63  }
0x32: {  	_ =	swait.ge [sflag:s22], $0x1400  }
0x33: {  	[sflag:s22] =	ssyncset.done $0x0  }
0x34: {  	[sflag:s22] =	ssyncadd.s32 $0xFFFFEC00  }
0x35: {  	[tilespmem:s23], [sflag:$0x3] =	stream.linear.gather [hbm4b:s12+s3], $0x1400, $0x38;
	[tilespmem:$0x1E800] =	vst v63  }
0x36: {  	_ =	swait.ge [sflag:s22], $0x1400  }
0x37: {  	[sflag:s22] =	ssyncset.done $0x0  }
0x38: {  	s30 =	simm.s32 $0x0;
	[sflag:s22] =	ssyncadd.s32 $0xFFFFEC00  }
0x39: {  	[tilespmem:s21], [sflag:$0x1] =	stream.indirect.gather [hbm4b:s5+s24], $0x80, s30, s24, $0xb8;
	[tilespmem:$0x1E800] =	vst v63  }
0x3a: {  	s30 =	simm.s32 $0x80  }
0x3b: {  	[tilespmem:s25], [sflag:$0x2] =	stream.indirect.gather [hbm4b:s5+s24], $0x80, s30, s24, $0xb8;
	[tilespmem:$0x1E800] =	vst v63  }
0x3c: {  	_ =	swait.ge [sflag:s26], $0x4000  }
0x3d: {  	[sflag:s26] =	ssyncset.done $0x0  }
0x3e: {  	s30 =	simm.s32 $0x1400;
	[sflag:s26] =	ssyncadd.s32 $0xFFFFC000  }
0x3f: {  	[spmem:s2] =	stream.indirect.scatter.add.f32 [tilespmem:s21], [sflag:$0x3], $0x80, s30, s24, $0xb8;
	[tilespmem:$0x1E800] =	vst v63  }
0x40: {  	_ =	swait.ge [sflag:s22], $0x4000  }
0x41: {  	[sflag:s22] =	ssyncset.done $0x0  }
0x42: {  	[sflag:s22] =	ssyncadd.s32 $0xFFFFC000  }
0x43: {  	_ =	swait.ge [sflag:s28], $0x4000  }
0x44: {  	[sflag:s28] =	ssyncset.done $0x0  }
0x45: {  	s30 =	simm.s32 $0x1480;
	[sflag:s28] =	ssyncadd.s32 $0xFFFFC000  }
0x46: {  	[spmem:s2] =	stream.indirect.scatter.add.f32 [tilespmem:s25], [sflag:$0x3], $0x80, s30, s24, $0xb8;
	[tilespmem:$0x1E800] =	vst v63  }
0x47: {  	_ =	swait.ge [sflag:s22], $0x4000  }
0x48: {  	s31 =	simm.s32 $0x800;
	s30 =	simm.s32 $0x400;
	[sflag:s22] =	ssyncset.done $0x0  }
.LBB2_2:
0x49: {  	s0 =	sshra.s32 s30, $0x2  }
0x4a: {  	[sflag:s22] =	ssyncadd.s32 $0xFFFFC000;
	s30 =	smov.u32 s31;
	s4 =	sadd.s32 $0x400, s31  }
0x4b: {  	[tilespmem:s21], [sflag:$0x1] =	stream.indirect.gather [hbm4b:s5+s24], $0x80, s0, s24, $0xb8;
	[tilespmem:$0x1E800] =	vst v63  }
0x4c: {  	p0 =	sne.s32 s31, $0x4C00;
	s31 =	sadd.s32 $0x80, s0  }
0x4d: {  	[tilespmem:s25], [sflag:$0x2] =	stream.indirect.gather [hbm4b:s5+s24], $0x80, s31, s24, $0xb8;
	[tilespmem:$0x1E800] =	vst v63  }
0x4e: {  	_ =	swait.ge [sflag:s26], $0x4000  }
0x4f: {  	[sflag:s26] =	ssyncset.done $0x0  }
0x50: {  	s31 =	sadd.s32 $0x1400, s0;
	[sflag:s26] =	ssyncadd.s32 $0xFFFFC000  }
0x51: {  	[spmem:s2] =	stream.indirect.scatter.add.f32 [tilespmem:s21], [sflag:$0x3], $0x80, s31, s24, $0xb8;
	[tilespmem:$0x1E800] =	vst v63  }
0x52: {  	_ =	swait.ge [sflag:s22], $0x4000  }
0x53: {  	[sflag:s22] =	ssyncset.done $0x0  }
0x54: {  	[sflag:s22] =	ssyncadd.s32 $0xFFFFC000  }
0x55: {  	_ =	swait.ge [sflag:s28], $0x4000  }
.Ltmp0:
0x56: {  	[sflag:s28] =	ssyncset.done $0x0;
	(pc) =	sbr.rel @p0 .LBB2_2-.Ltmp0, $4  }
0x57: {  	s0 =	sadd.s32 $0x1480, s0;
	[sflag:s28] =	ssyncadd.s32 $0xFFFFC000  }
0x58: {  	[spmem:s2] =	stream.indirect.scatter.add.f32 [tilespmem:s25], [sflag:$0x3], $0x80, s0, s24, $0xb8;
	[tilespmem:$0x1E800] =	vst v63  }
0x59: {  	_ =	swait.ge [sflag:s22], $0x4000  }
0x5a: {  	s31 =	smov.u32 s4;
	[sflag:s22] =	ssyncset.done $0x0  }
0x5b: {  	s0 =	sshra.s32 s30, $0x2;
	[sflag:s22] =	ssyncadd.s32 $0xFFFFC000  }
0x5c: {  	[tilespmem:s21], [sflag:$0x1] =	stream.indirect.gather [hbm4b:s5+s24], $0x80, s0, s24, $0xb8;
	[tilespmem:$0x1E800] =	vst v63  }
0x5d: {  	s4 =	sadd.s32 $0x80, s0  }
0x5e: {  	[tilespmem:s25], [sflag:$0x2] =	stream.indirect.gather [hbm4b:s5+s24], $0x80, s4, s24, $0xb8;
	[tilespmem:$0x1E800] =	vst v63  }
0x5f: {  	_ =	swait.ge [sflag:s26], $0x4000  }
0x60: {  	[sflag:s26] =	ssyncset.done $0x0  }
0x61: {  	s4 =	sadd.s32 $0x1400, s0;
	[sflag:s26] =	ssyncadd.s32 $0xFFFFC000  }
0x62: {  	[spmem:s2] =	stream.indirect.scatter.add.f32 [tilespmem:s21], [sflag:$0x3], $0x80, s4, s24, $0xb8;
	[tilespmem:$0x1E800] =	vst v63  }
0x63: {  	_ =	swait.ge [sflag:s22], $0x4000  }
0x64: {  	[sflag:s22] =	ssyncset.done $0x0  }
0x65: {  	[sflag:s22] =	ssyncadd.s32 $0xFFFFC000  }
0x66: {  	_ =	swait.ge [sflag:s28], $0x4000  }
0x67: {  	[sflag:s28] =	ssyncset.done $0x0  }
0x68: {  	s0 =	sadd.s32 $0x1480, s0;
	[sflag:s28] =	ssyncadd.s32 $0xFFFFC000  }
0x69: {  	[spmem:s2] =	stream.indirect.scatter.add.f32 [tilespmem:s25], [sflag:$0x3], $0x80, s0, s24, $0xb8;
	[tilespmem:$0x1E800] =	vst v63  }
0x6a: {  	_ =	swait.ge [sflag:s22], $0x4000  }
0x6b: {  	[sflag:s22] =	ssyncset.done $0x0  }
0x6c: {  	s4 =	simm.s32 $0x0;
	[sflag:s22] =	ssyncadd.s32 $0xFFFFC000  }
0x6d: {  	[tilespmem:s4], [sflag:$0x3] =	stream.linear.gather [hbm4b:s13+s4], $0x1400, $0x38;
	[tilespmem:$0x1E800] =	vst v63  }
0x6e: {  	_ =	swait.ge [sflag:s22], $0x1400  }
0x6f: {  	[sflag:s22] =	ssyncset.done $0x0  }
0x70: {  	[sflag:s22] =	ssyncadd.s32 $0xFFFFEC00  }
0x71: {  	[tilespmem:s23], [sflag:$0x3] =	stream.linear.gather [hbm4b:s14+s4], $0x1400, $0x38;
	[tilespmem:$0x1E800] =	vst v63  }
0x72: {  	_ =	swait.ge [sflag:s22], $0x1400  }
0x73: {  	[sflag:s22] =	ssyncset.done $0x0  }
0x74: {  	s4 =	simm.s32 $0x0;
	[sflag:s22] =	ssyncadd.s32 $0xFFFFEC00  }
0x75: {  	[tilespmem:s21], [sflag:$0x1] =	stream.indirect.gather [hbm4b:s5+s24], $0x80, s4, s24, $0xb8;
	[tilespmem:$0x1E800] =	vst v63  }
0x76: {  	s4 =	simm.s32 $0x80  }
0x77: {  	[tilespmem:s25], [sflag:$0x2] =	stream.indirect.gather [hbm4b:s5+s24], $0x80, s4, s24, $0xb8;
	[tilespmem:$0x1E800] =	vst v63  }
0x78: {  	_ =	swait.ge [sflag:s26], $0x4000  }
0x79: {  	[sflag:s26] =	ssyncset.done $0x0  }
0x7a: {  	s4 =	simm.s32 $0x1400;
	[sflag:s26] =	ssyncadd.s32 $0xFFFFC000  }
0x7b: {  	[spmem:s2] =	stream.indirect.scatter.add.f32 [tilespmem:s21], [sflag:$0x3], $0x80, s4, s24, $0xb8;
	[tilespmem:$0x1E800] =	vst v63  }
0x7c: {  	_ =	swait.ge [sflag:s22], $0x4000  }
0x7d: {  	[sflag:s22] =	ssyncset.done $0x0  }
0x7e: {  	[sflag:s22] =	ssyncadd.s32 $0xFFFFC000  }
0x7f: {  	_ =	swait.ge [sflag:s28], $0x4000  }
0x80: {  	[sflag:s28] =	ssyncset.done $0x0  }
0x81: {  	s4 =	simm.s32 $0x1480;
	[sflag:s28] =	ssyncadd.s32 $0xFFFFC000  }
0x82: {  	[spmem:s2] =	stream.indirect.scatter.add.f32 [tilespmem:s25], [sflag:$0x3], $0x80, s4, s24, $0xb8;
	[tilespmem:$0x1E800] =	vst v63  }
0x83: {  	_ =	swait.ge [sflag:s22], $0x4000  }
0x84: {  	s30 =	simm.s32 $0x400;
	s31 =	simm.s32 $0x800;
	[sflag:s22] =	ssyncset.done $0x0  }
.LBB2_4:
0x85: {  	s0 =	sshra.s32 s30, $0x2  }
0x86: {  	[sflag:s22] =	ssyncadd.s32 $0xFFFFC000;
	s30 =	smov.u32 s31;
	s4 =	sadd.s32 $0x400, s31  }
0x87: {  	[tilespmem:s21], [sflag:$0x1] =	stream.indirect.gather [hbm4b:s5+s24], $0x80, s0, s24, $0xb8;
	[tilespmem:$0x1E800] =	vst v63  }
0x88: {  	p0 =	sne.s32 s31, $0x4C00;
	s31 =	sadd.s32 $0x80, s0  }
0x89: {  	[tilespmem:s25], [sflag:$0x2] =	stream.indirect.gather [hbm4b:s5+s24], $0x80, s31, s24, $0xb8;
	[tilespmem:$0x1E800] =	vst v63  }
0x8a: {  	_ =	swait.ge [sflag:s26], $0x4000  }
0x8b: {  	[sflag:s26] =	ssyncset.done $0x0  }
0x8c: {  	s31 =	sadd.s32 $0x1400, s0;
	[sflag:s26] =	ssyncadd.s32 $0xFFFFC000  }
0x8d: {  	[spmem:s2] =	stream.indirect.scatter.add.f32 [tilespmem:s21], [sflag:$0x3], $0x80, s31, s24, $0xb8;
	[tilespmem:$0x1E800] =	vst v63  }
0x8e: {  	_ =	swait.ge [sflag:s22], $0x4000  }
0x8f: {  	[sflag:s22] =	ssyncset.done $0x0  }
0x90: {  	[sflag:s22] =	ssyncadd.s32 $0xFFFFC000  }
0x91: {  	_ =	swait.ge [sflag:s28], $0x4000  }
.Ltmp1:
0x92: {  	[sflag:s28] =	ssyncset.done $0x0;
	(pc) =	sbr.rel @p0 .LBB2_4-.Ltmp1, $4  }
0x93: {  	s0 =	sadd.s32 $0x1480, s0;
	[sflag:s28] =	ssyncadd.s32 $0xFFFFC000  }
0x94: {  	[spmem:s2] =	stream.indirect.scatter.add.f32 [tilespmem:s25], [sflag:$0x3], $0x80, s0, s24, $0xb8;
	[tilespmem:$0x1E800] =	vst v63  }
0x95: {  	_ =	swait.ge [sflag:s22], $0x4000  }
0x96: {  	s31 =	smov.u32 s4;
	[sflag:s22] =	ssyncset.done $0x0  }
0x97: {  	s0 =	sshra.s32 s30, $0x2;
	[sflag:s22] =	ssyncadd.s32 $0xFFFFC000  }
0x98: {  	[tilespmem:s21], [sflag:$0x1] =	stream.indirect.gather [hbm4b:s5+s24], $0x80, s0, s24, $0xb8;
	[tilespmem:$0x1E800] =	vst v63  }
0x99: {  	s4 =	sadd.s32 $0x80, s0  }
0x9a: {  	[tilespmem:s25], [sflag:$0x2] =	stream.indirect.gather [hbm4b:s5+s24], $0x80, s4, s24, $0xb8;
	[tilespmem:$0x1E800] =	vst v63  }
0x9b: {  	_ =	swait.ge [sflag:s26], $0x4000  }
0x9c: {  	[sflag:s26] =	ssyncset.done $0x0  }
0x9d: {  	s31 =	sadd.s32 $0x1400, s0;
	[sflag:s26] =	ssyncadd.s32 $0xFFFFC000  }
0x9e: {  	[spmem:s2] =	stream.indirect.scatter.add.f32 [tilespmem:s21], [sflag:$0x3], $0x80, s31, s24, $0xb8;
	[tilespmem:$0x1E800] =	vst v63  }
0x9f: {  	_ =	swait.ge [sflag:s22], $0x4000  }
0xa0: {  	[sflag:s22] =	ssyncset.done $0x0  }
0xa1: {  	[sflag:s22] =	ssyncadd.s32 $0xFFFFC000  }
0xa2: {  	_ =	swait.ge [sflag:s28], $0x4000  }
0xa3: {  	[sflag:s28] =	ssyncset.done $0x0  }
0xa4: {  	s0 =	sadd.s32 $0x1480, s0;
	[sflag:s28] =	ssyncadd.s32 $0xFFFFC000  }
0xa5: {  	[spmem:s2] =	stream.indirect.scatter.add.f32 [tilespmem:s25], [sflag:$0x3], $0x80, s0, s24, $0xb8;
	[tilespmem:$0x1E800] =	vst v63  }
0xa6: {  	_ =	swait.ge [sflag:s22], $0x4000  }
0xa7: {  	[sflag:s22] =	ssyncset.done $0x0  }
0xa8: {  	[sflag:s22] =	ssyncadd.s32 $0xFFFFC000  }
0xa9: {  	[bflag:$0x0] =	sbarrier.arrive $0xFFFF  }
0xaa: {  	[tilespmem:s21], [sflag:$0x3] =	stream.linear.gather [spmem:s6], $0x4000, $0x38;
	[tilespmem:$0x1E800] =	vst v63  }
0xab: {  	_ =	swait.ge [sflag:s22], $0x4000  }
0xac: {  	[sflag:s22] =	ssyncset.done $0x0  }
0xad: {  	[sflag:s22] =	ssyncadd.s32 $0xFFFFC000  }
0xae: {  	[hbm4b:s15+s3] =	stream.linear.scatter [tilespmem:s21], [sflag:$0x3], $0x4000, $0x38;
	[tilespmem:$0x1E800] =	vst v63  }
0xaf: {  	_ =	swait.ge [sflag:s22], $0x4000  }
0xb0: {  	[sflag:s22] =	ssyncset.done $0x0  }
0xb1: {  	[sflag:s22] =	ssyncadd.s32 $0xFFFFC000  }
0xb2: {  	[tilespmem:s21], [sflag:$0x3] =	stream.linear.gather [spmem:s7], $0x4000, $0x38;
	[tilespmem:$0x1E800] =	vst v63  }
0xb3: {  	_ =	swait.ge [sflag:s22], $0x4000  }
0xb4: {  	[sflag:s22] =	ssyncset.done $0x0  }
0xb5: {  	[sflag:s22] =	ssyncadd.s32 $0xFFFFC000  }
0xb6: {  	[hbm4b:s16+s3] =	stream.linear.scatter [tilespmem:s21], [sflag:$0x3], $0x4000, $0x38;
	[tilespmem:$0x1E800] =	vst v63  }
0xb7: {  	_ =	swait.ge [sflag:s22], $0x4000  }
0xb8: {  	[sflag:s22] =	ssyncset.done $0x0  }
0xb9: {  	[sflag:s22] =	ssyncadd.s32 $0xFFFFC000  }
0xba: {  	[tilespmem:s21], [sflag:$0x3] =	stream.linear.gather [spmem:s8], $0x4000, $0x38;
	[tilespmem:$0x1E800] =	vst v63  }
0xbb: {  	_ =	swait.ge [sflag:s22], $0x4000  }
0xbc: {  	[sflag:s22] =	ssyncset.done $0x0  }
0xbd: {  	[sflag:s22] =	ssyncadd.s32 $0xFFFFC000  }
0xbe: {  	[hbm4b:s17+s3] =	stream.linear.scatter [tilespmem:s21], [sflag:$0x3], $0x4000, $0x38;
	[tilespmem:$0x1E800] =	vst v63  }
0xbf: {  	_ =	swait.ge [sflag:s22], $0x4000  }
0xc0: {  	[sflag:s22] =	ssyncset.done $0x0  }
0xc1: {  	[sflag:s22] =	ssyncadd.s32 $0xFFFFC000  }
0xc2: {  	[tilespmem:s21], [sflag:$0x3] =	stream.linear.gather [spmem:s9], $0x4000, $0x38;
	[tilespmem:$0x1E800] =	vst v63  }
0xc3: {  	_ =	swait.ge [sflag:s22], $0x4000  }
0xc4: {  	[sflag:s22] =	ssyncset.done $0x0  }
0xc5: {  	[sflag:s22] =	ssyncadd.s32 $0xFFFFC000  }
0xc6: {  	[hbm4b:s18+s3] =	stream.linear.scatter [tilespmem:s21], [sflag:$0x3], $0x4000, $0x38;
	[tilespmem:$0x1E800] =	vst v63  }
0xc7: {  	_ =	swait.ge [sflag:s22], $0x4000  }
0xc8: {  	[sflag:s22] =	ssyncset.done $0x0  }
0xc9: {  	[sflag:s22] =	ssyncadd.s32 $0xFFFFC000  }
0xca: {  	[tilespmem:s21], [sflag:$0x3] =	stream.linear.gather [spmem:s10], $0x4000, $0x38;
	[tilespmem:$0x1E800] =	vst v63  }
0xcb: {  	s29 =	sadd.s32 $0x1, s29;
	_ =	swait.ge [sflag:s22], $0x4000  }
0xcc: {  	p0 =	sne.s32 s29, s20;
	[sflag:s22] =	ssyncset.done $0x0  }
.Ltmp2:
0xcd: {  	[sflag:s22] =	ssyncadd.s32 $0xFFFFC000;
	(pc) =	sbr.rel @p0 .LBB2_1-.Ltmp2, $4  }
0xce: {  	[hbm4b:s19+s3] =	stream.linear.scatter [tilespmem:s21], [sflag:$0x3], $0x4000, $0x38;
	[tilespmem:$0x1E800] =	vst v63  }
0xcf: {  	_ =	swait.ge [sflag:s22], $0x4000  }
0xd0: {  	[sflag:s22] =	ssyncset.done $0x0  }
0xd1: {  	[sflag:s22] =	ssyncadd.s32 $0xFFFFC000  }
0xd2: {  	_ =	sfence.sel $0x180000  }
0xd3: {  	[bflag:$0x0] =	sbarrier.arrive $0xFFFF  }
0xd4: {  	_ =	strace $0x9000004A  }
0xd5: {  	s0 =	stileid.u32;
	[bflag:$0x2] =	sbarrier.arrive $0xFFFF  }
0xd6: {  	p0 =	sne.s32 s0, $0x0;
	s0 =	rddreg [dreg:$0x4]  }
0xd7: {  	s0 =	sadd.s32 @!p0 $0x100000, s0  }
0xd8: {  	[sflag:s0] =	ssyncadd.tile.s32 @!p0 $0x1;
	_ =	shalt  }
.Lfunc_end2:
_tile_overlayer_lowered:
.L_overlay_start_2:
0xd9: {  	(tag) =	ssettag $0x2  }
0xda: {  	s0 =	rddreg [dreg:$0x0];
	s2 =	stileid.u32  }
0xdb: {  	s1 =	rddreg [dreg:$0x1];
	p0 =	sne.s32 s2, $0x0  }
0xdc: {  	s3 =	rddreg [dreg:$0x2];
	[bflag:$0x3] =	sbarrier.arrive $0xFFFF;
	s2 =	simm.s32 @!p0 $0x1C03  }
0xdd: {  	[timem:s3], [sflag:s2] =	dma.local @!p0 [hbm:s0], s1  }
0xde: {  	s0 =	simm.s32 @!p0 $0x3  }
0xdf: {  	_ =	swait.ge @!p0 [sflag:s0], s1  }
0xe0: {  	s1 =	ssub.s32 @!p0 $0x0, s1;
	[sflag:s0] =	ssyncset.done @!p0 $0x0  }
0xe1: {  	[sflag:s0] =	ssyncadd.s32 @!p0 s1  }
0xe2: {  	[bflag:$0x3] =	sbarrier.arrive $0xFFFF  }
0xe3: {  	_ =	shalt  }

// kernel: sc_prop_d128_gather.7.cloned.1.call-start
scs
__scs_entry_jumppad:
0x0: {  	(pc) =	sbr.rel $0x88, $3  }
0x1: {  	(tag) =	ssettag $0x0;
	lr =	simm.s32 $0x1  }
0x2: {  	[smem:$0x3F99] =	sst lr;
	_ =	strace $0xD0000000  }
0x3: {  	_ = 	snop  }
0x4: {  	_ = 	snop  }
0x5: {  	_ = 	snop  }
0x6: {  	_ = 	snop  }
0x7: {  	_ = 	snop  }
__scs_overlays_trampoline_lowered:
0x8: {  	[smem:$0x3FA8] =	sst s0  }
0x9: {  	[smem:$0x3FA9] =	sst s1  }
0xa: {  	[smem:$0x3FAA] =	sst s2  }
0xb: {  	[smem:$0x3FAB] =	sst s3  }
0xc: {  	[smem:$0x3FAC] =	sst s4  }
0xd: {  	[smem:$0x3FAD] =	sst s5  }
0xe: {  	[smem:$0x3FAE] =	sst s6  }
0xf: {  	[smem:$0x3FAF] =	sst s7  }
0x10: {  	[smem:$0x3FB0] =	sst s8  }
0x11: {  	[smem:$0x3FB1] =	sst s9;
	s0 =	simm.s32 @!p0 $0x0  }
0x12: {  	s1 =	sld [smem:$0x3F97];
	s0 =	simm.s32 @p0 $0x1  }
0x13: {  	[smem:$0x3FB2] =	sst s0;
	s0 =	simm.s32 @!p1 $0x0  }
0x14: {  	s2 =	sld [smem:$0x3F96];
	s0 =	simm.s32 @p1 $0x1  }
0x15: {  	[smem:$0x3FB3] =	sst s0;
	s0 =	simm.s32 @!p2 $0x0  }
0x16: {  	s3 =	sld [smem:$0x3FDB];
	s0 =	simm.s32 @p2 $0x1  }
0x17: {  	s4 =	simm.s32 $0x1BF5;
	[smem:$0x3FB5] =	sst s0  }
0x18: {  	s0 =	sld [smem:$0x3F98];
	_ =	swait.ge [sflag:s4], $0x0  }
0x19: {  	s7 =	sld [smem:$0x3F99]  }
0x1a: {  	s8 =	sadd.s32 $0xFFFFE003, lr  }
0x1b: {  	s9 =	sadd.s32 $0xFFFFFEF7, lr;
	s5 =	simm.s32 $0xFFFFFFFF;
	p2 =	slt.u32 s8, $0xFFFFF086  }
0x1c: {  	p1 =	slt.u32 s9, $0xF7A;
	s5 =	simm.s32 @!p2 $0x0  }
0x1d: {  	s5 =	simm.s32 @p1 $0x1;
	p0 =	seq.s32 s7, s2  }
0x1e: {  	s7 =	smul.u32 @!p0 $0xF7A, s2;
	p2 =	seq.s32 @!p0 s5, $0x0  }
0x1f: {  	s9 =	smul.u32 $0xF7A, s1;
	s8 =	simm.s32 @!p0 $0x1BF5;
	p2 =	por !p2, p0  }
0x20: {  	[sflag:s8] =	ssyncset.s32 @!p0 $0xFFFFF086;
	s6 =	sadd.s32 @!p0 s3, s7;
	s7 =	simm.s32 @!p0 $0x108  }
0x21: {  	s3 =	sadd.s32 s3, s9;
	s6 =	sadd.s32 @!p0 $0x88, s6;
	s7 =	simm.s32 @p2 $0x1082  }
0x22: {  	[simem:s7], [sflag:s8] =	dma.local @!p0 [hbm:s6], $0xF7A  }
0x23: {  	s9 =	sor.u32 $0xD0000000, s2;
	s6 =	simm.s32 $0x108;
	_ =	swait.ge @!p0 [sflag:s8], $0x0  }
0x24: {  	s3 =	sadd.s32 $0x88, s3;
	s6 =	simm.s32 @!p1 $0x1082;
	[sflag:s4] =	ssyncset.s32 $0xFFFFF086  }
0x25: {  	[simem:s6], [sflag:s4] =	dma.local [hbm:s3], $0xF7A  }
0x26: {  	[smem:$0x3F99] =	sst s1;
	(tag) =	ssettag s2;
	_ =	strace s9  }
0x27: {  	s1 =	sld [smem:$0x3FA9]  }
0x28: {  	s2 =	sld [smem:$0x3FAA]  }
0x29: {  	s4 =	sld [smem:$0x3FAC]  }
0x2a: {  	p0 =	seq.s32 s5, $0x0;
	s5 =	sld [smem:$0x3FAD]  }
0x2b: {  	s6 =	sld [smem:$0x3FAE]  }
0x2c: {  	s7 =	sld [smem:$0x3FAF]  }
0x2d: {  	s3 =	simm.s32 $0x108;
	s8 =	sld [smem:$0x3FB0]  }
0x2e: {  	s3 =	simm.s32 @!p0 $0x1082;
	s9 =	sld [smem:$0x3FB1]  }
0x2f: {  	lr =	sadd.s32 s0, s3;
	s0 =	sld [smem:$0x3FA8]  }
0x30: {  	s3 =	sld [smem:$0x3FAB]  }
0x31: {  	[smem:$0x3FB4] =	sst s10  }
0x32: {  	s10 =	sld [smem:$0x3FB2];
	_ =	sdelay $0x3  }
0x33: {  	p0 =	seq.s32 s10, $0x1;
	s10 =	sld [smem:$0x3FB4];
	_ =	sdelay $0x3  }
0x34: {  	[smem:$0x3FB4] =	sst s10  }
0x35: {  	s10 =	sld [smem:$0x3FB3];
	_ =	sdelay $0x3  }
0x36: {  	p1 =	seq.s32 s10, $0x1;
	s10 =	sld [smem:$0x3FB4];
	_ =	sdelay $0x3  }
0x37: {  	[smem:$0x3FB4] =	sst s10  }
0x38: {  	s10 =	sld [smem:$0x3FB5]  }
0x39: {  	_ = 	snop;
	(pc) =	sbr.ind lr, $3  }
0x3a: {  	_ = 	snop  }
0x3b: {  	_ = 	snop  }
0x3c: {  	p2 =	seq.s32 s10, $0x1;
	s10 =	sld [smem:$0x3FB4]  }
0x3d: {  	_ =	shalt  }
0x3e: {  	_ =	shalt  }
0x3f: {  	_ =	shalt  }
0x40: {  	_ =	shalt  }
0x41: {  	_ =	shalt  }
0x42: {  	_ =	shalt  }
0x43: {  	_ =	shalt  }
0x44: {  	_ =	shalt  }
0x45: {  	_ =	shalt  }
0x46: {  	_ =	shalt  }
0x47: {  	_ =	shalt  }
0x48: {  	_ =	shalt  }
0x49: {  	_ =	shalt  }
0x4a: {  	_ =	shalt  }
0x4b: {  	_ =	shalt  }
0x4c: {  	_ =	shalt  }
0x4d: {  	_ =	shalt  }
0x4e: {  	_ =	shalt  }
0x4f: {  	_ =	shalt  }
0x50: {  	_ =	shalt  }
0x51: {  	_ =	shalt  }
0x52: {  	_ =	shalt  }
0x53: {  	_ =	shalt  }
0x54: {  	_ =	shalt  }
0x55: {  	_ =	shalt  }
0x56: {  	_ =	shalt  }
0x57: {  	_ =	shalt  }
0x58: {  	_ =	shalt  }
0x59: {  	_ =	shalt  }
0x5a: {  	_ =	shalt  }
0x5b: {  	_ =	shalt  }
0x5c: {  	_ =	shalt  }
0x5d: {  	_ =	shalt  }
0x5e: {  	_ =	shalt  }
0x5f: {  	_ =	shalt  }
0x60: {  	_ =	shalt  }
0x61: {  	_ =	shalt  }
0x62: {  	_ =	shalt  }
0x63: {  	_ =	shalt  }
0x64: {  	_ =	shalt  }
0x65: {  	_ =	shalt  }
0x66: {  	_ =	shalt  }
0x67: {  	_ =	shalt  }
0x68: {  	_ =	shalt  }
0x69: {  	_ =	shalt  }
0x6a: {  	_ =	shalt  }
0x6b: {  	_ =	shalt  }
0x6c: {  	_ =	shalt  }
0x6d: {  	_ =	shalt  }
0x6e: {  	_ =	shalt  }
0x6f: {  	_ =	shalt  }
0x70: {  	_ =	shalt  }
0x71: {  	_ =	shalt  }
0x72: {  	_ =	shalt  }
0x73: {  	_ =	shalt  }
0x74: {  	_ =	shalt  }
0x75: {  	_ =	shalt  }
0x76: {  	_ =	shalt  }
0x77: {  	_ =	shalt  }
0x78: {  	_ =	shalt  }
0x79: {  	_ =	shalt  }
0x7a: {  	_ =	shalt  }
0x7b: {  	_ =	shalt  }
0x7c: {  	_ =	shalt  }
0x7d: {  	_ =	shalt  }
0x7e: {  	_ =	shalt  }
0x7f: {  	_ =	shalt  }
0x80: {  	_ =	shalt  }
0x81: {  	_ =	shalt  }
0x82: {  	_ =	shalt  }
0x83: {  	_ =	shalt  }
0x84: {  	_ =	shalt  }
0x85: {  	_ =	shalt  }
0x86: {  	_ =	shalt  }
0x87: {  	_ =	shalt  }
.Lfunc_end0:
.L_simem_size_0:
called_computation.2_lowered:
.L_overlay_start_0:
0x88: {  	s2 =	sld [smem:$0x3FD9]  }
0x89: {  	s3 =	sld [smem:$0x3FFE];
	_ =	sdelay $0x1  }
0x8a: {  	s1 =	srdreg.scid  }
0x8b: {  	s0 =	sand.u32 $0x1, s1  }
0x8c: {  	s14 =	sshll.u32 s0, $0xA;
	s2 =	sadd.s32 s3, s2  }
0x8d: {  	s2 =	sadd.s32 s2, s14  }
0x8e: {  	[smem:$0x3FC0] =	sst s2  }
0x8f: {  	_ = 	snop  }
0x90: {  	s2 =	sld [smem:$0x3FD0];
	_ =	sdelay $0x2  }
0x91: {  	s15 =	simm.s32 $0xA;
	s4 =	simm.s32 $0x10  }
0x92: {  	[smem:s4], [sflag:s15] =	dma.local [hbm:s2], $0x1  }
0x93: {  	_ =	swait.eq [sflag:s15], $0x1  }
0x94: {  	[sflag:s15] =	ssyncset.done $0x0  }
0x95: {  	s16 =	sld [smem:$0x10];
	[sflag:s15] =	ssyncadd.s32 $0xFFFFFFFF  }
0x96: {  	s17 =	sld [smem:$0x11];
	(tm) =	ssettm $0x1  }
0x97: {  	s18 =	sld [smem:$0x3FFB];
	_ =	sdelay $0x3  }
0x98: {  	_ =	strace s18  }
0x99: {  	s4 =	sld [smem:$0x3FFC];
	_ =	sdelay $0x3  }
0x9a: {  	_ =	strace s4  }
0x9b: {  	s4 =	sld [smem:$0x3FFD];
	_ =	sdelay $0x3  }
0x9c: {  	_ =	strace s4  }
0x9d: {  	_ =	strace $0x8FFFFFFF  }
0x9e: {  	s19 =	sld [smem:$0x3FDB];
	_ =	sdelay $0x1  }
0x9f: {  	s5 =	simm.s32 $_scs_section_size  }
0xa0: {  	s6 =	simm.s32 $_size__tile_overlayer_lowered;
	s7 =	simm.s32 $_tile_overlayer_lowered  }
0xa1: {  	s22 =	simm.s32 $0x1BFF;
	s21 =	sshll.u32 s7, $0x1;
	s4 =	sadd.s32 s5, s19  }
0xa2: {  	s8 =	simm.s32 $0x0;
	s20 =	sshll.u32 s6, $0x1;
	s6 =	sadd.s32 s21, s4  }
0xa3: {  	[timem:s8], [sflag:s22] =	dma.local [hbm:s6], s20  }
0xa4: {  	_ =	swait.ge [sflag:s22], s20  }
0xa5: {  	s5 =	ssub.s32 $0x0, s20;
	[sflag:s22] =	ssyncset.done $0x0  }
0xa6: {  	[sflag:s22] =	ssyncadd.s32 s5;
	_ =	sdelay $0x1  }
0xa7: {  	s23 =	simm.s32 $0x1B8B  }
0xa8: {  	_ =	swait.ge [sflag:s23], $0x1  }
0xa9: {  	[sflag:s23] =	ssyncset.done $0x0  }
0xaa: {  	s25 =	simm.s32 $0x1B8E;
	s24 =	sld [smem:$0x3FFE];
	[sflag:s23] =	ssyncadd.s32 $0xFFFFFFFF  }
0xab: {  	s26 =	simm.s32 $execute0_lowered;
	[smem:$0x3FD2] =	sst s25  }
0xac: {  	s6 =	sshll.u32 s26, $0x1;
	_ =	strace $0x8000004C;
	[dreg:$0x1] =	wrdreg $0xFFFFFFFF  }
0xad: {  	s28 =	simm.s32 $_size_execute0_lowered;
	s4 =	sadd.s32 s4, s6;
	[dreg:$0x0] =	wrdreg $0x0  }
0xae: {  	s6 =	sshll.u32 s28, $0x1;
	[dreg:$0x2] =	wrdreg s4  }
0xaf: {  	[dreg:$0x3] =	wrdreg s6  }
0xb0: {  	[dreg:$0x4] =	wrdreg $0xC0  }
0xb1: {  	_ =	task [dreg:s8], $0x5FFFF  }
0xb2: {  	[dreg:$0x1] =	wrdreg $0xFFFFFFFF  }
0xb3: {  	[dreg:$0x0] =	wrdreg $0x60  }
0xb4: {  	[dreg:$0x2] =	wrdreg s24  }
0xb5: {  	[dreg:$0x3] =	wrdreg s16  }
0xb6: {  	[dreg:$0x4] =	wrdreg s17  }
0xb7: {  	[dreg:$0x5] =	wrdreg $0xA8000  }
0xb8: {  	[dreg:$0x6] =	wrdreg $0x9  }
0xb9: {  	_ =	task.clear_ibuf [dreg:s8], $0x7FFFF;
	_ =	strace $0x9000004C  }
0xba: {  	s29 =	simm.s32 $0x9;
	_ =	strace $0x8000004E  }
0xbb: {  	_ =	swait.ge [sflag:s29], $0x1  }
0xbc: {  	[sflag:s29] =	ssyncadd.s32 $0xFFFFFFFF  }
0xbd: {  	_ =	strace $0x9000004E  }
0xbe: {  	_ =	sfence  }
0xbf: {  	s30 =	sld [smem:$0x0];
	_ =	sdelay $0x2  }
0xc0: {  	s31 =	sshll.u32 s1, $0xD;
	s1 =	sshrl.u32 s1, $0x2  }
0xc1: {  	s3 =	sand.u32 $0x4000, s31;
	s1 =	sadd.s32 s1, s30  }
0xc2: {  	s0 =	sor.u32 s3, s0;
	s1 =	sshll.u32 s1, $0x11  }
0xc3: {  	s0 =	sor.u32 s1, s0  }
0xc4: {  	s0 =	sadd.s32 $0x8F2B, s0  }
0xc5: {  	[sflag:s0] =	ssyncadd.remote.s32 $0x1  }
0xc6: {  	_ =	sfence.sel $0xFFFF  }
0xc7: {  	[dreg:$0x0] =	wrdreg $0xFFFFFFFF;
	(pc) =	sbr.abs _section_cstart, $3  }
0xc8: {  	[dreg:$0x1] =	wrdreg $0xFFFFFFFF  }
0xc9: {  	_ =	task.clear_ibuf [dreg:s8], $0x2FFFF;
	_ =	strace $0x9FFFFFFF  }
0xca: {  	(tm) =	ssettm $0x7FFFFFFF  }
0xcb: {  	_ =	shalt  }
tec
execute0_lowered:
.L_overlay_start_1:
0x0: {  	(tag) =	ssettag $0x1  }
0x1: {  	s6 =	rddreg [dreg:$0x0]  }
0x2: {  	s13 =	rddreg [dreg:$0x1]  }
0x3: {  	s1 =	rddreg [dreg:$0x2]  }
0x4: {  	s2 =	rddreg [dreg:$0x3];
	s3 =	simm.s32 $0x0  }
0x5: {  	s7 =	srdreg.scid;
	s0 =	stileid.u32;
	s24 =	simm.s32 $0x80  }
0x6: {  	s28 =	simm.s32 $0x2;
	s29 =	simm.s32 $0x0;
	[smem:$0x7FF] =	sst s3  }
0x7: {  	s5 =	sadd.s32 $0xE800, s6;
	s10 =	sand.u32 $0x1, s7;
	s8 =	smul.u32 $0x50000, s0  }
0x8: {  	s14 =	sadd.s32 $0x4800, s6;
	s19 =	sadd.s32 $0x85A00, s6;
	s15 =	smul.u32 $0x14000, s0  }
0x9: {  	_ =	strace $0x8000004D;
	s7 =	ssub.s32 $0x2, s10;
	s26 =	sshll.u32 s10, $0x4  }
0xa: {  	s23 =	smul.u32 $0x140000, s10;
	s25 =	sshrl.u32 s7, $0x1;
	s30 =	sshrl.u32 s8, $0x2  }
0xb: {  	s31 =	sor.u32 s0, s26;
	s16 =	sadd.s32 $0x4000, s15;
	s17 =	sadd.s32 $0x8000, s15  }
0xc: {  	s18 =	sadd.s32 $0xC000, s15;
	s21 =	sadd.s32 $0x10000, s15;
	s26 =	simm.s32 $0x1  }
0xd: {  	s20 =	ssub.s32 s7, s25;
	s6 =	sadd.s32 s30, s2;
	s11 =	smul.u32 $0x2800, s31  }
0xe: {  	s7 =	sadd.s32 s16, s2;
	s8 =	sadd.s32 s17, s2;
	s9 =	sadd.s32 s18, s2  }
0xf: {  	s10 =	sadd.s32 s21, s2;
	s15 =	sadd.s32 s15, s23;
	s16 =	sadd.s32 s23, s16  }
0x10: {  	s17 =	sadd.s32 s23, s17;
	s18 =	sadd.s32 s23, s18;
	s21 =	sadd.s32 s23, s21  }
0x11: {  	s23 =	simm.s32 $0x1400;
	s25 =	simm.s32 $0x6800;
	s15 =	sshrl.u32 s15, $0x3  }
0x12: {  	s16 =	sshrl.u32 s16, $0x3;
	s17 =	sshrl.u32 s17, $0x3;
	s18 =	sshrl.u32 s18, $0x3  }
0x13: {  	s21 =	sshrl.u32 s21, $0x3;
	s20 =	smax.u32 s20, $0x1;
	s22 =	sshrl.u32 s11, $0x3  }
0x14: {  	s15 =	sadd.s32 s19, s15;
	s16 =	sadd.s32 s19, s16;
	s17 =	sadd.s32 s19, s17  }
0x15: {  	s18 =	sadd.s32 s19, s18;
	s19 =	sadd.s32 s19, s21;
	s21 =	simm.s32 $0x2800  }
0x16: {  	s11 =	sadd.s32 s13, s22;
	s12 =	sadd.s32 s14, s22;
	s22 =	sadd.s32 $0x280, s22  }
0x17: {  	s13 =	sadd.s32 s13, s22;
	s14 =	sadd.s32 s14, s22;
	s22 =	simm.s32 $0x3  }
.LBB2_1:
0x18: {  	[tilespmem:s21], [sflag:$0x3] =	stream.linear.gather [hbm4b:s1+s3], $0x4000, $0x38;
	[tilespmem:$0x1E800] =	vst v63  }
0x19: {  	_ =	swait.ge [sflag:s22], $0x4000  }
0x1a: {  	[sflag:s22] =	ssyncset.done $0x0  }
0x1b: {  	[sflag:s22] =	ssyncadd.s32 $0xFFFFC000  }
0x1c: {  	[spmem:s6] =	stream.linear.scatter [tilespmem:s21], [sflag:$0x3], $0x4000, $0x38;
	[tilespmem:$0x1E800] =	vst v63  }
0x1d: {  	_ =	swait.ge [sflag:s22], $0x4000  }
0x1e: {  	[sflag:s22] =	ssyncset.done $0x0  }
0x1f: {  	[sflag:s22] =	ssyncadd.s32 $0xFFFFC000  }
0x20: {  	[spmem:s7] =	stream.linear.scatter [tilespmem:s21], [sflag:$0x3], $0x4000, $0x38;
	[tilespmem:$0x1E800] =	vst v63  }
0x21: {  	_ =	swait.ge [sflag:s22], $0x4000  }
0x22: {  	[sflag:s22] =	ssyncset.done $0x0  }
0x23: {  	[sflag:s22] =	ssyncadd.s32 $0xFFFFC000  }
0x24: {  	[spmem:s8] =	stream.linear.scatter [tilespmem:s21], [sflag:$0x3], $0x4000, $0x38;
	[tilespmem:$0x1E800] =	vst v63  }
0x25: {  	_ =	swait.ge [sflag:s22], $0x4000  }
0x26: {  	[sflag:s22] =	ssyncset.done $0x0  }
0x27: {  	[sflag:s22] =	ssyncadd.s32 $0xFFFFC000  }
0x28: {  	[spmem:s9] =	stream.linear.scatter [tilespmem:s21], [sflag:$0x3], $0x4000, $0x38;
	[tilespmem:$0x1E800] =	vst v63  }
0x29: {  	_ =	swait.ge [sflag:s22], $0x4000  }
0x2a: {  	[sflag:s22] =	ssyncset.done $0x0  }
0x2b: {  	[sflag:s22] =	ssyncadd.s32 $0xFFFFC000  }
0x2c: {  	[spmem:s10] =	stream.linear.scatter [tilespmem:s21], [sflag:$0x3], $0x4000, $0x38;
	[tilespmem:$0x1E800] =	vst v63  }
0x2d: {  	_ =	swait.ge [sflag:s22], $0x4000  }
0x2e: {  	[sflag:s22] =	ssyncset.done $0x0  }
0x2f: {  	[sflag:s22] =	ssyncadd.s32 $0xFFFFC000  }
0x30: {  	[bflag:$0x0] =	sbarrier.arrive $0xFFFF  }
0x31: {  	[tilespmem:s3], [sflag:$0x3] =	stream.linear.gather [hbm4b:s11+s3], $0x1400, $0x38;
	[tilespmem:$0x1E800] =	vst v63  }
0x32: {  	_ =	swait.ge [sflag:s22], $0x1400  }
0x33: {  	[sflag:s22] =	ssyncset.done $0x0  }
0x34: {  	[sflag:s22] =	ssyncadd.s32 $0xFFFFEC00  }
0x35: {  	[tilespmem:s23], [sflag:$0x3] =	stream.linear.gather [hbm4b:s12+s3], $0x1400, $0x38;
	[tilespmem:$0x1E800] =	vst v63  }
0x36: {  	_ =	swait.ge [sflag:s22], $0x1400  }
0x37: {  	[sflag:s22] =	ssyncset.done $0x0  }
0x38: {  	s30 =	simm.s32 $0x0;
	[sflag:s22] =	ssyncadd.s32 $0xFFFFEC00  }
0x39: {  	[tilespmem:s21], [sflag:$0x1] =	stream.indirect.gather [hbm4b:s5+s24], $0x80, s30, s24, $0xb8;
	[tilespmem:$0x1E800] =	vst v63  }
0x3a: {  	s30 =	simm.s32 $0x80  }
0x3b: {  	[tilespmem:s25], [sflag:$0x2] =	stream.indirect.gather [hbm4b:s5+s24], $0x80, s30, s24, $0xb8;
	[tilespmem:$0x1E800] =	vst v63  }
0x3c: {  	_ =	swait.ge [sflag:s26], $0x4000  }
0x3d: {  	[sflag:s26] =	ssyncset.done $0x0  }
0x3e: {  	s30 =	simm.s32 $0x1400;
	[sflag:s26] =	ssyncadd.s32 $0xFFFFC000  }
0x3f: {  	[spmem:s2] =	stream.indirect.scatter.add.f32 [tilespmem:s21], [sflag:$0x3], $0x80, s30, s24, $0xb8;
	[tilespmem:$0x1E800] =	vst v63  }
0x40: {  	_ =	swait.ge [sflag:s22], $0x4000  }
0x41: {  	[sflag:s22] =	ssyncset.done $0x0  }
0x42: {  	[sflag:s22] =	ssyncadd.s32 $0xFFFFC000  }
0x43: {  	_ =	swait.ge [sflag:s28], $0x4000  }
0x44: {  	[sflag:s28] =	ssyncset.done $0x0  }
0x45: {  	s30 =	simm.s32 $0x1480;
	[sflag:s28] =	ssyncadd.s32 $0xFFFFC000  }
0x46: {  	[spmem:s2] =	stream.indirect.scatter.add.f32 [tilespmem:s25], [sflag:$0x3], $0x80, s30, s24, $0xb8;
	[tilespmem:$0x1E800] =	vst v63  }
0x47: {  	_ =	swait.ge [sflag:s22], $0x4000  }
0x48: {  	s31 =	simm.s32 $0x800;
	s30 =	simm.s32 $0x400;
	[sflag:s22] =	ssyncset.done $0x0  }
.LBB2_2:
0x49: {  	s0 =	sshra.s32 s30, $0x2  }
0x4a: {  	[sflag:s22] =	ssyncadd.s32 $0xFFFFC000;
	s30 =	smov.u32 s31;
	s4 =	sadd.s32 $0x400, s31  }
0x4b: {  	[tilespmem:s21], [sflag:$0x1] =	stream.indirect.gather [hbm4b:s5+s24], $0x80, s0, s24, $0xb8;
	[tilespmem:$0x1E800] =	vst v63  }
0x4c: {  	p0 =	sne.s32 s31, $0x4C00;
	s31 =	sadd.s32 $0x80, s0  }
0x4d: {  	[tilespmem:s25], [sflag:$0x2] =	stream.indirect.gather [hbm4b:s5+s24], $0x80, s31, s24, $0xb8;
	[tilespmem:$0x1E800] =	vst v63  }
0x4e: {  	_ =	swait.ge [sflag:s26], $0x4000  }
0x4f: {  	[sflag:s26] =	ssyncset.done $0x0  }
0x50: {  	s31 =	sadd.s32 $0x1400, s0;
	[sflag:s26] =	ssyncadd.s32 $0xFFFFC000  }
0x51: {  	[spmem:s2] =	stream.indirect.scatter.add.f32 [tilespmem:s21], [sflag:$0x3], $0x80, s31, s24, $0xb8;
	[tilespmem:$0x1E800] =	vst v63  }
0x52: {  	_ =	swait.ge [sflag:s22], $0x4000  }
0x53: {  	[sflag:s22] =	ssyncset.done $0x0  }
0x54: {  	[sflag:s22] =	ssyncadd.s32 $0xFFFFC000  }
0x55: {  	_ =	swait.ge [sflag:s28], $0x4000  }
.Ltmp0:
0x56: {  	[sflag:s28] =	ssyncset.done $0x0;
	(pc) =	sbr.rel @p0 .LBB2_2-.Ltmp0, $4  }
0x57: {  	s0 =	sadd.s32 $0x1480, s0;
	[sflag:s28] =	ssyncadd.s32 $0xFFFFC000  }
0x58: {  	[spmem:s2] =	stream.indirect.scatter.add.f32 [tilespmem:s25], [sflag:$0x3], $0x80, s0, s24, $0xb8;
	[tilespmem:$0x1E800] =	vst v63  }
0x59: {  	_ =	swait.ge [sflag:s22], $0x4000  }
0x5a: {  	s31 =	smov.u32 s4;
	[sflag:s22] =	ssyncset.done $0x0  }
0x5b: {  	s0 =	sshra.s32 s30, $0x2;
	[sflag:s22] =	ssyncadd.s32 $0xFFFFC000  }
0x5c: {  	[tilespmem:s21], [sflag:$0x1] =	stream.indirect.gather [hbm4b:s5+s24], $0x80, s0, s24, $0xb8;
	[tilespmem:$0x1E800] =	vst v63  }
0x5d: {  	s4 =	sadd.s32 $0x80, s0  }
0x5e: {  	[tilespmem:s25], [sflag:$0x2] =	stream.indirect.gather [hbm4b:s5+s24], $0x80, s4, s24, $0xb8;
	[tilespmem:$0x1E800] =	vst v63  }
0x5f: {  	_ =	swait.ge [sflag:s26], $0x4000  }
0x60: {  	[sflag:s26] =	ssyncset.done $0x0  }
0x61: {  	s4 =	sadd.s32 $0x1400, s0;
	[sflag:s26] =	ssyncadd.s32 $0xFFFFC000  }
0x62: {  	[spmem:s2] =	stream.indirect.scatter.add.f32 [tilespmem:s21], [sflag:$0x3], $0x80, s4, s24, $0xb8;
	[tilespmem:$0x1E800] =	vst v63  }
0x63: {  	_ =	swait.ge [sflag:s22], $0x4000  }
0x64: {  	[sflag:s22] =	ssyncset.done $0x0  }
0x65: {  	[sflag:s22] =	ssyncadd.s32 $0xFFFFC000  }
0x66: {  	_ =	swait.ge [sflag:s28], $0x4000  }
0x67: {  	[sflag:s28] =	ssyncset.done $0x0  }
0x68: {  	s0 =	sadd.s32 $0x1480, s0;
	[sflag:s28] =	ssyncadd.s32 $0xFFFFC000  }
0x69: {  	[spmem:s2] =	stream.indirect.scatter.add.f32 [tilespmem:s25], [sflag:$0x3], $0x80, s0, s24, $0xb8;
	[tilespmem:$0x1E800] =	vst v63  }
0x6a: {  	_ =	swait.ge [sflag:s22], $0x4000  }
0x6b: {  	[sflag:s22] =	ssyncset.done $0x0  }
0x6c: {  	s4 =	simm.s32 $0x0;
	[sflag:s22] =	ssyncadd.s32 $0xFFFFC000  }
0x6d: {  	[tilespmem:s4], [sflag:$0x3] =	stream.linear.gather [hbm4b:s13+s4], $0x1400, $0x38;
	[tilespmem:$0x1E800] =	vst v63  }
0x6e: {  	_ =	swait.ge [sflag:s22], $0x1400  }
0x6f: {  	[sflag:s22] =	ssyncset.done $0x0  }
0x70: {  	[sflag:s22] =	ssyncadd.s32 $0xFFFFEC00  }
0x71: {  	[tilespmem:s23], [sflag:$0x3] =	stream.linear.gather [hbm4b:s14+s4], $0x1400, $0x38;
	[tilespmem:$0x1E800] =	vst v63  }
0x72: {  	_ =	swait.ge [sflag:s22], $0x1400  }
0x73: {  	[sflag:s22] =	ssyncset.done $0x0  }
0x74: {  	s4 =	simm.s32 $0x0;
	[sflag:s22] =	ssyncadd.s32 $0xFFFFEC00  }
0x75: {  	[tilespmem:s21], [sflag:$0x1] =	stream.indirect.gather [hbm4b:s5+s24], $0x80, s4, s24, $0xb8;
	[tilespmem:$0x1E800] =	vst v63  }
0x76: {  	s4 =	simm.s32 $0x80  }
0x77: {  	[tilespmem:s25], [sflag:$0x2] =	stream.indirect.gather [hbm4b:s5+s24], $0x80, s4, s24, $0xb8;
	[tilespmem:$0x1E800] =	vst v63  }
0x78: {  	_ =	swait.ge [sflag:s26], $0x4000  }
0x79: {  	[sflag:s26] =	ssyncset.done $0x0  }
0x7a: {  	s4 =	simm.s32 $0x1400;
	[sflag:s26] =	ssyncadd.s32 $0xFFFFC000  }
0x7b: {  	[spmem:s2] =	stream.indirect.scatter.add.f32 [tilespmem:s21], [sflag:$0x3], $0x80, s4, s24, $0xb8;
	[tilespmem:$0x1E800] =	vst v63  }
0x7c: {  	_ =	swait.ge [sflag:s22], $0x4000  }
0x7d: {  	[sflag:s22] =	ssyncset.done $0x0  }
0x7e: {  	[sflag:s22] =	ssyncadd.s32 $0xFFFFC000  }
0x7f: {  	_ =	swait.ge [sflag:s28], $0x4000  }
0x80: {  	[sflag:s28] =	ssyncset.done $0x0  }
0x81: {  	s4 =	simm.s32 $0x1480;
	[sflag:s28] =	ssyncadd.s32 $0xFFFFC000  }
0x82: {  	[spmem:s2] =	stream.indirect.scatter.add.f32 [tilespmem:s25], [sflag:$0x3], $0x80, s4, s24, $0xb8;
	[tilespmem:$0x1E800] =	vst v63  }
0x83: {  	_ =	swait.ge [sflag:s22], $0x4000  }
0x84: {  	s30 =	simm.s32 $0x400;
	s31 =	simm.s32 $0x800;
	[sflag:s22] =	ssyncset.done $0x0  }
.LBB2_4:
0x85: {  	s0 =	sshra.s32 s30, $0x2  }
0x86: {  	[sflag:s22] =	ssyncadd.s32 $0xFFFFC000;
	s30 =	smov.u32 s31;
	s4 =	sadd.s32 $0x400, s31  }
0x87: {  	[tilespmem:s21], [sflag:$0x1] =	stream.indirect.gather [hbm4b:s5+s24], $0x80, s0, s24, $0xb8;
	[tilespmem:$0x1E800] =	vst v63  }
0x88: {  	p0 =	sne.s32 s31, $0x4C00;
	s31 =	sadd.s32 $0x80, s0  }
0x89: {  	[tilespmem:s25], [sflag:$0x2] =	stream.indirect.gather [hbm4b:s5+s24], $0x80, s31, s24, $0xb8;
	[tilespmem:$0x1E800] =	vst v63  }
0x8a: {  	_ =	swait.ge [sflag:s26], $0x4000  }
0x8b: {  	[sflag:s26] =	ssyncset.done $0x0  }
0x8c: {  	s31 =	sadd.s32 $0x1400, s0;
	[sflag:s26] =	ssyncadd.s32 $0xFFFFC000  }
0x8d: {  	[spmem:s2] =	stream.indirect.scatter.add.f32 [tilespmem:s21], [sflag:$0x3], $0x80, s31, s24, $0xb8;
	[tilespmem:$0x1E800] =	vst v63  }
0x8e: {  	_ =	swait.ge [sflag:s22], $0x4000  }
0x8f: {  	[sflag:s22] =	ssyncset.done $0x0  }
0x90: {  	[sflag:s22] =	ssyncadd.s32 $0xFFFFC000  }
0x91: {  	_ =	swait.ge [sflag:s28], $0x4000  }
.Ltmp1:
0x92: {  	[sflag:s28] =	ssyncset.done $0x0;
	(pc) =	sbr.rel @p0 .LBB2_4-.Ltmp1, $4  }
0x93: {  	s0 =	sadd.s32 $0x1480, s0;
	[sflag:s28] =	ssyncadd.s32 $0xFFFFC000  }
0x94: {  	[spmem:s2] =	stream.indirect.scatter.add.f32 [tilespmem:s25], [sflag:$0x3], $0x80, s0, s24, $0xb8;
	[tilespmem:$0x1E800] =	vst v63  }
0x95: {  	_ =	swait.ge [sflag:s22], $0x4000  }
0x96: {  	s31 =	smov.u32 s4;
	[sflag:s22] =	ssyncset.done $0x0  }
0x97: {  	s0 =	sshra.s32 s30, $0x2;
	[sflag:s22] =	ssyncadd.s32 $0xFFFFC000  }
0x98: {  	[tilespmem:s21], [sflag:$0x1] =	stream.indirect.gather [hbm4b:s5+s24], $0x80, s0, s24, $0xb8;
	[tilespmem:$0x1E800] =	vst v63  }
0x99: {  	s4 =	sadd.s32 $0x80, s0  }
0x9a: {  	[tilespmem:s25], [sflag:$0x2] =	stream.indirect.gather [hbm4b:s5+s24], $0x80, s4, s24, $0xb8;
	[tilespmem:$0x1E800] =	vst v63  }
0x9b: {  	_ =	swait.ge [sflag:s26], $0x4000  }
0x9c: {  	[sflag:s26] =	ssyncset.done $0x0  }
0x9d: {  	s31 =	sadd.s32 $0x1400, s0;
	[sflag:s26] =	ssyncadd.s32 $0xFFFFC000  }
0x9e: {  	[spmem:s2] =	stream.indirect.scatter.add.f32 [tilespmem:s21], [sflag:$0x3], $0x80, s31, s24, $0xb8;
	[tilespmem:$0x1E800] =	vst v63  }
0x9f: {  	_ =	swait.ge [sflag:s22], $0x4000  }
0xa0: {  	[sflag:s22] =	ssyncset.done $0x0  }
0xa1: {  	[sflag:s22] =	ssyncadd.s32 $0xFFFFC000  }
0xa2: {  	_ =	swait.ge [sflag:s28], $0x4000  }
0xa3: {  	[sflag:s28] =	ssyncset.done $0x0  }
0xa4: {  	s0 =	sadd.s32 $0x1480, s0;
	[sflag:s28] =	ssyncadd.s32 $0xFFFFC000  }
0xa5: {  	[spmem:s2] =	stream.indirect.scatter.add.f32 [tilespmem:s25], [sflag:$0x3], $0x80, s0, s24, $0xb8;
	[tilespmem:$0x1E800] =	vst v63  }
0xa6: {  	_ =	swait.ge [sflag:s22], $0x4000  }
0xa7: {  	[sflag:s22] =	ssyncset.done $0x0  }
0xa8: {  	[sflag:s22] =	ssyncadd.s32 $0xFFFFC000  }
0xa9: {  	[bflag:$0x0] =	sbarrier.arrive $0xFFFF  }
0xaa: {  	[tilespmem:s21], [sflag:$0x3] =	stream.linear.gather [spmem:s6], $0x4000, $0x38;
	[tilespmem:$0x1E800] =	vst v63  }
0xab: {  	_ =	swait.ge [sflag:s22], $0x4000  }
0xac: {  	[sflag:s22] =	ssyncset.done $0x0  }
0xad: {  	[sflag:s22] =	ssyncadd.s32 $0xFFFFC000  }
0xae: {  	[hbm4b:s15+s3] =	stream.linear.scatter [tilespmem:s21], [sflag:$0x3], $0x4000, $0x38;
	[tilespmem:$0x1E800] =	vst v63  }
0xaf: {  	_ =	swait.ge [sflag:s22], $0x4000  }
0xb0: {  	[sflag:s22] =	ssyncset.done $0x0  }
0xb1: {  	[sflag:s22] =	ssyncadd.s32 $0xFFFFC000  }
0xb2: {  	[tilespmem:s21], [sflag:$0x3] =	stream.linear.gather [spmem:s7], $0x4000, $0x38;
	[tilespmem:$0x1E800] =	vst v63  }
0xb3: {  	_ =	swait.ge [sflag:s22], $0x4000  }
0xb4: {  	[sflag:s22] =	ssyncset.done $0x0  }
0xb5: {  	[sflag:s22] =	ssyncadd.s32 $0xFFFFC000  }
0xb6: {  	[hbm4b:s16+s3] =	stream.linear.scatter [tilespmem:s21], [sflag:$0x3], $0x4000, $0x38;
	[tilespmem:$0x1E800] =	vst v63  }
0xb7: {  	_ =	swait.ge [sflag:s22], $0x4000  }
0xb8: {  	[sflag:s22] =	ssyncset.done $0x0  }
0xb9: {  	[sflag:s22] =	ssyncadd.s32 $0xFFFFC000  }
0xba: {  	[tilespmem:s21], [sflag:$0x3] =	stream.linear.gather [spmem:s8], $0x4000, $0x38;
	[tilespmem:$0x1E800] =	vst v63  }
0xbb: {  	_ =	swait.ge [sflag:s22], $0x4000  }
0xbc: {  	[sflag:s22] =	ssyncset.done $0x0  }
0xbd: {  	[sflag:s22] =	ssyncadd.s32 $0xFFFFC000  }
0xbe: {  	[hbm4b:s17+s3] =	stream.linear.scatter [tilespmem:s21], [sflag:$0x3], $0x4000, $0x38;
	[tilespmem:$0x1E800] =	vst v63  }
0xbf: {  	_ =	swait.ge [sflag:s22], $0x4000  }
0xc0: {  	[sflag:s22] =	ssyncset.done $0x0  }
0xc1: {  	[sflag:s22] =	ssyncadd.s32 $0xFFFFC000  }
0xc2: {  	[tilespmem:s21], [sflag:$0x3] =	stream.linear.gather [spmem:s9], $0x4000, $0x38;
	[tilespmem:$0x1E800] =	vst v63  }
0xc3: {  	_ =	swait.ge [sflag:s22], $0x4000  }
0xc4: {  	[sflag:s22] =	ssyncset.done $0x0  }
0xc5: {  	[sflag:s22] =	ssyncadd.s32 $0xFFFFC000  }
0xc6: {  	[hbm4b:s18+s3] =	stream.linear.scatter [tilespmem:s21], [sflag:$0x3], $0x4000, $0x38;
	[tilespmem:$0x1E800] =	vst v63  }
0xc7: {  	_ =	swait.ge [sflag:s22], $0x4000  }
0xc8: {  	[sflag:s22] =	ssyncset.done $0x0  }
0xc9: {  	[sflag:s22] =	ssyncadd.s32 $0xFFFFC000  }
0xca: {  	[tilespmem:s21], [sflag:$0x3] =	stream.linear.gather [spmem:s10], $0x4000, $0x38;
	[tilespmem:$0x1E800] =	vst v63  }
0xcb: {  	s29 =	sadd.s32 $0x1, s29;
	_ =	swait.ge [sflag:s22], $0x4000  }
0xcc: {  	p0 =	sne.s32 s29, s20;
	[sflag:s22] =	ssyncset.done $0x0  }
.Ltmp2:
0xcd: {  	[sflag:s22] =	ssyncadd.s32 $0xFFFFC000;
	(pc) =	sbr.rel @p0 .LBB2_1-.Ltmp2, $4  }
0xce: {  	[hbm4b:s19+s3] =	stream.linear.scatter [tilespmem:s21], [sflag:$0x3], $0x4000, $0x38;
	[tilespmem:$0x1E800] =	vst v63  }
0xcf: {  	_ =	swait.ge [sflag:s22], $0x4000  }
0xd0: {  	[sflag:s22] =	ssyncset.done $0x0  }
0xd1: {  	[sflag:s22] =	ssyncadd.s32 $0xFFFFC000  }
0xd2: {  	_ =	sfence.sel $0x180000  }
0xd3: {  	[bflag:$0x0] =	sbarrier.arrive $0xFFFF  }
0xd4: {  	_ =	strace $0x9000004D  }
0xd5: {  	s0 =	stileid.u32;
	[bflag:$0x2] =	sbarrier.arrive $0xFFFF  }
0xd6: {  	p0 =	sne.s32 s0, $0x0;
	s0 =	rddreg [dreg:$0x4]  }
0xd7: {  	s0 =	sadd.s32 @!p0 $0x100000, s0  }
0xd8: {  	[sflag:s0] =	ssyncadd.tile.s32 @!p0 $0x1;
	_ =	shalt  }
.Lfunc_end2:
_tile_overlayer_lowered:
.L_overlay_start_2:
0xd9: {  	(tag) =	ssettag $0x2  }
0xda: {  	s0 =	rddreg [dreg:$0x0];
	s2 =	stileid.u32  }
0xdb: {  	s1 =	rddreg [dreg:$0x1];
	p0 =	sne.s32 s2, $0x0  }
0xdc: {  	s3 =	rddreg [dreg:$0x2];
	[bflag:$0x3] =	sbarrier.arrive $0xFFFF;
	s2 =	simm.s32 @!p0 $0x1C03  }
0xdd: {  	[timem:s3], [sflag:s2] =	dma.local @!p0 [hbm:s0], s1  }
0xde: {  	s0 =	simm.s32 @!p0 $0x3  }
0xdf: {  	_ =	swait.ge @!p0 [sflag:s0], s1  }
0xe0: {  	s1 =	ssub.s32 @!p0 $0x0, s1;
	[sflag:s0] =	ssyncset.done @!p0 $0x0  }
0xe1: {  	[sflag:s0] =	ssyncadd.s32 @!p0 s1  }
0xe2: {  	[bflag:$0x3] =	sbarrier.arrive $0xFFFF  }
0xe3: {  	_ =	shalt  }

// kernel: sc_prop_d16_deg.3.cloned.1.call-start
scs
__scs_entry_jumppad:
0x0: {  	(pc) =	sbr.rel $0x88, $3  }
0x1: {  	(tag) =	ssettag $0x0;
	lr =	simm.s32 $0x1  }
0x2: {  	[smem:$0x3F99] =	sst lr;
	_ =	strace $0xD0000000  }
0x3: {  	_ = 	snop  }
0x4: {  	_ = 	snop  }
0x5: {  	_ = 	snop  }
0x6: {  	_ = 	snop  }
0x7: {  	_ = 	snop  }
__scs_overlays_trampoline_lowered:
0x8: {  	[smem:$0x3FA8] =	sst s0  }
0x9: {  	[smem:$0x3FA9] =	sst s1  }
0xa: {  	[smem:$0x3FAA] =	sst s2  }
0xb: {  	[smem:$0x3FAB] =	sst s3  }
0xc: {  	[smem:$0x3FAC] =	sst s4  }
0xd: {  	[smem:$0x3FAD] =	sst s5  }
0xe: {  	[smem:$0x3FAE] =	sst s6  }
0xf: {  	[smem:$0x3FAF] =	sst s7  }
0x10: {  	[smem:$0x3FB0] =	sst s8  }
0x11: {  	[smem:$0x3FB1] =	sst s9;
	s0 =	simm.s32 @!p0 $0x0  }
0x12: {  	s1 =	sld [smem:$0x3F97];
	s0 =	simm.s32 @p0 $0x1  }
0x13: {  	[smem:$0x3FB2] =	sst s0;
	s0 =	simm.s32 @!p1 $0x0  }
0x14: {  	s2 =	sld [smem:$0x3F96];
	s0 =	simm.s32 @p1 $0x1  }
0x15: {  	[smem:$0x3FB3] =	sst s0;
	s0 =	simm.s32 @!p2 $0x0  }
0x16: {  	s3 =	sld [smem:$0x3FDB];
	s0 =	simm.s32 @p2 $0x1  }
0x17: {  	s4 =	simm.s32 $0x1BF5;
	[smem:$0x3FB5] =	sst s0  }
0x18: {  	s0 =	sld [smem:$0x3F98];
	_ =	swait.ge [sflag:s4], $0x0  }
0x19: {  	s7 =	sld [smem:$0x3F99]  }
0x1a: {  	s8 =	sadd.s32 $0xFFFFE003, lr  }
0x1b: {  	s9 =	sadd.s32 $0xFFFFFEF7, lr;
	s5 =	simm.s32 $0xFFFFFFFF;
	p2 =	slt.u32 s8, $0xFFFFF086  }
0x1c: {  	p1 =	slt.u32 s9, $0xF7A;
	s5 =	simm.s32 @!p2 $0x0  }
0x1d: {  	s5 =	simm.s32 @p1 $0x1;
	p0 =	seq.s32 s7, s2  }
0x1e: {  	s7 =	smul.u32 @!p0 $0xF7A, s2;
	p2 =	seq.s32 @!p0 s5, $0x0  }
0x1f: {  	s9 =	smul.u32 $0xF7A, s1;
	s8 =	simm.s32 @!p0 $0x1BF5;
	p2 =	por !p2, p0  }
0x20: {  	[sflag:s8] =	ssyncset.s32 @!p0 $0xFFFFF086;
	s6 =	sadd.s32 @!p0 s3, s7;
	s7 =	simm.s32 @!p0 $0x108  }
0x21: {  	s3 =	sadd.s32 s3, s9;
	s6 =	sadd.s32 @!p0 $0x88, s6;
	s7 =	simm.s32 @p2 $0x1082  }
0x22: {  	[simem:s7], [sflag:s8] =	dma.local @!p0 [hbm:s6], $0xF7A  }
0x23: {  	s9 =	sor.u32 $0xD0000000, s2;
	s6 =	simm.s32 $0x108;
	_ =	swait.ge @!p0 [sflag:s8], $0x0  }
0x24: {  	s3 =	sadd.s32 $0x88, s3;
	s6 =	simm.s32 @!p1 $0x1082;
	[sflag:s4] =	ssyncset.s32 $0xFFFFF086  }
0x25: {  	[simem:s6], [sflag:s4] =	dma.local [hbm:s3], $0xF7A  }
0x26: {  	[smem:$0x3F99] =	sst s1;
	(tag) =	ssettag s2;
	_ =	strace s9  }
0x27: {  	s1 =	sld [smem:$0x3FA9]  }
0x28: {  	s2 =	sld [smem:$0x3FAA]  }
0x29: {  	s4 =	sld [smem:$0x3FAC]  }
0x2a: {  	p0 =	seq.s32 s5, $0x0;
	s5 =	sld [smem:$0x3FAD]  }
0x2b: {  	s6 =	sld [smem:$0x3FAE]  }
0x2c: {  	s7 =	sld [smem:$0x3FAF]  }
0x2d: {  	s3 =	simm.s32 $0x108;
	s8 =	sld [smem:$0x3FB0]  }
0x2e: {  	s3 =	simm.s32 @!p0 $0x1082;
	s9 =	sld [smem:$0x3FB1]  }
0x2f: {  	lr =	sadd.s32 s0, s3;
	s0 =	sld [smem:$0x3FA8]  }
0x30: {  	s3 =	sld [smem:$0x3FAB]  }
0x31: {  	[smem:$0x3FB4] =	sst s10  }
0x32: {  	s10 =	sld [smem:$0x3FB2];
	_ =	sdelay $0x3  }
0x33: {  	p0 =	seq.s32 s10, $0x1;
	s10 =	sld [smem:$0x3FB4];
	_ =	sdelay $0x3  }
0x34: {  	[smem:$0x3FB4] =	sst s10  }
0x35: {  	s10 =	sld [smem:$0x3FB3];
	_ =	sdelay $0x3  }
0x36: {  	p1 =	seq.s32 s10, $0x1;
	s10 =	sld [smem:$0x3FB4];
	_ =	sdelay $0x3  }
0x37: {  	[smem:$0x3FB4] =	sst s10  }
0x38: {  	s10 =	sld [smem:$0x3FB5]  }
0x39: {  	_ = 	snop;
	(pc) =	sbr.ind lr, $3  }
0x3a: {  	_ = 	snop  }
0x3b: {  	_ = 	snop  }
0x3c: {  	p2 =	seq.s32 s10, $0x1;
	s10 =	sld [smem:$0x3FB4]  }
0x3d: {  	_ =	shalt  }
0x3e: {  	_ =	shalt  }
0x3f: {  	_ =	shalt  }
0x40: {  	_ =	shalt  }
0x41: {  	_ =	shalt  }
0x42: {  	_ =	shalt  }
0x43: {  	_ =	shalt  }
0x44: {  	_ =	shalt  }
0x45: {  	_ =	shalt  }
0x46: {  	_ =	shalt  }
0x47: {  	_ =	shalt  }
0x48: {  	_ =	shalt  }
0x49: {  	_ =	shalt  }
0x4a: {  	_ =	shalt  }
0x4b: {  	_ =	shalt  }
0x4c: {  	_ =	shalt  }
0x4d: {  	_ =	shalt  }
0x4e: {  	_ =	shalt  }
0x4f: {  	_ =	shalt  }
0x50: {  	_ =	shalt  }
0x51: {  	_ =	shalt  }
0x52: {  	_ =	shalt  }
0x53: {  	_ =	shalt  }
0x54: {  	_ =	shalt  }
0x55: {  	_ =	shalt  }
0x56: {  	_ =	shalt  }
0x57: {  	_ =	shalt  }
0x58: {  	_ =	shalt  }
0x59: {  	_ =	shalt  }
0x5a: {  	_ =	shalt  }
0x5b: {  	_ =	shalt  }
0x5c: {  	_ =	shalt  }
0x5d: {  	_ =	shalt  }
0x5e: {  	_ =	shalt  }
0x5f: {  	_ =	shalt  }
0x60: {  	_ =	shalt  }
0x61: {  	_ =	shalt  }
0x62: {  	_ =	shalt  }
0x63: {  	_ =	shalt  }
0x64: {  	_ =	shalt  }
0x65: {  	_ =	shalt  }
0x66: {  	_ =	shalt  }
0x67: {  	_ =	shalt  }
0x68: {  	_ =	shalt  }
0x69: {  	_ =	shalt  }
0x6a: {  	_ =	shalt  }
0x6b: {  	_ =	shalt  }
0x6c: {  	_ =	shalt  }
0x6d: {  	_ =	shalt  }
0x6e: {  	_ =	shalt  }
0x6f: {  	_ =	shalt  }
0x70: {  	_ =	shalt  }
0x71: {  	_ =	shalt  }
0x72: {  	_ =	shalt  }
0x73: {  	_ =	shalt  }
0x74: {  	_ =	shalt  }
0x75: {  	_ =	shalt  }
0x76: {  	_ =	shalt  }
0x77: {  	_ =	shalt  }
0x78: {  	_ =	shalt  }
0x79: {  	_ =	shalt  }
0x7a: {  	_ =	shalt  }
0x7b: {  	_ =	shalt  }
0x7c: {  	_ =	shalt  }
0x7d: {  	_ =	shalt  }
0x7e: {  	_ =	shalt  }
0x7f: {  	_ =	shalt  }
0x80: {  	_ =	shalt  }
0x81: {  	_ =	shalt  }
0x82: {  	_ =	shalt  }
0x83: {  	_ =	shalt  }
0x84: {  	_ =	shalt  }
0x85: {  	_ =	shalt  }
0x86: {  	_ =	shalt  }
0x87: {  	_ =	shalt  }
.Lfunc_end0:
.L_simem_size_0:
called_computation_lowered:
.L_overlay_start_0:
0x88: {  	s2 =	sld [smem:$0x3FD9]  }
0x89: {  	s3 =	sld [smem:$0x3FFE];
	_ =	sdelay $0x1  }
0x8a: {  	s1 =	srdreg.scid  }
0x8b: {  	s0 =	sand.u32 $0x1, s1  }
0x8c: {  	s14 =	sshll.u32 s0, $0xA;
	s2 =	sadd.s32 s3, s2  }
0x8d: {  	s2 =	sadd.s32 s2, s14  }
0x8e: {  	[smem:$0x3FC0] =	sst s2  }
0x8f: {  	_ = 	snop  }
0x90: {  	s2 =	sld [smem:$0x3FD0];
	_ =	sdelay $0x2  }
0x91: {  	s15 =	simm.s32 $0xA;
	s4 =	simm.s32 $0x10  }
0x92: {  	[smem:s4], [sflag:s15] =	dma.local [hbm:s2], $0x1  }
0x93: {  	_ =	swait.eq [sflag:s15], $0x1  }
0x94: {  	[sflag:s15] =	ssyncset.done $0x0  }
0x95: {  	[sflag:s15] =	ssyncadd.s32 $0xFFFFFFFF  }
0x96: {  	s16 =	sld [smem:$0x11];
	(tm) =	ssettm $0x1  }
0x97: {  	s17 =	sld [smem:$0x3FFB];
	_ =	sdelay $0x3  }
0x98: {  	_ =	strace s17  }
0x99: {  	s3 =	sld [smem:$0x3FFC];
	_ =	sdelay $0x3  }
0x9a: {  	_ =	strace s3  }
0x9b: {  	s3 =	sld [smem:$0x3FFD];
	_ =	sdelay $0x3  }
0x9c: {  	_ =	strace s3  }
0x9d: {  	_ =	strace $0x8FFFFFFF  }
0x9e: {  	s18 =	sld [smem:$0x3FDB];
	_ =	sdelay $0x1  }
0x9f: {  	s19 =	simm.s32 $_scs_section_size  }
0xa0: {  	s5 =	simm.s32 $_size__tile_overlayer_lowered;
	s6 =	simm.s32 $_tile_overlayer_lowered  }
0xa1: {  	s22 =	simm.s32 $0x1BFF;
	s21 =	sshll.u32 s6, $0x1;
	s3 =	sadd.s32 s19, s18  }
0xa2: {  	s7 =	simm.s32 $0x0;
	s20 =	sshll.u32 s5, $0x1;
	s5 =	sadd.s32 s21, s3  }
0xa3: {  	[timem:s7], [sflag:s22] =	dma.local [hbm:s5], s20  }
0xa4: {  	_ =	swait.ge [sflag:s22], s20  }
0xa5: {  	s4 =	ssub.s32 $0x0, s20;
	[sflag:s22] =	ssyncset.done $0x0  }
0xa6: {  	[sflag:s22] =	ssyncadd.s32 s4;
	_ =	sdelay $0x1  }
0xa7: {  	s23 =	simm.s32 $0x1B8B  }
0xa8: {  	_ =	swait.ge [sflag:s23], $0x1  }
0xa9: {  	[sflag:s23] =	ssyncset.done $0x0  }
0xaa: {  	s25 =	simm.s32 $0x1B8E;
	s24 =	sld [smem:$0x3FFE];
	[sflag:s23] =	ssyncadd.s32 $0xFFFFFFFF  }
0xab: {  	s26 =	simm.s32 $execute0_lowered;
	[smem:$0x3FD2] =	sst s25  }
0xac: {  	s5 =	sshll.u32 s26, $0x1;
	_ =	strace $0x80000046;
	[dreg:$0x1] =	wrdreg $0xFFFFFFFF  }
0xad: {  	s28 =	simm.s32 $_size_execute0_lowered;
	s3 =	sadd.s32 s3, s5;
	[dreg:$0x0] =	wrdreg $0x0  }
0xae: {  	s5 =	sshll.u32 s28, $0x1;
	[dreg:$0x2] =	wrdreg s3  }
0xaf: {  	[dreg:$0x3] =	wrdreg s5  }
0xb0: {  	[dreg:$0x4] =	wrdreg $0xC0  }
0xb1: {  	_ =	task [dreg:s7], $0x5FFFF  }
0xb2: {  	[dreg:$0x1] =	wrdreg $0xFFFFFFFF  }
0xb3: {  	[dreg:$0x0] =	wrdreg $0x60  }
0xb4: {  	[dreg:$0x2] =	wrdreg s24  }
0xb5: {  	[dreg:$0x3] =	wrdreg s16  }
0xb6: {  	[dreg:$0x4] =	wrdreg $0x68000  }
0xb7: {  	[dreg:$0x5] =	wrdreg $0x9  }
0xb8: {  	_ =	task.clear_ibuf [dreg:s7], $0x6FFFF;
	_ =	strace $0x90000046  }
0xb9: {  	s29 =	simm.s32 $0x9;
	_ =	strace $0x80000048  }
0xba: {  	_ =	swait.ge [sflag:s29], $0x1  }
0xbb: {  	[sflag:s29] =	ssyncadd.s32 $0xFFFFFFFF  }
0xbc: {  	_ =	strace $0x90000048  }
0xbd: {  	_ =	sfence  }
0xbe: {  	s30 =	sld [smem:$0x0];
	_ =	sdelay $0x2  }
0xbf: {  	s31 =	sshll.u32 s1, $0xD;
	s1 =	sshrl.u32 s1, $0x2  }
0xc0: {  	s3 =	sand.u32 $0x4000, s31;
	s1 =	sadd.s32 s1, s30  }
0xc1: {  	s0 =	sor.u32 s3, s0;
	s1 =	sshll.u32 s1, $0x11  }
0xc2: {  	s0 =	sor.u32 s1, s0  }
0xc3: {  	s0 =	sadd.s32 $0x8F2B, s0  }
0xc4: {  	[sflag:s0] =	ssyncadd.remote.s32 $0x1  }
0xc5: {  	_ =	sfence.sel $0xFFFF  }
0xc6: {  	[dreg:$0x0] =	wrdreg $0xFFFFFFFF;
	(pc) =	sbr.abs _section_cstart, $3  }
0xc7: {  	[dreg:$0x1] =	wrdreg $0xFFFFFFFF  }
0xc8: {  	_ =	task.clear_ibuf [dreg:s7], $0x2FFFF;
	_ =	strace $0x9FFFFFFF  }
0xc9: {  	(tm) =	ssettm $0x7FFFFFFF  }
tec
execute0_lowered:
.L_overlay_start_1:
0x0: {  	(tag) =	ssettag $0x1  }
0x1: {  	s5 =	rddreg [dreg:$0x0]  }
0x2: {  	s0 =	srdreg.scid;
	s2 =	rddreg [dreg:$0x1]  }
0x3: {  	s3 =	rddreg [dreg:$0x2];
	s1 =	stileid.u32  }
0x4: {  	s4 =	simm.s32 $0x0;
	s7 =	sand.u32 $0x1, s0;
	s0 =	rddreg [dreg:$0x3]  }
0x5: {  	s21 =	simm.s32 $0x0;
	[smem:$0x7FF] =	sst s4;
	s8 =	smul.u32 $0x50000, s1  }
0x6: {  	s11 =	smul.u32 $0x14000, s1;
	s16 =	sadd.s32 $0x35A00, s5;
	s6 =	sshll.u32 s7, $0x4  }
0x7: {  	_ =	strace $0x80000047;
	s28 =	ssub.s32 $0x2, s7;
	s15 =	smul.u32 $0x140000, s7  }
0x8: {  	s6 =	sor.u32 s1, s6;
	s29 =	sshrl.u32 s28, $0x1;
	s8 =	sshrl.u32 s8, $0x2  }
0x9: {  	s12 =	sadd.s32 $0x4000, s11;
	s14 =	sadd.s32 $0x8000, s11;
	s18 =	sadd.s32 $0xC000, s11  }
0xa: {  	s19 =	sadd.s32 $0x10000, s11;
	s6 =	smul.u32 $0x500, s6;
	s17 =	ssub.s32 s28, s29  }
0xb: {  	s7 =	sadd.s32 s14, s3;
	s9 =	sadd.s32 s19, s3;
	s11 =	sadd.s32 s11, s15  }
0xc: {  	s20 =	sadd.s32 s15, s12;
	s14 =	sadd.s32 s15, s14;
	s19 =	sadd.s32 s15, s19  }
0xd: {  	s13 =	sshrl.u32 s11, $0x3;
	s11 =	sadd.s32 $0x800, s2;
	s30 =	sshrl.u32 s20, $0x3  }
0xe: {  	s14 =	sshrl.u32 s14, $0x3;
	s31 =	sshrl.u32 s19, $0x3;
	s17 =	smax.u32 s17, $0x1  }
0xf: {  	s19 =	simm.s32 $0x1;
	s20 =	simm.s32 $0x80;
	s10 =	sadd.s32 s6, s5  }
0x10: {  	s5 =	sadd.s32 s8, s3;
	s6 =	sadd.s32 s12, s3;
	s8 =	sadd.s32 s18, s3  }
0x11: {  	s12 =	sadd.s32 s16, s13;
	s13 =	sadd.s32 s16, s30;
	s18 =	sadd.s32 s15, s18  }
0x12: {  	s14 =	sadd.s32 s16, s14;
	s10 =	sadd.s32 $0x4800, s10;
	s18 =	sshrl.u32 s18, $0x3  }
0x13: {  	s15 =	sadd.s32 s16, s18;
	s16 =	sadd.s32 s16, s31;
	s18 =	simm.s32 $0x2800  }
.LBB2_1:
0x14: {  	[tilespmem:s18], [sflag:$0x1] =	stream.linear.gather [hbm4b:s2+s4], $0x4000, $0x38;
	[tilespmem:$0x9000] =	vst v63  }
0x15: {  	_ =	swait.ge [sflag:s19], $0x4000  }
0x16: {  	[sflag:s19] =	ssyncset.done $0x0  }
0x17: {  	[sflag:s19] =	ssyncadd.s32 $0xFFFFC000  }
0x18: {  	[spmem:s5] =	stream.linear.scatter [tilespmem:s18], [sflag:$0x1], $0x4000, $0x38;
	[tilespmem:$0x9000] =	vst v63  }
0x19: {  	_ =	swait.ge [sflag:s19], $0x4000  }
0x1a: {  	[sflag:s19] =	ssyncset.done $0x0  }
0x1b: {  	[sflag:s19] =	ssyncadd.s32 $0xFFFFC000  }
0x1c: {  	[spmem:s6] =	stream.linear.scatter [tilespmem:s18], [sflag:$0x1], $0x4000, $0x38;
	[tilespmem:$0x9000] =	vst v63  }
0x1d: {  	_ =	swait.ge [sflag:s19], $0x4000  }
0x1e: {  	[sflag:s19] =	ssyncset.done $0x0  }
0x1f: {  	[sflag:s19] =	ssyncadd.s32 $0xFFFFC000  }
0x20: {  	[spmem:s7] =	stream.linear.scatter [tilespmem:s18], [sflag:$0x1], $0x4000, $0x38;
	[tilespmem:$0x9000] =	vst v63  }
0x21: {  	_ =	swait.ge [sflag:s19], $0x4000  }
0x22: {  	[sflag:s19] =	ssyncset.done $0x0  }
0x23: {  	[sflag:s19] =	ssyncadd.s32 $0xFFFFC000  }
0x24: {  	[spmem:s8] =	stream.linear.scatter [tilespmem:s18], [sflag:$0x1], $0x4000, $0x38;
	[tilespmem:$0x9000] =	vst v63  }
0x25: {  	_ =	swait.ge [sflag:s19], $0x4000  }
0x26: {  	[sflag:s19] =	ssyncset.done $0x0  }
0x27: {  	[sflag:s19] =	ssyncadd.s32 $0xFFFFC000  }
0x28: {  	[spmem:s9] =	stream.linear.scatter [tilespmem:s18], [sflag:$0x1], $0x4000, $0x38;
	[tilespmem:$0x9000] =	vst v63  }
0x29: {  	_ =	swait.ge [sflag:s19], $0x4000  }
0x2a: {  	[sflag:s19] =	ssyncset.done $0x0  }
0x2b: {  	[sflag:s19] =	ssyncadd.s32 $0xFFFFC000  }
0x2c: {  	[bflag:$0x0] =	sbarrier.arrive $0xFFFF  }
0x2d: {  	[tilespmem:s4], [sflag:$0x1] =	stream.linear.gather [hbm4b:s10+s4], $0x2800, $0x38;
	[tilespmem:$0x9000] =	vst v63  }
0x2e: {  	_ =	swait.ge [sflag:s19], $0x2800  }
0x2f: {  	[sflag:s19] =	ssyncset.done $0x0  }
0x30: {  	[sflag:s19] =	ssyncadd.s32 $0xFFFFD800  }
0x31: {  	[tilespmem:s18], [sflag:$0x1] =	stream.linear.gather [hbm4b:s11+s4], $0x4000, $0x38;
	[tilespmem:$0x9000] =	vst v63  }
0x32: {  	_ =	swait.ge [sflag:s19], $0x4000  }
0x33: {  	[sflag:s19] =	ssyncset.done $0x0  }
0x34: {  	s22 =	simm.s32 $0x0;
	[sflag:s19] =	ssyncadd.s32 $0xFFFFC000  }
0x35: {  	[spmem:s3] =	stream.indirect.scatter.add.f32 [tilespmem:s18], [sflag:$0x1], $0x10, s22, s20, $0xb8;
	[tilespmem:$0x9000] =	vst v63  }
0x36: {  	_ =	swait.ge [sflag:s19], $0x800  }
0x37: {  	s22 =	simm.s32 $0x200;
	[sflag:s19] =	ssyncset.done $0x0  }
.LBB2_2:
0x38: {  	s23 =	sshra.s32 s22, $0x2;
	[sflag:s19] =	ssyncadd.s32 $0xFFFFF800;
	p0 =	sne.s32 s22, $0x9E00  }
0x39: {  	[spmem:s3] =	stream.indirect.scatter.add.f32 [tilespmem:s18], [sflag:$0x1], $0x10, s23, s20, $0xb8;
	[tilespmem:$0x9000] =	vst v63  }
.Ltmp0:
0x3a: {  	_ = 	snop;
	(pc) =	sbr.rel @p0 .LBB2_2-.Ltmp0, $4  }
0x3b: {  	_ = 	snop  }
0x3c: {  	s22 =	sadd.s32 $0x200, s22  }
0x3d: {  	_ =	swait.ge [sflag:s19], $0x800  }
0x3e: {  	[sflag:s19] =	ssyncset.done $0x0  }
0x3f: {  	[sflag:s19] =	ssyncadd.s32 $0xFFFFF800  }
0x40: {  	[bflag:$0x0] =	sbarrier.arrive $0xFFFF  }
0x41: {  	[tilespmem:s18], [sflag:$0x1] =	stream.linear.gather [spmem:s5], $0x4000, $0x38;
	[tilespmem:$0x9000] =	vst v63  }
0x42: {  	_ =	swait.ge [sflag:s19], $0x4000  }
0x43: {  	[sflag:s19] =	ssyncset.done $0x0  }
0x44: {  	[sflag:s19] =	ssyncadd.s32 $0xFFFFC000  }
0x45: {  	[hbm4b:s12+s4] =	stream.linear.scatter [tilespmem:s18], [sflag:$0x1], $0x4000, $0x38;
	[tilespmem:$0x9000] =	vst v63  }
0x46: {  	_ =	swait.ge [sflag:s19], $0x4000  }
0x47: {  	[sflag:s19] =	ssyncset.done $0x0  }
0x48: {  	[sflag:s19] =	ssyncadd.s32 $0xFFFFC000  }
0x49: {  	[tilespmem:s18], [sflag:$0x1] =	stream.linear.gather [spmem:s6], $0x4000, $0x38;
	[tilespmem:$0x9000] =	vst v63  }
0x4a: {  	_ =	swait.ge [sflag:s19], $0x4000  }
0x4b: {  	[sflag:s19] =	ssyncset.done $0x0  }
0x4c: {  	[sflag:s19] =	ssyncadd.s32 $0xFFFFC000  }
0x4d: {  	[hbm4b:s13+s4] =	stream.linear.scatter [tilespmem:s18], [sflag:$0x1], $0x4000, $0x38;
	[tilespmem:$0x9000] =	vst v63  }
0x4e: {  	_ =	swait.ge [sflag:s19], $0x4000  }
0x4f: {  	[sflag:s19] =	ssyncset.done $0x0  }
0x50: {  	[sflag:s19] =	ssyncadd.s32 $0xFFFFC000  }
0x51: {  	[tilespmem:s18], [sflag:$0x1] =	stream.linear.gather [spmem:s7], $0x4000, $0x38;
	[tilespmem:$0x9000] =	vst v63  }
0x52: {  	_ =	swait.ge [sflag:s19], $0x4000  }
0x53: {  	[sflag:s19] =	ssyncset.done $0x0  }
0x54: {  	[sflag:s19] =	ssyncadd.s32 $0xFFFFC000  }
0x55: {  	[hbm4b:s14+s4] =	stream.linear.scatter [tilespmem:s18], [sflag:$0x1], $0x4000, $0x38;
	[tilespmem:$0x9000] =	vst v63  }
0x56: {  	_ =	swait.ge [sflag:s19], $0x4000  }
0x57: {  	[sflag:s19] =	ssyncset.done $0x0  }
0x58: {  	[sflag:s19] =	ssyncadd.s32 $0xFFFFC000  }
0x59: {  	[tilespmem:s18], [sflag:$0x1] =	stream.linear.gather [spmem:s8], $0x4000, $0x38;
	[tilespmem:$0x9000] =	vst v63  }
0x5a: {  	_ =	swait.ge [sflag:s19], $0x4000  }
0x5b: {  	[sflag:s19] =	ssyncset.done $0x0  }
0x5c: {  	[sflag:s19] =	ssyncadd.s32 $0xFFFFC000  }
0x5d: {  	[hbm4b:s15+s4] =	stream.linear.scatter [tilespmem:s18], [sflag:$0x1], $0x4000, $0x38;
	[tilespmem:$0x9000] =	vst v63  }
0x5e: {  	_ =	swait.ge [sflag:s19], $0x4000  }
0x5f: {  	[sflag:s19] =	ssyncset.done $0x0  }
0x60: {  	[sflag:s19] =	ssyncadd.s32 $0xFFFFC000  }
0x61: {  	[tilespmem:s18], [sflag:$0x1] =	stream.linear.gather [spmem:s9], $0x4000, $0x38;
	[tilespmem:$0x9000] =	vst v63  }
0x62: {  	s21 =	sadd.s32 $0x1, s21;
	_ =	swait.ge [sflag:s19], $0x4000  }
0x63: {  	p0 =	sne.s32 s21, s17;
	[sflag:s19] =	ssyncset.done $0x0  }
.Ltmp1:
0x64: {  	[sflag:s19] =	ssyncadd.s32 $0xFFFFC000;
	(pc) =	sbr.rel @p0 .LBB2_1-.Ltmp1, $4  }
0x65: {  	[hbm4b:s16+s4] =	stream.linear.scatter [tilespmem:s18], [sflag:$0x1], $0x4000, $0x38;
	[tilespmem:$0x9000] =	vst v63  }
0x66: {  	_ =	swait.ge [sflag:s19], $0x4000  }
0x67: {  	[sflag:s19] =	ssyncset.done $0x0  }
0x68: {  	[sflag:s19] =	ssyncadd.s32 $0xFFFFC000  }
0x69: {  	_ =	sfence.sel $0x180000  }
0x6a: {  	[bflag:$0x0] =	sbarrier.arrive $0xFFFF  }
0x6b: {  	p0 =	sne.s32 s1, $0x0;
	_ =	strace $0x90000047  }
0x6c: {  	s0 =	sadd.s32 @!p0 $0x100000, s0;
	[bflag:$0x2] =	sbarrier.arrive $0xFFFF  }
0x6d: {  	[sflag:s0] =	ssyncadd.tile.s32 @!p0 $0x1;
	_ =	shalt  }
.Lfunc_end2:
_tile_overlayer_lowered:
.L_overlay_start_2:
0x6e: {  	(tag) =	ssettag $0x2  }
0x6f: {  	s0 =	rddreg [dreg:$0x0];
	s2 =	stileid.u32  }
0x70: {  	s1 =	rddreg [dreg:$0x1];
	p0 =	sne.s32 s2, $0x0  }
0x71: {  	s3 =	rddreg [dreg:$0x2];
	[bflag:$0x3] =	sbarrier.arrive $0xFFFF;
	s2 =	simm.s32 @!p0 $0x1C01  }
0x72: {  	[timem:s3], [sflag:s2] =	dma.local @!p0 [hbm:s0], s1  }
0x73: {  	s0 =	simm.s32 @!p0 $0x1  }
0x74: {  	_ =	swait.ge @!p0 [sflag:s0], s1  }
0x75: {  	s1 =	ssub.s32 @!p0 $0x0, s1;
	[sflag:s0] =	ssyncset.done @!p0 $0x0  }
0x76: {  	[sflag:s0] =	ssyncadd.s32 @!p0 s1  }
0x77: {  	[bflag:$0x3] =	sbarrier.arrive $0xFFFF  }
0x78: {  	_ =	shalt  }

// kernel: sc_prop_d64_gather.3.cloned.1.call-start
scs
__scs_entry_jumppad:
0x0: {  	(pc) =	sbr.rel $0x88, $3  }
0x1: {  	(tag) =	ssettag $0x0;
	lr =	simm.s32 $0x1  }
0x2: {  	[smem:$0x3F99] =	sst lr;
	_ =	strace $0xD0000000  }
0x3: {  	_ = 	snop  }
0x4: {  	_ = 	snop  }
0x5: {  	_ = 	snop  }
0x6: {  	_ = 	snop  }
0x7: {  	_ = 	snop  }
__scs_overlays_trampoline_lowered:
0x8: {  	[smem:$0x3FA8] =	sst s0  }
0x9: {  	[smem:$0x3FA9] =	sst s1  }
0xa: {  	[smem:$0x3FAA] =	sst s2  }
0xb: {  	[smem:$0x3FAB] =	sst s3  }
0xc: {  	[smem:$0x3FAC] =	sst s4  }
0xd: {  	[smem:$0x3FAD] =	sst s5  }
0xe: {  	[smem:$0x3FAE] =	sst s6  }
0xf: {  	[smem:$0x3FAF] =	sst s7  }
0x10: {  	[smem:$0x3FB0] =	sst s8  }
0x11: {  	[smem:$0x3FB1] =	sst s9;
	s0 =	simm.s32 @!p0 $0x0  }
0x12: {  	s1 =	sld [smem:$0x3F97];
	s0 =	simm.s32 @p0 $0x1  }
0x13: {  	[smem:$0x3FB2] =	sst s0;
	s0 =	simm.s32 @!p1 $0x0  }
0x14: {  	s2 =	sld [smem:$0x3F96];
	s0 =	simm.s32 @p1 $0x1  }
0x15: {  	[smem:$0x3FB3] =	sst s0;
	s0 =	simm.s32 @!p2 $0x0  }
0x16: {  	s3 =	sld [smem:$0x3FDB];
	s0 =	simm.s32 @p2 $0x1  }
0x17: {  	s4 =	simm.s32 $0x1BF5;
	[smem:$0x3FB5] =	sst s0  }
0x18: {  	s0 =	sld [smem:$0x3F98];
	_ =	swait.ge [sflag:s4], $0x0  }
0x19: {  	s7 =	sld [smem:$0x3F99]  }
0x1a: {  	s8 =	sadd.s32 $0xFFFFE003, lr  }
0x1b: {  	s9 =	sadd.s32 $0xFFFFFEF7, lr;
	s5 =	simm.s32 $0xFFFFFFFF;
	p2 =	slt.u32 s8, $0xFFFFF086  }
0x1c: {  	p1 =	slt.u32 s9, $0xF7A;
	s5 =	simm.s32 @!p2 $0x0  }
0x1d: {  	s5 =	simm.s32 @p1 $0x1;
	p0 =	seq.s32 s7, s2  }
0x1e: {  	s7 =	smul.u32 @!p0 $0xF7A, s2;
	p2 =	seq.s32 @!p0 s5, $0x0  }
0x1f: {  	s9 =	smul.u32 $0xF7A, s1;
	s8 =	simm.s32 @!p0 $0x1BF5;
	p2 =	por !p2, p0  }
0x20: {  	[sflag:s8] =	ssyncset.s32 @!p0 $0xFFFFF086;
	s6 =	sadd.s32 @!p0 s3, s7;
	s7 =	simm.s32 @!p0 $0x108  }
0x21: {  	s3 =	sadd.s32 s3, s9;
	s6 =	sadd.s32 @!p0 $0x88, s6;
	s7 =	simm.s32 @p2 $0x1082  }
0x22: {  	[simem:s7], [sflag:s8] =	dma.local @!p0 [hbm:s6], $0xF7A  }
0x23: {  	s9 =	sor.u32 $0xD0000000, s2;
	s6 =	simm.s32 $0x108;
	_ =	swait.ge @!p0 [sflag:s8], $0x0  }
0x24: {  	s3 =	sadd.s32 $0x88, s3;
	s6 =	simm.s32 @!p1 $0x1082;
	[sflag:s4] =	ssyncset.s32 $0xFFFFF086  }
0x25: {  	[simem:s6], [sflag:s4] =	dma.local [hbm:s3], $0xF7A  }
0x26: {  	[smem:$0x3F99] =	sst s1;
	(tag) =	ssettag s2;
	_ =	strace s9  }
0x27: {  	s1 =	sld [smem:$0x3FA9]  }
0x28: {  	s2 =	sld [smem:$0x3FAA]  }
0x29: {  	s4 =	sld [smem:$0x3FAC]  }
0x2a: {  	p0 =	seq.s32 s5, $0x0;
	s5 =	sld [smem:$0x3FAD]  }
0x2b: {  	s6 =	sld [smem:$0x3FAE]  }
0x2c: {  	s7 =	sld [smem:$0x3FAF]  }
0x2d: {  	s3 =	simm.s32 $0x108;
	s8 =	sld [smem:$0x3FB0]  }
0x2e: {  	s3 =	simm.s32 @!p0 $0x1082;
	s9 =	sld [smem:$0x3FB1]  }
0x2f: {  	lr =	sadd.s32 s0, s3;
	s0 =	sld [smem:$0x3FA8]  }
0x30: {  	s3 =	sld [smem:$0x3FAB]  }
0x31: {  	[smem:$0x3FB4] =	sst s10  }
0x32: {  	s10 =	sld [smem:$0x3FB2];
	_ =	sdelay $0x3  }
0x33: {  	p0 =	seq.s32 s10, $0x1;
	s10 =	sld [smem:$0x3FB4];
	_ =	sdelay $0x3  }
0x34: {  	[smem:$0x3FB4] =	sst s10  }
0x35: {  	s10 =	sld [smem:$0x3FB3];
	_ =	sdelay $0x3  }
0x36: {  	p1 =	seq.s32 s10, $0x1;
	s10 =	sld [smem:$0x3FB4];
	_ =	sdelay $0x3  }
0x37: {  	[smem:$0x3FB4] =	sst s10  }
0x38: {  	s10 =	sld [smem:$0x3FB5]  }
0x39: {  	_ = 	snop;
	(pc) =	sbr.ind lr, $3  }
0x3a: {  	_ = 	snop  }
0x3b: {  	_ = 	snop  }
0x3c: {  	p2 =	seq.s32 s10, $0x1;
	s10 =	sld [smem:$0x3FB4]  }
0x3d: {  	_ =	shalt  }
0x3e: {  	_ =	shalt  }
0x3f: {  	_ =	shalt  }
0x40: {  	_ =	shalt  }
0x41: {  	_ =	shalt  }
0x42: {  	_ =	shalt  }
0x43: {  	_ =	shalt  }
0x44: {  	_ =	shalt  }
0x45: {  	_ =	shalt  }
0x46: {  	_ =	shalt  }
0x47: {  	_ =	shalt  }
0x48: {  	_ =	shalt  }
0x49: {  	_ =	shalt  }
0x4a: {  	_ =	shalt  }
0x4b: {  	_ =	shalt  }
0x4c: {  	_ =	shalt  }
0x4d: {  	_ =	shalt  }
0x4e: {  	_ =	shalt  }
0x4f: {  	_ =	shalt  }
0x50: {  	_ =	shalt  }
0x51: {  	_ =	shalt  }
0x52: {  	_ =	shalt  }
0x53: {  	_ =	shalt  }
0x54: {  	_ =	shalt  }
0x55: {  	_ =	shalt  }
0x56: {  	_ =	shalt  }
0x57: {  	_ =	shalt  }
0x58: {  	_ =	shalt  }
0x59: {  	_ =	shalt  }
0x5a: {  	_ =	shalt  }
0x5b: {  	_ =	shalt  }
0x5c: {  	_ =	shalt  }
0x5d: {  	_ =	shalt  }
0x5e: {  	_ =	shalt  }
0x5f: {  	_ =	shalt  }
0x60: {  	_ =	shalt  }
0x61: {  	_ =	shalt  }
0x62: {  	_ =	shalt  }
0x63: {  	_ =	shalt  }
0x64: {  	_ =	shalt  }
0x65: {  	_ =	shalt  }
0x66: {  	_ =	shalt  }
0x67: {  	_ =	shalt  }
0x68: {  	_ =	shalt  }
0x69: {  	_ =	shalt  }
0x6a: {  	_ =	shalt  }
0x6b: {  	_ =	shalt  }
0x6c: {  	_ =	shalt  }
0x6d: {  	_ =	shalt  }
0x6e: {  	_ =	shalt  }
0x6f: {  	_ =	shalt  }
0x70: {  	_ =	shalt  }
0x71: {  	_ =	shalt  }
0x72: {  	_ =	shalt  }
0x73: {  	_ =	shalt  }
0x74: {  	_ =	shalt  }
0x75: {  	_ =	shalt  }
0x76: {  	_ =	shalt  }
0x77: {  	_ =	shalt  }
0x78: {  	_ =	shalt  }
0x79: {  	_ =	shalt  }
0x7a: {  	_ =	shalt  }
0x7b: {  	_ =	shalt  }
0x7c: {  	_ =	shalt  }
0x7d: {  	_ =	shalt  }
0x7e: {  	_ =	shalt  }
0x7f: {  	_ =	shalt  }
0x80: {  	_ =	shalt  }
0x81: {  	_ =	shalt  }
0x82: {  	_ =	shalt  }
0x83: {  	_ =	shalt  }
0x84: {  	_ =	shalt  }
0x85: {  	_ =	shalt  }
0x86: {  	_ =	shalt  }
0x87: {  	_ =	shalt  }
.Lfunc_end0:
.L_simem_size_0:
called_computation.3_lowered:
.L_overlay_start_0:
0x88: {  	s2 =	sld [smem:$0x3FD9]  }
0x89: {  	s3 =	sld [smem:$0x3FFE];
	_ =	sdelay $0x1  }
0x8a: {  	s1 =	srdreg.scid  }
0x8b: {  	s0 =	sand.u32 $0x1, s1  }
0x8c: {  	s14 =	sshll.u32 s0, $0xA;
	s2 =	sadd.s32 s3, s2  }
0x8d: {  	s2 =	sadd.s32 s2, s14  }
0x8e: {  	[smem:$0x3FC0] =	sst s2  }
0x8f: {  	_ = 	snop  }
0x90: {  	s2 =	sld [smem:$0x3FD0];
	_ =	sdelay $0x2  }
0x91: {  	s15 =	simm.s32 $0xA;
	s4 =	simm.s32 $0x10  }
0x92: {  	[smem:s4], [sflag:s15] =	dma.local [hbm:s2], $0x1  }
0x93: {  	_ =	swait.eq [sflag:s15], $0x1  }
0x94: {  	[sflag:s15] =	ssyncset.done $0x0  }
0x95: {  	s16 =	sld [smem:$0x10];
	[sflag:s15] =	ssyncadd.s32 $0xFFFFFFFF  }
0x96: {  	s17 =	sld [smem:$0x11];
	(tm) =	ssettm $0x1  }
0x97: {  	s18 =	sld [smem:$0x3FFB];
	_ =	sdelay $0x3  }
0x98: {  	_ =	strace s18  }
0x99: {  	s4 =	sld [smem:$0x3FFC];
	_ =	sdelay $0x3  }
0x9a: {  	_ =	strace s4  }
0x9b: {  	s4 =	sld [smem:$0x3FFD];
	_ =	sdelay $0x3  }
0x9c: {  	_ =	strace s4  }
0x9d: {  	_ =	strace $0x8FFFFFFF  }
0x9e: {  	s19 =	sld [smem:$0x3FDB];
	_ =	sdelay $0x1  }
0x9f: {  	s5 =	simm.s32 $_scs_section_size  }
0xa0: {  	s6 =	simm.s32 $_size__tile_overlayer_lowered;
	s7 =	simm.s32 $_tile_overlayer_lowered  }
0xa1: {  	s22 =	simm.s32 $0x1BFF;
	s21 =	sshll.u32 s7, $0x1;
	s4 =	sadd.s32 s5, s19  }
0xa2: {  	s8 =	simm.s32 $0x0;
	s20 =	sshll.u32 s6, $0x1;
	s6 =	sadd.s32 s21, s4  }
0xa3: {  	[timem:s8], [sflag:s22] =	dma.local [hbm:s6], s20  }
0xa4: {  	_ =	swait.ge [sflag:s22], s20  }
0xa5: {  	s5 =	ssub.s32 $0x0, s20;
	[sflag:s22] =	ssyncset.done $0x0  }
0xa6: {  	[sflag:s22] =	ssyncadd.s32 s5;
	_ =	sdelay $0x1  }
0xa7: {  	s23 =	simm.s32 $0x1B8B  }
0xa8: {  	_ =	swait.ge [sflag:s23], $0x1  }
0xa9: {  	[sflag:s23] =	ssyncset.done $0x0  }
0xaa: {  	s25 =	simm.s32 $0x1B8E;
	s24 =	sld [smem:$0x3FFE];
	[sflag:s23] =	ssyncadd.s32 $0xFFFFFFFF  }
0xab: {  	s26 =	simm.s32 $execute0_lowered;
	[smem:$0x3FD2] =	sst s25  }
0xac: {  	s6 =	sshll.u32 s26, $0x1;
	_ =	strace $0x8000004F;
	[dreg:$0x1] =	wrdreg $0xFFFFFFFF  }
0xad: {  	s28 =	simm.s32 $_size_execute0_lowered;
	s4 =	sadd.s32 s4, s6;
	[dreg:$0x0] =	wrdreg $0x0  }
0xae: {  	s6 =	sshll.u32 s28, $0x1;
	[dreg:$0x2] =	wrdreg s4  }
0xaf: {  	[dreg:$0x3] =	wrdreg s6  }
0xb0: {  	[dreg:$0x4] =	wrdreg $0xC0  }
0xb1: {  	_ =	task [dreg:s8], $0x5FFFF  }
0xb2: {  	[dreg:$0x1] =	wrdreg $0xFFFFFFFF  }
0xb3: {  	[dreg:$0x0] =	wrdreg $0x60  }
0xb4: {  	[dreg:$0x2] =	wrdreg s17  }
0xb5: {  	[dreg:$0x3] =	wrdreg s16  }
0xb6: {  	[dreg:$0x4] =	wrdreg s24  }
0xb7: {  	[dreg:$0x5] =	wrdreg $0x68000  }
0xb8: {  	[dreg:$0x6] =	wrdreg $0x9  }
0xb9: {  	_ =	task.clear_ibuf [dreg:s8], $0x7FFFF;
	_ =	strace $0x9000004F  }
0xba: {  	s29 =	simm.s32 $0x9;
	_ =	strace $0x80000051  }
0xbb: {  	_ =	swait.ge [sflag:s29], $0x1  }
0xbc: {  	[sflag:s29] =	ssyncadd.s32 $0xFFFFFFFF  }
0xbd: {  	_ =	strace $0x90000051  }
0xbe: {  	_ =	sfence  }
0xbf: {  	s30 =	sld [smem:$0x0];
	_ =	sdelay $0x2  }
0xc0: {  	s31 =	sshll.u32 s1, $0xD;
	s1 =	sshrl.u32 s1, $0x2  }
0xc1: {  	s3 =	sand.u32 $0x4000, s31;
	s1 =	sadd.s32 s1, s30  }
0xc2: {  	s0 =	sor.u32 s3, s0;
	s1 =	sshll.u32 s1, $0x11  }
0xc3: {  	s0 =	sor.u32 s1, s0  }
0xc4: {  	s0 =	sadd.s32 $0x8F2B, s0  }
0xc5: {  	[sflag:s0] =	ssyncadd.remote.s32 $0x1  }
0xc6: {  	_ =	sfence.sel $0xFFFF  }
0xc7: {  	[dreg:$0x0] =	wrdreg $0xFFFFFFFF;
	(pc) =	sbr.abs _section_cstart, $3  }
0xc8: {  	[dreg:$0x1] =	wrdreg $0xFFFFFFFF  }
0xc9: {  	_ =	task.clear_ibuf [dreg:s8], $0x2FFFF;
	_ =	strace $0x9FFFFFFF  }
0xca: {  	(tm) =	ssettm $0x7FFFFFFF  }
0xcb: {  	_ =	shalt  }
tec
execute0_lowered:
.L_overlay_start_1:
0x0: {  	(tag) =	ssettag $0x1  }
0x1: {  	s1 =	rddreg [dreg:$0x0]  }
0x2: {  	s13 =	rddreg [dreg:$0x1]  }
0x3: {  	s6 =	rddreg [dreg:$0x2]  }
0x4: {  	s2 =	rddreg [dreg:$0x3];
	s3 =	simm.s32 $0x0;
	s4 =	srdreg.scid  }
0x5: {  	s0 =	stileid.u32;
	s24 =	simm.s32 $0x80;
	s25 =	simm.s32 $0x4800  }
0x6: {  	s26 =	simm.s32 $0x1;
	s28 =	simm.s32 $0x2;
	s29 =	simm.s32 $0x0  }
0x7: {  	[smem:$0x7FF] =	sst s3;
	s10 =	sand.u32 $0x1, s4;
	s14 =	sadd.s32 $0x4800, s6  }
0x8: {  	s5 =	sadd.s32 $0xE800, s6;
	s15 =	smul.u32 $0xA000, s0;
	s19 =	sadd.s32 $0x85A00, s6  }
0x9: {  	_ =	strace $0x80000050;
	s7 =	ssub.s32 $0x2, s10;
	s30 =	sshll.u32 s10, $0x4  }
0xa: {  	s23 =	smul.u32 $0xA0000, s10;
	s8 =	sshrl.u32 s7, $0x1;
	s31 =	sor.u32 s0, s30  }
0xb: {  	s6 =	sadd.s32 s15, s2;
	s16 =	sadd.s32 $0x2000, s15;
	s17 =	sadd.s32 $0x4000, s15  }
0xc: {  	s18 =	sadd.s32 $0x6000, s15;
	s21 =	sadd.s32 $0x8000, s15;
	s20 =	ssub.s32 s7, s8  }
0xd: {  	s11 =	smul.u32 $0x2800, s31;
	s7 =	sadd.s32 s16, s2;
	s8 =	sadd.s32 s17, s2  }
0xe: {  	s9 =	sadd.s32 s18, s2;
	s10 =	sadd.s32 s21, s2;
	s15 =	sadd.s32 s15, s23  }
0xf: {  	s16 =	sadd.s32 s23, s16;
	s17 =	sadd.s32 s23, s17;
	s18 =	sadd.s32 s23, s18  }
0x10: {  	s21 =	sadd.s32 s23, s21;
	s23 =	simm.s32 $0x1400;
	s15 =	sshrl.u32 s15, $0x3  }
0x11: {  	s16 =	sshrl.u32 s16, $0x3;
	s17 =	sshrl.u32 s17, $0x3;
	s18 =	sshrl.u32 s18, $0x3  }
0x12: {  	s21 =	sshrl.u32 s21, $0x3;
	s20 =	smax.u32 s20, $0x1;
	s22 =	sshrl.u32 s11, $0x3  }
0x13: {  	s15 =	sadd.s32 s19, s15;
	s16 =	sadd.s32 s19, s16;
	s17 =	sadd.s32 s19, s17  }
0x14: {  	s18 =	sadd.s32 s19, s18;
	s19 =	sadd.s32 s19, s21;
	s21 =	simm.s32 $0x2800  }
0x15: {  	s11 =	sadd.s32 s13, s22;
	s12 =	sadd.s32 s14, s22;
	s22 =	sadd.s32 $0x280, s22  }
0x16: {  	s13 =	sadd.s32 s13, s22;
	s14 =	sadd.s32 s14, s22;
	s22 =	simm.s32 $0x3  }
.LBB2_1:
0x17: {  	[tilespmem:s21], [sflag:$0x3] =	stream.linear.gather [hbm4b:s5+s3], $0x2000, $0x38;
	[tilespmem:$0x10800] =	vst v63  }
0x18: {  	_ =	swait.ge [sflag:s22], $0x2000  }
0x19: {  	[sflag:s22] =	ssyncset.done $0x0  }
0x1a: {  	[sflag:s22] =	ssyncadd.s32 $0xFFFFE000  }
0x1b: {  	[spmem:s6] =	stream.linear.scatter [tilespmem:s21], [sflag:$0x3], $0x2000, $0x38;
	[tilespmem:$0x10800] =	vst v63  }
0x1c: {  	_ =	swait.ge [sflag:s22], $0x2000  }
0x1d: {  	[sflag:s22] =	ssyncset.done $0x0  }
0x1e: {  	[sflag:s22] =	ssyncadd.s32 $0xFFFFE000  }
0x1f: {  	[spmem:s7] =	stream.linear.scatter [tilespmem:s21], [sflag:$0x3], $0x2000, $0x38;
	[tilespmem:$0x10800] =	vst v63  }
0x20: {  	_ =	swait.ge [sflag:s22], $0x2000  }
0x21: {  	[sflag:s22] =	ssyncset.done $0x0  }
0x22: {  	[sflag:s22] =	ssyncadd.s32 $0xFFFFE000  }
0x23: {  	[spmem:s8] =	stream.linear.scatter [tilespmem:s21], [sflag:$0x3], $0x2000, $0x38;
	[tilespmem:$0x10800] =	vst v63  }
0x24: {  	_ =	swait.ge [sflag:s22], $0x2000  }
0x25: {  	[sflag:s22] =	ssyncset.done $0x0  }
0x26: {  	[sflag:s22] =	ssyncadd.s32 $0xFFFFE000  }
0x27: {  	[spmem:s9] =	stream.linear.scatter [tilespmem:s21], [sflag:$0x3], $0x2000, $0x38;
	[tilespmem:$0x10800] =	vst v63  }
0x28: {  	_ =	swait.ge [sflag:s22], $0x2000  }
0x29: {  	[sflag:s22] =	ssyncset.done $0x0  }
0x2a: {  	[sflag:s22] =	ssyncadd.s32 $0xFFFFE000  }
0x2b: {  	[spmem:s10] =	stream.linear.scatter [tilespmem:s21], [sflag:$0x3], $0x2000, $0x38;
	[tilespmem:$0x10800] =	vst v63  }
0x2c: {  	_ =	swait.ge [sflag:s22], $0x2000  }
0x2d: {  	[sflag:s22] =	ssyncset.done $0x0  }
0x2e: {  	[sflag:s22] =	ssyncadd.s32 $0xFFFFE000  }
0x2f: {  	[bflag:$0x0] =	sbarrier.arrive $0xFFFF  }
0x30: {  	[tilespmem:s3], [sflag:$0x3] =	stream.linear.gather [hbm4b:s11+s3], $0x1400, $0x38;
	[tilespmem:$0x10800] =	vst v63  }
0x31: {  	_ =	swait.ge [sflag:s22], $0x1400  }
0x32: {  	[sflag:s22] =	ssyncset.done $0x0  }
0x33: {  	[sflag:s22] =	ssyncadd.s32 $0xFFFFEC00  }
0x34: {  	[tilespmem:s23], [sflag:$0x3] =	stream.linear.gather [hbm4b:s12+s3], $0x1400, $0x38;
	[tilespmem:$0x10800] =	vst v63  }
0x35: {  	_ =	swait.ge [sflag:s22], $0x1400  }
0x36: {  	[sflag:s22] =	ssyncset.done $0x0  }
0x37: {  	s30 =	simm.s32 $0x0;
	[sflag:s22] =	ssyncadd.s32 $0xFFFFEC00  }
0x38: {  	[tilespmem:s21], [sflag:$0x1] =	stream.indirect.gather [hbm4b:s1+s24], $0x40, s30, s24, $0xb8;
	[tilespmem:$0x10800] =	vst v63  }
0x39: {  	s30 =	simm.s32 $0x80  }
0x3a: {  	[tilespmem:s25], [sflag:$0x2] =	stream.indirect.gather [hbm4b:s1+s24], $0x40, s30, s24, $0xb8;
	[tilespmem:$0x10800] =	vst v63  }
0x3b: {  	_ =	swait.ge [sflag:s26], $0x2000  }
0x3c: {  	[sflag:s26] =	ssyncset.done $0x0  }
0x3d: {  	s30 =	simm.s32 $0x1400;
	[sflag:s26] =	ssyncadd.s32 $0xFFFFE000  }
0x3e: {  	[spmem:s2] =	stream.indirect.scatter.add.f32 [tilespmem:s21], [sflag:$0x3], $0x40, s30, s24, $0xb8;
	[tilespmem:$0x10800] =	vst v63  }
0x3f: {  	_ =	swait.ge [sflag:s22], $0x2000  }
0x40: {  	[sflag:s22] =	ssyncset.done $0x0  }
0x41: {  	[sflag:s22] =	ssyncadd.s32 $0xFFFFE000  }
0x42: {  	_ =	swait.ge [sflag:s28], $0x2000  }
0x43: {  	[sflag:s28] =	ssyncset.done $0x0  }
0x44: {  	s30 =	simm.s32 $0x1480;
	[sflag:s28] =	ssyncadd.s32 $0xFFFFE000  }
0x45: {  	[spmem:s2] =	stream.indirect.scatter.add.f32 [tilespmem:s25], [sflag:$0x3], $0x40, s30, s24, $0xb8;
	[tilespmem:$0x10800] =	vst v63  }
0x46: {  	_ =	swait.ge [sflag:s22], $0x2000  }
0x47: {  	s31 =	simm.s32 $0x800;
	s30 =	simm.s32 $0x400;
	[sflag:s22] =	ssyncset.done $0x0  }
.LBB2_2:
0x48: {  	s0 =	sshra.s32 s30, $0x2  }
0x49: {  	[sflag:s22] =	ssyncadd.s32 $0xFFFFE000;
	s30 =	smov.u32 s31;
	s4 =	sadd.s32 $0x400, s31  }
0x4a: {  	[tilespmem:s21], [sflag:$0x1] =	stream.indirect.gather [hbm4b:s1+s24], $0x40, s0, s24, $0xb8;
	[tilespmem:$0x10800] =	vst v63  }
0x4b: {  	p0 =	sne.s32 s31, $0x4C00;
	s31 =	sadd.s32 $0x80, s0  }
0x4c: {  	[tilespmem:s25], [sflag:$0x2] =	stream.indirect.gather [hbm4b:s1+s24], $0x40, s31, s24, $0xb8;
	[tilespmem:$0x10800] =	vst v63  }
0x4d: {  	_ =	swait.ge [sflag:s26], $0x2000  }
0x4e: {  	[sflag:s26] =	ssyncset.done $0x0  }
0x4f: {  	s31 =	sadd.s32 $0x1400, s0;
	[sflag:s26] =	ssyncadd.s32 $0xFFFFE000  }
0x50: {  	[spmem:s2] =	stream.indirect.scatter.add.f32 [tilespmem:s21], [sflag:$0x3], $0x40, s31, s24, $0xb8;
	[tilespmem:$0x10800] =	vst v63  }
0x51: {  	_ =	swait.ge [sflag:s22], $0x2000  }
0x52: {  	[sflag:s22] =	ssyncset.done $0x0  }
0x53: {  	[sflag:s22] =	ssyncadd.s32 $0xFFFFE000  }
0x54: {  	_ =	swait.ge [sflag:s28], $0x2000  }
.Ltmp0:
0x55: {  	[sflag:s28] =	ssyncset.done $0x0;
	(pc) =	sbr.rel @p0 .LBB2_2-.Ltmp0, $4  }
0x56: {  	s0 =	sadd.s32 $0x1480, s0;
	[sflag:s28] =	ssyncadd.s32 $0xFFFFE000  }
0x57: {  	[spmem:s2] =	stream.indirect.scatter.add.f32 [tilespmem:s25], [sflag:$0x3], $0x40, s0, s24, $0xb8;
	[tilespmem:$0x10800] =	vst v63  }
0x58: {  	_ =	swait.ge [sflag:s22], $0x2000  }
0x59: {  	s31 =	smov.u32 s4;
	[sflag:s22] =	ssyncset.done $0x0  }
0x5a: {  	s0 =	sshra.s32 s30, $0x2;
	[sflag:s22] =	ssyncadd.s32 $0xFFFFE000  }
0x5b: {  	[tilespmem:s21], [sflag:$0x1] =	stream.indirect.gather [hbm4b:s1+s24], $0x40, s0, s24, $0xb8;
	[tilespmem:$0x10800] =	vst v63  }
0x5c: {  	s4 =	sadd.s32 $0x80, s0  }
0x5d: {  	[tilespmem:s25], [sflag:$0x2] =	stream.indirect.gather [hbm4b:s1+s24], $0x40, s4, s24, $0xb8;
	[tilespmem:$0x10800] =	vst v63  }
0x5e: {  	_ =	swait.ge [sflag:s26], $0x2000  }
0x5f: {  	[sflag:s26] =	ssyncset.done $0x0  }
0x60: {  	s4 =	sadd.s32 $0x1400, s0;
	[sflag:s26] =	ssyncadd.s32 $0xFFFFE000  }
0x61: {  	[spmem:s2] =	stream.indirect.scatter.add.f32 [tilespmem:s21], [sflag:$0x3], $0x40, s4, s24, $0xb8;
	[tilespmem:$0x10800] =	vst v63  }
0x62: {  	_ =	swait.ge [sflag:s22], $0x2000  }
0x63: {  	[sflag:s22] =	ssyncset.done $0x0  }
0x64: {  	[sflag:s22] =	ssyncadd.s32 $0xFFFFE000  }
0x65: {  	_ =	swait.ge [sflag:s28], $0x2000  }
0x66: {  	[sflag:s28] =	ssyncset.done $0x0  }
0x67: {  	s0 =	sadd.s32 $0x1480, s0;
	[sflag:s28] =	ssyncadd.s32 $0xFFFFE000  }
0x68: {  	[spmem:s2] =	stream.indirect.scatter.add.f32 [tilespmem:s25], [sflag:$0x3], $0x40, s0, s24, $0xb8;
	[tilespmem:$0x10800] =	vst v63  }
0x69: {  	_ =	swait.ge [sflag:s22], $0x2000  }
0x6a: {  	[sflag:s22] =	ssyncset.done $0x0  }
0x6b: {  	s4 =	simm.s32 $0x0;
	[sflag:s22] =	ssyncadd.s32 $0xFFFFE000  }
0x6c: {  	[tilespmem:s4], [sflag:$0x3] =	stream.linear.gather [hbm4b:s13+s4], $0x1400, $0x38;
	[tilespmem:$0x10800] =	vst v63  }
0x6d: {  	_ =	swait.ge [sflag:s22], $0x1400  }
0x6e: {  	[sflag:s22] =	ssyncset.done $0x0  }
0x6f: {  	[sflag:s22] =	ssyncadd.s32 $0xFFFFEC00  }
0x70: {  	[tilespmem:s23], [sflag:$0x3] =	stream.linear.gather [hbm4b:s14+s4], $0x1400, $0x38;
	[tilespmem:$0x10800] =	vst v63  }
0x71: {  	_ =	swait.ge [sflag:s22], $0x1400  }
0x72: {  	[sflag:s22] =	ssyncset.done $0x0  }
0x73: {  	s4 =	simm.s32 $0x0;
	[sflag:s22] =	ssyncadd.s32 $0xFFFFEC00  }
0x74: {  	[tilespmem:s21], [sflag:$0x1] =	stream.indirect.gather [hbm4b:s1+s24], $0x40, s4, s24, $0xb8;
	[tilespmem:$0x10800] =	vst v63  }
0x75: {  	s4 =	simm.s32 $0x80  }
0x76: {  	[tilespmem:s25], [sflag:$0x2] =	stream.indirect.gather [hbm4b:s1+s24], $0x40, s4, s24, $0xb8;
	[tilespmem:$0x10800] =	vst v63  }
0x77: {  	_ =	swait.ge [sflag:s26], $0x2000  }
0x78: {  	[sflag:s26] =	ssyncset.done $0x0  }
0x79: {  	s4 =	simm.s32 $0x1400;
	[sflag:s26] =	ssyncadd.s32 $0xFFFFE000  }
0x7a: {  	[spmem:s2] =	stream.indirect.scatter.add.f32 [tilespmem:s21], [sflag:$0x3], $0x40, s4, s24, $0xb8;
	[tilespmem:$0x10800] =	vst v63  }
0x7b: {  	_ =	swait.ge [sflag:s22], $0x2000  }
0x7c: {  	[sflag:s22] =	ssyncset.done $0x0  }
0x7d: {  	[sflag:s22] =	ssyncadd.s32 $0xFFFFE000  }
0x7e: {  	_ =	swait.ge [sflag:s28], $0x2000  }
0x7f: {  	[sflag:s28] =	ssyncset.done $0x0  }
0x80: {  	s4 =	simm.s32 $0x1480;
	[sflag:s28] =	ssyncadd.s32 $0xFFFFE000  }
0x81: {  	[spmem:s2] =	stream.indirect.scatter.add.f32 [tilespmem:s25], [sflag:$0x3], $0x40, s4, s24, $0xb8;
	[tilespmem:$0x10800] =	vst v63  }
0x82: {  	_ =	swait.ge [sflag:s22], $0x2000  }
0x83: {  	s30 =	simm.s32 $0x400;
	s31 =	simm.s32 $0x800;
	[sflag:s22] =	ssyncset.done $0x0  }
.LBB2_4:
0x84: {  	s0 =	sshra.s32 s30, $0x2  }
0x85: {  	[sflag:s22] =	ssyncadd.s32 $0xFFFFE000;
	s30 =	smov.u32 s31;
	s4 =	sadd.s32 $0x400, s31  }
0x86: {  	[tilespmem:s21], [sflag:$0x1] =	stream.indirect.gather [hbm4b:s1+s24], $0x40, s0, s24, $0xb8;
	[tilespmem:$0x10800] =	vst v63  }
0x87: {  	p0 =	sne.s32 s31, $0x4C00;
	s31 =	sadd.s32 $0x80, s0  }
0x88: {  	[tilespmem:s25], [sflag:$0x2] =	stream.indirect.gather [hbm4b:s1+s24], $0x40, s31, s24, $0xb8;
	[tilespmem:$0x10800] =	vst v63  }
0x89: {  	_ =	swait.ge [sflag:s26], $0x2000  }
0x8a: {  	[sflag:s26] =	ssyncset.done $0x0  }
0x8b: {  	s31 =	sadd.s32 $0x1400, s0;
	[sflag:s26] =	ssyncadd.s32 $0xFFFFE000  }
0x8c: {  	[spmem:s2] =	stream.indirect.scatter.add.f32 [tilespmem:s21], [sflag:$0x3], $0x40, s31, s24, $0xb8;
	[tilespmem:$0x10800] =	vst v63  }
0x8d: {  	_ =	swait.ge [sflag:s22], $0x2000  }
0x8e: {  	[sflag:s22] =	ssyncset.done $0x0  }
0x8f: {  	[sflag:s22] =	ssyncadd.s32 $0xFFFFE000  }
0x90: {  	_ =	swait.ge [sflag:s28], $0x2000  }
.Ltmp1:
0x91: {  	[sflag:s28] =	ssyncset.done $0x0;
	(pc) =	sbr.rel @p0 .LBB2_4-.Ltmp1, $4  }
0x92: {  	s0 =	sadd.s32 $0x1480, s0;
	[sflag:s28] =	ssyncadd.s32 $0xFFFFE000  }
0x93: {  	[spmem:s2] =	stream.indirect.scatter.add.f32 [tilespmem:s25], [sflag:$0x3], $0x40, s0, s24, $0xb8;
	[tilespmem:$0x10800] =	vst v63  }
0x94: {  	_ =	swait.ge [sflag:s22], $0x2000  }
0x95: {  	s31 =	smov.u32 s4;
	[sflag:s22] =	ssyncset.done $0x0  }
0x96: {  	s0 =	sshra.s32 s30, $0x2;
	[sflag:s22] =	ssyncadd.s32 $0xFFFFE000  }
0x97: {  	[tilespmem:s21], [sflag:$0x1] =	stream.indirect.gather [hbm4b:s1+s24], $0x40, s0, s24, $0xb8;
	[tilespmem:$0x10800] =	vst v63  }
0x98: {  	s4 =	sadd.s32 $0x80, s0  }
0x99: {  	[tilespmem:s25], [sflag:$0x2] =	stream.indirect.gather [hbm4b:s1+s24], $0x40, s4, s24, $0xb8;
	[tilespmem:$0x10800] =	vst v63  }
0x9a: {  	_ =	swait.ge [sflag:s26], $0x2000  }
0x9b: {  	[sflag:s26] =	ssyncset.done $0x0  }
0x9c: {  	s31 =	sadd.s32 $0x1400, s0;
	[sflag:s26] =	ssyncadd.s32 $0xFFFFE000  }
0x9d: {  	[spmem:s2] =	stream.indirect.scatter.add.f32 [tilespmem:s21], [sflag:$0x3], $0x40, s31, s24, $0xb8;
	[tilespmem:$0x10800] =	vst v63  }
0x9e: {  	_ =	swait.ge [sflag:s22], $0x2000  }
0x9f: {  	[sflag:s22] =	ssyncset.done $0x0  }
0xa0: {  	[sflag:s22] =	ssyncadd.s32 $0xFFFFE000  }
0xa1: {  	_ =	swait.ge [sflag:s28], $0x2000  }
0xa2: {  	[sflag:s28] =	ssyncset.done $0x0  }
0xa3: {  	s0 =	sadd.s32 $0x1480, s0;
	[sflag:s28] =	ssyncadd.s32 $0xFFFFE000  }
0xa4: {  	[spmem:s2] =	stream.indirect.scatter.add.f32 [tilespmem:s25], [sflag:$0x3], $0x40, s0, s24, $0xb8;
	[tilespmem:$0x10800] =	vst v63  }
0xa5: {  	_ =	swait.ge [sflag:s22], $0x2000  }
0xa6: {  	[sflag:s22] =	ssyncset.done $0x0  }
0xa7: {  	[sflag:s22] =	ssyncadd.s32 $0xFFFFE000  }
0xa8: {  	[bflag:$0x0] =	sbarrier.arrive $0xFFFF  }
0xa9: {  	[tilespmem:s21], [sflag:$0x3] =	stream.linear.gather [spmem:s6], $0x2000, $0x38;
	[tilespmem:$0x10800] =	vst v63  }
0xaa: {  	_ =	swait.ge [sflag:s22], $0x2000  }
0xab: {  	[sflag:s22] =	ssyncset.done $0x0  }
0xac: {  	[sflag:s22] =	ssyncadd.s32 $0xFFFFE000  }
0xad: {  	[hbm4b:s15+s3] =	stream.linear.scatter [tilespmem:s21], [sflag:$0x3], $0x2000, $0x38;
	[tilespmem:$0x10800] =	vst v63  }
0xae: {  	_ =	swait.ge [sflag:s22], $0x2000  }
0xaf: {  	[sflag:s22] =	ssyncset.done $0x0  }
0xb0: {  	[sflag:s22] =	ssyncadd.s32 $0xFFFFE000  }
0xb1: {  	[tilespmem:s21], [sflag:$0x3] =	stream.linear.gather [spmem:s7], $0x2000, $0x38;
	[tilespmem:$0x10800] =	vst v63  }
0xb2: {  	_ =	swait.ge [sflag:s22], $0x2000  }
0xb3: {  	[sflag:s22] =	ssyncset.done $0x0  }
0xb4: {  	[sflag:s22] =	ssyncadd.s32 $0xFFFFE000  }
0xb5: {  	[hbm4b:s16+s3] =	stream.linear.scatter [tilespmem:s21], [sflag:$0x3], $0x2000, $0x38;
	[tilespmem:$0x10800] =	vst v63  }
0xb6: {  	_ =	swait.ge [sflag:s22], $0x2000  }
0xb7: {  	[sflag:s22] =	ssyncset.done $0x0  }
0xb8: {  	[sflag:s22] =	ssyncadd.s32 $0xFFFFE000  }
0xb9: {  	[tilespmem:s21], [sflag:$0x3] =	stream.linear.gather [spmem:s8], $0x2000, $0x38;
	[tilespmem:$0x10800] =	vst v63  }
0xba: {  	_ =	swait.ge [sflag:s22], $0x2000  }
0xbb: {  	[sflag:s22] =	ssyncset.done $0x0  }
0xbc: {  	[sflag:s22] =	ssyncadd.s32 $0xFFFFE000  }
0xbd: {  	[hbm4b:s17+s3] =	stream.linear.scatter [tilespmem:s21], [sflag:$0x3], $0x2000, $0x38;
	[tilespmem:$0x10800] =	vst v63  }
0xbe: {  	_ =	swait.ge [sflag:s22], $0x2000  }
0xbf: {  	[sflag:s22] =	ssyncset.done $0x0  }
0xc0: {  	[sflag:s22] =	ssyncadd.s32 $0xFFFFE000  }
0xc1: {  	[tilespmem:s21], [sflag:$0x3] =	stream.linear.gather [spmem:s9], $0x2000, $0x38;
	[tilespmem:$0x10800] =	vst v63  }
0xc2: {  	_ =	swait.ge [sflag:s22], $0x2000  }
0xc3: {  	[sflag:s22] =	ssyncset.done $0x0  }
0xc4: {  	[sflag:s22] =	ssyncadd.s32 $0xFFFFE000  }
0xc5: {  	[hbm4b:s18+s3] =	stream.linear.scatter [tilespmem:s21], [sflag:$0x3], $0x2000, $0x38;
	[tilespmem:$0x10800] =	vst v63  }
0xc6: {  	_ =	swait.ge [sflag:s22], $0x2000  }
0xc7: {  	[sflag:s22] =	ssyncset.done $0x0  }
0xc8: {  	[sflag:s22] =	ssyncadd.s32 $0xFFFFE000  }
0xc9: {  	[tilespmem:s21], [sflag:$0x3] =	stream.linear.gather [spmem:s10], $0x2000, $0x38;
	[tilespmem:$0x10800] =	vst v63  }
0xca: {  	s29 =	sadd.s32 $0x1, s29;
	_ =	swait.ge [sflag:s22], $0x2000  }
0xcb: {  	p0 =	sne.s32 s29, s20;
	[sflag:s22] =	ssyncset.done $0x0  }
.Ltmp2:
0xcc: {  	[sflag:s22] =	ssyncadd.s32 $0xFFFFE000;
	(pc) =	sbr.rel @p0 .LBB2_1-.Ltmp2, $4  }
0xcd: {  	[hbm4b:s19+s3] =	stream.linear.scatter [tilespmem:s21], [sflag:$0x3], $0x2000, $0x38;
	[tilespmem:$0x10800] =	vst v63  }
0xce: {  	_ =	swait.ge [sflag:s22], $0x2000  }
0xcf: {  	[sflag:s22] =	ssyncset.done $0x0  }
0xd0: {  	[sflag:s22] =	ssyncadd.s32 $0xFFFFE000  }
0xd1: {  	_ =	sfence.sel $0x180000  }
0xd2: {  	[bflag:$0x0] =	sbarrier.arrive $0xFFFF  }
0xd3: {  	_ =	strace $0x90000050  }
0xd4: {  	s0 =	stileid.u32;
	[bflag:$0x2] =	sbarrier.arrive $0xFFFF  }
0xd5: {  	p0 =	sne.s32 s0, $0x0;
	s0 =	rddreg [dreg:$0x4]  }
0xd6: {  	s0 =	sadd.s32 @!p0 $0x100000, s0  }
0xd7: {  	[sflag:s0] =	ssyncadd.tile.s32 @!p0 $0x1;
	_ =	shalt  }
.Lfunc_end2:
_tile_overlayer_lowered:
.L_overlay_start_2:
0xd8: {  	(tag) =	ssettag $0x2  }
0xd9: {  	s0 =	rddreg [dreg:$0x0];
	s2 =	stileid.u32  }
0xda: {  	s1 =	rddreg [dreg:$0x1];
	p0 =	sne.s32 s2, $0x0  }
0xdb: {  	s3 =	rddreg [dreg:$0x2];
	[bflag:$0x3] =	sbarrier.arrive $0xFFFF;
	s2 =	simm.s32 @!p0 $0x1C03  }
0xdc: {  	[timem:s3], [sflag:s2] =	dma.local @!p0 [hbm:s0], s1  }
0xdd: {  	s0 =	simm.s32 @!p0 $0x3  }
0xde: {  	_ =	swait.ge @!p0 [sflag:s0], s1  }
0xdf: {  	s1 =	ssub.s32 @!p0 $0x0, s1;
	[sflag:s0] =	ssyncset.done @!p0 $0x0  }
0xe0: {  	[sflag:s0] =	ssyncadd.s32 @!p0 s1  }
0xe1: {  	[bflag:$0x3] =	sbarrier.arrive $0xFFFF  }
0xe2: {  	_ =	shalt  }

</sc_bundles>
